<compile_context>
chip_gen: v7x
topology: tpu7x:2x2x1
jax: 0.10.2.dev20260603
libtpu: 0.0.44.dev20260713+nightly
codegen_flags: <defaults>
</compile_context>

<pallas_src>
import dataclasses
import functools

import jax
import jax.numpy as jnp
from jax import lax
from jax.experimental import pallas as pl
from jax.experimental.pallas import tpu as pltpu
from jax.experimental.pallas import tpu_sc as plsc

N = 10000
D = 128
E = 320000

NC = 2
NS = 16
NW = NC * NS
CH = 64
NCH = 160
CPP = 16
NB = 4
NCH0 = 288
NCH1 = 32
NW0 = NCH0 // CPP
NW1 = NCH1 // CPP
EPW = NCH * CH
EPAD = NW * EPW
DUMMY = 10000
NPAD = 10112
RPT = NPAD // NS
BR = 2000

_mesh = plsc.VectorSubcoreMesh(core_axis_name="c", subcore_axis_name="s")

_sc_params = pltpu.CompilerParams()
if "needs_layout_passes" in pltpu.CompilerParams.__dataclass_fields__:
    _sc_params = dataclasses.replace(_sc_params, needs_layout_passes=False)


def _deg_body(dst_hbm, deg_hbm, dst_v, deg_v, col_v, red_v, deg_all_sh):
    c = lax.axis_index("c")
    s = lax.axis_index("s")
    wid = c * NS + s

    @pl.loop(0, NPAD, step=16)
    def _(i):
        deg_v[pl.ds(i, 16)] = jnp.zeros((16,), jnp.float32)

    pltpu.sync_copy(dst_hbm.at[pl.ds(wid * EPW, EPW)], dst_v)
    ones = jnp.ones((16,), jnp.float32)

    @pl.loop(0, EPW, step=16)
    def _(i):
        idx = dst_v[pl.ds(i, 16)]
        plsc.addupdate_scatter(deg_v, [idx], ones)

    pltpu.sync_copy(deg_v, deg_all_sh.at[pl.ds(s * NPAD, NPAD)])
    plsc.subcore_barrier()
    for t in range(NS):
        pltpu.sync_copy(deg_all_sh.at[pl.ds(t * NPAD + s * RPT, RPT)],
                        col_v.at[pl.ds(t * RPT, RPT)])

    @pl.loop(0, RPT, step=16)
    def _(k):
        acc = jnp.zeros((16,), jnp.float32)
        for t in range(NS):
            acc = acc + col_v[pl.ds(t * RPT + k, 16)]
        red_v[pl.ds(k, 16)] = acc

    nrows = N - 15 * RPT

    @pl.when(s < NS - 1)
    def _():
        pltpu.sync_copy(red_v, deg_hbm.at[pl.ds(c * N + s * RPT, RPT)])

    @pl.when(s == NS - 1)
    def _():
        pltpu.sync_copy(red_v.at[pl.ds(0, nrows)],
                        deg_hbm.at[pl.ds(c * N + (NS - 1) * RPT, nrows)])


_deg_kernel = pl.kernel(
    _deg_body,
    out_type=jax.ShapeDtypeStruct((NC * N,), jnp.float32),
    mesh=_mesh,
    compiler_params=_sc_params,
    scratch_types=[
        pltpu.VMEM((EPW,), jnp.int32),
        pltpu.VMEM((NPAD,), jnp.float32),
        pltpu.VMEM((NS * RPT,), jnp.float32),
        pltpu.VMEM((RPT,), jnp.float32),
        pltpu.VMEM_SHARED((NS * NPAD,), jnp.float32),
    ],
)


def _agg_body(hsa_hbm, hsb_hbm, src0_hbm, dst0_hbm, src1_hbm, dst1_hbm,
              out_hbm,
              src_v, dst_v, buf0, buf1, buf2, buf3, acc_sh,
              gsem0, gsem1, gsem2, gsem3, ssem0, ssem1, ssem2, ssem3):
    c = lax.axis_index("c")
    s = lax.axis_index("s")
    bufs = (buf0, buf1, buf2, buf3)
    gsems = (gsem0, gsem1, gsem2, gsem3)
    ssems = (ssem0, ssem1, ssem2, ssem3)

    @pl.loop(0, CH)
    def _(r):
        @pl.loop(0, D, step=16)
        def _(k):
            buf0[r, pl.ds(k, 16)] = jnp.zeros((16,), jnp.float32)

    base = s * RPT
    nz = RPT // CH
    for t in range(nz):
        pltpu.sync_copy(buf0, acc_sh.at[pl.ds(base + t * CH, CH)])
    pltpu.sync_copy(buf0.at[pl.ds(0, RPT - nz * CH)],
                    acc_sh.at[pl.ds(base + nz * CH, RPT - nz * CH)])
    plsc.subcore_barrier()

    def _run(hs_hbm, srcc_hbm, dstc_hbm, nwin):
        @pl.loop(0, nwin)
        def _(w):
            wb = pl.multiple_of(w * CPP, 8)
            pltpu.sync_copy(srcc_hbm.at[s, pl.ds(wb, CPP)], src_v)
            pltpu.sync_copy(dstc_hbm.at[s, pl.ds(wb, CPP)], dst_v)
            for b in range(NB):
                pltpu.async_copy(hs_hbm.at[src_v.at[b]], bufs[b], gsems[b])

            @pl.loop(0, CPP, step=NB)
            def _(j):
                for b in range(NB):
                    pltpu.make_async_copy(hs_hbm.at[src_v.at[j + b]], bufs[b],
                                          gsems[b]).wait()
                    pltpu.async_copy(bufs[b], acc_sh.at[dst_v.at[j + b]],
                                     ssems[b], add=True)
                for b in range(NB):
                    pltpu.make_async_copy(bufs[b], acc_sh.at[dst_v.at[j + b]],
                                          ssems[b]).wait()

                    @pl.when(j + b + NB < CPP)
                    def _():
                        pltpu.async_copy(hs_hbm.at[src_v.at[j + b + NB]],
                                         bufs[b], gsems[b])

    @pl.when(c == 0)
    def _():
        _run(hsa_hbm, src0_hbm, dst0_hbm, NW0)

    @pl.when(c == 1)
    def _():
        _run(hsb_hbm, src1_hbm, dst1_hbm, NW1)

    plsc.subcore_barrier()
    nrows = N - (NS - 1) * RPT

    @pl.when(s < NS - 1)
    def _():
        pltpu.sync_copy(acc_sh.at[pl.ds(s * RPT, RPT)],
                        out_hbm.at[c, pl.ds(s * RPT, RPT)])

    @pl.when(s == NS - 1)
    def _():
        pltpu.sync_copy(acc_sh.at[pl.ds((NS - 1) * RPT, nrows)],
                        out_hbm.at[c, pl.ds((NS - 1) * RPT, nrows)])


_agg_kernel = pl.kernel(
    _agg_body,
    out_type=jax.ShapeDtypeStruct((NC, N, D), jnp.float32),
    mesh=_mesh,
    compiler_params=_sc_params,
    scratch_types=[
        pltpu.VMEM((CPP, CH), jnp.int32),
        pltpu.VMEM((CPP, CH), jnp.int32),

        pltpu.VMEM((CH, D), jnp.float32),
        pltpu.VMEM((CH, D), jnp.float32),
        pltpu.VMEM((CH, D), jnp.float32),
        pltpu.VMEM((CH, D), jnp.float32),
        pltpu.VMEM_SHARED((NPAD, D), jnp.float32),
        pltpu.SemaphoreType.DMA,
        pltpu.SemaphoreType.DMA,
        pltpu.SemaphoreType.DMA,
        pltpu.SemaphoreType.DMA,
        pltpu.SemaphoreType.DMA,
        pltpu.SemaphoreType.DMA,
        pltpu.SemaphoreType.DMA,
        pltpu.SemaphoreType.DMA,
    ],
)


def _tc1_body(x_ref, w_ref, degp_ref, hs_ref, hsb_ref, dis_ref):
    degp = degp_ref[...]
    dis = lax.rsqrt(degp[0] + degp[1] + 1.0)
    h = jnp.dot(x_ref[...], w_ref[...], preferred_element_type=jnp.float32)
    hs = h * dis
    hs_ref[...] = hs
    hsb_ref[...] = hs
    dis_ref[...] = dis


def _tc2_body(aggp_ref, hs_ref, dis_ref, b_ref, w_ref, out_ref, outb_ref):
    aggp = aggp_ref[...]
    dis = dis_ref[...]
    t = (aggp[0] + aggp[1] + hs_ref[...]) * dis + b_ref[...]
    t = jnp.maximum(t, 0.0)
    h2 = jnp.dot(t, w_ref[...], preferred_element_type=jnp.float32)
    hs2 = h2 * dis
    out_ref[...] = hs2
    outb_ref[...] = hs2


def _tc3_body(aggp_ref, hs_ref, dis_ref, b_ref, out_ref):
    aggp = aggp_ref[...]
    out_ref[...] = (aggp[0] + aggp[1] + hs_ref[...]) * dis_ref[...] + b_ref[...]


_GRID = (N // BR,)
_spec_rows = pl.BlockSpec((BR, D), lambda i: (i, 0))
_spec_mat = pl.BlockSpec((D, D), lambda i: (0, 0))
_spec_vecp = pl.BlockSpec((NC, BR, 1), lambda i: (0, i, 0))
_spec_dis = pl.BlockSpec((BR, 1), lambda i: (i, 0))
_spec_bias = pl.BlockSpec((1, D), lambda i: (0, 0))
_spec_aggp = pl.BlockSpec((NC, BR, D), lambda i: (0, i, 0))

_tc1 = pl.pallas_call(
    _tc1_body,
    grid=_GRID,
    in_specs=[_spec_rows, _spec_mat, _spec_vecp],
    out_specs=[_spec_rows, _spec_rows, _spec_dis],
    out_shape=[jax.ShapeDtypeStruct((N, D), jnp.float32),
               jax.ShapeDtypeStruct((N, D), jnp.float32),
               jax.ShapeDtypeStruct((N, 1), jnp.float32)],
)

_tc2 = pl.pallas_call(
    _tc2_body,
    grid=_GRID,
    in_specs=[_spec_aggp, _spec_rows, _spec_dis, _spec_bias, _spec_mat],
    out_specs=[_spec_rows, _spec_rows],
    out_shape=[jax.ShapeDtypeStruct((N, D), jnp.float32),
               jax.ShapeDtypeStruct((N, D), jnp.float32)],
)

_tc3 = pl.pallas_call(
    _tc3_body,
    grid=_GRID,
    in_specs=[_spec_aggp, _spec_rows, _spec_dis, _spec_bias],
    out_specs=_spec_rows,
    out_shape=jax.ShapeDtypeStruct((N, D), jnp.float32),
)


def kernel(x, edge_index, W1, b1, W2, b2):
    src = edge_index[0]
    dst = edge_index[1]
    srcf = jnp.concatenate([src, jnp.zeros((EPAD - E,), jnp.int32)])
    dstf = jnp.concatenate([dst, jnp.full((EPAD - E,), DUMMY, jnp.int32)])
    n0 = NS * NCH0 * CH
    src0 = srcf[:n0].reshape(NS, NCH0, CH)
    dst0 = dstf[:n0].reshape(NS, NCH0, CH)
    src1 = srcf[n0:].reshape(NS, NCH1, CH)
    dst1 = dstf[n0:].reshape(NS, NCH1, CH)

    degp = _deg_kernel(dstf).reshape(NC, N)
    hs1, hs1b, dis = _tc1(x, W1, degp[:, :, None])
    agg1 = _agg_kernel(hs1, hs1b, src0, dst0, src1, dst1)
    hs2, hs2b = _tc2(agg1, hs1, dis, b1.reshape(1, D), W2)
    agg2 = _agg_kernel(hs2, hs2b, src0, dst0, src1, dst1)
    out = _tc3(agg2, hs2, dis, b2.reshape(1, D))
    return out

# --- scband reference (transcript-rebuilt; emitter-appended) ---
"""Pipeline reference for scband-gcnnet-37529424233275 (READ-ONLY COPY).

The authoritative reference and input builder live on the scoring server;
editing this copy changes nothing except your own understanding.
"""

import jax, jax.numpy as jnp
import numpy as np

N = 10000
E = 320000
D = 128


def _gcn_layer(x, src, dst, W, b, n):
    # GCNConv: out = D^{-1/2} (A + I) D^{-1/2} X W + b  (self-loops already in src/dst)
    h = x @ W
    deg = jnp.zeros((n,), x.dtype).at[dst].add(1.0)
    dis = jnp.where(deg > 0, jax.lax.rsqrt(jnp.where(deg > 0, deg, 1.0)), 0.0)
    norm = dis[src] * dis[dst]
    msg = jnp.take(h, src, axis=0) * norm[:, None]
    out = jnp.zeros((n, h.shape[1]), x.dtype).at[dst].add(msg)
    return out + b


def setup_inputs(seed: int = 0):
    key = jax.random.key(seed)
    k1, k2, k3, k4, k5, k6 = jax.random.split(key, 6)
    x = jax.random.normal(k1, (N, D), dtype=jnp.float32)
    edge_index = jax.random.randint(k2, (2, E), 0, N, dtype=jnp.int32)
    W1 = jax.random.normal(k3, (D, D), dtype=jnp.float32) * 0.05
    b1 = jnp.zeros((D,), dtype=jnp.float32)
    W2 = jax.random.normal(k4, (D, D), dtype=jnp.float32) * 0.05
    b2 = jnp.zeros((D,), dtype=jnp.float32)
    return {"x": x, "edge_index": edge_index, "W1": W1, "b1": b1, "W2": W2, "b2": b2}


def reference(x, edge_index, W1, b1, W2, b2):
    n = x.shape[0]
    loop = jnp.arange(n, dtype=edge_index.dtype)
    src = jnp.concatenate([edge_index[0], loop])
    dst = jnp.concatenate([edge_index[1], loop])
    h = _gcn_layer(x, src, dst, W1, b1, n)
    h = jax.nn.relu(h)
    out = _gcn_layer(h, src, dst, W2, b2, n)
    return out

if __name__ == "__main__":
    import jax
    _d = setup_inputs()
    print(jax.jit(kernel)(*tuple(_d.values())))

</pallas_src>

<mosaic_0001>
#map = affine_map<(d0, d1) -> (0)>
module attributes {stable_mosaic.version = 14 : i64} {
  func.func @_deg_body(%arg0: i32, %arg1: i32, %arg2: memref<327680xi32, #tpu.memory_space<hbm>>, %arg3: memref<20000xf32, #tpu.memory_space<hbm>>, %arg4: memref<10240xi32, #tpu.memory_space<vmem>>, %arg5: memref<10112xf32, #tpu.memory_space<vmem>>, %arg6: memref<10112xf32, #tpu.memory_space<vmem>>, %arg7: memref<632xf32, #tpu.memory_space<vmem>>, %arg8: memref<161792xf32, #tpu.memory_space<vmem_shared>>) attributes {dimension_semantics = [#tpu.dimension_semantics<core_parallel>, #tpu.dimension_semantics<subcore_parallel>], iteration_bounds = array<i64: 2, 16>, scalar_prefetch = 0 : i64, scratch_operands = 5 : i64, tpu.core_type = #tpu.core_type<sc_vector_subcore>, window_params = [{transform_indices = #map}, {transform_indices = #map}]} {
    %mul3A = arith.constant 16 : i32
    %mul3A_0 = arith.muli %arg0, %mul3A : i32
    %add3A = arith.addi %mul3A_0, %arg1 : i32
    %scan3A = arith.constant 0 : i32
    %scan3A_1 = arith.constant 632 : i32
    %scan3A_2 = arith.addi %scan3A, %scan3A_1 : i32
    %scan3A_3 = arith.constant 1 : i32
    scf.for %scan3A_90 = %scan3A to %scan3A_2 step %scan3A_3  : i32 {
      %mul3A_91 = arith.constant 16 : i32
      %mul3A_92 = arith.muli %scan3A_90, %mul3A_91 : i32
      %add3A_93 = arith.constant 0 : i32
      %add3A_94 = arith.addi %add3A_93, %mul3A_92 : i32
      %broadcast_in_dim3A_95 = arith.constant 0.000000e+00 : f32
      %broadcast_in_dim3A_96 = vector.broadcast %broadcast_in_dim3A_95 : f32 to vector<16xf32>
      %swap3A = arith.index_cast %add3A_94 : i32 to index
      %swap3A_97 = tpu.vector_load %arg5[%swap3A] {strides = array<i32>} : memref<10112xf32, #tpu.memory_space<vmem>>, vector<16xf32>,
      tpu.vector_store %arg5[%swap3A], %broadcast_in_dim3A_96 {strides = array<i32>} : memref<10112xf32, #tpu.memory_space<vmem>>, vector<16xf32>,
    }
    %scan3A_4 = arith.constant 632 : i32
    %mul3A_5 = arith.constant 10240 : i32
    %mul3A_6 = arith.muli %add3A, %mul3A_5 : i32
    "tpu.region"() ({
      %run_scoped3A = tpu.sem_alloc : memref<!tpu.dma_semaphore, #tpu.memory_space<semaphore_mem>>
      %dma_start3A = tpu.memref_slice %arg2[%mul3A_6] : memref<327680xi32, #tpu.memory_space<hbm>> -> memref<10240xi32, #tpu.memory_space<hbm>>
      %dma_start3A_90 = tpu.memref_slice %arg2[%mul3A_6] : memref<327680xi32, #tpu.memory_space<hbm>> -> memref<10240xi32, #tpu.memory_space<hbm>>
      tpu.enqueue_dma source(%dma_start3A_90 : memref<10240xi32, #tpu.memory_space<hbm>>) target(%arg4 : memref<10240xi32, #tpu.memory_space<vmem>>) target_semaphore(%run_scoped3A : memref<!tpu.dma_semaphore, #tpu.memory_space<semaphore_mem>>)
      %dma_wait3A = tpu.memref_slice %arg2[%mul3A_6] : memref<327680xi32, #tpu.memory_space<hbm>> -> memref<10240xi32, #tpu.memory_space<hbm>>
      %dma_wait3A_91 = tpu.memref_slice %arg2[%mul3A_6] : memref<327680xi32, #tpu.memory_space<hbm>> -> memref<10240xi32, #tpu.memory_space<hbm>>
      tpu.wait_dma2 semaphore(%run_scoped3A : memref<!tpu.dma_semaphore, #tpu.memory_space<semaphore_mem>>) src(%dma_wait3A_91 : memref<10240xi32, #tpu.memory_space<hbm>>) dst(%arg4 : memref<10240xi32, #tpu.memory_space<vmem>>)
      tpu.yield
    }) : () -> ()
    %broadcast_in_dim3A = arith.constant 1.000000e+00 : f32
    %broadcast_in_dim3A_7 = vector.broadcast %broadcast_in_dim3A : f32 to vector<16xf32>
    %scan3A_8 = arith.constant 0 : i32
    %scan3A_9 = arith.constant 640 : i32
    %scan3A_10 = arith.addi %scan3A_8, %scan3A_9 : i32
    %scan3A_11 = arith.constant 1 : i32
    scf.for %scan3A_90 = %scan3A_8 to %scan3A_10 step %scan3A_11  : i32 {
      %mul3A_91 = arith.constant 16 : i32
      %mul3A_92 = arith.muli %scan3A_90, %mul3A_91 : i32
      %add3A_93 = arith.constant 0 : i32
      %add3A_94 = arith.addi %add3A_93, %mul3A_92 : i32
      %get3A = arith.index_cast %add3A_94 : i32 to index
      %get3A_95 = tpu.vector_load %arg4[%get3A] {strides = array<i32>} : memref<10240xi32, #tpu.memory_space<vmem>>, vector<16xi32>,
      tpu.vector_store_idx %arg5[%get3A_95], %broadcast_in_dim3A_7 {add = true} : memref<10112xf32, #tpu.memory_space<vmem>>[vector<16xi32>], vector<16xf32>,
    }
    %scan3A_12 = arith.constant 640 : i32
    %mul3A_13 = arith.constant 10112 : i32
    %mul3A_14 = arith.muli %arg1, %mul3A_13 : i32
    "tpu.region"() ({
      %run_scoped3A = tpu.sem_alloc : memref<!tpu.dma_semaphore, #tpu.memory_space<semaphore_mem>>
      %dma_start3A = tpu.memref_slice %arg8[%mul3A_14] : memref<161792xf32, #tpu.memory_space<vmem_shared>> -> memref<10112xf32, #tpu.memory_space<vmem_shared>>
      %dma_start3A_90 = tpu.memref_slice %arg8[%mul3A_14] : memref<161792xf32, #tpu.memory_space<vmem_shared>> -> memref<10112xf32, #tpu.memory_space<vmem_shared>>
      tpu.enqueue_dma source(%arg5 : memref<10112xf32, #tpu.memory_space<vmem>>) target(%dma_start3A_90 : memref<10112xf32, #tpu.memory_space<vmem_shared>>) target_semaphore(%run_scoped3A : memref<!tpu.dma_semaphore, #tpu.memory_space<semaphore_mem>>)
      %dma_wait3A = tpu.memref_slice %arg8[%mul3A_14] : memref<161792xf32, #tpu.memory_space<vmem_shared>> -> memref<10112xf32, #tpu.memory_space<vmem_shared>>
      %dma_wait3A_91 = tpu.memref_slice %arg8[%mul3A_14] : memref<161792xf32, #tpu.memory_space<vmem_shared>> -> memref<10112xf32, #tpu.memory_space<vmem_shared>>
      tpu.wait_dma2 semaphore(%run_scoped3A : memref<!tpu.dma_semaphore, #tpu.memory_space<semaphore_mem>>) src(%arg5 : memref<10112xf32, #tpu.memory_space<vmem>>) dst(%dma_wait3A_91 : memref<10112xf32, #tpu.memory_space<vmem_shared>>)
      tpu.yield
    }) : () -> ()
    %barrier3A = arith.constant 0 : index
    tpu.barrier barrier_id(%barrier3A)
    %mul3A_15 = arith.constant 632 : i32
    %mul3A_16 = arith.muli %arg1, %mul3A_15 : i32
    %add3A_17 = arith.constant 0 : i32
    %add3A_18 = arith.addi %add3A_17, %mul3A_16 : i32
    "tpu.region"() ({
      %run_scoped3A = tpu.sem_alloc : memref<!tpu.dma_semaphore, #tpu.memory_space<semaphore_mem>>
      %dma_start3A = arith.constant 0 : i32
      %dma_start3A_90 = tpu.memref_slice %arg6[%dma_start3A] : memref<10112xf32, #tpu.memory_space<vmem>> -> memref<632xf32, #tpu.memory_space<vmem>>
      %dma_start3A_91 = tpu.memref_slice %arg8[%add3A_18] : memref<161792xf32, #tpu.memory_space<vmem_shared>> -> memref<632xf32, #tpu.memory_space<vmem_shared>>
      %dma_start3A_92 = arith.constant 0 : i32
      %dma_start3A_93 = tpu.memref_slice %arg6[%dma_start3A_92] : memref<10112xf32, #tpu.memory_space<vmem>> -> memref<632xf32, #tpu.memory_space<vmem>>
      %dma_start3A_94 = tpu.memref_slice %arg8[%add3A_18] : memref<161792xf32, #tpu.memory_space<vmem_shared>> -> memref<632xf32, #tpu.memory_space<vmem_shared>>
      tpu.enqueue_dma source(%dma_start3A_94 : memref<632xf32, #tpu.memory_space<vmem_shared>>) target(%dma_start3A_93 : memref<632xf32, #tpu.memory_space<vmem>>) target_semaphore(%run_scoped3A : memref<!tpu.dma_semaphore, #tpu.memory_space<semaphore_mem>>)
      %dma_wait3A = arith.constant 0 : i32
      %dma_wait3A_95 = tpu.memref_slice %arg6[%dma_wait3A] : memref<10112xf32, #tpu.memory_space<vmem>> -> memref<632xf32, #tpu.memory_space<vmem>>
      %dma_wait3A_96 = tpu.memref_slice %arg8[%add3A_18] : memref<161792xf32, #tpu.memory_space<vmem_shared>> -> memref<632xf32, #tpu.memory_space<vmem_shared>>
      %dma_wait3A_97 = arith.constant 0 : i32
      %dma_wait3A_98 = tpu.memref_slice %arg6[%dma_wait3A_97] : memref<10112xf32, #tpu.memory_space<vmem>> -> memref<632xf32, #tpu.memory_space<vmem>>
      %dma_wait3A_99 = tpu.memref_slice %arg8[%add3A_18] : memref<161792xf32, #tpu.memory_space<vmem_shared>> -> memref<632xf32, #tpu.memory_space<vmem_shared>>
      tpu.wait_dma2 semaphore(%run_scoped3A : memref<!tpu.dma_semaphore, #tpu.memory_space<semaphore_mem>>) src(%dma_wait3A_99 : memref<632xf32, #tpu.memory_space<vmem_shared>>) dst(%dma_wait3A_98 : memref<632xf32, #tpu.memory_space<vmem>>)
      tpu.yield
    }) : () -> ()
    %mul3A_19 = arith.constant 632 : i32
    %mul3A_20 = arith.muli %arg1, %mul3A_19 : i32
    %add3A_21 = arith.constant 10112 : i32
    %add3A_22 = arith.addi %add3A_21, %mul3A_20 : i32
    "tpu.region"() ({
      %run_scoped3A = tpu.sem_alloc : memref<!tpu.dma_semaphore, #tpu.memory_space<semaphore_mem>>
      %dma_start3A = arith.constant 632 : i32
      %dma_start3A_90 = tpu.memref_slice %arg6[%dma_start3A] : memref<10112xf32, #tpu.memory_space<vmem>> -> memref<632xf32, #tpu.memory_space<vmem>>
      %dma_start3A_91 = tpu.memref_slice %arg8[%add3A_22] : memref<161792xf32, #tpu.memory_space<vmem_shared>> -> memref<632xf32, #tpu.memory_space<vmem_shared>>
      %dma_start3A_92 = arith.constant 632 : i32
      %dma_start3A_93 = tpu.memref_slice %arg6[%dma_start3A_92] : memref<10112xf32, #tpu.memory_space<vmem>> -> memref<632xf32, #tpu.memory_space<vmem>>
      %dma_start3A_94 = tpu.memref_slice %arg8[%add3A_22] : memref<161792xf32, #tpu.memory_space<vmem_shared>> -> memref<632xf32, #tpu.memory_space<vmem_shared>>
      tpu.enqueue_dma source(%dma_start3A_94 : memref<632xf32, #tpu.memory_space<vmem_shared>>) target(%dma_start3A_93 : memref<632xf32, #tpu.memory_space<vmem>>) target_semaphore(%run_scoped3A : memref<!tpu.dma_semaphore, #tpu.memory_space<semaphore_mem>>)
      %dma_wait3A = arith.constant 632 : i32
      %dma_wait3A_95 = tpu.memref_slice %arg6[%dma_wait3A] : memref<10112xf32, #tpu.memory_space<vmem>> -> memref<632xf32, #tpu.memory_space<vmem>>
      %dma_wait3A_96 = tpu.memref_slice %arg8[%add3A_22] : memref<161792xf32, #tpu.memory_space<vmem_shared>> -> memref<632xf32, #tpu.memory_space<vmem_shared>>
      %dma_wait3A_97 = arith.constant 632 : i32
      %dma_wait3A_98 = tpu.memref_slice %arg6[%dma_wait3A_97] : memref<10112xf32, #tpu.memory_space<vmem>> -> memref<632xf32, #tpu.memory_space<vmem>>
      %dma_wait3A_99 = tpu.memref_slice %arg8[%add3A_22] : memref<161792xf32, #tpu.memory_space<vmem_shared>> -> memref<632xf32, #tpu.memory_space<vmem_shared>>
      tpu.wait_dma2 semaphore(%run_scoped3A : memref<!tpu.dma_semaphore, #tpu.memory_space<semaphore_mem>>) src(%dma_wait3A_99 : memref<632xf32, #tpu.memory_space<vmem_shared>>) dst(%dma_wait3A_98 : memref<632xf32, #tpu.memory_space<vmem>>)
      tpu.yield
    }) : () -> ()
    %mul3A_23 = arith.constant 632 : i32
    %mul3A_24 = arith.muli %arg1, %mul3A_23 : i32
    %add3A_25 = arith.constant 20224 : i32
    %add3A_26 = arith.addi %add3A_25, %mul3A_24 : i32
    "tpu.region"() ({
      %run_scoped3A = tpu.sem_alloc : memref<!tpu.dma_semaphore, #tpu.memory_space<semaphore_mem>>
      %dma_start3A = arith.constant 1264 : i32
      %dma_start3A_90 = tpu.memref_slice %arg6[%dma_start3A] : memref<10112xf32, #tpu.memory_space<vmem>> -> memref<632xf32, #tpu.memory_space<vmem>>
      %dma_start3A_91 = tpu.memref_slice %arg8[%add3A_26] : memref<161792xf32, #tpu.memory_space<vmem_shared>> -> memref<632xf32, #tpu.memory_space<vmem_shared>>
      %dma_start3A_92 = arith.constant 1264 : i32
      %dma_start3A_93 = tpu.memref_slice %arg6[%dma_start3A_92] : memref<10112xf32, #tpu.memory_space<vmem>> -> memref<632xf32, #tpu.memory_space<vmem>>
      %dma_start3A_94 = tpu.memref_slice %arg8[%add3A_26] : memref<161792xf32, #tpu.memory_space<vmem_shared>> -> memref<632xf32, #tpu.memory_space<vmem_shared>>
      tpu.enqueue_dma source(%dma_start3A_94 : memref<632xf32, #tpu.memory_space<vmem_shared>>) target(%dma_start3A_93 : memref<632xf32, #tpu.memory_space<vmem>>) target_semaphore(%run_scoped3A : memref<!tpu.dma_semaphore, #tpu.memory_space<semaphore_mem>>)
      %dma_wait3A = arith.constant 1264 : i32
      %dma_wait3A_95 = tpu.memref_slice %arg6[%dma_wait3A] : memref<10112xf32, #tpu.memory_space<vmem>> -> memref<632xf32, #tpu.memory_space<vmem>>
      %dma_wait3A_96 = tpu.memref_slice %arg8[%add3A_26] : memref<161792xf32, #tpu.memory_space<vmem_shared>> -> memref<632xf32, #tpu.memory_space<vmem_shared>>
      %dma_wait3A_97 = arith.constant 1264 : i32
      %dma_wait3A_98 = tpu.memref_slice %arg6[%dma_wait3A_97] : memref<10112xf32, #tpu.memory_space<vmem>> -> memref<632xf32, #tpu.memory_space<vmem>>
      %dma_wait3A_99 = tpu.memref_slice %arg8[%add3A_26] : memref<161792xf32, #tpu.memory_space<vmem_shared>> -> memref<632xf32, #tpu.memory_space<vmem_shared>>
      tpu.wait_dma2 semaphore(%run_scoped3A : memref<!tpu.dma_semaphore, #tpu.memory_space<semaphore_mem>>) src(%dma_wait3A_99 : memref<632xf32, #tpu.memory_space<vmem_shared>>) dst(%dma_wait3A_98 : memref<632xf32, #tpu.memory_space<vmem>>)
      tpu.yield
    }) : () -> ()
    %mul3A_27 = arith.constant 632 : i32
    %mul3A_28 = arith.muli %arg1, %mul3A_27 : i32
    %add3A_29 = arith.constant 30336 : i32
    %add3A_30 = arith.addi %add3A_29, %mul3A_28 : i32
    "tpu.region"() ({
      %run_scoped3A = tpu.sem_alloc : memref<!tpu.dma_semaphore, #tpu.memory_space<semaphore_mem>>
      %dma_start3A = arith.constant 1896 : i32
      %dma_start3A_90 = tpu.memref_slice %arg6[%dma_start3A] : memref<10112xf32, #tpu.memory_space<vmem>> -> memref<632xf32, #tpu.memory_space<vmem>>
      %dma_start3A_91 = tpu.memref_slice %arg8[%add3A_30] : memref<161792xf32, #tpu.memory_space<vmem_shared>> -> memref<632xf32, #tpu.memory_space<vmem_shared>>
      %dma_start3A_92 = arith.constant 1896 : i32
      %dma_start3A_93 = tpu.memref_slice %arg6[%dma_start3A_92] : memref<10112xf32, #tpu.memory_space<vmem>> -> memref<632xf32, #tpu.memory_space<vmem>>
      %dma_start3A_94 = tpu.memref_slice %arg8[%add3A_30] : memref<161792xf32, #tpu.memory_space<vmem_shared>> -> memref<632xf32, #tpu.memory_space<vmem_shared>>
      tpu.enqueue_dma source(%dma_start3A_94 : memref<632xf32, #tpu.memory_space<vmem_shared>>) target(%dma_start3A_93 : memref<632xf32, #tpu.memory_space<vmem>>) target_semaphore(%run_scoped3A : memref<!tpu.dma_semaphore, #tpu.memory_space<semaphore_mem>>)
      %dma_wait3A = arith.constant 1896 : i32
      %dma_wait3A_95 = tpu.memref_slice %arg6[%dma_wait3A] : memref<10112xf32, #tpu.memory_space<vmem>> -> memref<632xf32, #tpu.memory_space<vmem>>
      %dma_wait3A_96 = tpu.memref_slice %arg8[%add3A_30] : memref<161792xf32, #tpu.memory_space<vmem_shared>> -> memref<632xf32, #tpu.memory_space<vmem_shared>>
      %dma_wait3A_97 = arith.constant 1896 : i32
      %dma_wait3A_98 = tpu.memref_slice %arg6[%dma_wait3A_97] : memref<10112xf32, #tpu.memory_space<vmem>> -> memref<632xf32, #tpu.memory_space<vmem>>
      %dma_wait3A_99 = tpu.memref_slice %arg8[%add3A_30] : memref<161792xf32, #tpu.memory_space<vmem_shared>> -> memref<632xf32, #tpu.memory_space<vmem_shared>>
      tpu.wait_dma2 semaphore(%run_scoped3A : memref<!tpu.dma_semaphore, #tpu.memory_space<semaphore_mem>>) src(%dma_wait3A_99 : memref<632xf32, #tpu.memory_space<vmem_shared>>) dst(%dma_wait3A_98 : memref<632xf32, #tpu.memory_space<vmem>>)
      tpu.yield
    }) : () -> ()
    %mul3A_31 = arith.constant 632 : i32
    %mul3A_32 = arith.muli %arg1, %mul3A_31 : i32
    %add3A_33 = arith.constant 40448 : i32
    %add3A_34 = arith.addi %add3A_33, %mul3A_32 : i32
    "tpu.region"() ({
      %run_scoped3A = tpu.sem_alloc : memref<!tpu.dma_semaphore, #tpu.memory_space<semaphore_mem>>
      %dma_start3A = arith.constant 2528 : i32
      %dma_start3A_90 = tpu.memref_slice %arg6[%dma_start3A] : memref<10112xf32, #tpu.memory_space<vmem>> -> memref<632xf32, #tpu.memory_space<vmem>>
      %dma_start3A_91 = tpu.memref_slice %arg8[%add3A_34] : memref<161792xf32, #tpu.memory_space<vmem_shared>> -> memref<632xf32, #tpu.memory_space<vmem_shared>>
      %dma_start3A_92 = arith.constant 2528 : i32
      %dma_start3A_93 = tpu.memref_slice %arg6[%dma_start3A_92] : memref<10112xf32, #tpu.memory_space<vmem>> -> memref<632xf32, #tpu.memory_space<vmem>>
      %dma_start3A_94 = tpu.memref_slice %arg8[%add3A_34] : memref<161792xf32, #tpu.memory_space<vmem_shared>> -> memref<632xf32, #tpu.memory_space<vmem_shared>>
      tpu.enqueue_dma source(%dma_start3A_94 : memref<632xf32, #tpu.memory_space<vmem_shared>>) target(%dma_start3A_93 : memref<632xf32, #tpu.memory_space<vmem>>) target_semaphore(%run_scoped3A : memref<!tpu.dma_semaphore, #tpu.memory_space<semaphore_mem>>)
      %dma_wait3A = arith.constant 2528 : i32
      %dma_wait3A_95 = tpu.memref_slice %arg6[%dma_wait3A] : memref<10112xf32, #tpu.memory_space<vmem>> -> memref<632xf32, #tpu.memory_space<vmem>>
      %dma_wait3A_96 = tpu.memref_slice %arg8[%add3A_34] : memref<161792xf32, #tpu.memory_space<vmem_shared>> -> memref<632xf32, #tpu.memory_space<vmem_shared>>
      %dma_wait3A_97 = arith.constant 2528 : i32
      %dma_wait3A_98 = tpu.memref_slice %arg6[%dma_wait3A_97] : memref<10112xf32, #tpu.memory_space<vmem>> -> memref<632xf32, #tpu.memory_space<vmem>>
      %dma_wait3A_99 = tpu.memref_slice %arg8[%add3A_34] : memref<161792xf32, #tpu.memory_space<vmem_shared>> -> memref<632xf32, #tpu.memory_space<vmem_shared>>
      tpu.wait_dma2 semaphore(%run_scoped3A : memref<!tpu.dma_semaphore, #tpu.memory_space<semaphore_mem>>) src(%dma_wait3A_99 : memref<632xf32, #tpu.memory_space<vmem_shared>>) dst(%dma_wait3A_98 : memref<632xf32, #tpu.memory_space<vmem>>)
      tpu.yield
    }) : () -> ()
    %mul3A_35 = arith.constant 632 : i32
    %mul3A_36 = arith.muli %arg1, %mul3A_35 : i32
    %add3A_37 = arith.constant 50560 : i32
    %add3A_38 = arith.addi %add3A_37, %mul3A_36 : i32
    "tpu.region"() ({
      %run_scoped3A = tpu.sem_alloc : memref<!tpu.dma_semaphore, #tpu.memory_space<semaphore_mem>>
      %dma_start3A = arith.constant 3160 : i32
      %dma_start3A_90 = tpu.memref_slice %arg6[%dma_start3A] : memref<10112xf32, #tpu.memory_space<vmem>> -> memref<632xf32, #tpu.memory_space<vmem>>
      %dma_start3A_91 = tpu.memref_slice %arg8[%add3A_38] : memref<161792xf32, #tpu.memory_space<vmem_shared>> -> memref<632xf32, #tpu.memory_space<vmem_shared>>
      %dma_start3A_92 = arith.constant 3160 : i32
      %dma_start3A_93 = tpu.memref_slice %arg6[%dma_start3A_92] : memref<10112xf32, #tpu.memory_space<vmem>> -> memref<632xf32, #tpu.memory_space<vmem>>
      %dma_start3A_94 = tpu.memref_slice %arg8[%add3A_38] : memref<161792xf32, #tpu.memory_space<vmem_shared>> -> memref<632xf32, #tpu.memory_space<vmem_shared>>
      tpu.enqueue_dma source(%dma_start3A_94 : memref<632xf32, #tpu.memory_space<vmem_shared>>) target(%dma_start3A_93 : memref<632xf32, #tpu.memory_space<vmem>>) target_semaphore(%run_scoped3A : memref<!tpu.dma_semaphore, #tpu.memory_space<semaphore_mem>>)
      %dma_wait3A = arith.constant 3160 : i32
      %dma_wait3A_95 = tpu.memref_slice %arg6[%dma_wait3A] : memref<10112xf32, #tpu.memory_space<vmem>> -> memref<632xf32, #tpu.memory_space<vmem>>
      %dma_wait3A_96 = tpu.memref_slice %arg8[%add3A_38] : memref<161792xf32, #tpu.memory_space<vmem_shared>> -> memref<632xf32, #tpu.memory_space<vmem_shared>>
      %dma_wait3A_97 = arith.constant 3160 : i32
      %dma_wait3A_98 = tpu.memref_slice %arg6[%dma_wait3A_97] : memref<10112xf32, #tpu.memory_space<vmem>> -> memref<632xf32, #tpu.memory_space<vmem>>
      %dma_wait3A_99 = tpu.memref_slice %arg8[%add3A_38] : memref<161792xf32, #tpu.memory_space<vmem_shared>> -> memref<632xf32, #tpu.memory_space<vmem_shared>>
      tpu.wait_dma2 semaphore(%run_scoped3A : memref<!tpu.dma_semaphore, #tpu.memory_space<semaphore_mem>>) src(%dma_wait3A_99 : memref<632xf32, #tpu.memory_space<vmem_shared>>) dst(%dma_wait3A_98 : memref<632xf32, #tpu.memory_space<vmem>>)
      tpu.yield
    }) : () -> ()
    %mul3A_39 = arith.constant 632 : i32
    %mul3A_40 = arith.muli %arg1, %mul3A_39 : i32
    %add3A_41 = arith.constant 60672 : i32
    %add3A_42 = arith.addi %add3A_41, %mul3A_40 : i32
    "tpu.region"() ({
      %run_scoped3A = tpu.sem_alloc : memref<!tpu.dma_semaphore, #tpu.memory_space<semaphore_mem>>
      %dma_start3A = arith.constant 3792 : i32
      %dma_start3A_90 = tpu.memref_slice %arg6[%dma_start3A] : memref<10112xf32, #tpu.memory_space<vmem>> -> memref<632xf32, #tpu.memory_space<vmem>>
      %dma_start3A_91 = tpu.memref_slice %arg8[%add3A_42] : memref<161792xf32, #tpu.memory_space<vmem_shared>> -> memref<632xf32, #tpu.memory_space<vmem_shared>>
      %dma_start3A_92 = arith.constant 3792 : i32
      %dma_start3A_93 = tpu.memref_slice %arg6[%dma_start3A_92] : memref<10112xf32, #tpu.memory_space<vmem>> -> memref<632xf32, #tpu.memory_space<vmem>>
      %dma_start3A_94 = tpu.memref_slice %arg8[%add3A_42] : memref<161792xf32, #tpu.memory_space<vmem_shared>> -> memref<632xf32, #tpu.memory_space<vmem_shared>>
      tpu.enqueue_dma source(%dma_start3A_94 : memref<632xf32, #tpu.memory_space<vmem_shared>>) target(%dma_start3A_93 : memref<632xf32, #tpu.memory_space<vmem>>) target_semaphore(%run_scoped3A : memref<!tpu.dma_semaphore, #tpu.memory_space<semaphore_mem>>)
      %dma_wait3A = arith.constant 3792 : i32
      %dma_wait3A_95 = tpu.memref_slice %arg6[%dma_wait3A] : memref<10112xf32, #tpu.memory_space<vmem>> -> memref<632xf32, #tpu.memory_space<vmem>>
      %dma_wait3A_96 = tpu.memref_slice %arg8[%add3A_42] : memref<161792xf32, #tpu.memory_space<vmem_shared>> -> memref<632xf32, #tpu.memory_space<vmem_shared>>
      %dma_wait3A_97 = arith.constant 3792 : i32
      %dma_wait3A_98 = tpu.memref_slice %arg6[%dma_wait3A_97] : memref<10112xf32, #tpu.memory_space<vmem>> -> memref<632xf32, #tpu.memory_space<vmem>>
      %dma_wait3A_99 = tpu.memref_slice %arg8[%add3A_42] : memref<161792xf32, #tpu.memory_space<vmem_shared>> -> memref<632xf32, #tpu.memory_space<vmem_shared>>
      tpu.wait_dma2 semaphore(%run_scoped3A : memref<!tpu.dma_semaphore, #tpu.memory_space<semaphore_mem>>) src(%dma_wait3A_99 : memref<632xf32, #tpu.memory_space<vmem_shared>>) dst(%dma_wait3A_98 : memref<632xf32, #tpu.memory_space<vmem>>)
      tpu.yield
    }) : () -> ()
    %mul3A_43 = arith.constant 632 : i32
    %mul3A_44 = arith.muli %arg1, %mul3A_43 : i32
    %add3A_45 = arith.constant 70784 : i32
    %add3A_46 = arith.addi %add3A_45, %mul3A_44 : i32
    "tpu.region"() ({
      %run_scoped3A = tpu.sem_alloc : memref<!tpu.dma_semaphore, #tpu.memory_space<semaphore_mem>>
      %dma_start3A = arith.constant 4424 : i32
      %dma_start3A_90 = tpu.memref_slice %arg6[%dma_start3A] : memref<10112xf32, #tpu.memory_space<vmem>> -> memref<632xf32, #tpu.memory_space<vmem>>
      %dma_start3A_91 = tpu.memref_slice %arg8[%add3A_46] : memref<161792xf32, #tpu.memory_space<vmem_shared>> -> memref<632xf32, #tpu.memory_space<vmem_shared>>
      %dma_start3A_92 = arith.constant 4424 : i32
      %dma_start3A_93 = tpu.memref_slice %arg6[%dma_start3A_92] : memref<10112xf32, #tpu.memory_space<vmem>> -> memref<632xf32, #tpu.memory_space<vmem>>
      %dma_start3A_94 = tpu.memref_slice %arg8[%add3A_46] : memref<161792xf32, #tpu.memory_space<vmem_shared>> -> memref<632xf32, #tpu.memory_space<vmem_shared>>
      tpu.enqueue_dma source(%dma_start3A_94 : memref<632xf32, #tpu.memory_space<vmem_shared>>) target(%dma_start3A_93 : memref<632xf32, #tpu.memory_space<vmem>>) target_semaphore(%run_scoped3A : memref<!tpu.dma_semaphore, #tpu.memory_space<semaphore_mem>>)
      %dma_wait3A = arith.constant 4424 : i32
      %dma_wait3A_95 = tpu.memref_slice %arg6[%dma_wait3A] : memref<10112xf32, #tpu.memory_space<vmem>> -> memref<632xf32, #tpu.memory_space<vmem>>
      %dma_wait3A_96 = tpu.memref_slice %arg8[%add3A_46] : memref<161792xf32, #tpu.memory_space<vmem_shared>> -> memref<632xf32, #tpu.memory_space<vmem_shared>>
      %dma_wait3A_97 = arith.constant 4424 : i32
      %dma_wait3A_98 = tpu.memref_slice %arg6[%dma_wait3A_97] : memref<10112xf32, #tpu.memory_space<vmem>> -> memref<632xf32, #tpu.memory_space<vmem>>
      %dma_wait3A_99 = tpu.memref_slice %arg8[%add3A_46] : memref<161792xf32, #tpu.memory_space<vmem_shared>> -> memref<632xf32, #tpu.memory_space<vmem_shared>>
      tpu.wait_dma2 semaphore(%run_scoped3A : memref<!tpu.dma_semaphore, #tpu.memory_space<semaphore_mem>>) src(%dma_wait3A_99 : memref<632xf32, #tpu.memory_space<vmem_shared>>) dst(%dma_wait3A_98 : memref<632xf32, #tpu.memory_space<vmem>>)
      tpu.yield
    }) : () -> ()
    %mul3A_47 = arith.constant 632 : i32
    %mul3A_48 = arith.muli %arg1, %mul3A_47 : i32
    %add3A_49 = arith.constant 80896 : i32
    %add3A_50 = arith.addi %add3A_49, %mul3A_48 : i32
    "tpu.region"() ({
      %run_scoped3A = tpu.sem_alloc : memref<!tpu.dma_semaphore, #tpu.memory_space<semaphore_mem>>
      %dma_start3A = arith.constant 5056 : i32
      %dma_start3A_90 = tpu.memref_slice %arg6[%dma_start3A] : memref<10112xf32, #tpu.memory_space<vmem>> -> memref<632xf32, #tpu.memory_space<vmem>>
      %dma_start3A_91 = tpu.memref_slice %arg8[%add3A_50] : memref<161792xf32, #tpu.memory_space<vmem_shared>> -> memref<632xf32, #tpu.memory_space<vmem_shared>>
      %dma_start3A_92 = arith.constant 5056 : i32
      %dma_start3A_93 = tpu.memref_slice %arg6[%dma_start3A_92] : memref<10112xf32, #tpu.memory_space<vmem>> -> memref<632xf32, #tpu.memory_space<vmem>>
      %dma_start3A_94 = tpu.memref_slice %arg8[%add3A_50] : memref<161792xf32, #tpu.memory_space<vmem_shared>> -> memref<632xf32, #tpu.memory_space<vmem_shared>>
      tpu.enqueue_dma source(%dma_start3A_94 : memref<632xf32, #tpu.memory_space<vmem_shared>>) target(%dma_start3A_93 : memref<632xf32, #tpu.memory_space<vmem>>) target_semaphore(%run_scoped3A : memref<!tpu.dma_semaphore, #tpu.memory_space<semaphore_mem>>)
      %dma_wait3A = arith.constant 5056 : i32
      %dma_wait3A_95 = tpu.memref_slice %arg6[%dma_wait3A] : memref<10112xf32, #tpu.memory_space<vmem>> -> memref<632xf32, #tpu.memory_space<vmem>>
      %dma_wait3A_96 = tpu.memref_slice %arg8[%add3A_50] : memref<161792xf32, #tpu.memory_space<vmem_shared>> -> memref<632xf32, #tpu.memory_space<vmem_shared>>
      %dma_wait3A_97 = arith.constant 5056 : i32
      %dma_wait3A_98 = tpu.memref_slice %arg6[%dma_wait3A_97] : memref<10112xf32, #tpu.memory_space<vmem>> -> memref<632xf32, #tpu.memory_space<vmem>>
      %dma_wait3A_99 = tpu.memref_slice %arg8[%add3A_50] : memref<161792xf32, #tpu.memory_space<vmem_shared>> -> memref<632xf32, #tpu.memory_space<vmem_shared>>
      tpu.wait_dma2 semaphore(%run_scoped3A : memref<!tpu.dma_semaphore, #tpu.memory_space<semaphore_mem>>) src(%dma_wait3A_99 : memref<632xf32, #tpu.memory_space<vmem_shared>>) dst(%dma_wait3A_98 : memref<632xf32, #tpu.memory_space<vmem>>)
      tpu.yield
    }) : () -> ()
    %mul3A_51 = arith.constant 632 : i32
    %mul3A_52 = arith.muli %arg1, %mul3A_51 : i32
    %add3A_53 = arith.constant 91008 : i32
    %add3A_54 = arith.addi %add3A_53, %mul3A_52 : i32
    "tpu.region"() ({
      %run_scoped3A = tpu.sem_alloc : memref<!tpu.dma_semaphore, #tpu.memory_space<semaphore_mem>>
      %dma_start3A = arith.constant 5688 : i32
      %dma_start3A_90 = tpu.memref_slice %arg6[%dma_start3A] : memref<10112xf32, #tpu.memory_space<vmem>> -> memref<632xf32, #tpu.memory_space<vmem>>
      %dma_start3A_91 = tpu.memref_slice %arg8[%add3A_54] : memref<161792xf32, #tpu.memory_space<vmem_shared>> -> memref<632xf32, #tpu.memory_space<vmem_shared>>
      %dma_start3A_92 = arith.constant 5688 : i32
      %dma_start3A_93 = tpu.memref_slice %arg6[%dma_start3A_92] : memref<10112xf32, #tpu.memory_space<vmem>> -> memref<632xf32, #tpu.memory_space<vmem>>
      %dma_start3A_94 = tpu.memref_slice %arg8[%add3A_54] : memref<161792xf32, #tpu.memory_space<vmem_shared>> -> memref<632xf32, #tpu.memory_space<vmem_shared>>
      tpu.enqueue_dma source(%dma_start3A_94 : memref<632xf32, #tpu.memory_space<vmem_shared>>) target(%dma_start3A_93 : memref<632xf32, #tpu.memory_space<vmem>>) target_semaphore(%run_scoped3A : memref<!tpu.dma_semaphore, #tpu.memory_space<semaphore_mem>>)
      %dma_wait3A = arith.constant 5688 : i32
      %dma_wait3A_95 = tpu.memref_slice %arg6[%dma_wait3A] : memref<10112xf32, #tpu.memory_space<vmem>> -> memref<632xf32, #tpu.memory_space<vmem>>
      %dma_wait3A_96 = tpu.memref_slice %arg8[%add3A_54] : memref<161792xf32, #tpu.memory_space<vmem_shared>> -> memref<632xf32, #tpu.memory_space<vmem_shared>>
      %dma_wait3A_97 = arith.constant 5688 : i32
      %dma_wait3A_98 = tpu.memref_slice %arg6[%dma_wait3A_97] : memref<10112xf32, #tpu.memory_space<vmem>> -> memref<632xf32, #tpu.memory_space<vmem>>
      %dma_wait3A_99 = tpu.memref_slice %arg8[%add3A_54] : memref<161792xf32, #tpu.memory_space<vmem_shared>> -> memref<632xf32, #tpu.memory_space<vmem_shared>>
      tpu.wait_dma2 semaphore(%run_scoped3A : memref<!tpu.dma_semaphore, #tpu.memory_space<semaphore_mem>>) src(%dma_wait3A_99 : memref<632xf32, #tpu.memory_space<vmem_shared>>) dst(%dma_wait3A_98 : memref<632xf32, #tpu.memory_space<vmem>>)
      tpu.yield
    }) : () -> ()
    %mul3A_55 = arith.constant 632 : i32
    %mul3A_56 = arith.muli %arg1, %mul3A_55 : i32
    %add3A_57 = arith.constant 101120 : i32
    %add3A_58 = arith.addi %add3A_57, %mul3A_56 : i32
    "tpu.region"() ({
      %run_scoped3A = tpu.sem_alloc : memref<!tpu.dma_semaphore, #tpu.memory_space<semaphore_mem>>
      %dma_start3A = arith.constant 6320 : i32
      %dma_start3A_90 = tpu.memref_slice %arg6[%dma_start3A] : memref<10112xf32, #tpu.memory_space<vmem>> -> memref<632xf32, #tpu.memory_space<vmem>>
      %dma_start3A_91 = tpu.memref_slice %arg8[%add3A_58] : memref<161792xf32, #tpu.memory_space<vmem_shared>> -> memref<632xf32, #tpu.memory_space<vmem_shared>>
      %dma_start3A_92 = arith.constant 6320 : i32
      %dma_start3A_93 = tpu.memref_slice %arg6[%dma_start3A_92] : memref<10112xf32, #tpu.memory_space<vmem>> -> memref<632xf32, #tpu.memory_space<vmem>>
      %dma_start3A_94 = tpu.memref_slice %arg8[%add3A_58] : memref<161792xf32, #tpu.memory_space<vmem_shared>> -> memref<632xf32, #tpu.memory_space<vmem_shared>>
      tpu.enqueue_dma source(%dma_start3A_94 : memref<632xf32, #tpu.memory_space<vmem_shared>>) target(%dma_start3A_93 : memref<632xf32, #tpu.memory_space<vmem>>) target_semaphore(%run_scoped3A : memref<!tpu.dma_semaphore, #tpu.memory_space<semaphore_mem>>)
      %dma_wait3A = arith.constant 6320 : i32
      %dma_wait3A_95 = tpu.memref_slice %arg6[%dma_wait3A] : memref<10112xf32, #tpu.memory_space<vmem>> -> memref<632xf32, #tpu.memory_space<vmem>>
      %dma_wait3A_96 = tpu.memref_slice %arg8[%add3A_58] : memref<161792xf32, #tpu.memory_space<vmem_shared>> -> memref<632xf32, #tpu.memory_space<vmem_shared>>
      %dma_wait3A_97 = arith.constant 6320 : i32
      %dma_wait3A_98 = tpu.memref_slice %arg6[%dma_wait3A_97] : memref<10112xf32, #tpu.memory_space<vmem>> -> memref<632xf32, #tpu.memory_space<vmem>>
      %dma_wait3A_99 = tpu.memref_slice %arg8[%add3A_58] : memref<161792xf32, #tpu.memory_space<vmem_shared>> -> memref<632xf32, #tpu.memory_space<vmem_shared>>
      tpu.wait_dma2 semaphore(%run_scoped3A : memref<!tpu.dma_semaphore, #tpu.memory_space<semaphore_mem>>) src(%dma_wait3A_99 : memref<632xf32, #tpu.memory_space<vmem_shared>>) dst(%dma_wait3A_98 : memref<632xf32, #tpu.memory_space<vmem>>)
      tpu.yield
    }) : () -> ()
    %mul3A_59 = arith.constant 632 : i32
    %mul3A_60 = arith.muli %arg1, %mul3A_59 : i32
    %add3A_61 = arith.constant 111232 : i32
    %add3A_62 = arith.addi %add3A_61, %mul3A_60 : i32
    "tpu.region"() ({
      %run_scoped3A = tpu.sem_alloc : memref<!tpu.dma_semaphore, #tpu.memory_space<semaphore_mem>>
      %dma_start3A = arith.constant 6952 : i32
      %dma_start3A_90 = tpu.memref_slice %arg6[%dma_start3A] : memref<10112xf32, #tpu.memory_space<vmem>> -> memref<632xf32, #tpu.memory_space<vmem>>
      %dma_start3A_91 = tpu.memref_slice %arg8[%add3A_62] : memref<161792xf32, #tpu.memory_space<vmem_shared>> -> memref<632xf32, #tpu.memory_space<vmem_shared>>
      %dma_start3A_92 = arith.constant 6952 : i32
      %dma_start3A_93 = tpu.memref_slice %arg6[%dma_start3A_92] : memref<10112xf32, #tpu.memory_space<vmem>> -> memref<632xf32, #tpu.memory_space<vmem>>
      %dma_start3A_94 = tpu.memref_slice %arg8[%add3A_62] : memref<161792xf32, #tpu.memory_space<vmem_shared>> -> memref<632xf32, #tpu.memory_space<vmem_shared>>
      tpu.enqueue_dma source(%dma_start3A_94 : memref<632xf32, #tpu.memory_space<vmem_shared>>) target(%dma_start3A_93 : memref<632xf32, #tpu.memory_space<vmem>>) target_semaphore(%run_scoped3A : memref<!tpu.dma_semaphore, #tpu.memory_space<semaphore_mem>>)
      %dma_wait3A = arith.constant 6952 : i32
      %dma_wait3A_95 = tpu.memref_slice %arg6[%dma_wait3A] : memref<10112xf32, #tpu.memory_space<vmem>> -> memref<632xf32, #tpu.memory_space<vmem>>
      %dma_wait3A_96 = tpu.memref_slice %arg8[%add3A_62] : memref<161792xf32, #tpu.memory_space<vmem_shared>> -> memref<632xf32, #tpu.memory_space<vmem_shared>>
      %dma_wait3A_97 = arith.constant 6952 : i32
      %dma_wait3A_98 = tpu.memref_slice %arg6[%dma_wait3A_97] : memref<10112xf32, #tpu.memory_space<vmem>> -> memref<632xf32, #tpu.memory_space<vmem>>
      %dma_wait3A_99 = tpu.memref_slice %arg8[%add3A_62] : memref<161792xf32, #tpu.memory_space<vmem_shared>> -> memref<632xf32, #tpu.memory_space<vmem_shared>>
      tpu.wait_dma2 semaphore(%run_scoped3A : memref<!tpu.dma_semaphore, #tpu.memory_space<semaphore_mem>>) src(%dma_wait3A_99 : memref<632xf32, #tpu.memory_space<vmem_shared>>) dst(%dma_wait3A_98 : memref<632xf32, #tpu.memory_space<vmem>>)
      tpu.yield
    }) : () -> ()
    %mul3A_63 = arith.constant 632 : i32
    %mul3A_64 = arith.muli %arg1, %mul3A_63 : i32
    %add3A_65 = arith.constant 121344 : i32
    %add3A_66 = arith.addi %add3A_65, %mul3A_64 : i32
    "tpu.region"() ({
      %run_scoped3A = tpu.sem_alloc : memref<!tpu.dma_semaphore, #tpu.memory_space<semaphore_mem>>
      %dma_start3A = arith.constant 7584 : i32
      %dma_start3A_90 = tpu.memref_slice %arg6[%dma_start3A] : memref<10112xf32, #tpu.memory_space<vmem>> -> memref<632xf32, #tpu.memory_space<vmem>>
      %dma_start3A_91 = tpu.memref_slice %arg8[%add3A_66] : memref<161792xf32, #tpu.memory_space<vmem_shared>> -> memref<632xf32, #tpu.memory_space<vmem_shared>>
      %dma_start3A_92 = arith.constant 7584 : i32
      %dma_start3A_93 = tpu.memref_slice %arg6[%dma_start3A_92] : memref<10112xf32, #tpu.memory_space<vmem>> -> memref<632xf32, #tpu.memory_space<vmem>>
      %dma_start3A_94 = tpu.memref_slice %arg8[%add3A_66] : memref<161792xf32, #tpu.memory_space<vmem_shared>> -> memref<632xf32, #tpu.memory_space<vmem_shared>>
      tpu.enqueue_dma source(%dma_start3A_94 : memref<632xf32, #tpu.memory_space<vmem_shared>>) target(%dma_start3A_93 : memref<632xf32, #tpu.memory_space<vmem>>) target_semaphore(%run_scoped3A : memref<!tpu.dma_semaphore, #tpu.memory_space<semaphore_mem>>)
      %dma_wait3A = arith.constant 7584 : i32
      %dma_wait3A_95 = tpu.memref_slice %arg6[%dma_wait3A] : memref<10112xf32, #tpu.memory_space<vmem>> -> memref<632xf32, #tpu.memory_space<vmem>>
      %dma_wait3A_96 = tpu.memref_slice %arg8[%add3A_66] : memref<161792xf32, #tpu.memory_space<vmem_shared>> -> memref<632xf32, #tpu.memory_space<vmem_shared>>
      %dma_wait3A_97 = arith.constant 7584 : i32
      %dma_wait3A_98 = tpu.memref_slice %arg6[%dma_wait3A_97] : memref<10112xf32, #tpu.memory_space<vmem>> -> memref<632xf32, #tpu.memory_space<vmem>>
      %dma_wait3A_99 = tpu.memref_slice %arg8[%add3A_66] : memref<161792xf32, #tpu.memory_space<vmem_shared>> -> memref<632xf32, #tpu.memory_space<vmem_shared>>
      tpu.wait_dma2 semaphore(%run_scoped3A : memref<!tpu.dma_semaphore, #tpu.memory_space<semaphore_mem>>) src(%dma_wait3A_99 : memref<632xf32, #tpu.memory_space<vmem_shared>>) dst(%dma_wait3A_98 : memref<632xf32, #tpu.memory_space<vmem>>)
      tpu.yield
    }) : () -> ()
    %mul3A_67 = arith.constant 632 : i32
    %mul3A_68 = arith.muli %arg1, %mul3A_67 : i32
    %add3A_69 = arith.constant 131456 : i32
    %add3A_70 = arith.addi %add3A_69, %mul3A_68 : i32
    "tpu.region"() ({
      %run_scoped3A = tpu.sem_alloc : memref<!tpu.dma_semaphore, #tpu.memory_space<semaphore_mem>>
      %dma_start3A = arith.constant 8216 : i32
      %dma_start3A_90 = tpu.memref_slice %arg6[%dma_start3A] : memref<10112xf32, #tpu.memory_space<vmem>> -> memref<632xf32, #tpu.memory_space<vmem>>
      %dma_start3A_91 = tpu.memref_slice %arg8[%add3A_70] : memref<161792xf32, #tpu.memory_space<vmem_shared>> -> memref<632xf32, #tpu.memory_space<vmem_shared>>
      %dma_start3A_92 = arith.constant 8216 : i32
      %dma_start3A_93 = tpu.memref_slice %arg6[%dma_start3A_92] : memref<10112xf32, #tpu.memory_space<vmem>> -> memref<632xf32, #tpu.memory_space<vmem>>
      %dma_start3A_94 = tpu.memref_slice %arg8[%add3A_70] : memref<161792xf32, #tpu.memory_space<vmem_shared>> -> memref<632xf32, #tpu.memory_space<vmem_shared>>
      tpu.enqueue_dma source(%dma_start3A_94 : memref<632xf32, #tpu.memory_space<vmem_shared>>) target(%dma_start3A_93 : memref<632xf32, #tpu.memory_space<vmem>>) target_semaphore(%run_scoped3A : memref<!tpu.dma_semaphore, #tpu.memory_space<semaphore_mem>>)
      %dma_wait3A = arith.constant 8216 : i32
      %dma_wait3A_95 = tpu.memref_slice %arg6[%dma_wait3A] : memref<10112xf32, #tpu.memory_space<vmem>> -> memref<632xf32, #tpu.memory_space<vmem>>
      %dma_wait3A_96 = tpu.memref_slice %arg8[%add3A_70] : memref<161792xf32, #tpu.memory_space<vmem_shared>> -> memref<632xf32, #tpu.memory_space<vmem_shared>>
      %dma_wait3A_97 = arith.constant 8216 : i32
      %dma_wait3A_98 = tpu.memref_slice %arg6[%dma_wait3A_97] : memref<10112xf32, #tpu.memory_space<vmem>> -> memref<632xf32, #tpu.memory_space<vmem>>
      %dma_wait3A_99 = tpu.memref_slice %arg8[%add3A_70] : memref<161792xf32, #tpu.memory_space<vmem_shared>> -> memref<632xf32, #tpu.memory_space<vmem_shared>>
      tpu.wait_dma2 semaphore(%run_scoped3A : memref<!tpu.dma_semaphore, #tpu.memory_space<semaphore_mem>>) src(%dma_wait3A_99 : memref<632xf32, #tpu.memory_space<vmem_shared>>) dst(%dma_wait3A_98 : memref<632xf32, #tpu.memory_space<vmem>>)
      tpu.yield
    }) : () -> ()
    %mul3A_71 = arith.constant 632 : i32
    %mul3A_72 = arith.muli %arg1, %mul3A_71 : i32
    %add3A_73 = arith.constant 141568 : i32
    %add3A_74 = arith.addi %add3A_73, %mul3A_72 : i32
    "tpu.region"() ({
      %run_scoped3A = tpu.sem_alloc : memref<!tpu.dma_semaphore, #tpu.memory_space<semaphore_mem>>
      %dma_start3A = arith.constant 8848 : i32
      %dma_start3A_90 = tpu.memref_slice %arg6[%dma_start3A] : memref<10112xf32, #tpu.memory_space<vmem>> -> memref<632xf32, #tpu.memory_space<vmem>>
      %dma_start3A_91 = tpu.memref_slice %arg8[%add3A_74] : memref<161792xf32, #tpu.memory_space<vmem_shared>> -> memref<632xf32, #tpu.memory_space<vmem_shared>>
      %dma_start3A_92 = arith.constant 8848 : i32
      %dma_start3A_93 = tpu.memref_slice %arg6[%dma_start3A_92] : memref<10112xf32, #tpu.memory_space<vmem>> -> memref<632xf32, #tpu.memory_space<vmem>>
      %dma_start3A_94 = tpu.memref_slice %arg8[%add3A_74] : memref<161792xf32, #tpu.memory_space<vmem_shared>> -> memref<632xf32, #tpu.memory_space<vmem_shared>>
      tpu.enqueue_dma source(%dma_start3A_94 : memref<632xf32, #tpu.memory_space<vmem_shared>>) target(%dma_start3A_93 : memref<632xf32, #tpu.memory_space<vmem>>) target_semaphore(%run_scoped3A : memref<!tpu.dma_semaphore, #tpu.memory_space<semaphore_mem>>)
      %dma_wait3A = arith.constant 8848 : i32
      %dma_wait3A_95 = tpu.memref_slice %arg6[%dma_wait3A] : memref<10112xf32, #tpu.memory_space<vmem>> -> memref<632xf32, #tpu.memory_space<vmem>>
      %dma_wait3A_96 = tpu.memref_slice %arg8[%add3A_74] : memref<161792xf32, #tpu.memory_space<vmem_shared>> -> memref<632xf32, #tpu.memory_space<vmem_shared>>
      %dma_wait3A_97 = arith.constant 8848 : i32
      %dma_wait3A_98 = tpu.memref_slice %arg6[%dma_wait3A_97] : memref<10112xf32, #tpu.memory_space<vmem>> -> memref<632xf32, #tpu.memory_space<vmem>>
      %dma_wait3A_99 = tpu.memref_slice %arg8[%add3A_74] : memref<161792xf32, #tpu.memory_space<vmem_shared>> -> memref<632xf32, #tpu.memory_space<vmem_shared>>
      tpu.wait_dma2 semaphore(%run_scoped3A : memref<!tpu.dma_semaphore, #tpu.memory_space<semaphore_mem>>) src(%dma_wait3A_99 : memref<632xf32, #tpu.memory_space<vmem_shared>>) dst(%dma_wait3A_98 : memref<632xf32, #tpu.memory_space<vmem>>)
      tpu.yield
    }) : () -> ()
    %mul3A_75 = arith.constant 632 : i32
    %mul3A_76 = arith.muli %arg1, %mul3A_75 : i32
    %add3A_77 = arith.constant 151680 : i32
    %add3A_78 = arith.addi %add3A_77, %mul3A_76 : i32
    "tpu.region"() ({
      %run_scoped3A = tpu.sem_alloc : memref<!tpu.dma_semaphore, #tpu.memory_space<semaphore_mem>>
      %dma_start3A = arith.constant 9480 : i32
      %dma_start3A_90 = tpu.memref_slice %arg6[%dma_start3A] : memref<10112xf32, #tpu.memory_space<vmem>> -> memref<632xf32, #tpu.memory_space<vmem>>
      %dma_start3A_91 = tpu.memref_slice %arg8[%add3A_78] : memref<161792xf32, #tpu.memory_space<vmem_shared>> -> memref<632xf32, #tpu.memory_space<vmem_shared>>
      %dma_start3A_92 = arith.constant 9480 : i32
      %dma_start3A_93 = tpu.memref_slice %arg6[%dma_start3A_92] : memref<10112xf32, #tpu.memory_space<vmem>> -> memref<632xf32, #tpu.memory_space<vmem>>
      %dma_start3A_94 = tpu.memref_slice %arg8[%add3A_78] : memref<161792xf32, #tpu.memory_space<vmem_shared>> -> memref<632xf32, #tpu.memory_space<vmem_shared>>
      tpu.enqueue_dma source(%dma_start3A_94 : memref<632xf32, #tpu.memory_space<vmem_shared>>) target(%dma_start3A_93 : memref<632xf32, #tpu.memory_space<vmem>>) target_semaphore(%run_scoped3A : memref<!tpu.dma_semaphore, #tpu.memory_space<semaphore_mem>>)
      %dma_wait3A = arith.constant 9480 : i32
      %dma_wait3A_95 = tpu.memref_slice %arg6[%dma_wait3A] : memref<10112xf32, #tpu.memory_space<vmem>> -> memref<632xf32, #tpu.memory_space<vmem>>
      %dma_wait3A_96 = tpu.memref_slice %arg8[%add3A_78] : memref<161792xf32, #tpu.memory_space<vmem_shared>> -> memref<632xf32, #tpu.memory_space<vmem_shared>>
      %dma_wait3A_97 = arith.constant 9480 : i32
      %dma_wait3A_98 = tpu.memref_slice %arg6[%dma_wait3A_97] : memref<10112xf32, #tpu.memory_space<vmem>> -> memref<632xf32, #tpu.memory_space<vmem>>
      %dma_wait3A_99 = tpu.memref_slice %arg8[%add3A_78] : memref<161792xf32, #tpu.memory_space<vmem_shared>> -> memref<632xf32, #tpu.memory_space<vmem_shared>>
      tpu.wait_dma2 semaphore(%run_scoped3A : memref<!tpu.dma_semaphore, #tpu.memory_space<semaphore_mem>>) src(%dma_wait3A_99 : memref<632xf32, #tpu.memory_space<vmem_shared>>) dst(%dma_wait3A_98 : memref<632xf32, #tpu.memory_space<vmem>>)
      tpu.yield
    }) : () -> ()
    %scan3A_79 = arith.constant 0 : i32
    %scan3A_80 = arith.constant 40 : i32
    %scan3A_81 = arith.addi %scan3A_79, %scan3A_80 : i32
    %scan3A_82 = arith.constant 1 : i32
    scf.for %scan3A_90 = %scan3A_79 to %scan3A_81 step %scan3A_82  : i32 {
      %mul3A_91 = arith.constant 16 : i32
      %mul3A_92 = arith.muli %scan3A_90, %mul3A_91 : i32
      %add3A_93 = arith.constant 0 : i32
      %add3A_94 = arith.addi %add3A_93, %mul3A_92 : i32
      %broadcast_in_dim3A_95 = arith.constant 0.000000e+00 : f32
      %broadcast_in_dim3A_96 = vector.broadcast %broadcast_in_dim3A_95 : f32 to vector<16xf32>
      %add3A_97 = arith.constant 0 : i32
      %add3A_98 = arith.addi %add3A_97, %add3A_94 : i32
      %get3A = arith.index_cast %add3A_98 : i32 to index
      %get3A_99 = tpu.vector_load %arg6[%get3A] {strides = array<i32>} : memref<10112xf32, #tpu.memory_space<vmem>>, vector<16xf32>,
      %add3A_100 = arith.addf %broadcast_in_dim3A_96, %get3A_99 : vector<16xf32>
      %add3A_101 = arith.constant 632 : i32
      %add3A_102 = arith.addi %add3A_101, %add3A_94 : i32
      %get3A_103 = arith.index_cast %add3A_102 : i32 to index
      %get3A_104 = tpu.vector_load %arg6[%get3A_103] {strides = array<i32>} : memref<10112xf32, #tpu.memory_space<vmem>>, vector<16xf32>,
      %add3A_105 = arith.addf %add3A_100, %get3A_104 : vector<16xf32>
      %add3A_106 = arith.constant 1264 : i32
      %add3A_107 = arith.addi %add3A_106, %add3A_94 : i32
      %get3A_108 = arith.index_cast %add3A_107 : i32 to index
      %get3A_109 = tpu.vector_load %arg6[%get3A_108] {strides = array<i32>} : memref<10112xf32, #tpu.memory_space<vmem>>, vector<16xf32>,
      %add3A_110 = arith.addf %add3A_105, %get3A_109 : vector<16xf32>
      %add3A_111 = arith.constant 1896 : i32
      %add3A_112 = arith.addi %add3A_111, %add3A_94 : i32
      %get3A_113 = arith.index_cast %add3A_112 : i32 to index
      %get3A_114 = tpu.vector_load %arg6[%get3A_113] {strides = array<i32>} : memref<10112xf32, #tpu.memory_space<vmem>>, vector<16xf32>,
      %add3A_115 = arith.addf %add3A_110, %get3A_114 : vector<16xf32>
      %add3A_116 = arith.constant 2528 : i32
      %add3A_117 = arith.addi %add3A_116, %add3A_94 : i32
      %get3A_118 = arith.index_cast %add3A_117 : i32 to index
      %get3A_119 = tpu.vector_load %arg6[%get3A_118] {strides = array<i32>} : memref<10112xf32, #tpu.memory_space<vmem>>, vector<16xf32>,
      %add3A_120 = arith.addf %add3A_115, %get3A_119 : vector<16xf32>
      %add3A_121 = arith.constant 3160 : i32
      %add3A_122 = arith.addi %add3A_121, %add3A_94 : i32
      %get3A_123 = arith.index_cast %add3A_122 : i32 to index
      %get3A_124 = tpu.vector_load %arg6[%get3A_123] {strides = array<i32>} : memref<10112xf32, #tpu.memory_space<vmem>>, vector<16xf32>,
      %add3A_125 = arith.addf %add3A_120, %get3A_124 : vector<16xf32>
      %add3A_126 = arith.constant 3792 : i32
      %add3A_127 = arith.addi %add3A_126, %add3A_94 : i32
      %get3A_128 = arith.index_cast %add3A_127 : i32 to index
      %get3A_129 = tpu.vector_load %arg6[%get3A_128] {strides = array<i32>} : memref<10112xf32, #tpu.memory_space<vmem>>, vector<16xf32>,
      %add3A_130 = arith.addf %add3A_125, %get3A_129 : vector<16xf32>
      %add3A_131 = arith.constant 4424 : i32
      %add3A_132 = arith.addi %add3A_131, %add3A_94 : i32
      %get3A_133 = arith.index_cast %add3A_132 : i32 to index
      %get3A_134 = tpu.vector_load %arg6[%get3A_133] {strides = array<i32>} : memref<10112xf32, #tpu.memory_space<vmem>>, vector<16xf32>,
      %add3A_135 = arith.addf %add3A_130, %get3A_134 : vector<16xf32>
      %add3A_136 = arith.constant 5056 : i32
      %add3A_137 = arith.addi %add3A_136, %add3A_94 : i32
      %get3A_138 = arith.index_cast %add3A_137 : i32 to index
      %get3A_139 = tpu.vector_load %arg6[%get3A_138] {strides = array<i32>} : memref<10112xf32, #tpu.memory_space<vmem>>, vector<16xf32>,
      %add3A_140 = arith.addf %add3A_135, %get3A_139 : vector<16xf32>
      %add3A_141 = arith.constant 5688 : i32
      %add3A_142 = arith.addi %add3A_141, %add3A_94 : i32
      %get3A_143 = arith.index_cast %add3A_142 : i32 to index
      %get3A_144 = tpu.vector_load %arg6[%get3A_143] {strides = array<i32>} : memref<10112xf32, #tpu.memory_space<vmem>>, vector<16xf32>,
      %add3A_145 = arith.addf %add3A_140, %get3A_144 : vector<16xf32>
      %add3A_146 = arith.constant 6320 : i32
      %add3A_147 = arith.addi %add3A_146, %add3A_94 : i32
      %get3A_148 = arith.index_cast %add3A_147 : i32 to index
      %get3A_149 = tpu.vector_load %arg6[%get3A_148] {strides = array<i32>} : memref<10112xf32, #tpu.memory_space<vmem>>, vector<16xf32>,
      %add3A_150 = arith.addf %add3A_145, %get3A_149 : vector<16xf32>
      %add3A_151 = arith.constant 6952 : i32
      %add3A_152 = arith.addi %add3A_151, %add3A_94 : i32
      %get3A_153 = arith.index_cast %add3A_152 : i32 to index
      %get3A_154 = tpu.vector_load %arg6[%get3A_153] {strides = array<i32>} : memref<10112xf32, #tpu.memory_space<vmem>>, vector<16xf32>,
      %add3A_155 = arith.addf %add3A_150, %get3A_154 : vector<16xf32>
      %add3A_156 = arith.constant 7584 : i32
      %add3A_157 = arith.addi %add3A_156, %add3A_94 : i32
      %get3A_158 = arith.index_cast %add3A_157 : i32 to index
      %get3A_159 = tpu.vector_load %arg6[%get3A_158] {strides = array<i32>} : memref<10112xf32, #tpu.memory_space<vmem>>, vector<16xf32>,
      %add3A_160 = arith.addf %add3A_155, %get3A_159 : vector<16xf32>
      %add3A_161 = arith.constant 8216 : i32
      %add3A_162 = arith.addi %add3A_161, %add3A_94 : i32
      %get3A_163 = arith.index_cast %add3A_162 : i32 to index
      %get3A_164 = tpu.vector_load %arg6[%get3A_163] {strides = array<i32>} : memref<10112xf32, #tpu.memory_space<vmem>>, vector<16xf32>,
      %add3A_165 = arith.addf %add3A_160, %get3A_164 : vector<16xf32>
      %add3A_166 = arith.constant 8848 : i32
      %add3A_167 = arith.addi %add3A_166, %add3A_94 : i32
      %get3A_168 = arith.index_cast %add3A_167 : i32 to index
      %get3A_169 = tpu.vector_load %arg6[%get3A_168] {strides = array<i32>} : memref<10112xf32, #tpu.memory_space<vmem>>, vector<16xf32>,
      %add3A_170 = arith.addf %add3A_165, %get3A_169 : vector<16xf32>
      %add3A_171 = arith.constant 9480 : i32
      %add3A_172 = arith.addi %add3A_171, %add3A_94 : i32
      %get3A_173 = arith.index_cast %add3A_172 : i32 to index
      %get3A_174 = tpu.vector_load %arg6[%get3A_173] {strides = array<i32>} : memref<10112xf32, #tpu.memory_space<vmem>>, vector<16xf32>,
      %add3A_175 = arith.addf %add3A_170, %get3A_174 : vector<16xf32>
      %swap3A = arith.index_cast %add3A_94 : i32 to index
      %swap3A_176 = tpu.vector_load %arg7[%swap3A] {strides = array<i32>} : memref<632xf32, #tpu.memory_space<vmem>>, vector<16xf32>,
      tpu.vector_store %arg7[%swap3A], %add3A_175 {strides = array<i32>} : memref<632xf32, #tpu.memory_space<vmem>>, vector<16xf32>,
    }
    %scan3A_83 = arith.constant 40 : i32
    %lt3A = arith.constant 15 : i32
    %lt3A_84 = arith.cmpi slt, %arg1, %lt3A : i32
    %convert_element_type3A = arith.extui %lt3A_84 : i1 to i32
    %cond3A = arith.constant 0 : i32
    %cond3A_85 = arith.cmpi ne, %convert_element_type3A, %cond3A : i32
    scf.if %cond3A_85 {
      %mul3A_90 = arith.constant 10000 : i32
      %mul3A_91 = arith.muli %arg0, %mul3A_90 : i32
      %mul3A_92 = arith.constant 632 : i32
      %mul3A_93 = arith.muli %arg1, %mul3A_92 : i32
      %add3A_94 = arith.addi %mul3A_91, %mul3A_93 : i32
      "tpu.region"() ({
        %run_scoped3A = tpu.sem_alloc : memref<!tpu.dma_semaphore, #tpu.memory_space<semaphore_mem>>
        %dma_start3A = tpu.memref_slice %arg3[%add3A_94] : memref<20000xf32, #tpu.memory_space<hbm>> -> memref<632xf32, #tpu.memory_space<hbm>>
        %dma_start3A_95 = tpu.memref_slice %arg3[%add3A_94] : memref<20000xf32, #tpu.memory_space<hbm>> -> memref<632xf32, #tpu.memory_space<hbm>>
        tpu.enqueue_dma source(%arg7 : memref<632xf32, #tpu.memory_space<vmem>>) target(%dma_start3A_95 : memref<632xf32, #tpu.memory_space<hbm>>) target_semaphore(%run_scoped3A : memref<!tpu.dma_semaphore, #tpu.memory_space<semaphore_mem>>)
        %dma_wait3A = tpu.memref_slice %arg3[%add3A_94] : memref<20000xf32, #tpu.memory_space<hbm>> -> memref<632xf32, #tpu.memory_space<hbm>>
        %dma_wait3A_96 = tpu.memref_slice %arg3[%add3A_94] : memref<20000xf32, #tpu.memory_space<hbm>> -> memref<632xf32, #tpu.memory_space<hbm>>
        tpu.wait_dma2 semaphore(%run_scoped3A : memref<!tpu.dma_semaphore, #tpu.memory_space<semaphore_mem>>) src(%arg7 : memref<632xf32, #tpu.memory_space<vmem>>) dst(%dma_wait3A_96 : memref<632xf32, #tpu.memory_space<hbm>>)
        tpu.yield
      }) : () -> ()
    } else {
    }
    %eq3A = arith.constant 15 : i32
    %eq3A_86 = arith.cmpi eq, %arg1, %eq3A : i32
    %convert_element_type3A_87 = arith.extui %eq3A_86 : i1 to i32
    %cond3A_88 = arith.constant 0 : i32
    %cond3A_89 = arith.cmpi ne, %convert_element_type3A_87, %cond3A_88 : i32
    scf.if %cond3A_89 {
      %mul3A_90 = arith.constant 10000 : i32
      %mul3A_91 = arith.muli %arg0, %mul3A_90 : i32
      %add3A_92 = arith.constant 9480 : i32
      %add3A_93 = arith.addi %mul3A_91, %add3A_92 : i32
      "tpu.region"() ({
        %run_scoped3A = tpu.sem_alloc : memref<!tpu.dma_semaphore, #tpu.memory_space<semaphore_mem>>
        %dma_start3A = arith.constant 0 : i32
        %dma_start3A_94 = tpu.memref_slice %arg7[%dma_start3A] : memref<632xf32, #tpu.memory_space<vmem>> -> memref<520xf32, #tpu.memory_space<vmem>>
        %dma_start3A_95 = tpu.memref_slice %arg3[%add3A_93] : memref<20000xf32, #tpu.memory_space<hbm>> -> memref<520xf32, #tpu.memory_space<hbm>>
        %dma_start3A_96 = tpu.memref_slice %arg3[%add3A_93] : memref<20000xf32, #tpu.memory_space<hbm>> -> memref<520xf32, #tpu.memory_space<hbm>>
        %dma_start3A_97 = arith.constant 0 : i32
        %dma_start3A_98 = tpu.memref_slice %arg7[%dma_start3A_97] : memref<632xf32, #tpu.memory_space<vmem>> -> memref<520xf32, #tpu.memory_space<vmem>>
        tpu.enqueue_dma source(%dma_start3A_98 : memref<520xf32, #tpu.memory_space<vmem>>) target(%dma_start3A_96 : memref<520xf32, #tpu.memory_space<hbm>>) target_semaphore(%run_scoped3A : memref<!tpu.dma_semaphore, #tpu.memory_space<semaphore_mem>>)
        %dma_wait3A = arith.constant 0 : i32
        %dma_wait3A_99 = tpu.memref_slice %arg7[%dma_wait3A] : memref<632xf32, #tpu.memory_space<vmem>> -> memref<520xf32, #tpu.memory_space<vmem>>
        %dma_wait3A_100 = tpu.memref_slice %arg3[%add3A_93] : memref<20000xf32, #tpu.memory_space<hbm>> -> memref<520xf32, #tpu.memory_space<hbm>>
        %dma_wait3A_101 = tpu.memref_slice %arg3[%add3A_93] : memref<20000xf32, #tpu.memory_space<hbm>> -> memref<520xf32, #tpu.memory_space<hbm>>
        %dma_wait3A_102 = arith.constant 0 : i32
        %dma_wait3A_103 = tpu.memref_slice %arg7[%dma_wait3A_102] : memref<632xf32, #tpu.memory_space<vmem>> -> memref<520xf32, #tpu.memory_space<vmem>>
        tpu.wait_dma2 semaphore(%run_scoped3A : memref<!tpu.dma_semaphore, #tpu.memory_space<semaphore_mem>>) src(%dma_wait3A_103 : memref<520xf32, #tpu.memory_space<vmem>>) dst(%dma_wait3A_101 : memref<520xf32, #tpu.memory_space<hbm>>)
        tpu.yield
      }) : () -> ()
    } else {
    }
    return
  }
}

#map = affine_map<(d0, d1) -> (0, 0)>
#map1 = affine_map<(d0, d1) -> (0, 0, 0)>
module attributes {stable_mosaic.version = 14 : i64} {
  func.func @_agg_body(%arg0: i32, %arg1: i32, %arg2: memref<10000x128xf32, #tpu.memory_space<hbm>>, %arg3: memref<10000x128xf32, #tpu.memory_space<hbm>>, %arg4: memref<16x288x64xi32, #tpu.memory_space<hbm>>, %arg5: memref<16x288x64xi32, #tpu.memory_space<hbm>>, %arg6: memref<16x32x64xi32, #tpu.memory_space<hbm>>, %arg7: memref<16x32x64xi32, #tpu.memory_space<hbm>>, %arg8: memref<2x10000x128xf32, #tpu.memory_space<hbm>>, %arg9: memref<16x64xi32, #tpu.memory_space<vmem>>, %arg10: memref<16x64xi32, #tpu.memory_space<vmem>>, %arg11: memref<64x128xf32, #tpu.memory_space<vmem>>, %arg12: memref<64x128xf32, #tpu.memory_space<vmem>>, %arg13: memref<64x128xf32, #tpu.memory_space<vmem>>, %arg14: memref<64x128xf32, #tpu.memory_space<vmem>>, %arg15: memref<10112x128xf32, #tpu.memory_space<vmem_shared>>, %arg16: memref<!tpu.dma_semaphore, #tpu.memory_space<semaphore_mem>>, %arg17: memref<!tpu.dma_semaphore, #tpu.memory_space<semaphore_mem>>, %arg18: memref<!tpu.dma_semaphore, #tpu.memory_space<semaphore_mem>>, %arg19: memref<!tpu.dma_semaphore, #tpu.memory_space<semaphore_mem>>, %arg20: memref<!tpu.dma_semaphore, #tpu.memory_space<semaphore_mem>>, %arg21: memref<!tpu.dma_semaphore, #tpu.memory_space<semaphore_mem>>, %arg22: memref<!tpu.dma_semaphore, #tpu.memory_space<semaphore_mem>>, %arg23: memref<!tpu.dma_semaphore, #tpu.memory_space<semaphore_mem>>) attributes {dimension_semantics = [#tpu.dimension_semantics<core_parallel>, #tpu.dimension_semantics<subcore_parallel>], iteration_bounds = array<i64: 2, 16>, scalar_prefetch = 0 : i64, scratch_operands = 15 : i64, tpu.core_type = #tpu.core_type<sc_vector_subcore>, window_params = [{transform_indices = #map}, {transform_indices = #map}, {transform_indices = #map1}, {transform_indices = #map1}, {transform_indices = #map1}, {transform_indices = #map1}, {transform_indices = #map1}]} {
    %scan3A = arith.constant 0 : i32
    %scan3A_0 = arith.constant 64 : i32
    %scan3A_1 = arith.addi %scan3A, %scan3A_0 : i32
    %scan3A_2 = arith.constant 1 : i32
    scf.for %scan3A_41 = %scan3A to %scan3A_1 step %scan3A_2  : i32 {
      %mul3A_42 = arith.constant 1 : i32
      %mul3A_43 = arith.muli %scan3A_41, %mul3A_42 : i32
      %add3A_44 = arith.constant 0 : i32
      %add3A_45 = arith.addi %add3A_44, %mul3A_43 : i32
      %scan3A_46 = arith.constant 0 : i32
      %scan3A_47 = arith.constant 8 : i32
      %scan3A_48 = arith.addi %scan3A_46, %scan3A_47 : i32
      %scan3A_49 = arith.constant 1 : i32
      scf.for %scan3A_51 = %scan3A_46 to %scan3A_48 step %scan3A_49  : i32 {
        %mul3A_52 = arith.constant 16 : i32
        %mul3A_53 = arith.muli %scan3A_51, %mul3A_52 : i32
        %add3A_54 = arith.constant 0 : i32
        %add3A_55 = arith.addi %add3A_54, %mul3A_53 : i32
        %broadcast_in_dim3A = arith.constant 0.000000e+00 : f32
        %broadcast_in_dim3A_56 = vector.broadcast %broadcast_in_dim3A : f32 to vector<16xf32>
        %swap3A = arith.index_cast %add3A_45 : i32 to index
        %swap3A_57 = arith.index_cast %add3A_55 : i32 to index
        %swap3A_58 = tpu.vector_load %arg11[%swap3A, %swap3A_57] {strides = array<i32>} : memref<64x128xf32, #tpu.memory_space<vmem>>, vector<16xf32>,
        tpu.vector_store %arg11[%swap3A, %swap3A_57], %broadcast_in_dim3A_56 {strides = array<i32>} : memref<64x128xf32, #tpu.memory_space<vmem>>, vector<16xf32>,
      }
      %scan3A_50 = arith.constant 8 : i32
    }
    %scan3A_3 = arith.constant 64 : i32
    %mul3A = arith.constant 632 : i32
    %mul3A_4 = arith.muli %arg1, %mul3A : i32
    %add3A = arith.constant 0 : i32
    %add3A_5 = arith.addi %mul3A_4, %add3A : i32
    "tpu.region"() ({
      %run_scoped3A = tpu.sem_alloc : memref<!tpu.dma_semaphore, #tpu.memory_space<semaphore_mem>>
      %dma_start3A = arith.constant 0 : i32
      %dma_start3A_41 = tpu.memref_slice %arg15[%add3A_5, %dma_start3A] : memref<10112x128xf32, #tpu.memory_space<vmem_shared>> -> memref<64x128xf32, #tpu.memory_space<vmem_shared>>
      %dma_start3A_42 = arith.constant 0 : i32
      %dma_start3A_43 = tpu.memref_slice %arg15[%add3A_5, %dma_start3A_42] : memref<10112x128xf32, #tpu.memory_space<vmem_shared>> -> memref<64x128xf32, #tpu.memory_space<vmem_shared>>
      tpu.enqueue_dma source(%arg11 : memref<64x128xf32, #tpu.memory_space<vmem>>) target(%dma_start3A_43 : memref<64x128xf32, #tpu.memory_space<vmem_shared>>) target_semaphore(%run_scoped3A : memref<!tpu.dma_semaphore, #tpu.memory_space<semaphore_mem>>)
      %dma_wait3A = arith.constant 0 : i32
      %dma_wait3A_44 = tpu.memref_slice %arg15[%add3A_5, %dma_wait3A] : memref<10112x128xf32, #tpu.memory_space<vmem_shared>> -> memref<64x128xf32, #tpu.memory_space<vmem_shared>>
      %dma_wait3A_45 = arith.constant 0 : i32
      %dma_wait3A_46 = tpu.memref_slice %arg15[%add3A_5, %dma_wait3A_45] : memref<10112x128xf32, #tpu.memory_space<vmem_shared>> -> memref<64x128xf32, #tpu.memory_space<vmem_shared>>
      tpu.wait_dma2 semaphore(%run_scoped3A : memref<!tpu.dma_semaphore, #tpu.memory_space<semaphore_mem>>) src(%arg11 : memref<64x128xf32, #tpu.memory_space<vmem>>) dst(%dma_wait3A_46 : memref<64x128xf32, #tpu.memory_space<vmem_shared>>)
      tpu.yield
    }) : () -> ()
    %add3A_6 = arith.constant 64 : i32
    %add3A_7 = arith.addi %mul3A_4, %add3A_6 : i32
    "tpu.region"() ({
      %run_scoped3A = tpu.sem_alloc : memref<!tpu.dma_semaphore, #tpu.memory_space<semaphore_mem>>
      %dma_start3A = arith.constant 0 : i32
      %dma_start3A_41 = tpu.memref_slice %arg15[%add3A_7, %dma_start3A] : memref<10112x128xf32, #tpu.memory_space<vmem_shared>> -> memref<64x128xf32, #tpu.memory_space<vmem_shared>>
      %dma_start3A_42 = arith.constant 0 : i32
      %dma_start3A_43 = tpu.memref_slice %arg15[%add3A_7, %dma_start3A_42] : memref<10112x128xf32, #tpu.memory_space<vmem_shared>> -> memref<64x128xf32, #tpu.memory_space<vmem_shared>>
      tpu.enqueue_dma source(%arg11 : memref<64x128xf32, #tpu.memory_space<vmem>>) target(%dma_start3A_43 : memref<64x128xf32, #tpu.memory_space<vmem_shared>>) target_semaphore(%run_scoped3A : memref<!tpu.dma_semaphore, #tpu.memory_space<semaphore_mem>>)
      %dma_wait3A = arith.constant 0 : i32
      %dma_wait3A_44 = tpu.memref_slice %arg15[%add3A_7, %dma_wait3A] : memref<10112x128xf32, #tpu.memory_space<vmem_shared>> -> memref<64x128xf32, #tpu.memory_space<vmem_shared>>
      %dma_wait3A_45 = arith.constant 0 : i32
      %dma_wait3A_46 = tpu.memref_slice %arg15[%add3A_7, %dma_wait3A_45] : memref<10112x128xf32, #tpu.memory_space<vmem_shared>> -> memref<64x128xf32, #tpu.memory_space<vmem_shared>>
      tpu.wait_dma2 semaphore(%run_scoped3A : memref<!tpu.dma_semaphore, #tpu.memory_space<semaphore_mem>>) src(%arg11 : memref<64x128xf32, #tpu.memory_space<vmem>>) dst(%dma_wait3A_46 : memref<64x128xf32, #tpu.memory_space<vmem_shared>>)
      tpu.yield
    }) : () -> ()
    %add3A_8 = arith.constant 128 : i32
    %add3A_9 = arith.addi %mul3A_4, %add3A_8 : i32
    "tpu.region"() ({
      %run_scoped3A = tpu.sem_alloc : memref<!tpu.dma_semaphore, #tpu.memory_space<semaphore_mem>>
      %dma_start3A = arith.constant 0 : i32
      %dma_start3A_41 = tpu.memref_slice %arg15[%add3A_9, %dma_start3A] : memref<10112x128xf32, #tpu.memory_space<vmem_shared>> -> memref<64x128xf32, #tpu.memory_space<vmem_shared>>
      %dma_start3A_42 = arith.constant 0 : i32
      %dma_start3A_43 = tpu.memref_slice %arg15[%add3A_9, %dma_start3A_42] : memref<10112x128xf32, #tpu.memory_space<vmem_shared>> -> memref<64x128xf32, #tpu.memory_space<vmem_shared>>
      tpu.enqueue_dma source(%arg11 : memref<64x128xf32, #tpu.memory_space<vmem>>) target(%dma_start3A_43 : memref<64x128xf32, #tpu.memory_space<vmem_shared>>) target_semaphore(%run_scoped3A : memref<!tpu.dma_semaphore, #tpu.memory_space<semaphore_mem>>)
      %dma_wait3A = arith.constant 0 : i32
      %dma_wait3A_44 = tpu.memref_slice %arg15[%add3A_9, %dma_wait3A] : memref<10112x128xf32, #tpu.memory_space<vmem_shared>> -> memref<64x128xf32, #tpu.memory_space<vmem_shared>>
      %dma_wait3A_45 = arith.constant 0 : i32
      %dma_wait3A_46 = tpu.memref_slice %arg15[%add3A_9, %dma_wait3A_45] : memref<10112x128xf32, #tpu.memory_space<vmem_shared>> -> memref<64x128xf32, #tpu.memory_space<vmem_shared>>
      tpu.wait_dma2 semaphore(%run_scoped3A : memref<!tpu.dma_semaphore, #tpu.memory_space<semaphore_mem>>) src(%arg11 : memref<64x128xf32, #tpu.memory_space<vmem>>) dst(%dma_wait3A_46 : memref<64x128xf32, #tpu.memory_space<vmem_shared>>)
      tpu.yield
    }) : () -> ()
    %add3A_10 = arith.constant 192 : i32
    %add3A_11 = arith.addi %mul3A_4, %add3A_10 : i32
    "tpu.region"() ({
      %run_scoped3A = tpu.sem_alloc : memref<!tpu.dma_semaphore, #tpu.memory_space<semaphore_mem>>
      %dma_start3A = arith.constant 0 : i32
      %dma_start3A_41 = tpu.memref_slice %arg15[%add3A_11, %dma_start3A] : memref<10112x128xf32, #tpu.memory_space<vmem_shared>> -> memref<64x128xf32, #tpu.memory_space<vmem_shared>>
      %dma_start3A_42 = arith.constant 0 : i32
      %dma_start3A_43 = tpu.memref_slice %arg15[%add3A_11, %dma_start3A_42] : memref<10112x128xf32, #tpu.memory_space<vmem_shared>> -> memref<64x128xf32, #tpu.memory_space<vmem_shared>>
      tpu.enqueue_dma source(%arg11 : memref<64x128xf32, #tpu.memory_space<vmem>>) target(%dma_start3A_43 : memref<64x128xf32, #tpu.memory_space<vmem_shared>>) target_semaphore(%run_scoped3A : memref<!tpu.dma_semaphore, #tpu.memory_space<semaphore_mem>>)
      %dma_wait3A = arith.constant 0 : i32
      %dma_wait3A_44 = tpu.memref_slice %arg15[%add3A_11, %dma_wait3A] : memref<10112x128xf32, #tpu.memory_space<vmem_shared>> -> memref<64x128xf32, #tpu.memory_space<vmem_shared>>
      %dma_wait3A_45 = arith.constant 0 : i32
      %dma_wait3A_46 = tpu.memref_slice %arg15[%add3A_11, %dma_wait3A_45] : memref<10112x128xf32, #tpu.memory_space<vmem_shared>> -> memref<64x128xf32, #tpu.memory_space<vmem_shared>>
      tpu.wait_dma2 semaphore(%run_scoped3A : memref<!tpu.dma_semaphore, #tpu.memory_space<semaphore_mem>>) src(%arg11 : memref<64x128xf32, #tpu.memory_space<vmem>>) dst(%dma_wait3A_46 : memref<64x128xf32, #tpu.memory_space<vmem_shared>>)
      tpu.yield
    }) : () -> ()
    %add3A_12 = arith.constant 256 : i32
    %add3A_13 = arith.addi %mul3A_4, %add3A_12 : i32
    "tpu.region"() ({
      %run_scoped3A = tpu.sem_alloc : memref<!tpu.dma_semaphore, #tpu.memory_space<semaphore_mem>>
      %dma_start3A = arith.constant 0 : i32
      %dma_start3A_41 = tpu.memref_slice %arg15[%add3A_13, %dma_start3A] : memref<10112x128xf32, #tpu.memory_space<vmem_shared>> -> memref<64x128xf32, #tpu.memory_space<vmem_shared>>
      %dma_start3A_42 = arith.constant 0 : i32
      %dma_start3A_43 = tpu.memref_slice %arg15[%add3A_13, %dma_start3A_42] : memref<10112x128xf32, #tpu.memory_space<vmem_shared>> -> memref<64x128xf32, #tpu.memory_space<vmem_shared>>
      tpu.enqueue_dma source(%arg11 : memref<64x128xf32, #tpu.memory_space<vmem>>) target(%dma_start3A_43 : memref<64x128xf32, #tpu.memory_space<vmem_shared>>) target_semaphore(%run_scoped3A : memref<!tpu.dma_semaphore, #tpu.memory_space<semaphore_mem>>)
      %dma_wait3A = arith.constant 0 : i32
      %dma_wait3A_44 = tpu.memref_slice %arg15[%add3A_13, %dma_wait3A] : memref<10112x128xf32, #tpu.memory_space<vmem_shared>> -> memref<64x128xf32, #tpu.memory_space<vmem_shared>>
      %dma_wait3A_45 = arith.constant 0 : i32
      %dma_wait3A_46 = tpu.memref_slice %arg15[%add3A_13, %dma_wait3A_45] : memref<10112x128xf32, #tpu.memory_space<vmem_shared>> -> memref<64x128xf32, #tpu.memory_space<vmem_shared>>
      tpu.wait_dma2 semaphore(%run_scoped3A : memref<!tpu.dma_semaphore, #tpu.memory_space<semaphore_mem>>) src(%arg11 : memref<64x128xf32, #tpu.memory_space<vmem>>) dst(%dma_wait3A_46 : memref<64x128xf32, #tpu.memory_space<vmem_shared>>)
      tpu.yield
    }) : () -> ()
    %add3A_14 = arith.constant 320 : i32
    %add3A_15 = arith.addi %mul3A_4, %add3A_14 : i32
    "tpu.region"() ({
      %run_scoped3A = tpu.sem_alloc : memref<!tpu.dma_semaphore, #tpu.memory_space<semaphore_mem>>
      %dma_start3A = arith.constant 0 : i32
      %dma_start3A_41 = tpu.memref_slice %arg15[%add3A_15, %dma_start3A] : memref<10112x128xf32, #tpu.memory_space<vmem_shared>> -> memref<64x128xf32, #tpu.memory_space<vmem_shared>>
      %dma_start3A_42 = arith.constant 0 : i32
      %dma_start3A_43 = tpu.memref_slice %arg15[%add3A_15, %dma_start3A_42] : memref<10112x128xf32, #tpu.memory_space<vmem_shared>> -> memref<64x128xf32, #tpu.memory_space<vmem_shared>>
      tpu.enqueue_dma source(%arg11 : memref<64x128xf32, #tpu.memory_space<vmem>>) target(%dma_start3A_43 : memref<64x128xf32, #tpu.memory_space<vmem_shared>>) target_semaphore(%run_scoped3A : memref<!tpu.dma_semaphore, #tpu.memory_space<semaphore_mem>>)
      %dma_wait3A = arith.constant 0 : i32
      %dma_wait3A_44 = tpu.memref_slice %arg15[%add3A_15, %dma_wait3A] : memref<10112x128xf32, #tpu.memory_space<vmem_shared>> -> memref<64x128xf32, #tpu.memory_space<vmem_shared>>
      %dma_wait3A_45 = arith.constant 0 : i32
      %dma_wait3A_46 = tpu.memref_slice %arg15[%add3A_15, %dma_wait3A_45] : memref<10112x128xf32, #tpu.memory_space<vmem_shared>> -> memref<64x128xf32, #tpu.memory_space<vmem_shared>>
      tpu.wait_dma2 semaphore(%run_scoped3A : memref<!tpu.dma_semaphore, #tpu.memory_space<semaphore_mem>>) src(%arg11 : memref<64x128xf32, #tpu.memory_space<vmem>>) dst(%dma_wait3A_46 : memref<64x128xf32, #tpu.memory_space<vmem_shared>>)
      tpu.yield
    }) : () -> ()
    %add3A_16 = arith.constant 384 : i32
    %add3A_17 = arith.addi %mul3A_4, %add3A_16 : i32
    "tpu.region"() ({
      %run_scoped3A = tpu.sem_alloc : memref<!tpu.dma_semaphore, #tpu.memory_space<semaphore_mem>>
      %dma_start3A = arith.constant 0 : i32
      %dma_start3A_41 = tpu.memref_slice %arg15[%add3A_17, %dma_start3A] : memref<10112x128xf32, #tpu.memory_space<vmem_shared>> -> memref<64x128xf32, #tpu.memory_space<vmem_shared>>
      %dma_start3A_42 = arith.constant 0 : i32
      %dma_start3A_43 = tpu.memref_slice %arg15[%add3A_17, %dma_start3A_42] : memref<10112x128xf32, #tpu.memory_space<vmem_shared>> -> memref<64x128xf32, #tpu.memory_space<vmem_shared>>
      tpu.enqueue_dma source(%arg11 : memref<64x128xf32, #tpu.memory_space<vmem>>) target(%dma_start3A_43 : memref<64x128xf32, #tpu.memory_space<vmem_shared>>) target_semaphore(%run_scoped3A : memref<!tpu.dma_semaphore, #tpu.memory_space<semaphore_mem>>)
      %dma_wait3A = arith.constant 0 : i32
      %dma_wait3A_44 = tpu.memref_slice %arg15[%add3A_17, %dma_wait3A] : memref<10112x128xf32, #tpu.memory_space<vmem_shared>> -> memref<64x128xf32, #tpu.memory_space<vmem_shared>>
      %dma_wait3A_45 = arith.constant 0 : i32
      %dma_wait3A_46 = tpu.memref_slice %arg15[%add3A_17, %dma_wait3A_45] : memref<10112x128xf32, #tpu.memory_space<vmem_shared>> -> memref<64x128xf32, #tpu.memory_space<vmem_shared>>
      tpu.wait_dma2 semaphore(%run_scoped3A : memref<!tpu.dma_semaphore, #tpu.memory_space<semaphore_mem>>) src(%arg11 : memref<64x128xf32, #tpu.memory_space<vmem>>) dst(%dma_wait3A_46 : memref<64x128xf32, #tpu.memory_space<vmem_shared>>)
      tpu.yield
    }) : () -> ()
    %add3A_18 = arith.constant 448 : i32
    %add3A_19 = arith.addi %mul3A_4, %add3A_18 : i32
    "tpu.region"() ({
      %run_scoped3A = tpu.sem_alloc : memref<!tpu.dma_semaphore, #tpu.memory_space<semaphore_mem>>
      %dma_start3A = arith.constant 0 : i32
      %dma_start3A_41 = tpu.memref_slice %arg15[%add3A_19, %dma_start3A] : memref<10112x128xf32, #tpu.memory_space<vmem_shared>> -> memref<64x128xf32, #tpu.memory_space<vmem_shared>>
      %dma_start3A_42 = arith.constant 0 : i32
      %dma_start3A_43 = tpu.memref_slice %arg15[%add3A_19, %dma_start3A_42] : memref<10112x128xf32, #tpu.memory_space<vmem_shared>> -> memref<64x128xf32, #tpu.memory_space<vmem_shared>>
      tpu.enqueue_dma source(%arg11 : memref<64x128xf32, #tpu.memory_space<vmem>>) target(%dma_start3A_43 : memref<64x128xf32, #tpu.memory_space<vmem_shared>>) target_semaphore(%run_scoped3A : memref<!tpu.dma_semaphore, #tpu.memory_space<semaphore_mem>>)
      %dma_wait3A = arith.constant 0 : i32
      %dma_wait3A_44 = tpu.memref_slice %arg15[%add3A_19, %dma_wait3A] : memref<10112x128xf32, #tpu.memory_space<vmem_shared>> -> memref<64x128xf32, #tpu.memory_space<vmem_shared>>
      %dma_wait3A_45 = arith.constant 0 : i32
      %dma_wait3A_46 = tpu.memref_slice %arg15[%add3A_19, %dma_wait3A_45] : memref<10112x128xf32, #tpu.memory_space<vmem_shared>> -> memref<64x128xf32, #tpu.memory_space<vmem_shared>>
      tpu.wait_dma2 semaphore(%run_scoped3A : memref<!tpu.dma_semaphore, #tpu.memory_space<semaphore_mem>>) src(%arg11 : memref<64x128xf32, #tpu.memory_space<vmem>>) dst(%dma_wait3A_46 : memref<64x128xf32, #tpu.memory_space<vmem_shared>>)
      tpu.yield
    }) : () -> ()
    %add3A_20 = arith.constant 512 : i32
    %add3A_21 = arith.addi %mul3A_4, %add3A_20 : i32
    "tpu.region"() ({
      %run_scoped3A = tpu.sem_alloc : memref<!tpu.dma_semaphore, #tpu.memory_space<semaphore_mem>>
      %dma_start3A = arith.constant 0 : i32
      %dma_start3A_41 = tpu.memref_slice %arg15[%add3A_21, %dma_start3A] : memref<10112x128xf32, #tpu.memory_space<vmem_shared>> -> memref<64x128xf32, #tpu.memory_space<vmem_shared>>
      %dma_start3A_42 = arith.constant 0 : i32
      %dma_start3A_43 = tpu.memref_slice %arg15[%add3A_21, %dma_start3A_42] : memref<10112x128xf32, #tpu.memory_space<vmem_shared>> -> memref<64x128xf32, #tpu.memory_space<vmem_shared>>
      tpu.enqueue_dma source(%arg11 : memref<64x128xf32, #tpu.memory_space<vmem>>) target(%dma_start3A_43 : memref<64x128xf32, #tpu.memory_space<vmem_shared>>) target_semaphore(%run_scoped3A : memref<!tpu.dma_semaphore, #tpu.memory_space<semaphore_mem>>)
      %dma_wait3A = arith.constant 0 : i32
      %dma_wait3A_44 = tpu.memref_slice %arg15[%add3A_21, %dma_wait3A] : memref<10112x128xf32, #tpu.memory_space<vmem_shared>> -> memref<64x128xf32, #tpu.memory_space<vmem_shared>>
      %dma_wait3A_45 = arith.constant 0 : i32
      %dma_wait3A_46 = tpu.memref_slice %arg15[%add3A_21, %dma_wait3A_45] : memref<10112x128xf32, #tpu.memory_space<vmem_shared>> -> memref<64x128xf32, #tpu.memory_space<vmem_shared>>
      tpu.wait_dma2 semaphore(%run_scoped3A : memref<!tpu.dma_semaphore, #tpu.memory_space<semaphore_mem>>) src(%arg11 : memref<64x128xf32, #tpu.memory_space<vmem>>) dst(%dma_wait3A_46 : memref<64x128xf32, #tpu.memory_space<vmem_shared>>)
      tpu.yield
    }) : () -> ()
    %add3A_22 = arith.constant 576 : i32
    %add3A_23 = arith.addi %mul3A_4, %add3A_22 : i32
    "tpu.region"() ({
      %run_scoped3A = tpu.sem_alloc : memref<!tpu.dma_semaphore, #tpu.memory_space<semaphore_mem>>
      %dma_start3A = arith.constant 0 : i32
      %dma_start3A_41 = arith.constant 0 : i32
      %dma_start3A_42 = tpu.memref_slice %arg11[%dma_start3A, %dma_start3A_41] : memref<64x128xf32, #tpu.memory_space<vmem>> -> memref<56x128xf32, #tpu.memory_space<vmem>>
      %dma_start3A_43 = arith.constant 0 : i32
      %dma_start3A_44 = tpu.memref_slice %arg15[%add3A_23, %dma_start3A_43] : memref<10112x128xf32, #tpu.memory_space<vmem_shared>> -> memref<56x128xf32, #tpu.memory_space<vmem_shared>>
      %dma_start3A_45 = arith.constant 0 : i32
      %dma_start3A_46 = tpu.memref_slice %arg15[%add3A_23, %dma_start3A_45] : memref<10112x128xf32, #tpu.memory_space<vmem_shared>> -> memref<56x128xf32, #tpu.memory_space<vmem_shared>>
      %dma_start3A_47 = arith.constant 0 : i32
      %dma_start3A_48 = arith.constant 0 : i32
      %dma_start3A_49 = tpu.memref_slice %arg11[%dma_start3A_47, %dma_start3A_48] : memref<64x128xf32, #tpu.memory_space<vmem>> -> memref<56x128xf32, #tpu.memory_space<vmem>>
      tpu.enqueue_dma source(%dma_start3A_49 : memref<56x128xf32, #tpu.memory_space<vmem>>) target(%dma_start3A_46 : memref<56x128xf32, #tpu.memory_space<vmem_shared>>) target_semaphore(%run_scoped3A : memref<!tpu.dma_semaphore, #tpu.memory_space<semaphore_mem>>)
      %dma_wait3A = arith.constant 0 : i32
      %dma_wait3A_50 = arith.constant 0 : i32
      %dma_wait3A_51 = tpu.memref_slice %arg11[%dma_wait3A, %dma_wait3A_50] : memref<64x128xf32, #tpu.memory_space<vmem>> -> memref<56x128xf32, #tpu.memory_space<vmem>>
      %dma_wait3A_52 = arith.constant 0 : i32
      %dma_wait3A_53 = tpu.memref_slice %arg15[%add3A_23, %dma_wait3A_52] : memref<10112x128xf32, #tpu.memory_space<vmem_shared>> -> memref<56x128xf32, #tpu.memory_space<vmem_shared>>
      %dma_wait3A_54 = arith.constant 0 : i32
      %dma_wait3A_55 = tpu.memref_slice %arg15[%add3A_23, %dma_wait3A_54] : memref<10112x128xf32, #tpu.memory_space<vmem_shared>> -> memref<56x128xf32, #tpu.memory_space<vmem_shared>>
      %dma_wait3A_56 = arith.constant 0 : i32
      %dma_wait3A_57 = arith.constant 0 : i32
      %dma_wait3A_58 = tpu.memref_slice %arg11[%dma_wait3A_56, %dma_wait3A_57] : memref<64x128xf32, #tpu.memory_space<vmem>> -> memref<56x128xf32, #tpu.memory_space<vmem>>
      tpu.wait_dma2 semaphore(%run_scoped3A : memref<!tpu.dma_semaphore, #tpu.memory_space<semaphore_mem>>) src(%dma_wait3A_58 : memref<56x128xf32, #tpu.memory_space<vmem>>) dst(%dma_wait3A_55 : memref<56x128xf32, #tpu.memory_space<vmem_shared>>)
      tpu.yield
    }) : () -> ()
    %barrier3A = arith.constant 0 : index
    tpu.barrier barrier_id(%barrier3A)
    %eq3A = arith.constant 0 : i32
    %eq3A_24 = arith.cmpi eq, %arg0, %eq3A : i32
    %convert_element_type3A = arith.extui %eq3A_24 : i1 to i32
    %cond3A = arith.constant 0 : i32
    %cond3A_25 = arith.cmpi ne, %convert_element_type3A, %cond3A : i32
    scf.if %cond3A_25 {
      %scan3A_41 = arith.constant 0 : i32
      %scan3A_42 = arith.constant 18 : i32
      %scan3A_43 = arith.addi %scan3A_41, %scan3A_42 : i32
      %scan3A_44 = arith.constant 1 : i32
      scf.for %scan3A_46 = %scan3A_41 to %scan3A_43 step %scan3A_44  : i32 {
        %mul3A_47 = arith.constant 1 : i32
        %mul3A_48 = arith.muli %scan3A_46, %mul3A_47 : i32
        %add3A_49 = arith.constant 0 : i32
        %add3A_50 = arith.addi %add3A_49, %mul3A_48 : i32
        %mul3A_51 = arith.constant 16 : i32
        %mul3A_52 = arith.muli %add3A_50, %mul3A_51 : i32
        %multiple_of3A = tpu.assume_multiple %mul3A_52, 8 : i32
        "tpu.region"() ({
          %run_scoped3A = tpu.sem_alloc : memref<!tpu.dma_semaphore, #tpu.memory_space<semaphore_mem>>
          %dma_start3A_85 = arith.constant 0 : i32
          %dma_start3A_86 = tpu.memref_slice %arg4[%arg1, %multiple_of3A, %dma_start3A_85] : memref<16x288x64xi32, #tpu.memory_space<hbm>> -> memref<1x16x64xi32, #tpu.memory_space<hbm>>
          %dma_start3A_87 = tpu.memref_squeeze %dma_start3A_86 : memref<1x16x64xi32, #tpu.memory_space<hbm>> -> memref<16x64xi32, #tpu.memory_space<hbm>>
          %dma_start3A_88 = arith.constant 0 : i32
          %dma_start3A_89 = tpu.memref_slice %arg4[%arg1, %multiple_of3A, %dma_start3A_88] : memref<16x288x64xi32, #tpu.memory_space<hbm>> -> memref<1x16x64xi32, #tpu.memory_space<hbm>>
          %dma_start3A_90 = tpu.memref_squeeze %dma_start3A_89 : memref<1x16x64xi32, #tpu.memory_space<hbm>> -> memref<16x64xi32, #tpu.memory_space<hbm>>
          tpu.enqueue_dma source(%dma_start3A_90 : memref<16x64xi32, #tpu.memory_space<hbm>>) target(%arg9 : memref<16x64xi32, #tpu.memory_space<vmem>>) target_semaphore(%run_scoped3A : memref<!tpu.dma_semaphore, #tpu.memory_space<semaphore_mem>>)
          %dma_wait3A = arith.constant 0 : i32
          %dma_wait3A_91 = tpu.memref_slice %arg4[%arg1, %multiple_of3A, %dma_wait3A] : memref<16x288x64xi32, #tpu.memory_space<hbm>> -> memref<1x16x64xi32, #tpu.memory_space<hbm>>
          %dma_wait3A_92 = tpu.memref_squeeze %dma_wait3A_91 : memref<1x16x64xi32, #tpu.memory_space<hbm>> -> memref<16x64xi32, #tpu.memory_space<hbm>>
          %dma_wait3A_93 = arith.constant 0 : i32
          %dma_wait3A_94 = tpu.memref_slice %arg4[%arg1, %multiple_of3A, %dma_wait3A_93] : memref<16x288x64xi32, #tpu.memory_space<hbm>> -> memref<1x16x64xi32, #tpu.memory_space<hbm>>
          %dma_wait3A_95 = tpu.memref_squeeze %dma_wait3A_94 : memref<1x16x64xi32, #tpu.memory_space<hbm>> -> memref<16x64xi32, #tpu.memory_space<hbm>>
          tpu.wait_dma2 semaphore(%run_scoped3A : memref<!tpu.dma_semaphore, #tpu.memory_space<semaphore_mem>>) src(%dma_wait3A_95 : memref<16x64xi32, #tpu.memory_space<hbm>>) dst(%arg9 : memref<16x64xi32, #tpu.memory_space<vmem>>)
          tpu.yield
        }) : () -> ()
        "tpu.region"() ({
          %run_scoped3A = tpu.sem_alloc : memref<!tpu.dma_semaphore, #tpu.memory_space<semaphore_mem>>
          %dma_start3A_85 = arith.constant 0 : i32
          %dma_start3A_86 = tpu.memref_slice %arg5[%arg1, %multiple_of3A, %dma_start3A_85] : memref<16x288x64xi32, #tpu.memory_space<hbm>> -> memref<1x16x64xi32, #tpu.memory_space<hbm>>
          %dma_start3A_87 = tpu.memref_squeeze %dma_start3A_86 : memref<1x16x64xi32, #tpu.memory_space<hbm>> -> memref<16x64xi32, #tpu.memory_space<hbm>>
          %dma_start3A_88 = arith.constant 0 : i32
          %dma_start3A_89 = tpu.memref_slice %arg5[%arg1, %multiple_of3A, %dma_start3A_88] : memref<16x288x64xi32, #tpu.memory_space<hbm>> -> memref<1x16x64xi32, #tpu.memory_space<hbm>>
          %dma_start3A_90 = tpu.memref_squeeze %dma_start3A_89 : memref<1x16x64xi32, #tpu.memory_space<hbm>> -> memref<16x64xi32, #tpu.memory_space<hbm>>
          tpu.enqueue_dma source(%dma_start3A_90 : memref<16x64xi32, #tpu.memory_space<hbm>>) target(%arg10 : memref<16x64xi32, #tpu.memory_space<vmem>>) target_semaphore(%run_scoped3A : memref<!tpu.dma_semaphore, #tpu.memory_space<semaphore_mem>>)
          %dma_wait3A = arith.constant 0 : i32
          %dma_wait3A_91 = tpu.memref_slice %arg5[%arg1, %multiple_of3A, %dma_wait3A] : memref<16x288x64xi32, #tpu.memory_space<hbm>> -> memref<1x16x64xi32, #tpu.memory_space<hbm>>
          %dma_wait3A_92 = tpu.memref_squeeze %dma_wait3A_91 : memref<1x16x64xi32, #tpu.memory_space<hbm>> -> memref<16x64xi32, #tpu.memory_space<hbm>>
          %dma_wait3A_93 = arith.constant 0 : i32
          %dma_wait3A_94 = tpu.memref_slice %arg5[%arg1, %multiple_of3A, %dma_wait3A_93] : memref<16x288x64xi32, #tpu.memory_space<hbm>> -> memref<1x16x64xi32, #tpu.memory_space<hbm>>
          %dma_wait3A_95 = tpu.memref_squeeze %dma_wait3A_94 : memref<1x16x64xi32, #tpu.memory_space<hbm>> -> memref<16x64xi32, #tpu.memory_space<hbm>>
          tpu.wait_dma2 semaphore(%run_scoped3A : memref<!tpu.dma_semaphore, #tpu.memory_space<semaphore_mem>>) src(%dma_wait3A_95 : memref<16x64xi32, #tpu.memory_space<hbm>>) dst(%arg10 : memref<16x64xi32, #tpu.memory_space<vmem>>)
          tpu.yield
        }) : () -> ()
        %dma_start3A = arith.constant 0 : i32
        %dma_start3A_53 = arith.constant 0 : i32
        %dma_start3A_54 = tpu.memref_slice %arg9[%dma_start3A, %dma_start3A_53] : memref<16x64xi32, #tpu.memory_space<vmem>> -> memref<1x64xi32, #tpu.memory_space<vmem>>
        %dma_start3A_55 = tpu.memref_squeeze %dma_start3A_54 : memref<1x64xi32, #tpu.memory_space<vmem>> -> memref<64xi32, #tpu.memory_space<vmem>>
        %dma_start3A_56 = arith.constant 0 : i32
        %dma_start3A_57 = arith.constant 0 : i32
        %dma_start3A_58 = tpu.memref_slice %arg2[%dma_start3A_56, %dma_start3A_57] : memref<10000x128xf32, #tpu.memory_space<hbm>> -> memref<10000x128xf32, #tpu.memory_space<hbm>>
        tpu.enqueue_indirect_dma source(%dma_start3A_58 : memref<10000x128xf32, #tpu.memory_space<hbm>>) target(%arg11 : memref<64x128xf32, #tpu.memory_space<vmem>>) offsets(%dma_start3A_55 : memref<64xi32, #tpu.memory_space<vmem>>) semaphore(%arg16 : memref<!tpu.dma_semaphore, #tpu.memory_space<semaphore_mem>>)
        %dma_start3A_59 = arith.constant 1 : i32
        %dma_start3A_60 = arith.constant 0 : i32
        %dma_start3A_61 = tpu.memref_slice %arg9[%dma_start3A_59, %dma_start3A_60] : memref<16x64xi32, #tpu.memory_space<vmem>> -> memref<1x64xi32, #tpu.memory_space<vmem>>
        %dma_start3A_62 = tpu.memref_squeeze %dma_start3A_61 : memref<1x64xi32, #tpu.memory_space<vmem>> -> memref<64xi32, #tpu.memory_space<vmem>>
        %dma_start3A_63 = arith.constant 0 : i32
        %dma_start3A_64 = arith.constant 0 : i32
        %dma_start3A_65 = tpu.memref_slice %arg2[%dma_start3A_63, %dma_start3A_64] : memref<10000x128xf32, #tpu.memory_space<hbm>> -> memref<10000x128xf32, #tpu.memory_space<hbm>>
        tpu.enqueue_indirect_dma source(%dma_start3A_65 : memref<10000x128xf32, #tpu.memory_space<hbm>>) target(%arg12 : memref<64x128xf32, #tpu.memory_space<vmem>>) offsets(%dma_start3A_62 : memref<64xi32, #tpu.memory_space<vmem>>) semaphore(%arg17 : memref<!tpu.dma_semaphore, #tpu.memory_space<semaphore_mem>>)
        %dma_start3A_66 = arith.constant 2 : i32
        %dma_start3A_67 = arith.constant 0 : i32
        %dma_start3A_68 = tpu.memref_slice %arg9[%dma_start3A_66, %dma_start3A_67] : memref<16x64xi32, #tpu.memory_space<vmem>> -> memref<1x64xi32, #tpu.memory_space<vmem>>
        %dma_start3A_69 = tpu.memref_squeeze %dma_start3A_68 : memref<1x64xi32, #tpu.memory_space<vmem>> -> memref<64xi32, #tpu.memory_space<vmem>>
        %dma_start3A_70 = arith.constant 0 : i32
        %dma_start3A_71 = arith.constant 0 : i32
        %dma_start3A_72 = tpu.memref_slice %arg2[%dma_start3A_70, %dma_start3A_71] : memref<10000x128xf32, #tpu.memory_space<hbm>> -> memref<10000x128xf32, #tpu.memory_space<hbm>>
        tpu.enqueue_indirect_dma source(%dma_start3A_72 : memref<10000x128xf32, #tpu.memory_space<hbm>>) target(%arg13 : memref<64x128xf32, #tpu.memory_space<vmem>>) offsets(%dma_start3A_69 : memref<64xi32, #tpu.memory_space<vmem>>) semaphore(%arg18 : memref<!tpu.dma_semaphore, #tpu.memory_space<semaphore_mem>>)
        %dma_start3A_73 = arith.constant 3 : i32
        %dma_start3A_74 = arith.constant 0 : i32
        %dma_start3A_75 = tpu.memref_slice %arg9[%dma_start3A_73, %dma_start3A_74] : memref<16x64xi32, #tpu.memory_space<vmem>> -> memref<1x64xi32, #tpu.memory_space<vmem>>
        %dma_start3A_76 = tpu.memref_squeeze %dma_start3A_75 : memref<1x64xi32, #tpu.memory_space<vmem>> -> memref<64xi32, #tpu.memory_space<vmem>>
        %dma_start3A_77 = arith.constant 0 : i32
        %dma_start3A_78 = arith.constant 0 : i32
        %dma_start3A_79 = tpu.memref_slice %arg2[%dma_start3A_77, %dma_start3A_78] : memref<10000x128xf32, #tpu.memory_space<hbm>> -> memref<10000x128xf32, #tpu.memory_space<hbm>>
        tpu.enqueue_indirect_dma source(%dma_start3A_79 : memref<10000x128xf32, #tpu.memory_space<hbm>>) target(%arg14 : memref<64x128xf32, #tpu.memory_space<vmem>>) offsets(%dma_start3A_76 : memref<64xi32, #tpu.memory_space<vmem>>) semaphore(%arg19 : memref<!tpu.dma_semaphore, #tpu.memory_space<semaphore_mem>>)
        %scan3A_80 = arith.constant 0 : i32
        %scan3A_81 = arith.constant 4 : i32
        %scan3A_82 = arith.addi %scan3A_80, %scan3A_81 : i32
        %scan3A_83 = arith.constant 1 : i32
        scf.for %scan3A_85 = %scan3A_80 to %scan3A_82 step %scan3A_83  : i32 {
          %mul3A_86 = arith.constant 4 : i32
          %mul3A_87 = arith.muli %scan3A_85, %mul3A_86 : i32
          %add3A_88 = arith.constant 0 : i32
          %add3A_89 = arith.addi %add3A_88, %mul3A_87 : i32
          %add3A_90 = arith.constant 0 : i32
          %add3A_91 = arith.addi %add3A_89, %add3A_90 : i32
          %dma_wait3A = arith.constant 0 : i32
          %dma_wait3A_92 = tpu.memref_slice %arg9[%add3A_91, %dma_wait3A] : memref<16x64xi32, #tpu.memory_space<vmem>> -> memref<1x64xi32, #tpu.memory_space<vmem>>
          %dma_wait3A_93 = tpu.memref_squeeze %dma_wait3A_92 : memref<1x64xi32, #tpu.memory_space<vmem>> -> memref<64xi32, #tpu.memory_space<vmem>>
          %dma_wait3A_94 = arith.constant 0 : i32
          %dma_wait3A_95 = arith.constant 0 : i32
          %dma_wait3A_96 = tpu.memref_slice %arg2[%dma_wait3A_94, %dma_wait3A_95] : memref<10000x128xf32, #tpu.memory_space<hbm>> -> memref<10000x128xf32, #tpu.memory_space<hbm>>
          tpu.wait_indirect_dma semaphore(%arg16 : memref<!tpu.dma_semaphore, #tpu.memory_space<semaphore_mem>>) src(%dma_wait3A_96 : memref<10000x128xf32, #tpu.memory_space<hbm>>) dst(%arg11 : memref<64x128xf32, #tpu.memory_space<vmem>>)
          %add3A_97 = arith.constant 0 : i32
          %add3A_98 = arith.addi %add3A_89, %add3A_97 : i32
          %dma_start3A_99 = arith.constant 0 : i32
          %dma_start3A_100 = tpu.memref_slice %arg10[%add3A_98, %dma_start3A_99] : memref<16x64xi32, #tpu.memory_space<vmem>> -> memref<1x64xi32, #tpu.memory_space<vmem>>
          %dma_start3A_101 = tpu.memref_squeeze %dma_start3A_100 : memref<1x64xi32, #tpu.memory_space<vmem>> -> memref<64xi32, #tpu.memory_space<vmem>>
          %dma_start3A_102 = arith.constant 0 : i32
          %dma_start3A_103 = arith.constant 0 : i32
          %dma_start3A_104 = tpu.memref_slice %arg15[%dma_start3A_102, %dma_start3A_103] : memref<10112x128xf32, #tpu.memory_space<vmem_shared>> -> memref<10112x128xf32, #tpu.memory_space<vmem_shared>>
          tpu.enqueue_indirect_dma source(%arg11 : memref<64x128xf32, #tpu.memory_space<vmem>>) target(%dma_start3A_104 : memref<10112x128xf32, #tpu.memory_space<vmem_shared>>) offsets(%dma_start3A_101 : memref<64xi32, #tpu.memory_space<vmem>>) semaphore(%arg20 : memref<!tpu.dma_semaphore, #tpu.memory_space<semaphore_mem>>) {add = true}
          %add3A_105 = arith.constant 1 : i32
          %add3A_106 = arith.addi %add3A_89, %add3A_105 : i32
          %dma_wait3A_107 = arith.constant 0 : i32
          %dma_wait3A_108 = tpu.memref_slice %arg9[%add3A_106, %dma_wait3A_107] : memref<16x64xi32, #tpu.memory_space<vmem>> -> memref<1x64xi32, #tpu.memory_space<vmem>>
          %dma_wait3A_109 = tpu.memref_squeeze %dma_wait3A_108 : memref<1x64xi32, #tpu.memory_space<vmem>> -> memref<64xi32, #tpu.memory_space<vmem>>
          %dma_wait3A_110 = arith.constant 0 : i32
          %dma_wait3A_111 = arith.constant 0 : i32
          %dma_wait3A_112 = tpu.memref_slice %arg2[%dma_wait3A_110, %dma_wait3A_111] : memref<10000x128xf32, #tpu.memory_space<hbm>> -> memref<10000x128xf32, #tpu.memory_space<hbm>>
          tpu.wait_indirect_dma semaphore(%arg17 : memref<!tpu.dma_semaphore, #tpu.memory_space<semaphore_mem>>) src(%dma_wait3A_112 : memref<10000x128xf32, #tpu.memory_space<hbm>>) dst(%arg12 : memref<64x128xf32, #tpu.memory_space<vmem>>)
          %add3A_113 = arith.constant 1 : i32
          %add3A_114 = arith.addi %add3A_89, %add3A_113 : i32
          %dma_start3A_115 = arith.constant 0 : i32
          %dma_start3A_116 = tpu.memref_slice %arg10[%add3A_114, %dma_start3A_115] : memref<16x64xi32, #tpu.memory_space<vmem>> -> memref<1x64xi32, #tpu.memory_space<vmem>>
          %dma_start3A_117 = tpu.memref_squeeze %dma_start3A_116 : memref<1x64xi32, #tpu.memory_space<vmem>> -> memref<64xi32, #tpu.memory_space<vmem>>
          %dma_start3A_118 = arith.constant 0 : i32
          %dma_start3A_119 = arith.constant 0 : i32
          %dma_start3A_120 = tpu.memref_slice %arg15[%dma_start3A_118, %dma_start3A_119] : memref<10112x128xf32, #tpu.memory_space<vmem_shared>> -> memref<10112x128xf32, #tpu.memory_space<vmem_shared>>
          tpu.enqueue_indirect_dma source(%arg12 : memref<64x128xf32, #tpu.memory_space<vmem>>) target(%dma_start3A_120 : memref<10112x128xf32, #tpu.memory_space<vmem_shared>>) offsets(%dma_start3A_117 : memref<64xi32, #tpu.memory_space<vmem>>) semaphore(%arg21 : memref<!tpu.dma_semaphore, #tpu.memory_space<semaphore_mem>>) {add = true}
          %add3A_121 = arith.constant 2 : i32
          %add3A_122 = arith.addi %add3A_89, %add3A_121 : i32
          %dma_wait3A_123 = arith.constant 0 : i32
          %dma_wait3A_124 = tpu.memref_slice %arg9[%add3A_122, %dma_wait3A_123] : memref<16x64xi32, #tpu.memory_space<vmem>> -> memref<1x64xi32, #tpu.memory_space<vmem>>
          %dma_wait3A_125 = tpu.memref_squeeze %dma_wait3A_124 : memref<1x64xi32, #tpu.memory_space<vmem>> -> memref<64xi32, #tpu.memory_space<vmem>>
          %dma_wait3A_126 = arith.constant 0 : i32
          %dma_wait3A_127 = arith.constant 0 : i32
          %dma_wait3A_128 = tpu.memref_slice %arg2[%dma_wait3A_126, %dma_wait3A_127] : memref<10000x128xf32, #tpu.memory_space<hbm>> -> memref<10000x128xf32, #tpu.memory_space<hbm>>
          tpu.wait_indirect_dma semaphore(%arg18 : memref<!tpu.dma_semaphore, #tpu.memory_space<semaphore_mem>>) src(%dma_wait3A_128 : memref<10000x128xf32, #tpu.memory_space<hbm>>) dst(%arg13 : memref<64x128xf32, #tpu.memory_space<vmem>>)
          %add3A_129 = arith.constant 2 : i32
          %add3A_130 = arith.addi %add3A_89, %add3A_129 : i32
          %dma_start3A_131 = arith.constant 0 : i32
          %dma_start3A_132 = tpu.memref_slice %arg10[%add3A_130, %dma_start3A_131] : memref<16x64xi32, #tpu.memory_space<vmem>> -> memref<1x64xi32, #tpu.memory_space<vmem>>
          %dma_start3A_133 = tpu.memref_squeeze %dma_start3A_132 : memref<1x64xi32, #tpu.memory_space<vmem>> -> memref<64xi32, #tpu.memory_space<vmem>>
          %dma_start3A_134 = arith.constant 0 : i32
          %dma_start3A_135 = arith.constant 0 : i32
          %dma_start3A_136 = tpu.memref_slice %arg15[%dma_start3A_134, %dma_start3A_135] : memref<10112x128xf32, #tpu.memory_space<vmem_shared>> -> memref<10112x128xf32, #tpu.memory_space<vmem_shared>>
          tpu.enqueue_indirect_dma source(%arg13 : memref<64x128xf32, #tpu.memory_space<vmem>>) target(%dma_start3A_136 : memref<10112x128xf32, #tpu.memory_space<vmem_shared>>) offsets(%dma_start3A_133 : memref<64xi32, #tpu.memory_space<vmem>>) semaphore(%arg22 : memref<!tpu.dma_semaphore, #tpu.memory_space<semaphore_mem>>) {add = true}
          %add3A_137 = arith.constant 3 : i32
          %add3A_138 = arith.addi %add3A_89, %add3A_137 : i32
          %dma_wait3A_139 = arith.constant 0 : i32
          %dma_wait3A_140 = tpu.memref_slice %arg9[%add3A_138, %dma_wait3A_139] : memref<16x64xi32, #tpu.memory_space<vmem>> -> memref<1x64xi32, #tpu.memory_space<vmem>>
          %dma_wait3A_141 = tpu.memref_squeeze %dma_wait3A_140 : memref<1x64xi32, #tpu.memory_space<vmem>> -> memref<64xi32, #tpu.memory_space<vmem>>
          %dma_wait3A_142 = arith.constant 0 : i32
          %dma_wait3A_143 = arith.constant 0 : i32
          %dma_wait3A_144 = tpu.memref_slice %arg2[%dma_wait3A_142, %dma_wait3A_143] : memref<10000x128xf32, #tpu.memory_space<hbm>> -> memref<10000x128xf32, #tpu.memory_space<hbm>>
          tpu.wait_indirect_dma semaphore(%arg19 : memref<!tpu.dma_semaphore, #tpu.memory_space<semaphore_mem>>) src(%dma_wait3A_144 : memref<10000x128xf32, #tpu.memory_space<hbm>>) dst(%arg14 : memref<64x128xf32, #tpu.memory_space<vmem>>)
          %add3A_145 = arith.constant 3 : i32
          %add3A_146 = arith.addi %add3A_89, %add3A_145 : i32
          %dma_start3A_147 = arith.constant 0 : i32
          %dma_start3A_148 = tpu.memref_slice %arg10[%add3A_146, %dma_start3A_147] : memref<16x64xi32, #tpu.memory_space<vmem>> -> memref<1x64xi32, #tpu.memory_space<vmem>>
          %dma_start3A_149 = tpu.memref_squeeze %dma_start3A_148 : memref<1x64xi32, #tpu.memory_space<vmem>> -> memref<64xi32, #tpu.memory_space<vmem>>
          %dma_start3A_150 = arith.constant 0 : i32
          %dma_start3A_151 = arith.constant 0 : i32
          %dma_start3A_152 = tpu.memref_slice %arg15[%dma_start3A_150, %dma_start3A_151] : memref<10112x128xf32, #tpu.memory_space<vmem_shared>> -> memref<10112x128xf32, #tpu.memory_space<vmem_shared>>
          tpu.enqueue_indirect_dma source(%arg14 : memref<64x128xf32, #tpu.memory_space<vmem>>) target(%dma_start3A_152 : memref<10112x128xf32, #tpu.memory_space<vmem_shared>>) offsets(%dma_start3A_149 : memref<64xi32, #tpu.memory_space<vmem>>) semaphore(%arg23 : memref<!tpu.dma_semaphore, #tpu.memory_space<semaphore_mem>>) {add = true}
          %add3A_153 = arith.constant 0 : i32
          %add3A_154 = arith.addi %add3A_89, %add3A_153 : i32
          %dma_wait3A_155 = arith.constant 0 : i32
          %dma_wait3A_156 = tpu.memref_slice %arg10[%add3A_154, %dma_wait3A_155] : memref<16x64xi32, #tpu.memory_space<vmem>> -> memref<1x64xi32, #tpu.memory_space<vmem>>
          %dma_wait3A_157 = tpu.memref_squeeze %dma_wait3A_156 : memref<1x64xi32, #tpu.memory_space<vmem>> -> memref<64xi32, #tpu.memory_space<vmem>>
          %dma_wait3A_158 = arith.constant 0 : i32
          %dma_wait3A_159 = arith.constant 0 : i32
          %dma_wait3A_160 = tpu.memref_slice %arg15[%dma_wait3A_158, %dma_wait3A_159] : memref<10112x128xf32, #tpu.memory_space<vmem_shared>> -> memref<10112x128xf32, #tpu.memory_space<vmem_shared>>
          tpu.wait_indirect_dma semaphore(%arg20 : memref<!tpu.dma_semaphore, #tpu.memory_space<semaphore_mem>>) src(%arg11 : memref<64x128xf32, #tpu.memory_space<vmem>>) dst(%dma_wait3A_160 : memref<10112x128xf32, #tpu.memory_space<vmem_shared>>)
          %add3A_161 = arith.constant 0 : i32
          %add3A_162 = arith.addi %add3A_89, %add3A_161 : i32
          %add3A_163 = arith.constant 4 : i32
          %add3A_164 = arith.addi %add3A_162, %add3A_163 : i32
          %lt3A_165 = arith.constant 16 : i32
          %lt3A_166 = arith.cmpi slt, %add3A_164, %lt3A_165 : i32
          %convert_element_type3A_167 = arith.extui %lt3A_166 : i1 to i32
          %cond3A_168 = arith.constant 0 : i32
          %cond3A_169 = arith.cmpi ne, %convert_element_type3A_167, %cond3A_168 : i32
          scf.if %cond3A_169 {
            %add3A_221 = arith.constant 0 : i32
            %add3A_222 = arith.addi %add3A_89, %add3A_221 : i32
            %add3A_223 = arith.constant 4 : i32
            %add3A_224 = arith.addi %add3A_222, %add3A_223 : i32
            %dma_start3A_225 = arith.constant 0 : i32
            %dma_start3A_226 = tpu.memref_slice %arg9[%add3A_224, %dma_start3A_225] : memref<16x64xi32, #tpu.memory_space<vmem>> -> memref<1x64xi32, #tpu.memory_space<vmem>>
            %dma_start3A_227 = tpu.memref_squeeze %dma_start3A_226 : memref<1x64xi32, #tpu.memory_space<vmem>> -> memref<64xi32, #tpu.memory_space<vmem>>
            %dma_start3A_228 = arith.constant 0 : i32
            %dma_start3A_229 = arith.constant 0 : i32
            %dma_start3A_230 = tpu.memref_slice %arg2[%dma_start3A_228, %dma_start3A_229] : memref<10000x128xf32, #tpu.memory_space<hbm>> -> memref<10000x128xf32, #tpu.memory_space<hbm>>
            tpu.enqueue_indirect_dma source(%dma_start3A_230 : memref<10000x128xf32, #tpu.memory_space<hbm>>) target(%arg11 : memref<64x128xf32, #tpu.memory_space<vmem>>) offsets(%dma_start3A_227 : memref<64xi32, #tpu.memory_space<vmem>>) semaphore(%arg16 : memref<!tpu.dma_semaphore, #tpu.memory_space<semaphore_mem>>)
          } else {
          }
          %add3A_170 = arith.constant 1 : i32
          %add3A_171 = arith.addi %add3A_89, %add3A_170 : i32
          %dma_wait3A_172 = arith.constant 0 : i32
          %dma_wait3A_173 = tpu.memref_slice %arg10[%add3A_171, %dma_wait3A_172] : memref<16x64xi32, #tpu.memory_space<vmem>> -> memref<1x64xi32, #tpu.memory_space<vmem>>
          %dma_wait3A_174 = tpu.memref_squeeze %dma_wait3A_173 : memref<1x64xi32, #tpu.memory_space<vmem>> -> memref<64xi32, #tpu.memory_space<vmem>>
          %dma_wait3A_175 = arith.constant 0 : i32
          %dma_wait3A_176 = arith.constant 0 : i32
          %dma_wait3A_177 = tpu.memref_slice %arg15[%dma_wait3A_175, %dma_wait3A_176] : memref<10112x128xf32, #tpu.memory_space<vmem_shared>> -> memref<10112x128xf32, #tpu.memory_space<vmem_shared>>
          tpu.wait_indirect_dma semaphore(%arg21 : memref<!tpu.dma_semaphore, #tpu.memory_space<semaphore_mem>>) src(%arg12 : memref<64x128xf32, #tpu.memory_space<vmem>>) dst(%dma_wait3A_177 : memref<10112x128xf32, #tpu.memory_space<vmem_shared>>)
          %add3A_178 = arith.constant 1 : i32
          %add3A_179 = arith.addi %add3A_89, %add3A_178 : i32
          %add3A_180 = arith.constant 4 : i32
          %add3A_181 = arith.addi %add3A_179, %add3A_180 : i32
          %lt3A_182 = arith.constant 16 : i32
          %lt3A_183 = arith.cmpi slt, %add3A_181, %lt3A_182 : i32
          %convert_element_type3A_184 = arith.extui %lt3A_183 : i1 to i32
          %cond3A_185 = arith.constant 0 : i32
          %cond3A_186 = arith.cmpi ne, %convert_element_type3A_184, %cond3A_185 : i32
          scf.if %cond3A_186 {
            %add3A_221 = arith.constant 1 : i32
            %add3A_222 = arith.addi %add3A_89, %add3A_221 : i32
            %add3A_223 = arith.constant 4 : i32
            %add3A_224 = arith.addi %add3A_222, %add3A_223 : i32
            %dma_start3A_225 = arith.constant 0 : i32
            %dma_start3A_226 = tpu.memref_slice %arg9[%add3A_224, %dma_start3A_225] : memref<16x64xi32, #tpu.memory_space<vmem>> -> memref<1x64xi32, #tpu.memory_space<vmem>>
            %dma_start3A_227 = tpu.memref_squeeze %dma_start3A_226 : memref<1x64xi32, #tpu.memory_space<vmem>> -> memref<64xi32, #tpu.memory_space<vmem>>
            %dma_start3A_228 = arith.constant 0 : i32
            %dma_start3A_229 = arith.constant 0 : i32
            %dma_start3A_230 = tpu.memref_slice %arg2[%dma_start3A_228, %dma_start3A_229] : memref<10000x128xf32, #tpu.memory_space<hbm>> -> memref<10000x128xf32, #tpu.memory_space<hbm>>
            tpu.enqueue_indirect_dma source(%dma_start3A_230 : memref<10000x128xf32, #tpu.memory_space<hbm>>) target(%arg12 : memref<64x128xf32, #tpu.memory_space<vmem>>) offsets(%dma_start3A_227 : memref<64xi32, #tpu.memory_space<vmem>>) semaphore(%arg17 : memref<!tpu.dma_semaphore, #tpu.memory_space<semaphore_mem>>)
          } else {
          }
          %add3A_187 = arith.constant 2 : i32
          %add3A_188 = arith.addi %add3A_89, %add3A_187 : i32
          %dma_wait3A_189 = arith.constant 0 : i32
          %dma_wait3A_190 = tpu.memref_slice %arg10[%add3A_188, %dma_wait3A_189] : memref<16x64xi32, #tpu.memory_space<vmem>> -> memref<1x64xi32, #tpu.memory_space<vmem>>
          %dma_wait3A_191 = tpu.memref_squeeze %dma_wait3A_190 : memref<1x64xi32, #tpu.memory_space<vmem>> -> memref<64xi32, #tpu.memory_space<vmem>>
          %dma_wait3A_192 = arith.constant 0 : i32
          %dma_wait3A_193 = arith.constant 0 : i32
          %dma_wait3A_194 = tpu.memref_slice %arg15[%dma_wait3A_192, %dma_wait3A_193] : memref<10112x128xf32, #tpu.memory_space<vmem_shared>> -> memref<10112x128xf32, #tpu.memory_space<vmem_shared>>
          tpu.wait_indirect_dma semaphore(%arg22 : memref<!tpu.dma_semaphore, #tpu.memory_space<semaphore_mem>>) src(%arg13 : memref<64x128xf32, #tpu.memory_space<vmem>>) dst(%dma_wait3A_194 : memref<10112x128xf32, #tpu.memory_space<vmem_shared>>)
          %add3A_195 = arith.constant 2 : i32
          %add3A_196 = arith.addi %add3A_89, %add3A_195 : i32
          %add3A_197 = arith.constant 4 : i32
          %add3A_198 = arith.addi %add3A_196, %add3A_197 : i32
          %lt3A_199 = arith.constant 16 : i32
          %lt3A_200 = arith.cmpi slt, %add3A_198, %lt3A_199 : i32
          %convert_element_type3A_201 = arith.extui %lt3A_200 : i1 to i32
          %cond3A_202 = arith.constant 0 : i32
          %cond3A_203 = arith.cmpi ne, %convert_element_type3A_201, %cond3A_202 : i32
          scf.if %cond3A_203 {
            %add3A_221 = arith.constant 2 : i32
            %add3A_222 = arith.addi %add3A_89, %add3A_221 : i32
            %add3A_223 = arith.constant 4 : i32
            %add3A_224 = arith.addi %add3A_222, %add3A_223 : i32
            %dma_start3A_225 = arith.constant 0 : i32
            %dma_start3A_226 = tpu.memref_slice %arg9[%add3A_224, %dma_start3A_225] : memref<16x64xi32, #tpu.memory_space<vmem>> -> memref<1x64xi32, #tpu.memory_space<vmem>>
            %dma_start3A_227 = tpu.memref_squeeze %dma_start3A_226 : memref<1x64xi32, #tpu.memory_space<vmem>> -> memref<64xi32, #tpu.memory_space<vmem>>
            %dma_start3A_228 = arith.constant 0 : i32
            %dma_start3A_229 = arith.constant 0 : i32
            %dma_start3A_230 = tpu.memref_slice %arg2[%dma_start3A_228, %dma_start3A_229] : memref<10000x128xf32, #tpu.memory_space<hbm>> -> memref<10000x128xf32, #tpu.memory_space<hbm>>
            tpu.enqueue_indirect_dma source(%dma_start3A_230 : memref<10000x128xf32, #tpu.memory_space<hbm>>) target(%arg13 : memref<64x128xf32, #tpu.memory_space<vmem>>) offsets(%dma_start3A_227 : memref<64xi32, #tpu.memory_space<vmem>>) semaphore(%arg18 : memref<!tpu.dma_semaphore, #tpu.memory_space<semaphore_mem>>)
          } else {
          }
          %add3A_204 = arith.constant 3 : i32
          %add3A_205 = arith.addi %add3A_89, %add3A_204 : i32
          %dma_wait3A_206 = arith.constant 0 : i32
          %dma_wait3A_207 = tpu.memref_slice %arg10[%add3A_205, %dma_wait3A_206] : memref<16x64xi32, #tpu.memory_space<vmem>> -> memref<1x64xi32, #tpu.memory_space<vmem>>
          %dma_wait3A_208 = tpu.memref_squeeze %dma_wait3A_207 : memref<1x64xi32, #tpu.memory_space<vmem>> -> memref<64xi32, #tpu.memory_space<vmem>>
          %dma_wait3A_209 = arith.constant 0 : i32
          %dma_wait3A_210 = arith.constant 0 : i32
          %dma_wait3A_211 = tpu.memref_slice %arg15[%dma_wait3A_209, %dma_wait3A_210] : memref<10112x128xf32, #tpu.memory_space<vmem_shared>> -> memref<10112x128xf32, #tpu.memory_space<vmem_shared>>
          tpu.wait_indirect_dma semaphore(%arg23 : memref<!tpu.dma_semaphore, #tpu.memory_space<semaphore_mem>>) src(%arg14 : memref<64x128xf32, #tpu.memory_space<vmem>>) dst(%dma_wait3A_211 : memref<10112x128xf32, #tpu.memory_space<vmem_shared>>)
          %add3A_212 = arith.constant 3 : i32
          %add3A_213 = arith.addi %add3A_89, %add3A_212 : i32
          %add3A_214 = arith.constant 4 : i32
          %add3A_215 = arith.addi %add3A_213, %add3A_214 : i32
          %lt3A_216 = arith.constant 16 : i32
          %lt3A_217 = arith.cmpi slt, %add3A_215, %lt3A_216 : i32
          %convert_element_type3A_218 = arith.extui %lt3A_217 : i1 to i32
          %cond3A_219 = arith.constant 0 : i32
          %cond3A_220 = arith.cmpi ne, %convert_element_type3A_218, %cond3A_219 : i32
          scf.if %cond3A_220 {
            %add3A_221 = arith.constant 3 : i32
            %add3A_222 = arith.addi %add3A_89, %add3A_221 : i32
            %add3A_223 = arith.constant 4 : i32
            %add3A_224 = arith.addi %add3A_222, %add3A_223 : i32
            %dma_start3A_225 = arith.constant 0 : i32
            %dma_start3A_226 = tpu.memref_slice %arg9[%add3A_224, %dma_start3A_225] : memref<16x64xi32, #tpu.memory_space<vmem>> -> memref<1x64xi32, #tpu.memory_space<vmem>>
            %dma_start3A_227 = tpu.memref_squeeze %dma_start3A_226 : memref<1x64xi32, #tpu.memory_space<vmem>> -> memref<64xi32, #tpu.memory_space<vmem>>
            %dma_start3A_228 = arith.constant 0 : i32
            %dma_start3A_229 = arith.constant 0 : i32
            %dma_start3A_230 = tpu.memref_slice %arg2[%dma_start3A_228, %dma_start3A_229] : memref<10000x128xf32, #tpu.memory_space<hbm>> -> memref<10000x128xf32, #tpu.memory_space<hbm>>
            tpu.enqueue_indirect_dma source(%dma_start3A_230 : memref<10000x128xf32, #tpu.memory_space<hbm>>) target(%arg14 : memref<64x128xf32, #tpu.memory_space<vmem>>) offsets(%dma_start3A_227 : memref<64xi32, #tpu.memory_space<vmem>>) semaphore(%arg19 : memref<!tpu.dma_semaphore, #tpu.memory_space<semaphore_mem>>)
          } else {
          }
        }
        %scan3A_84 = arith.constant 4 : i32
      }
      %scan3A_45 = arith.constant 18 : i32
    } else {
    }
    %eq3A_26 = arith.constant 1 : i32
    %eq3A_27 = arith.cmpi eq, %arg0, %eq3A_26 : i32
    %convert_element_type3A_28 = arith.extui %eq3A_27 : i1 to i32
    %cond3A_29 = arith.constant 0 : i32
    %cond3A_30 = arith.cmpi ne, %convert_element_type3A_28, %cond3A_29 : i32
    scf.if %cond3A_30 {
      %scan3A_41 = arith.constant 0 : i32
      %scan3A_42 = arith.constant 2 : i32
      %scan3A_43 = arith.addi %scan3A_41, %scan3A_42 : i32
      %scan3A_44 = arith.constant 1 : i32
      scf.for %scan3A_46 = %scan3A_41 to %scan3A_43 step %scan3A_44  : i32 {
        %mul3A_47 = arith.constant 1 : i32
        %mul3A_48 = arith.muli %scan3A_46, %mul3A_47 : i32
        %add3A_49 = arith.constant 0 : i32
        %add3A_50 = arith.addi %add3A_49, %mul3A_48 : i32
        %mul3A_51 = arith.constant 16 : i32
        %mul3A_52 = arith.muli %add3A_50, %mul3A_51 : i32
        %multiple_of3A = tpu.assume_multiple %mul3A_52, 8 : i32
        "tpu.region"() ({
          %run_scoped3A = tpu.sem_alloc : memref<!tpu.dma_semaphore, #tpu.memory_space<semaphore_mem>>
          %dma_start3A_85 = arith.constant 0 : i32
          %dma_start3A_86 = tpu.memref_slice %arg6[%arg1, %multiple_of3A, %dma_start3A_85] : memref<16x32x64xi32, #tpu.memory_space<hbm>> -> memref<1x16x64xi32, #tpu.memory_space<hbm>>
          %dma_start3A_87 = tpu.memref_squeeze %dma_start3A_86 : memref<1x16x64xi32, #tpu.memory_space<hbm>> -> memref<16x64xi32, #tpu.memory_space<hbm>>
          %dma_start3A_88 = arith.constant 0 : i32
          %dma_start3A_89 = tpu.memref_slice %arg6[%arg1, %multiple_of3A, %dma_start3A_88] : memref<16x32x64xi32, #tpu.memory_space<hbm>> -> memref<1x16x64xi32, #tpu.memory_space<hbm>>
          %dma_start3A_90 = tpu.memref_squeeze %dma_start3A_89 : memref<1x16x64xi32, #tpu.memory_space<hbm>> -> memref<16x64xi32, #tpu.memory_space<hbm>>
          tpu.enqueue_dma source(%dma_start3A_90 : memref<16x64xi32, #tpu.memory_space<hbm>>) target(%arg9 : memref<16x64xi32, #tpu.memory_space<vmem>>) target_semaphore(%run_scoped3A : memref<!tpu.dma_semaphore, #tpu.memory_space<semaphore_mem>>)
          %dma_wait3A = arith.constant 0 : i32
          %dma_wait3A_91 = tpu.memref_slice %arg6[%arg1, %multiple_of3A, %dma_wait3A] : memref<16x32x64xi32, #tpu.memory_space<hbm>> -> memref<1x16x64xi32, #tpu.memory_space<hbm>>
          %dma_wait3A_92 = tpu.memref_squeeze %dma_wait3A_91 : memref<1x16x64xi32, #tpu.memory_space<hbm>> -> memref<16x64xi32, #tpu.memory_space<hbm>>
          %dma_wait3A_93 = arith.constant 0 : i32
          %dma_wait3A_94 = tpu.memref_slice %arg6[%arg1, %multiple_of3A, %dma_wait3A_93] : memref<16x32x64xi32, #tpu.memory_space<hbm>> -> memref<1x16x64xi32, #tpu.memory_space<hbm>>
          %dma_wait3A_95 = tpu.memref_squeeze %dma_wait3A_94 : memref<1x16x64xi32, #tpu.memory_space<hbm>> -> memref<16x64xi32, #tpu.memory_space<hbm>>
          tpu.wait_dma2 semaphore(%run_scoped3A : memref<!tpu.dma_semaphore, #tpu.memory_space<semaphore_mem>>) src(%dma_wait3A_95 : memref<16x64xi32, #tpu.memory_space<hbm>>) dst(%arg9 : memref<16x64xi32, #tpu.memory_space<vmem>>)
          tpu.yield
        }) : () -> ()
        "tpu.region"() ({
          %run_scoped3A = tpu.sem_alloc : memref<!tpu.dma_semaphore, #tpu.memory_space<semaphore_mem>>
          %dma_start3A_85 = arith.constant 0 : i32
          %dma_start3A_86 = tpu.memref_slice %arg7[%arg1, %multiple_of3A, %dma_start3A_85] : memref<16x32x64xi32, #tpu.memory_space<hbm>> -> memref<1x16x64xi32, #tpu.memory_space<hbm>>
          %dma_start3A_87 = tpu.memref_squeeze %dma_start3A_86 : memref<1x16x64xi32, #tpu.memory_space<hbm>> -> memref<16x64xi32, #tpu.memory_space<hbm>>
          %dma_start3A_88 = arith.constant 0 : i32
          %dma_start3A_89 = tpu.memref_slice %arg7[%arg1, %multiple_of3A, %dma_start3A_88] : memref<16x32x64xi32, #tpu.memory_space<hbm>> -> memref<1x16x64xi32, #tpu.memory_space<hbm>>
          %dma_start3A_90 = tpu.memref_squeeze %dma_start3A_89 : memref<1x16x64xi32, #tpu.memory_space<hbm>> -> memref<16x64xi32, #tpu.memory_space<hbm>>
          tpu.enqueue_dma source(%dma_start3A_90 : memref<16x64xi32, #tpu.memory_space<hbm>>) target(%arg10 : memref<16x64xi32, #tpu.memory_space<vmem>>) target_semaphore(%run_scoped3A : memref<!tpu.dma_semaphore, #tpu.memory_space<semaphore_mem>>)
          %dma_wait3A = arith.constant 0 : i32
          %dma_wait3A_91 = tpu.memref_slice %arg7[%arg1, %multiple_of3A, %dma_wait3A] : memref<16x32x64xi32, #tpu.memory_space<hbm>> -> memref<1x16x64xi32, #tpu.memory_space<hbm>>
          %dma_wait3A_92 = tpu.memref_squeeze %dma_wait3A_91 : memref<1x16x64xi32, #tpu.memory_space<hbm>> -> memref<16x64xi32, #tpu.memory_space<hbm>>
          %dma_wait3A_93 = arith.constant 0 : i32
          %dma_wait3A_94 = tpu.memref_slice %arg7[%arg1, %multiple_of3A, %dma_wait3A_93] : memref<16x32x64xi32, #tpu.memory_space<hbm>> -> memref<1x16x64xi32, #tpu.memory_space<hbm>>
          %dma_wait3A_95 = tpu.memref_squeeze %dma_wait3A_94 : memref<1x16x64xi32, #tpu.memory_space<hbm>> -> memref<16x64xi32, #tpu.memory_space<hbm>>
          tpu.wait_dma2 semaphore(%run_scoped3A : memref<!tpu.dma_semaphore, #tpu.memory_space<semaphore_mem>>) src(%dma_wait3A_95 : memref<16x64xi32, #tpu.memory_space<hbm>>) dst(%arg10 : memref<16x64xi32, #tpu.memory_space<vmem>>)
          tpu.yield
        }) : () -> ()
        %dma_start3A = arith.constant 0 : i32
        %dma_start3A_53 = arith.constant 0 : i32
        %dma_start3A_54 = tpu.memref_slice %arg9[%dma_start3A, %dma_start3A_53] : memref<16x64xi32, #tpu.memory_space<vmem>> -> memref<1x64xi32, #tpu.memory_space<vmem>>
        %dma_start3A_55 = tpu.memref_squeeze %dma_start3A_54 : memref<1x64xi32, #tpu.memory_space<vmem>> -> memref<64xi32, #tpu.memory_space<vmem>>
        %dma_start3A_56 = arith.constant 0 : i32
        %dma_start3A_57 = arith.constant 0 : i32
        %dma_start3A_58 = tpu.memref_slice %arg3[%dma_start3A_56, %dma_start3A_57] : memref<10000x128xf32, #tpu.memory_space<hbm>> -> memref<10000x128xf32, #tpu.memory_space<hbm>>
        tpu.enqueue_indirect_dma source(%dma_start3A_58 : memref<10000x128xf32, #tpu.memory_space<hbm>>) target(%arg11 : memref<64x128xf32, #tpu.memory_space<vmem>>) offsets(%dma_start3A_55 : memref<64xi32, #tpu.memory_space<vmem>>) semaphore(%arg16 : memref<!tpu.dma_semaphore, #tpu.memory_space<semaphore_mem>>)
        %dma_start3A_59 = arith.constant 1 : i32
        %dma_start3A_60 = arith.constant 0 : i32
        %dma_start3A_61 = tpu.memref_slice %arg9[%dma_start3A_59, %dma_start3A_60] : memref<16x64xi32, #tpu.memory_space<vmem>> -> memref<1x64xi32, #tpu.memory_space<vmem>>
        %dma_start3A_62 = tpu.memref_squeeze %dma_start3A_61 : memref<1x64xi32, #tpu.memory_space<vmem>> -> memref<64xi32, #tpu.memory_space<vmem>>
        %dma_start3A_63 = arith.constant 0 : i32
        %dma_start3A_64 = arith.constant 0 : i32
        %dma_start3A_65 = tpu.memref_slice %arg3[%dma_start3A_63, %dma_start3A_64] : memref<10000x128xf32, #tpu.memory_space<hbm>> -> memref<10000x128xf32, #tpu.memory_space<hbm>>
        tpu.enqueue_indirect_dma source(%dma_start3A_65 : memref<10000x128xf32, #tpu.memory_space<hbm>>) target(%arg12 : memref<64x128xf32, #tpu.memory_space<vmem>>) offsets(%dma_start3A_62 : memref<64xi32, #tpu.memory_space<vmem>>) semaphore(%arg17 : memref<!tpu.dma_semaphore, #tpu.memory_space<semaphore_mem>>)
        %dma_start3A_66 = arith.constant 2 : i32
        %dma_start3A_67 = arith.constant 0 : i32
        %dma_start3A_68 = tpu.memref_slice %arg9[%dma_start3A_66, %dma_start3A_67] : memref<16x64xi32, #tpu.memory_space<vmem>> -> memref<1x64xi32, #tpu.memory_space<vmem>>
        %dma_start3A_69 = tpu.memref_squeeze %dma_start3A_68 : memref<1x64xi32, #tpu.memory_space<vmem>> -> memref<64xi32, #tpu.memory_space<vmem>>
        %dma_start3A_70 = arith.constant 0 : i32
        %dma_start3A_71 = arith.constant 0 : i32
        %dma_start3A_72 = tpu.memref_slice %arg3[%dma_start3A_70, %dma_start3A_71] : memref<10000x128xf32, #tpu.memory_space<hbm>> -> memref<10000x128xf32, #tpu.memory_space<hbm>>
        tpu.enqueue_indirect_dma source(%dma_start3A_72 : memref<10000x128xf32, #tpu.memory_space<hbm>>) target(%arg13 : memref<64x128xf32, #tpu.memory_space<vmem>>) offsets(%dma_start3A_69 : memref<64xi32, #tpu.memory_space<vmem>>) semaphore(%arg18 : memref<!tpu.dma_semaphore, #tpu.memory_space<semaphore_mem>>)
        %dma_start3A_73 = arith.constant 3 : i32
        %dma_start3A_74 = arith.constant 0 : i32
        %dma_start3A_75 = tpu.memref_slice %arg9[%dma_start3A_73, %dma_start3A_74] : memref<16x64xi32, #tpu.memory_space<vmem>> -> memref<1x64xi32, #tpu.memory_space<vmem>>
        %dma_start3A_76 = tpu.memref_squeeze %dma_start3A_75 : memref<1x64xi32, #tpu.memory_space<vmem>> -> memref<64xi32, #tpu.memory_space<vmem>>
        %dma_start3A_77 = arith.constant 0 : i32
        %dma_start3A_78 = arith.constant 0 : i32
        %dma_start3A_79 = tpu.memref_slice %arg3[%dma_start3A_77, %dma_start3A_78] : memref<10000x128xf32, #tpu.memory_space<hbm>> -> memref<10000x128xf32, #tpu.memory_space<hbm>>
        tpu.enqueue_indirect_dma source(%dma_start3A_79 : memref<10000x128xf32, #tpu.memory_space<hbm>>) target(%arg14 : memref<64x128xf32, #tpu.memory_space<vmem>>) offsets(%dma_start3A_76 : memref<64xi32, #tpu.memory_space<vmem>>) semaphore(%arg19 : memref<!tpu.dma_semaphore, #tpu.memory_space<semaphore_mem>>)
        %scan3A_80 = arith.constant 0 : i32
        %scan3A_81 = arith.constant 4 : i32
        %scan3A_82 = arith.addi %scan3A_80, %scan3A_81 : i32
        %scan3A_83 = arith.constant 1 : i32
        scf.for %scan3A_85 = %scan3A_80 to %scan3A_82 step %scan3A_83  : i32 {
          %mul3A_86 = arith.constant 4 : i32
          %mul3A_87 = arith.muli %scan3A_85, %mul3A_86 : i32
          %add3A_88 = arith.constant 0 : i32
          %add3A_89 = arith.addi %add3A_88, %mul3A_87 : i32
          %add3A_90 = arith.constant 0 : i32
          %add3A_91 = arith.addi %add3A_89, %add3A_90 : i32
          %dma_wait3A = arith.constant 0 : i32
          %dma_wait3A_92 = tpu.memref_slice %arg9[%add3A_91, %dma_wait3A] : memref<16x64xi32, #tpu.memory_space<vmem>> -> memref<1x64xi32, #tpu.memory_space<vmem>>
          %dma_wait3A_93 = tpu.memref_squeeze %dma_wait3A_92 : memref<1x64xi32, #tpu.memory_space<vmem>> -> memref<64xi32, #tpu.memory_space<vmem>>
          %dma_wait3A_94 = arith.constant 0 : i32
          %dma_wait3A_95 = arith.constant 0 : i32
          %dma_wait3A_96 = tpu.memref_slice %arg3[%dma_wait3A_94, %dma_wait3A_95] : memref<10000x128xf32, #tpu.memory_space<hbm>> -> memref<10000x128xf32, #tpu.memory_space<hbm>>
          tpu.wait_indirect_dma semaphore(%arg16 : memref<!tpu.dma_semaphore, #tpu.memory_space<semaphore_mem>>) src(%dma_wait3A_96 : memref<10000x128xf32, #tpu.memory_space<hbm>>) dst(%arg11 : memref<64x128xf32, #tpu.memory_space<vmem>>)
          %add3A_97 = arith.constant 0 : i32
          %add3A_98 = arith.addi %add3A_89, %add3A_97 : i32
          %dma_start3A_99 = arith.constant 0 : i32
          %dma_start3A_100 = tpu.memref_slice %arg10[%add3A_98, %dma_start3A_99] : memref<16x64xi32, #tpu.memory_space<vmem>> -> memref<1x64xi32, #tpu.memory_space<vmem>>
          %dma_start3A_101 = tpu.memref_squeeze %dma_start3A_100 : memref<1x64xi32, #tpu.memory_space<vmem>> -> memref<64xi32, #tpu.memory_space<vmem>>
          %dma_start3A_102 = arith.constant 0 : i32
          %dma_start3A_103 = arith.constant 0 : i32
          %dma_start3A_104 = tpu.memref_slice %arg15[%dma_start3A_102, %dma_start3A_103] : memref<10112x128xf32, #tpu.memory_space<vmem_shared>> -> memref<10112x128xf32, #tpu.memory_space<vmem_shared>>
          tpu.enqueue_indirect_dma source(%arg11 : memref<64x128xf32, #tpu.memory_space<vmem>>) target(%dma_start3A_104 : memref<10112x128xf32, #tpu.memory_space<vmem_shared>>) offsets(%dma_start3A_101 : memref<64xi32, #tpu.memory_space<vmem>>) semaphore(%arg20 : memref<!tpu.dma_semaphore, #tpu.memory_space<semaphore_mem>>) {add = true}
          %add3A_105 = arith.constant 1 : i32
          %add3A_106 = arith.addi %add3A_89, %add3A_105 : i32
          %dma_wait3A_107 = arith.constant 0 : i32
          %dma_wait3A_108 = tpu.memref_slice %arg9[%add3A_106, %dma_wait3A_107] : memref<16x64xi32, #tpu.memory_space<vmem>> -> memref<1x64xi32, #tpu.memory_space<vmem>>
          %dma_wait3A_109 = tpu.memref_squeeze %dma_wait3A_108 : memref<1x64xi32, #tpu.memory_space<vmem>> -> memref<64xi32, #tpu.memory_space<vmem>>
          %dma_wait3A_110 = arith.constant 0 : i32
          %dma_wait3A_111 = arith.constant 0 : i32
          %dma_wait3A_112 = tpu.memref_slice %arg3[%dma_wait3A_110, %dma_wait3A_111] : memref<10000x128xf32, #tpu.memory_space<hbm>> -> memref<10000x128xf32, #tpu.memory_space<hbm>>
          tpu.wait_indirect_dma semaphore(%arg17 : memref<!tpu.dma_semaphore, #tpu.memory_space<semaphore_mem>>) src(%dma_wait3A_112 : memref<10000x128xf32, #tpu.memory_space<hbm>>) dst(%arg12 : memref<64x128xf32, #tpu.memory_space<vmem>>)
          %add3A_113 = arith.constant 1 : i32
          %add3A_114 = arith.addi %add3A_89, %add3A_113 : i32
          %dma_start3A_115 = arith.constant 0 : i32
          %dma_start3A_116 = tpu.memref_slice %arg10[%add3A_114, %dma_start3A_115] : memref<16x64xi32, #tpu.memory_space<vmem>> -> memref<1x64xi32, #tpu.memory_space<vmem>>
          %dma_start3A_117 = tpu.memref_squeeze %dma_start3A_116 : memref<1x64xi32, #tpu.memory_space<vmem>> -> memref<64xi32, #tpu.memory_space<vmem>>
          %dma_start3A_118 = arith.constant 0 : i32
          %dma_start3A_119 = arith.constant 0 : i32
          %dma_start3A_120 = tpu.memref_slice %arg15[%dma_start3A_118, %dma_start3A_119] : memref<10112x128xf32, #tpu.memory_space<vmem_shared>> -> memref<10112x128xf32, #tpu.memory_space<vmem_shared>>
          tpu.enqueue_indirect_dma source(%arg12 : memref<64x128xf32, #tpu.memory_space<vmem>>) target(%dma_start3A_120 : memref<10112x128xf32, #tpu.memory_space<vmem_shared>>) offsets(%dma_start3A_117 : memref<64xi32, #tpu.memory_space<vmem>>) semaphore(%arg21 : memref<!tpu.dma_semaphore, #tpu.memory_space<semaphore_mem>>) {add = true}
          %add3A_121 = arith.constant 2 : i32
          %add3A_122 = arith.addi %add3A_89, %add3A_121 : i32
          %dma_wait3A_123 = arith.constant 0 : i32
          %dma_wait3A_124 = tpu.memref_slice %arg9[%add3A_122, %dma_wait3A_123] : memref<16x64xi32, #tpu.memory_space<vmem>> -> memref<1x64xi32, #tpu.memory_space<vmem>>
          %dma_wait3A_125 = tpu.memref_squeeze %dma_wait3A_124 : memref<1x64xi32, #tpu.memory_space<vmem>> -> memref<64xi32, #tpu.memory_space<vmem>>
          %dma_wait3A_126 = arith.constant 0 : i32
          %dma_wait3A_127 = arith.constant 0 : i32
          %dma_wait3A_128 = tpu.memref_slice %arg3[%dma_wait3A_126, %dma_wait3A_127] : memref<10000x128xf32, #tpu.memory_space<hbm>> -> memref<10000x128xf32, #tpu.memory_space<hbm>>
          tpu.wait_indirect_dma semaphore(%arg18 : memref<!tpu.dma_semaphore, #tpu.memory_space<semaphore_mem>>) src(%dma_wait3A_128 : memref<10000x128xf32, #tpu.memory_space<hbm>>) dst(%arg13 : memref<64x128xf32, #tpu.memory_space<vmem>>)
          %add3A_129 = arith.constant 2 : i32
          %add3A_130 = arith.addi %add3A_89, %add3A_129 : i32
          %dma_start3A_131 = arith.constant 0 : i32
          %dma_start3A_132 = tpu.memref_slice %arg10[%add3A_130, %dma_start3A_131] : memref<16x64xi32, #tpu.memory_space<vmem>> -> memref<1x64xi32, #tpu.memory_space<vmem>>
          %dma_start3A_133 = tpu.memref_squeeze %dma_start3A_132 : memref<1x64xi32, #tpu.memory_space<vmem>> -> memref<64xi32, #tpu.memory_space<vmem>>
          %dma_start3A_134 = arith.constant 0 : i32
          %dma_start3A_135 = arith.constant 0 : i32
          %dma_start3A_136 = tpu.memref_slice %arg15[%dma_start3A_134, %dma_start3A_135] : memref<10112x128xf32, #tpu.memory_space<vmem_shared>> -> memref<10112x128xf32, #tpu.memory_space<vmem_shared>>
          tpu.enqueue_indirect_dma source(%arg13 : memref<64x128xf32, #tpu.memory_space<vmem>>) target(%dma_start3A_136 : memref<10112x128xf32, #tpu.memory_space<vmem_shared>>) offsets(%dma_start3A_133 : memref<64xi32, #tpu.memory_space<vmem>>) semaphore(%arg22 : memref<!tpu.dma_semaphore, #tpu.memory_space<semaphore_mem>>) {add = true}
          %add3A_137 = arith.constant 3 : i32
          %add3A_138 = arith.addi %add3A_89, %add3A_137 : i32
          %dma_wait3A_139 = arith.constant 0 : i32
          %dma_wait3A_140 = tpu.memref_slice %arg9[%add3A_138, %dma_wait3A_139] : memref<16x64xi32, #tpu.memory_space<vmem>> -> memref<1x64xi32, #tpu.memory_space<vmem>>
          %dma_wait3A_141 = tpu.memref_squeeze %dma_wait3A_140 : memref<1x64xi32, #tpu.memory_space<vmem>> -> memref<64xi32, #tpu.memory_space<vmem>>
          %dma_wait3A_142 = arith.constant 0 : i32
          %dma_wait3A_143 = arith.constant 0 : i32
          %dma_wait3A_144 = tpu.memref_slice %arg3[%dma_wait3A_142, %dma_wait3A_143] : memref<10000x128xf32, #tpu.memory_space<hbm>> -> memref<10000x128xf32, #tpu.memory_space<hbm>>
          tpu.wait_indirect_dma semaphore(%arg19 : memref<!tpu.dma_semaphore, #tpu.memory_space<semaphore_mem>>) src(%dma_wait3A_144 : memref<10000x128xf32, #tpu.memory_space<hbm>>) dst(%arg14 : memref<64x128xf32, #tpu.memory_space<vmem>>)
          %add3A_145 = arith.constant 3 : i32
          %add3A_146 = arith.addi %add3A_89, %add3A_145 : i32
          %dma_start3A_147 = arith.constant 0 : i32
          %dma_start3A_148 = tpu.memref_slice %arg10[%add3A_146, %dma_start3A_147] : memref<16x64xi32, #tpu.memory_space<vmem>> -> memref<1x64xi32, #tpu.memory_space<vmem>>
          %dma_start3A_149 = tpu.memref_squeeze %dma_start3A_148 : memref<1x64xi32, #tpu.memory_space<vmem>> -> memref<64xi32, #tpu.memory_space<vmem>>
          %dma_start3A_150 = arith.constant 0 : i32
          %dma_start3A_151 = arith.constant 0 : i32
          %dma_start3A_152 = tpu.memref_slice %arg15[%dma_start3A_150, %dma_start3A_151] : memref<10112x128xf32, #tpu.memory_space<vmem_shared>> -> memref<10112x128xf32, #tpu.memory_space<vmem_shared>>
          tpu.enqueue_indirect_dma source(%arg14 : memref<64x128xf32, #tpu.memory_space<vmem>>) target(%dma_start3A_152 : memref<10112x128xf32, #tpu.memory_space<vmem_shared>>) offsets(%dma_start3A_149 : memref<64xi32, #tpu.memory_space<vmem>>) semaphore(%arg23 : memref<!tpu.dma_semaphore, #tpu.memory_space<semaphore_mem>>) {add = true}
          %add3A_153 = arith.constant 0 : i32
          %add3A_154 = arith.addi %add3A_89, %add3A_153 : i32
          %dma_wait3A_155 = arith.constant 0 : i32
          %dma_wait3A_156 = tpu.memref_slice %arg10[%add3A_154, %dma_wait3A_155] : memref<16x64xi32, #tpu.memory_space<vmem>> -> memref<1x64xi32, #tpu.memory_space<vmem>>
          %dma_wait3A_157 = tpu.memref_squeeze %dma_wait3A_156 : memref<1x64xi32, #tpu.memory_space<vmem>> -> memref<64xi32, #tpu.memory_space<vmem>>
          %dma_wait3A_158 = arith.constant 0 : i32
          %dma_wait3A_159 = arith.constant 0 : i32
          %dma_wait3A_160 = tpu.memref_slice %arg15[%dma_wait3A_158, %dma_wait3A_159] : memref<10112x128xf32, #tpu.memory_space<vmem_shared>> -> memref<10112x128xf32, #tpu.memory_space<vmem_shared>>
          tpu.wait_indirect_dma semaphore(%arg20 : memref<!tpu.dma_semaphore, #tpu.memory_space<semaphore_mem>>) src(%arg11 : memref<64x128xf32, #tpu.memory_space<vmem>>) dst(%dma_wait3A_160 : memref<10112x128xf32, #tpu.memory_space<vmem_shared>>)
          %add3A_161 = arith.constant 0 : i32
          %add3A_162 = arith.addi %add3A_89, %add3A_161 : i32
          %add3A_163 = arith.constant 4 : i32
          %add3A_164 = arith.addi %add3A_162, %add3A_163 : i32
          %lt3A_165 = arith.constant 16 : i32
          %lt3A_166 = arith.cmpi slt, %add3A_164, %lt3A_165 : i32
          %convert_element_type3A_167 = arith.extui %lt3A_166 : i1 to i32
          %cond3A_168 = arith.constant 0 : i32
          %cond3A_169 = arith.cmpi ne, %convert_element_type3A_167, %cond3A_168 : i32
          scf.if %cond3A_169 {
            %add3A_221 = arith.constant 0 : i32
            %add3A_222 = arith.addi %add3A_89, %add3A_221 : i32
            %add3A_223 = arith.constant 4 : i32
            %add3A_224 = arith.addi %add3A_222, %add3A_223 : i32
            %dma_start3A_225 = arith.constant 0 : i32
            %dma_start3A_226 = tpu.memref_slice %arg9[%add3A_224, %dma_start3A_225] : memref<16x64xi32, #tpu.memory_space<vmem>> -> memref<1x64xi32, #tpu.memory_space<vmem>>
            %dma_start3A_227 = tpu.memref_squeeze %dma_start3A_226 : memref<1x64xi32, #tpu.memory_space<vmem>> -> memref<64xi32, #tpu.memory_space<vmem>>
            %dma_start3A_228 = arith.constant 0 : i32
            %dma_start3A_229 = arith.constant 0 : i32
            %dma_start3A_230 = tpu.memref_slice %arg3[%dma_start3A_228, %dma_start3A_229] : memref<10000x128xf32, #tpu.memory_space<hbm>> -> memref<10000x128xf32, #tpu.memory_space<hbm>>
            tpu.enqueue_indirect_dma source(%dma_start3A_230 : memref<10000x128xf32, #tpu.memory_space<hbm>>) target(%arg11 : memref<64x128xf32, #tpu.memory_space<vmem>>) offsets(%dma_start3A_227 : memref<64xi32, #tpu.memory_space<vmem>>) semaphore(%arg16 : memref<!tpu.dma_semaphore, #tpu.memory_space<semaphore_mem>>)
          } else {
          }
          %add3A_170 = arith.constant 1 : i32
          %add3A_171 = arith.addi %add3A_89, %add3A_170 : i32
          %dma_wait3A_172 = arith.constant 0 : i32
          %dma_wait3A_173 = tpu.memref_slice %arg10[%add3A_171, %dma_wait3A_172] : memref<16x64xi32, #tpu.memory_space<vmem>> -> memref<1x64xi32, #tpu.memory_space<vmem>>
          %dma_wait3A_174 = tpu.memref_squeeze %dma_wait3A_173 : memref<1x64xi32, #tpu.memory_space<vmem>> -> memref<64xi32, #tpu.memory_space<vmem>>
          %dma_wait3A_175 = arith.constant 0 : i32
          %dma_wait3A_176 = arith.constant 0 : i32
          %dma_wait3A_177 = tpu.memref_slice %arg15[%dma_wait3A_175, %dma_wait3A_176] : memref<10112x128xf32, #tpu.memory_space<vmem_shared>> -> memref<10112x128xf32, #tpu.memory_space<vmem_shared>>
          tpu.wait_indirect_dma semaphore(%arg21 : memref<!tpu.dma_semaphore, #tpu.memory_space<semaphore_mem>>) src(%arg12 : memref<64x128xf32, #tpu.memory_space<vmem>>) dst(%dma_wait3A_177 : memref<10112x128xf32, #tpu.memory_space<vmem_shared>>)
          %add3A_178 = arith.constant 1 : i32
          %add3A_179 = arith.addi %add3A_89, %add3A_178 : i32
          %add3A_180 = arith.constant 4 : i32
          %add3A_181 = arith.addi %add3A_179, %add3A_180 : i32
          %lt3A_182 = arith.constant 16 : i32
          %lt3A_183 = arith.cmpi slt, %add3A_181, %lt3A_182 : i32
          %convert_element_type3A_184 = arith.extui %lt3A_183 : i1 to i32
          %cond3A_185 = arith.constant 0 : i32
          %cond3A_186 = arith.cmpi ne, %convert_element_type3A_184, %cond3A_185 : i32
          scf.if %cond3A_186 {
            %add3A_221 = arith.constant 1 : i32
            %add3A_222 = arith.addi %add3A_89, %add3A_221 : i32
            %add3A_223 = arith.constant 4 : i32
            %add3A_224 = arith.addi %add3A_222, %add3A_223 : i32
            %dma_start3A_225 = arith.constant 0 : i32
            %dma_start3A_226 = tpu.memref_slice %arg9[%add3A_224, %dma_start3A_225] : memref<16x64xi32, #tpu.memory_space<vmem>> -> memref<1x64xi32, #tpu.memory_space<vmem>>
            %dma_start3A_227 = tpu.memref_squeeze %dma_start3A_226 : memref<1x64xi32, #tpu.memory_space<vmem>> -> memref<64xi32, #tpu.memory_space<vmem>>
            %dma_start3A_228 = arith.constant 0 : i32
            %dma_start3A_229 = arith.constant 0 : i32
            %dma_start3A_230 = tpu.memref_slice %arg3[%dma_start3A_228, %dma_start3A_229] : memref<10000x128xf32, #tpu.memory_space<hbm>> -> memref<10000x128xf32, #tpu.memory_space<hbm>>
            tpu.enqueue_indirect_dma source(%dma_start3A_230 : memref<10000x128xf32, #tpu.memory_space<hbm>>) target(%arg12 : memref<64x128xf32, #tpu.memory_space<vmem>>) offsets(%dma_start3A_227 : memref<64xi32, #tpu.memory_space<vmem>>) semaphore(%arg17 : memref<!tpu.dma_semaphore, #tpu.memory_space<semaphore_mem>>)
          } else {
          }
          %add3A_187 = arith.constant 2 : i32
          %add3A_188 = arith.addi %add3A_89, %add3A_187 : i32
          %dma_wait3A_189 = arith.constant 0 : i32
          %dma_wait3A_190 = tpu.memref_slice %arg10[%add3A_188, %dma_wait3A_189] : memref<16x64xi32, #tpu.memory_space<vmem>> -> memref<1x64xi32, #tpu.memory_space<vmem>>
          %dma_wait3A_191 = tpu.memref_squeeze %dma_wait3A_190 : memref<1x64xi32, #tpu.memory_space<vmem>> -> memref<64xi32, #tpu.memory_space<vmem>>
          %dma_wait3A_192 = arith.constant 0 : i32
          %dma_wait3A_193 = arith.constant 0 : i32
          %dma_wait3A_194 = tpu.memref_slice %arg15[%dma_wait3A_192, %dma_wait3A_193] : memref<10112x128xf32, #tpu.memory_space<vmem_shared>> -> memref<10112x128xf32, #tpu.memory_space<vmem_shared>>
          tpu.wait_indirect_dma semaphore(%arg22 : memref<!tpu.dma_semaphore, #tpu.memory_space<semaphore_mem>>) src(%arg13 : memref<64x128xf32, #tpu.memory_space<vmem>>) dst(%dma_wait3A_194 : memref<10112x128xf32, #tpu.memory_space<vmem_shared>>)
          %add3A_195 = arith.constant 2 : i32
          %add3A_196 = arith.addi %add3A_89, %add3A_195 : i32
          %add3A_197 = arith.constant 4 : i32
          %add3A_198 = arith.addi %add3A_196, %add3A_197 : i32
          %lt3A_199 = arith.constant 16 : i32
          %lt3A_200 = arith.cmpi slt, %add3A_198, %lt3A_199 : i32
          %convert_element_type3A_201 = arith.extui %lt3A_200 : i1 to i32
          %cond3A_202 = arith.constant 0 : i32
          %cond3A_203 = arith.cmpi ne, %convert_element_type3A_201, %cond3A_202 : i32
          scf.if %cond3A_203 {
            %add3A_221 = arith.constant 2 : i32
            %add3A_222 = arith.addi %add3A_89, %add3A_221 : i32
            %add3A_223 = arith.constant 4 : i32
            %add3A_224 = arith.addi %add3A_222, %add3A_223 : i32
            %dma_start3A_225 = arith.constant 0 : i32
            %dma_start3A_226 = tpu.memref_slice %arg9[%add3A_224, %dma_start3A_225] : memref<16x64xi32, #tpu.memory_space<vmem>> -> memref<1x64xi32, #tpu.memory_space<vmem>>
            %dma_start3A_227 = tpu.memref_squeeze %dma_start3A_226 : memref<1x64xi32, #tpu.memory_space<vmem>> -> memref<64xi32, #tpu.memory_space<vmem>>
            %dma_start3A_228 = arith.constant 0 : i32
            %dma_start3A_229 = arith.constant 0 : i32
            %dma_start3A_230 = tpu.memref_slice %arg3[%dma_start3A_228, %dma_start3A_229] : memref<10000x128xf32, #tpu.memory_space<hbm>> -> memref<10000x128xf32, #tpu.memory_space<hbm>>
            tpu.enqueue_indirect_dma source(%dma_start3A_230 : memref<10000x128xf32, #tpu.memory_space<hbm>>) target(%arg13 : memref<64x128xf32, #tpu.memory_space<vmem>>) offsets(%dma_start3A_227 : memref<64xi32, #tpu.memory_space<vmem>>) semaphore(%arg18 : memref<!tpu.dma_semaphore, #tpu.memory_space<semaphore_mem>>)
          } else {
          }
          %add3A_204 = arith.constant 3 : i32
          %add3A_205 = arith.addi %add3A_89, %add3A_204 : i32
          %dma_wait3A_206 = arith.constant 0 : i32
          %dma_wait3A_207 = tpu.memref_slice %arg10[%add3A_205, %dma_wait3A_206] : memref<16x64xi32, #tpu.memory_space<vmem>> -> memref<1x64xi32, #tpu.memory_space<vmem>>
          %dma_wait3A_208 = tpu.memref_squeeze %dma_wait3A_207 : memref<1x64xi32, #tpu.memory_space<vmem>> -> memref<64xi32, #tpu.memory_space<vmem>>
          %dma_wait3A_209 = arith.constant 0 : i32
          %dma_wait3A_210 = arith.constant 0 : i32
          %dma_wait3A_211 = tpu.memref_slice %arg15[%dma_wait3A_209, %dma_wait3A_210] : memref<10112x128xf32, #tpu.memory_space<vmem_shared>> -> memref<10112x128xf32, #tpu.memory_space<vmem_shared>>
          tpu.wait_indirect_dma semaphore(%arg23 : memref<!tpu.dma_semaphore, #tpu.memory_space<semaphore_mem>>) src(%arg14 : memref<64x128xf32, #tpu.memory_space<vmem>>) dst(%dma_wait3A_211 : memref<10112x128xf32, #tpu.memory_space<vmem_shared>>)
          %add3A_212 = arith.constant 3 : i32
          %add3A_213 = arith.addi %add3A_89, %add3A_212 : i32
          %add3A_214 = arith.constant 4 : i32
          %add3A_215 = arith.addi %add3A_213, %add3A_214 : i32
          %lt3A_216 = arith.constant 16 : i32
          %lt3A_217 = arith.cmpi slt, %add3A_215, %lt3A_216 : i32
          %convert_element_type3A_218 = arith.extui %lt3A_217 : i1 to i32
          %cond3A_219 = arith.constant 0 : i32
          %cond3A_220 = arith.cmpi ne, %convert_element_type3A_218, %cond3A_219 : i32
          scf.if %cond3A_220 {
            %add3A_221 = arith.constant 3 : i32
            %add3A_222 = arith.addi %add3A_89, %add3A_221 : i32
            %add3A_223 = arith.constant 4 : i32
            %add3A_224 = arith.addi %add3A_222, %add3A_223 : i32
            %dma_start3A_225 = arith.constant 0 : i32
            %dma_start3A_226 = tpu.memref_slice %arg9[%add3A_224, %dma_start3A_225] : memref<16x64xi32, #tpu.memory_space<vmem>> -> memref<1x64xi32, #tpu.memory_space<vmem>>
            %dma_start3A_227 = tpu.memref_squeeze %dma_start3A_226 : memref<1x64xi32, #tpu.memory_space<vmem>> -> memref<64xi32, #tpu.memory_space<vmem>>
            %dma_start3A_228 = arith.constant 0 : i32
            %dma_start3A_229 = arith.constant 0 : i32
            %dma_start3A_230 = tpu.memref_slice %arg3[%dma_start3A_228, %dma_start3A_229] : memref<10000x128xf32, #tpu.memory_space<hbm>> -> memref<10000x128xf32, #tpu.memory_space<hbm>>
            tpu.enqueue_indirect_dma source(%dma_start3A_230 : memref<10000x128xf32, #tpu.memory_space<hbm>>) target(%arg14 : memref<64x128xf32, #tpu.memory_space<vmem>>) offsets(%dma_start3A_227 : memref<64xi32, #tpu.memory_space<vmem>>) semaphore(%arg19 : memref<!tpu.dma_semaphore, #tpu.memory_space<semaphore_mem>>)
          } else {
          }
        }
        %scan3A_84 = arith.constant 4 : i32
      }
      %scan3A_45 = arith.constant 2 : i32
    } else {
    }
    %barrier3A_31 = arith.constant 0 : index
    tpu.barrier barrier_id(%barrier3A_31)
    %lt3A = arith.constant 15 : i32
    %lt3A_32 = arith.cmpi slt, %arg1, %lt3A : i32
    %convert_element_type3A_33 = arith.extui %lt3A_32 : i1 to i32
    %cond3A_34 = arith.constant 0 : i32
    %cond3A_35 = arith.cmpi ne, %convert_element_type3A_33, %cond3A_34 : i32
    scf.if %cond3A_35 {
      %mul3A_41 = arith.constant 632 : i32
      %mul3A_42 = arith.muli %arg1, %mul3A_41 : i32
      %mul3A_43 = arith.constant 632 : i32
      %mul3A_44 = arith.muli %arg1, %mul3A_43 : i32
      "tpu.region"() ({
        %run_scoped3A = tpu.sem_alloc : memref<!tpu.dma_semaphore, #tpu.memory_space<semaphore_mem>>
        %dma_start3A = arith.constant 0 : i32
        %dma_start3A_45 = tpu.memref_slice %arg8[%arg0, %mul3A_44, %dma_start3A] : memref<2x10000x128xf32, #tpu.memory_space<hbm>> -> memref<1x632x128xf32, #tpu.memory_space<hbm>>
        %dma_start3A_46 = tpu.memref_squeeze %dma_start3A_45 : memref<1x632x128xf32, #tpu.memory_space<hbm>> -> memref<632x128xf32, #tpu.memory_space<hbm>>
        %dma_start3A_47 = arith.constant 0 : i32
        %dma_start3A_48 = tpu.memref_slice %arg15[%mul3A_42, %dma_start3A_47] : memref<10112x128xf32, #tpu.memory_space<vmem_shared>> -> memref<632x128xf32, #tpu.memory_space<vmem_shared>>
        tpu.enqueue_dma source(%dma_start3A_48 : memref<632x128xf32, #tpu.memory_space<vmem_shared>>) target(%dma_start3A_46 : memref<632x128xf32, #tpu.memory_space<hbm>>) target_semaphore(%run_scoped3A : memref<!tpu.dma_semaphore, #tpu.memory_space<semaphore_mem>>)
        %dma_wait3A = arith.constant 0 : i32
        %dma_wait3A_49 = tpu.memref_slice %arg8[%arg0, %mul3A_44, %dma_wait3A] : memref<2x10000x128xf32, #tpu.memory_space<hbm>> -> memref<1x632x128xf32, #tpu.memory_space<hbm>>
        %dma_wait3A_50 = tpu.memref_squeeze %dma_wait3A_49 : memref<1x632x128xf32, #tpu.memory_space<hbm>> -> memref<632x128xf32, #tpu.memory_space<hbm>>
        %dma_wait3A_51 = arith.constant 0 : i32
        %dma_wait3A_52 = tpu.memref_slice %arg15[%mul3A_42, %dma_wait3A_51] : memref<10112x128xf32, #tpu.memory_space<vmem_shared>> -> memref<632x128xf32, #tpu.memory_space<vmem_shared>>
        tpu.wait_dma2 semaphore(%run_scoped3A : memref<!tpu.dma_semaphore, #tpu.memory_space<semaphore_mem>>) src(%dma_wait3A_52 : memref<632x128xf32, #tpu.memory_space<vmem_shared>>) dst(%dma_wait3A_50 : memref<632x128xf32, #tpu.memory_space<hbm>>)
        tpu.yield
      }) : () -> ()
    } else {
    }
    %eq3A_36 = arith.constant 15 : i32
    %eq3A_37 = arith.cmpi eq, %arg1, %eq3A_36 : i32
    %convert_element_type3A_38 = arith.extui %eq3A_37 : i1 to i32
    %cond3A_39 = arith.constant 0 : i32
    %cond3A_40 = arith.cmpi ne, %convert_element_type3A_38, %cond3A_39 : i32
    scf.if %cond3A_40 {
      "tpu.region"() ({
        %run_scoped3A = tpu.sem_alloc : memref<!tpu.dma_semaphore, #tpu.memory_space<semaphore_mem>>
        %dma_start3A = arith.constant 9480 : i32
        %dma_start3A_41 = arith.constant 0 : i32
        %dma_start3A_42 = tpu.memref_slice %arg8[%arg0, %dma_start3A, %dma_start3A_41] : memref<2x10000x128xf32, #tpu.memory_space<hbm>> -> memref<1x520x128xf32, #tpu.memory_space<hbm>>
        %dma_start3A_43 = tpu.memref_squeeze %dma_start3A_42 : memref<1x520x128xf32, #tpu.memory_space<hbm>> -> memref<520x128xf32, #tpu.memory_space<hbm>>
        %dma_start3A_44 = arith.constant 9480 : i32
        %dma_start3A_45 = arith.constant 0 : i32
        %dma_start3A_46 = tpu.memref_slice %arg15[%dma_start3A_44, %dma_start3A_45] : memref<10112x128xf32, #tpu.memory_space<vmem_shared>> -> memref<520x128xf32, #tpu.memory_space<vmem_shared>>
        tpu.enqueue_dma source(%dma_start3A_46 : memref<520x128xf32, #tpu.memory_space<vmem_shared>>) target(%dma_start3A_43 : memref<520x128xf32, #tpu.memory_space<hbm>>) target_semaphore(%run_scoped3A : memref<!tpu.dma_semaphore, #tpu.memory_space<semaphore_mem>>)
        %dma_wait3A = arith.constant 9480 : i32
        %dma_wait3A_47 = arith.constant 0 : i32
        %dma_wait3A_48 = tpu.memref_slice %arg8[%arg0, %dma_wait3A, %dma_wait3A_47] : memref<2x10000x128xf32, #tpu.memory_space<hbm>> -> memref<1x520x128xf32, #tpu.memory_space<hbm>>
        %dma_wait3A_49 = tpu.memref_squeeze %dma_wait3A_48 : memref<1x520x128xf32, #tpu.memory_space<hbm>> -> memref<520x128xf32, #tpu.memory_space<hbm>>
        %dma_wait3A_50 = arith.constant 9480 : i32
        %dma_wait3A_51 = arith.constant 0 : i32
        %dma_wait3A_52 = tpu.memref_slice %arg15[%dma_wait3A_50, %dma_wait3A_51] : memref<10112x128xf32, #tpu.memory_space<vmem_shared>> -> memref<520x128xf32, #tpu.memory_space<vmem_shared>>
        tpu.wait_dma2 semaphore(%run_scoped3A : memref<!tpu.dma_semaphore, #tpu.memory_space<semaphore_mem>>) src(%dma_wait3A_52 : memref<520x128xf32, #tpu.memory_space<vmem_shared>>) dst(%dma_wait3A_49 : memref<520x128xf32, #tpu.memory_space<hbm>>)
        tpu.yield
      }) : () -> ()
    } else {
    }
    return
  }
}

#map = affine_map<(d0, d1) -> (0, 0)>
#map1 = affine_map<(d0, d1) -> (0, 0, 0)>
module attributes {stable_mosaic.version = 14 : i64} {
  func.func @_agg_body(%arg0: i32, %arg1: i32, %arg2: memref<10000x128xf32, #tpu.memory_space<hbm>>, %arg3: memref<10000x128xf32, #tpu.memory_space<hbm>>, %arg4: memref<16x288x64xi32, #tpu.memory_space<hbm>>, %arg5: memref<16x288x64xi32, #tpu.memory_space<hbm>>, %arg6: memref<16x32x64xi32, #tpu.memory_space<hbm>>, %arg7: memref<16x32x64xi32, #tpu.memory_space<hbm>>, %arg8: memref<2x10000x128xf32, #tpu.memory_space<hbm>>, %arg9: memref<16x64xi32, #tpu.memory_space<vmem>>, %arg10: memref<16x64xi32, #tpu.memory_space<vmem>>, %arg11: memref<64x128xf32, #tpu.memory_space<vmem>>, %arg12: memref<64x128xf32, #tpu.memory_space<vmem>>, %arg13: memref<64x128xf32, #tpu.memory_space<vmem>>, %arg14: memref<64x128xf32, #tpu.memory_space<vmem>>, %arg15: memref<10112x128xf32, #tpu.memory_space<vmem_shared>>, %arg16: memref<!tpu.dma_semaphore, #tpu.memory_space<semaphore_mem>>, %arg17: memref<!tpu.dma_semaphore, #tpu.memory_space<semaphore_mem>>, %arg18: memref<!tpu.dma_semaphore, #tpu.memory_space<semaphore_mem>>, %arg19: memref<!tpu.dma_semaphore, #tpu.memory_space<semaphore_mem>>, %arg20: memref<!tpu.dma_semaphore, #tpu.memory_space<semaphore_mem>>, %arg21: memref<!tpu.dma_semaphore, #tpu.memory_space<semaphore_mem>>, %arg22: memref<!tpu.dma_semaphore, #tpu.memory_space<semaphore_mem>>, %arg23: memref<!tpu.dma_semaphore, #tpu.memory_space<semaphore_mem>>) attributes {dimension_semantics = [#tpu.dimension_semantics<core_parallel>, #tpu.dimension_semantics<subcore_parallel>], iteration_bounds = array<i64: 2, 16>, scalar_prefetch = 0 : i64, scratch_operands = 15 : i64, tpu.core_type = #tpu.core_type<sc_vector_subcore>, window_params = [{transform_indices = #map}, {transform_indices = #map}, {transform_indices = #map1}, {transform_indices = #map1}, {transform_indices = #map1}, {transform_indices = #map1}, {transform_indices = #map1}]} {
    %scan3A = arith.constant 0 : i32
    %scan3A_0 = arith.constant 64 : i32
    %scan3A_1 = arith.addi %scan3A, %scan3A_0 : i32
    %scan3A_2 = arith.constant 1 : i32
    scf.for %scan3A_41 = %scan3A to %scan3A_1 step %scan3A_2  : i32 {
      %mul3A_42 = arith.constant 1 : i32
      %mul3A_43 = arith.muli %scan3A_41, %mul3A_42 : i32
      %add3A_44 = arith.constant 0 : i32
      %add3A_45 = arith.addi %add3A_44, %mul3A_43 : i32
      %scan3A_46 = arith.constant 0 : i32
      %scan3A_47 = arith.constant 8 : i32
      %scan3A_48 = arith.addi %scan3A_46, %scan3A_47 : i32
      %scan3A_49 = arith.constant 1 : i32
      scf.for %scan3A_51 = %scan3A_46 to %scan3A_48 step %scan3A_49  : i32 {
        %mul3A_52 = arith.constant 16 : i32
        %mul3A_53 = arith.muli %scan3A_51, %mul3A_52 : i32
        %add3A_54 = arith.constant 0 : i32
        %add3A_55 = arith.addi %add3A_54, %mul3A_53 : i32
        %broadcast_in_dim3A = arith.constant 0.000000e+00 : f32
        %broadcast_in_dim3A_56 = vector.broadcast %broadcast_in_dim3A : f32 to vector<16xf32>
        %swap3A = arith.index_cast %add3A_45 : i32 to index
        %swap3A_57 = arith.index_cast %add3A_55 : i32 to index
        %swap3A_58 = tpu.vector_load %arg11[%swap3A, %swap3A_57] {strides = array<i32>} : memref<64x128xf32, #tpu.memory_space<vmem>>, vector<16xf32>,
        tpu.vector_store %arg11[%swap3A, %swap3A_57], %broadcast_in_dim3A_56 {strides = array<i32>} : memref<64x128xf32, #tpu.memory_space<vmem>>, vector<16xf32>,
      }
      %scan3A_50 = arith.constant 8 : i32
    }
    %scan3A_3 = arith.constant 64 : i32
    %mul3A = arith.constant 632 : i32
    %mul3A_4 = arith.muli %arg1, %mul3A : i32
    %add3A = arith.constant 0 : i32
    %add3A_5 = arith.addi %mul3A_4, %add3A : i32
    "tpu.region"() ({
      %run_scoped3A = tpu.sem_alloc : memref<!tpu.dma_semaphore, #tpu.memory_space<semaphore_mem>>
      %dma_start3A = arith.constant 0 : i32
      %dma_start3A_41 = tpu.memref_slice %arg15[%add3A_5, %dma_start3A] : memref<10112x128xf32, #tpu.memory_space<vmem_shared>> -> memref<64x128xf32, #tpu.memory_space<vmem_shared>>
      %dma_start3A_42 = arith.constant 0 : i32
      %dma_start3A_43 = tpu.memref_slice %arg15[%add3A_5, %dma_start3A_42] : memref<10112x128xf32, #tpu.memory_space<vmem_shared>> -> memref<64x128xf32, #tpu.memory_space<vmem_shared>>
      tpu.enqueue_dma source(%arg11 : memref<64x128xf32, #tpu.memory_space<vmem>>) target(%dma_start3A_43 : memref<64x128xf32, #tpu.memory_space<vmem_shared>>) target_semaphore(%run_scoped3A : memref<!tpu.dma_semaphore, #tpu.memory_space<semaphore_mem>>)
      %dma_wait3A = arith.constant 0 : i32
      %dma_wait3A_44 = tpu.memref_slice %arg15[%add3A_5, %dma_wait3A] : memref<10112x128xf32, #tpu.memory_space<vmem_shared>> -> memref<64x128xf32, #tpu.memory_space<vmem_shared>>
      %dma_wait3A_45 = arith.constant 0 : i32
      %dma_wait3A_46 = tpu.memref_slice %arg15[%add3A_5, %dma_wait3A_45] : memref<10112x128xf32, #tpu.memory_space<vmem_shared>> -> memref<64x128xf32, #tpu.memory_space<vmem_shared>>
      tpu.wait_dma2 semaphore(%run_scoped3A : memref<!tpu.dma_semaphore, #tpu.memory_space<semaphore_mem>>) src(%arg11 : memref<64x128xf32, #tpu.memory_space<vmem>>) dst(%dma_wait3A_46 : memref<64x128xf32, #tpu.memory_space<vmem_shared>>)
      tpu.yield
    }) : () -> ()
    %add3A_6 = arith.constant 64 : i32
    %add3A_7 = arith.addi %mul3A_4, %add3A_6 : i32
    "tpu.region"() ({
      %run_scoped3A = tpu.sem_alloc : memref<!tpu.dma_semaphore, #tpu.memory_space<semaphore_mem>>
      %dma_start3A = arith.constant 0 : i32
      %dma_start3A_41 = tpu.memref_slice %arg15[%add3A_7, %dma_start3A] : memref<10112x128xf32, #tpu.memory_space<vmem_shared>> -> memref<64x128xf32, #tpu.memory_space<vmem_shared>>
      %dma_start3A_42 = arith.constant 0 : i32
      %dma_start3A_43 = tpu.memref_slice %arg15[%add3A_7, %dma_start3A_42] : memref<10112x128xf32, #tpu.memory_space<vmem_shared>> -> memref<64x128xf32, #tpu.memory_space<vmem_shared>>
      tpu.enqueue_dma source(%arg11 : memref<64x128xf32, #tpu.memory_space<vmem>>) target(%dma_start3A_43 : memref<64x128xf32, #tpu.memory_space<vmem_shared>>) target_semaphore(%run_scoped3A : memref<!tpu.dma_semaphore, #tpu.memory_space<semaphore_mem>>)
      %dma_wait3A = arith.constant 0 : i32
      %dma_wait3A_44 = tpu.memref_slice %arg15[%add3A_7, %dma_wait3A] : memref<10112x128xf32, #tpu.memory_space<vmem_shared>> -> memref<64x128xf32, #tpu.memory_space<vmem_shared>>
      %dma_wait3A_45 = arith.constant 0 : i32
      %dma_wait3A_46 = tpu.memref_slice %arg15[%add3A_7, %dma_wait3A_45] : memref<10112x128xf32, #tpu.memory_space<vmem_shared>> -> memref<64x128xf32, #tpu.memory_space<vmem_shared>>
      tpu.wait_dma2 semaphore(%run_scoped3A : memref<!tpu.dma_semaphore, #tpu.memory_space<semaphore_mem>>) src(%arg11 : memref<64x128xf32, #tpu.memory_space<vmem>>) dst(%dma_wait3A_46 : memref<64x128xf32, #tpu.memory_space<vmem_shared>>)
      tpu.yield
    }) : () -> ()
    %add3A_8 = arith.constant 128 : i32
    %add3A_9 = arith.addi %mul3A_4, %add3A_8 : i32
    "tpu.region"() ({
      %run_scoped3A = tpu.sem_alloc : memref<!tpu.dma_semaphore, #tpu.memory_space<semaphore_mem>>
      %dma_start3A = arith.constant 0 : i32
      %dma_start3A_41 = tpu.memref_slice %arg15[%add3A_9, %dma_start3A] : memref<10112x128xf32, #tpu.memory_space<vmem_shared>> -> memref<64x128xf32, #tpu.memory_space<vmem_shared>>
      %dma_start3A_42 = arith.constant 0 : i32
      %dma_start3A_43 = tpu.memref_slice %arg15[%add3A_9, %dma_start3A_42] : memref<10112x128xf32, #tpu.memory_space<vmem_shared>> -> memref<64x128xf32, #tpu.memory_space<vmem_shared>>
      tpu.enqueue_dma source(%arg11 : memref<64x128xf32, #tpu.memory_space<vmem>>) target(%dma_start3A_43 : memref<64x128xf32, #tpu.memory_space<vmem_shared>>) target_semaphore(%run_scoped3A : memref<!tpu.dma_semaphore, #tpu.memory_space<semaphore_mem>>)
      %dma_wait3A = arith.constant 0 : i32
      %dma_wait3A_44 = tpu.memref_slice %arg15[%add3A_9, %dma_wait3A] : memref<10112x128xf32, #tpu.memory_space<vmem_shared>> -> memref<64x128xf32, #tpu.memory_space<vmem_shared>>
      %dma_wait3A_45 = arith.constant 0 : i32
      %dma_wait3A_46 = tpu.memref_slice %arg15[%add3A_9, %dma_wait3A_45] : memref<10112x128xf32, #tpu.memory_space<vmem_shared>> -> memref<64x128xf32, #tpu.memory_space<vmem_shared>>
      tpu.wait_dma2 semaphore(%run_scoped3A : memref<!tpu.dma_semaphore, #tpu.memory_space<semaphore_mem>>) src(%arg11 : memref<64x128xf32, #tpu.memory_space<vmem>>) dst(%dma_wait3A_46 : memref<64x128xf32, #tpu.memory_space<vmem_shared>>)
      tpu.yield
    }) : () -> ()
    %add3A_10 = arith.constant 192 : i32
    %add3A_11 = arith.addi %mul3A_4, %add3A_10 : i32
    "tpu.region"() ({
      %run_scoped3A = tpu.sem_alloc : memref<!tpu.dma_semaphore, #tpu.memory_space<semaphore_mem>>
      %dma_start3A = arith.constant 0 : i32
      %dma_start3A_41 = tpu.memref_slice %arg15[%add3A_11, %dma_start3A] : memref<10112x128xf32, #tpu.memory_space<vmem_shared>> -> memref<64x128xf32, #tpu.memory_space<vmem_shared>>
      %dma_start3A_42 = arith.constant 0 : i32
      %dma_start3A_43 = tpu.memref_slice %arg15[%add3A_11, %dma_start3A_42] : memref<10112x128xf32, #tpu.memory_space<vmem_shared>> -> memref<64x128xf32, #tpu.memory_space<vmem_shared>>
      tpu.enqueue_dma source(%arg11 : memref<64x128xf32, #tpu.memory_space<vmem>>) target(%dma_start3A_43 : memref<64x128xf32, #tpu.memory_space<vmem_shared>>) target_semaphore(%run_scoped3A : memref<!tpu.dma_semaphore, #tpu.memory_space<semaphore_mem>>)
      %dma_wait3A = arith.constant 0 : i32
      %dma_wait3A_44 = tpu.memref_slice %arg15[%add3A_11, %dma_wait3A] : memref<10112x128xf32, #tpu.memory_space<vmem_shared>> -> memref<64x128xf32, #tpu.memory_space<vmem_shared>>
      %dma_wait3A_45 = arith.constant 0 : i32
      %dma_wait3A_46 = tpu.memref_slice %arg15[%add3A_11, %dma_wait3A_45] : memref<10112x128xf32, #tpu.memory_space<vmem_shared>> -> memref<64x128xf32, #tpu.memory_space<vmem_shared>>
      tpu.wait_dma2 semaphore(%run_scoped3A : memref<!tpu.dma_semaphore, #tpu.memory_space<semaphore_mem>>) src(%arg11 : memref<64x128xf32, #tpu.memory_space<vmem>>) dst(%dma_wait3A_46 : memref<64x128xf32, #tpu.memory_space<vmem_shared>>)
      tpu.yield
    }) : () -> ()
    %add3A_12 = arith.constant 256 : i32
    %add3A_13 = arith.addi %mul3A_4, %add3A_12 : i32
    "tpu.region"() ({
      %run_scoped3A = tpu.sem_alloc : memref<!tpu.dma_semaphore, #tpu.memory_space<semaphore_mem>>
      %dma_start3A = arith.constant 0 : i32
      %dma_start3A_41 = tpu.memref_slice %arg15[%add3A_13, %dma_start3A] : memref<10112x128xf32, #tpu.memory_space<vmem_shared>> -> memref<64x128xf32, #tpu.memory_space<vmem_shared>>
      %dma_start3A_42 = arith.constant 0 : i32
      %dma_start3A_43 = tpu.memref_slice %arg15[%add3A_13, %dma_start3A_42] : memref<10112x128xf32, #tpu.memory_space<vmem_shared>> -> memref<64x128xf32, #tpu.memory_space<vmem_shared>>
      tpu.enqueue_dma source(%arg11 : memref<64x128xf32, #tpu.memory_space<vmem>>) target(%dma_start3A_43 : memref<64x128xf32, #tpu.memory_space<vmem_shared>>) target_semaphore(%run_scoped3A : memref<!tpu.dma_semaphore, #tpu.memory_space<semaphore_mem>>)
      %dma_wait3A = arith.constant 0 : i32
      %dma_wait3A_44 = tpu.memref_slice %arg15[%add3A_13, %dma_wait3A] : memref<10112x128xf32, #tpu.memory_space<vmem_shared>> -> memref<64x128xf32, #tpu.memory_space<vmem_shared>>
      %dma_wait3A_45 = arith.constant 0 : i32
      %dma_wait3A_46 = tpu.memref_slice %arg15[%add3A_13, %dma_wait3A_45] : memref<10112x128xf32, #tpu.memory_space<vmem_shared>> -> memref<64x128xf32, #tpu.memory_space<vmem_shared>>
      tpu.wait_dma2 semaphore(%run_scoped3A : memref<!tpu.dma_semaphore, #tpu.memory_space<semaphore_mem>>) src(%arg11 : memref<64x128xf32, #tpu.memory_space<vmem>>) dst(%dma_wait3A_46 : memref<64x128xf32, #tpu.memory_space<vmem_shared>>)
      tpu.yield
    }) : () -> ()
    %add3A_14 = arith.constant 320 : i32
    %add3A_15 = arith.addi %mul3A_4, %add3A_14 : i32
    "tpu.region"() ({
      %run_scoped3A = tpu.sem_alloc : memref<!tpu.dma_semaphore, #tpu.memory_space<semaphore_mem>>
      %dma_start3A = arith.constant 0 : i32
      %dma_start3A_41 = tpu.memref_slice %arg15[%add3A_15, %dma_start3A] : memref<10112x128xf32, #tpu.memory_space<vmem_shared>> -> memref<64x128xf32, #tpu.memory_space<vmem_shared>>
      %dma_start3A_42 = arith.constant 0 : i32
      %dma_start3A_43 = tpu.memref_slice %arg15[%add3A_15, %dma_start3A_42] : memref<10112x128xf32, #tpu.memory_space<vmem_shared>> -> memref<64x128xf32, #tpu.memory_space<vmem_shared>>
      tpu.enqueue_dma source(%arg11 : memref<64x128xf32, #tpu.memory_space<vmem>>) target(%dma_start3A_43 : memref<64x128xf32, #tpu.memory_space<vmem_shared>>) target_semaphore(%run_scoped3A : memref<!tpu.dma_semaphore, #tpu.memory_space<semaphore_mem>>)
      %dma_wait3A = arith.constant 0 : i32
      %dma_wait3A_44 = tpu.memref_slice %arg15[%add3A_15, %dma_wait3A] : memref<10112x128xf32, #tpu.memory_space<vmem_shared>> -> memref<64x128xf32, #tpu.memory_space<vmem_shared>>
      %dma_wait3A_45 = arith.constant 0 : i32
      %dma_wait3A_46 = tpu.memref_slice %arg15[%add3A_15, %dma_wait3A_45] : memref<10112x128xf32, #tpu.memory_space<vmem_shared>> -> memref<64x128xf32, #tpu.memory_space<vmem_shared>>
      tpu.wait_dma2 semaphore(%run_scoped3A : memref<!tpu.dma_semaphore, #tpu.memory_space<semaphore_mem>>) src(%arg11 : memref<64x128xf32, #tpu.memory_space<vmem>>) dst(%dma_wait3A_46 : memref<64x128xf32, #tpu.memory_space<vmem_shared>>)
      tpu.yield
    }) : () -> ()
    %add3A_16 = arith.constant 384 : i32
    %add3A_17 = arith.addi %mul3A_4, %add3A_16 : i32
    "tpu.region"() ({
      %run_scoped3A = tpu.sem_alloc : memref<!tpu.dma_semaphore, #tpu.memory_space<semaphore_mem>>
      %dma_start3A = arith.constant 0 : i32
      %dma_start3A_41 = tpu.memref_slice %arg15[%add3A_17, %dma_start3A] : memref<10112x128xf32, #tpu.memory_space<vmem_shared>> -> memref<64x128xf32, #tpu.memory_space<vmem_shared>>
      %dma_start3A_42 = arith.constant 0 : i32
      %dma_start3A_43 = tpu.memref_slice %arg15[%add3A_17, %dma_start3A_42] : memref<10112x128xf32, #tpu.memory_space<vmem_shared>> -> memref<64x128xf32, #tpu.memory_space<vmem_shared>>
      tpu.enqueue_dma source(%arg11 : memref<64x128xf32, #tpu.memory_space<vmem>>) target(%dma_start3A_43 : memref<64x128xf32, #tpu.memory_space<vmem_shared>>) target_semaphore(%run_scoped3A : memref<!tpu.dma_semaphore, #tpu.memory_space<semaphore_mem>>)
      %dma_wait3A = arith.constant 0 : i32
      %dma_wait3A_44 = tpu.memref_slice %arg15[%add3A_17, %dma_wait3A] : memref<10112x128xf32, #tpu.memory_space<vmem_shared>> -> memref<64x128xf32, #tpu.memory_space<vmem_shared>>
      %dma_wait3A_45 = arith.constant 0 : i32
      %dma_wait3A_46 = tpu.memref_slice %arg15[%add3A_17, %dma_wait3A_45] : memref<10112x128xf32, #tpu.memory_space<vmem_shared>> -> memref<64x128xf32, #tpu.memory_space<vmem_shared>>
      tpu.wait_dma2 semaphore(%run_scoped3A : memref<!tpu.dma_semaphore, #tpu.memory_space<semaphore_mem>>) src(%arg11 : memref<64x128xf32, #tpu.memory_space<vmem>>) dst(%dma_wait3A_46 : memref<64x128xf32, #tpu.memory_space<vmem_shared>>)
      tpu.yield
    }) : () -> ()
    %add3A_18 = arith.constant 448 : i32
    %add3A_19 = arith.addi %mul3A_4, %add3A_18 : i32
    "tpu.region"() ({
      %run_scoped3A = tpu.sem_alloc : memref<!tpu.dma_semaphore, #tpu.memory_space<semaphore_mem>>
      %dma_start3A = arith.constant 0 : i32
      %dma_start3A_41 = tpu.memref_slice %arg15[%add3A_19, %dma_start3A] : memref<10112x128xf32, #tpu.memory_space<vmem_shared>> -> memref<64x128xf32, #tpu.memory_space<vmem_shared>>
      %dma_start3A_42 = arith.constant 0 : i32
      %dma_start3A_43 = tpu.memref_slice %arg15[%add3A_19, %dma_start3A_42] : memref<10112x128xf32, #tpu.memory_space<vmem_shared>> -> memref<64x128xf32, #tpu.memory_space<vmem_shared>>
      tpu.enqueue_dma source(%arg11 : memref<64x128xf32, #tpu.memory_space<vmem>>) target(%dma_start3A_43 : memref<64x128xf32, #tpu.memory_space<vmem_shared>>) target_semaphore(%run_scoped3A : memref<!tpu.dma_semaphore, #tpu.memory_space<semaphore_mem>>)
      %dma_wait3A = arith.constant 0 : i32
      %dma_wait3A_44 = tpu.memref_slice %arg15[%add3A_19, %dma_wait3A] : memref<10112x128xf32, #tpu.memory_space<vmem_shared>> -> memref<64x128xf32, #tpu.memory_space<vmem_shared>>
      %dma_wait3A_45 = arith.constant 0 : i32
      %dma_wait3A_46 = tpu.memref_slice %arg15[%add3A_19, %dma_wait3A_45] : memref<10112x128xf32, #tpu.memory_space<vmem_shared>> -> memref<64x128xf32, #tpu.memory_space<vmem_shared>>
      tpu.wait_dma2 semaphore(%run_scoped3A : memref<!tpu.dma_semaphore, #tpu.memory_space<semaphore_mem>>) src(%arg11 : memref<64x128xf32, #tpu.memory_space<vmem>>) dst(%dma_wait3A_46 : memref<64x128xf32, #tpu.memory_space<vmem_shared>>)
      tpu.yield
    }) : () -> ()
    %add3A_20 = arith.constant 512 : i32
    %add3A_21 = arith.addi %mul3A_4, %add3A_20 : i32
    "tpu.region"() ({
      %run_scoped3A = tpu.sem_alloc : memref<!tpu.dma_semaphore, #tpu.memory_space<semaphore_mem>>
      %dma_start3A = arith.constant 0 : i32
      %dma_start3A_41 = tpu.memref_slice %arg15[%add3A_21, %dma_start3A] : memref<10112x128xf32, #tpu.memory_space<vmem_shared>> -> memref<64x128xf32, #tpu.memory_space<vmem_shared>>
      %dma_start3A_42 = arith.constant 0 : i32
      %dma_start3A_43 = tpu.memref_slice %arg15[%add3A_21, %dma_start3A_42] : memref<10112x128xf32, #tpu.memory_space<vmem_shared>> -> memref<64x128xf32, #tpu.memory_space<vmem_shared>>
      tpu.enqueue_dma source(%arg11 : memref<64x128xf32, #tpu.memory_space<vmem>>) target(%dma_start3A_43 : memref<64x128xf32, #tpu.memory_space<vmem_shared>>) target_semaphore(%run_scoped3A : memref<!tpu.dma_semaphore, #tpu.memory_space<semaphore_mem>>)
      %dma_wait3A = arith.constant 0 : i32
      %dma_wait3A_44 = tpu.memref_slice %arg15[%add3A_21, %dma_wait3A] : memref<10112x128xf32, #tpu.memory_space<vmem_shared>> -> memref<64x128xf32, #tpu.memory_space<vmem_shared>>
      %dma_wait3A_45 = arith.constant 0 : i32
      %dma_wait3A_46 = tpu.memref_slice %arg15[%add3A_21, %dma_wait3A_45] : memref<10112x128xf32, #tpu.memory_space<vmem_shared>> -> memref<64x128xf32, #tpu.memory_space<vmem_shared>>
      tpu.wait_dma2 semaphore(%run_scoped3A : memref<!tpu.dma_semaphore, #tpu.memory_space<semaphore_mem>>) src(%arg11 : memref<64x128xf32, #tpu.memory_space<vmem>>) dst(%dma_wait3A_46 : memref<64x128xf32, #tpu.memory_space<vmem_shared>>)
      tpu.yield
    }) : () -> ()
    %add3A_22 = arith.constant 576 : i32
    %add3A_23 = arith.addi %mul3A_4, %add3A_22 : i32
    "tpu.region"() ({
      %run_scoped3A = tpu.sem_alloc : memref<!tpu.dma_semaphore, #tpu.memory_space<semaphore_mem>>
      %dma_start3A = arith.constant 0 : i32
      %dma_start3A_41 = arith.constant 0 : i32
      %dma_start3A_42 = tpu.memref_slice %arg11[%dma_start3A, %dma_start3A_41] : memref<64x128xf32, #tpu.memory_space<vmem>> -> memref<56x128xf32, #tpu.memory_space<vmem>>
      %dma_start3A_43 = arith.constant 0 : i32
      %dma_start3A_44 = tpu.memref_slice %arg15[%add3A_23, %dma_start3A_43] : memref<10112x128xf32, #tpu.memory_space<vmem_shared>> -> memref<56x128xf32, #tpu.memory_space<vmem_shared>>
      %dma_start3A_45 = arith.constant 0 : i32
      %dma_start3A_46 = tpu.memref_slice %arg15[%add3A_23, %dma_start3A_45] : memref<10112x128xf32, #tpu.memory_space<vmem_shared>> -> memref<56x128xf32, #tpu.memory_space<vmem_shared>>
      %dma_start3A_47 = arith.constant 0 : i32
      %dma_start3A_48 = arith.constant 0 : i32
      %dma_start3A_49 = tpu.memref_slice %arg11[%dma_start3A_47, %dma_start3A_48] : memref<64x128xf32, #tpu.memory_space<vmem>> -> memref<56x128xf32, #tpu.memory_space<vmem>>
      tpu.enqueue_dma source(%dma_start3A_49 : memref<56x128xf32, #tpu.memory_space<vmem>>) target(%dma_start3A_46 : memref<56x128xf32, #tpu.memory_space<vmem_shared>>) target_semaphore(%run_scoped3A : memref<!tpu.dma_semaphore, #tpu.memory_space<semaphore_mem>>)
      %dma_wait3A = arith.constant 0 : i32
      %dma_wait3A_50 = arith.constant 0 : i32
      %dma_wait3A_51 = tpu.memref_slice %arg11[%dma_wait3A, %dma_wait3A_50] : memref<64x128xf32, #tpu.memory_space<vmem>> -> memref<56x128xf32, #tpu.memory_space<vmem>>
      %dma_wait3A_52 = arith.constant 0 : i32
      %dma_wait3A_53 = tpu.memref_slice %arg15[%add3A_23, %dma_wait3A_52] : memref<10112x128xf32, #tpu.memory_space<vmem_shared>> -> memref<56x128xf32, #tpu.memory_space<vmem_shared>>
      %dma_wait3A_54 = arith.constant 0 : i32
      %dma_wait3A_55 = tpu.memref_slice %arg15[%add3A_23, %dma_wait3A_54] : memref<10112x128xf32, #tpu.memory_space<vmem_shared>> -> memref<56x128xf32, #tpu.memory_space<vmem_shared>>
      %dma_wait3A_56 = arith.constant 0 : i32
      %dma_wait3A_57 = arith.constant 0 : i32
      %dma_wait3A_58 = tpu.memref_slice %arg11[%dma_wait3A_56, %dma_wait3A_57] : memref<64x128xf32, #tpu.memory_space<vmem>> -> memref<56x128xf32, #tpu.memory_space<vmem>>
      tpu.wait_dma2 semaphore(%run_scoped3A : memref<!tpu.dma_semaphore, #tpu.memory_space<semaphore_mem>>) src(%dma_wait3A_58 : memref<56x128xf32, #tpu.memory_space<vmem>>) dst(%dma_wait3A_55 : memref<56x128xf32, #tpu.memory_space<vmem_shared>>)
      tpu.yield
    }) : () -> ()
    %barrier3A = arith.constant 0 : index
    tpu.barrier barrier_id(%barrier3A)
    %eq3A = arith.constant 0 : i32
    %eq3A_24 = arith.cmpi eq, %arg0, %eq3A : i32
    %convert_element_type3A = arith.extui %eq3A_24 : i1 to i32
    %cond3A = arith.constant 0 : i32
    %cond3A_25 = arith.cmpi ne, %convert_element_type3A, %cond3A : i32
    scf.if %cond3A_25 {
      %scan3A_41 = arith.constant 0 : i32
      %scan3A_42 = arith.constant 18 : i32
      %scan3A_43 = arith.addi %scan3A_41, %scan3A_42 : i32
      %scan3A_44 = arith.constant 1 : i32
      scf.for %scan3A_46 = %scan3A_41 to %scan3A_43 step %scan3A_44  : i32 {
        %mul3A_47 = arith.constant 1 : i32
        %mul3A_48 = arith.muli %scan3A_46, %mul3A_47 : i32
        %add3A_49 = arith.constant 0 : i32
        %add3A_50 = arith.addi %add3A_49, %mul3A_48 : i32
        %mul3A_51 = arith.constant 16 : i32
        %mul3A_52 = arith.muli %add3A_50, %mul3A_51 : i32
        %multiple_of3A = tpu.assume_multiple %mul3A_52, 8 : i32
        "tpu.region"() ({
          %run_scoped3A = tpu.sem_alloc : memref<!tpu.dma_semaphore, #tpu.memory_space<semaphore_mem>>
          %dma_start3A_85 = arith.constant 0 : i32
          %dma_start3A_86 = tpu.memref_slice %arg4[%arg1, %multiple_of3A, %dma_start3A_85] : memref<16x288x64xi32, #tpu.memory_space<hbm>> -> memref<1x16x64xi32, #tpu.memory_space<hbm>>
          %dma_start3A_87 = tpu.memref_squeeze %dma_start3A_86 : memref<1x16x64xi32, #tpu.memory_space<hbm>> -> memref<16x64xi32, #tpu.memory_space<hbm>>
          %dma_start3A_88 = arith.constant 0 : i32
          %dma_start3A_89 = tpu.memref_slice %arg4[%arg1, %multiple_of3A, %dma_start3A_88] : memref<16x288x64xi32, #tpu.memory_space<hbm>> -> memref<1x16x64xi32, #tpu.memory_space<hbm>>
          %dma_start3A_90 = tpu.memref_squeeze %dma_start3A_89 : memref<1x16x64xi32, #tpu.memory_space<hbm>> -> memref<16x64xi32, #tpu.memory_space<hbm>>
          tpu.enqueue_dma source(%dma_start3A_90 : memref<16x64xi32, #tpu.memory_space<hbm>>) target(%arg9 : memref<16x64xi32, #tpu.memory_space<vmem>>) target_semaphore(%run_scoped3A : memref<!tpu.dma_semaphore, #tpu.memory_space<semaphore_mem>>)
          %dma_wait3A = arith.constant 0 : i32
          %dma_wait3A_91 = tpu.memref_slice %arg4[%arg1, %multiple_of3A, %dma_wait3A] : memref<16x288x64xi32, #tpu.memory_space<hbm>> -> memref<1x16x64xi32, #tpu.memory_space<hbm>>
          %dma_wait3A_92 = tpu.memref_squeeze %dma_wait3A_91 : memref<1x16x64xi32, #tpu.memory_space<hbm>> -> memref<16x64xi32, #tpu.memory_space<hbm>>
          %dma_wait3A_93 = arith.constant 0 : i32
          %dma_wait3A_94 = tpu.memref_slice %arg4[%arg1, %multiple_of3A, %dma_wait3A_93] : memref<16x288x64xi32, #tpu.memory_space<hbm>> -> memref<1x16x64xi32, #tpu.memory_space<hbm>>
          %dma_wait3A_95 = tpu.memref_squeeze %dma_wait3A_94 : memref<1x16x64xi32, #tpu.memory_space<hbm>> -> memref<16x64xi32, #tpu.memory_space<hbm>>
          tpu.wait_dma2 semaphore(%run_scoped3A : memref<!tpu.dma_semaphore, #tpu.memory_space<semaphore_mem>>) src(%dma_wait3A_95 : memref<16x64xi32, #tpu.memory_space<hbm>>) dst(%arg9 : memref<16x64xi32, #tpu.memory_space<vmem>>)
          tpu.yield
        }) : () -> ()
        "tpu.region"() ({
          %run_scoped3A = tpu.sem_alloc : memref<!tpu.dma_semaphore, #tpu.memory_space<semaphore_mem>>
          %dma_start3A_85 = arith.constant 0 : i32
          %dma_start3A_86 = tpu.memref_slice %arg5[%arg1, %multiple_of3A, %dma_start3A_85] : memref<16x288x64xi32, #tpu.memory_space<hbm>> -> memref<1x16x64xi32, #tpu.memory_space<hbm>>
          %dma_start3A_87 = tpu.memref_squeeze %dma_start3A_86 : memref<1x16x64xi32, #tpu.memory_space<hbm>> -> memref<16x64xi32, #tpu.memory_space<hbm>>
          %dma_start3A_88 = arith.constant 0 : i32
          %dma_start3A_89 = tpu.memref_slice %arg5[%arg1, %multiple_of3A, %dma_start3A_88] : memref<16x288x64xi32, #tpu.memory_space<hbm>> -> memref<1x16x64xi32, #tpu.memory_space<hbm>>
          %dma_start3A_90 = tpu.memref_squeeze %dma_start3A_89 : memref<1x16x64xi32, #tpu.memory_space<hbm>> -> memref<16x64xi32, #tpu.memory_space<hbm>>
          tpu.enqueue_dma source(%dma_start3A_90 : memref<16x64xi32, #tpu.memory_space<hbm>>) target(%arg10 : memref<16x64xi32, #tpu.memory_space<vmem>>) target_semaphore(%run_scoped3A : memref<!tpu.dma_semaphore, #tpu.memory_space<semaphore_mem>>)
          %dma_wait3A = arith.constant 0 : i32
          %dma_wait3A_91 = tpu.memref_slice %arg5[%arg1, %multiple_of3A, %dma_wait3A] : memref<16x288x64xi32, #tpu.memory_space<hbm>> -> memref<1x16x64xi32, #tpu.memory_space<hbm>>
          %dma_wait3A_92 = tpu.memref_squeeze %dma_wait3A_91 : memref<1x16x64xi32, #tpu.memory_space<hbm>> -> memref<16x64xi32, #tpu.memory_space<hbm>>
          %dma_wait3A_93 = arith.constant 0 : i32
          %dma_wait3A_94 = tpu.memref_slice %arg5[%arg1, %multiple_of3A, %dma_wait3A_93] : memref<16x288x64xi32, #tpu.memory_space<hbm>> -> memref<1x16x64xi32, #tpu.memory_space<hbm>>
          %dma_wait3A_95 = tpu.memref_squeeze %dma_wait3A_94 : memref<1x16x64xi32, #tpu.memory_space<hbm>> -> memref<16x64xi32, #tpu.memory_space<hbm>>
          tpu.wait_dma2 semaphore(%run_scoped3A : memref<!tpu.dma_semaphore, #tpu.memory_space<semaphore_mem>>) src(%dma_wait3A_95 : memref<16x64xi32, #tpu.memory_space<hbm>>) dst(%arg10 : memref<16x64xi32, #tpu.memory_space<vmem>>)
          tpu.yield
        }) : () -> ()
        %dma_start3A = arith.constant 0 : i32
        %dma_start3A_53 = arith.constant 0 : i32
        %dma_start3A_54 = tpu.memref_slice %arg9[%dma_start3A, %dma_start3A_53] : memref<16x64xi32, #tpu.memory_space<vmem>> -> memref<1x64xi32, #tpu.memory_space<vmem>>
        %dma_start3A_55 = tpu.memref_squeeze %dma_start3A_54 : memref<1x64xi32, #tpu.memory_space<vmem>> -> memref<64xi32, #tpu.memory_space<vmem>>
        %dma_start3A_56 = arith.constant 0 : i32
        %dma_start3A_57 = arith.constant 0 : i32
        %dma_start3A_58 = tpu.memref_slice %arg2[%dma_start3A_56, %dma_start3A_57] : memref<10000x128xf32, #tpu.memory_space<hbm>> -> memref<10000x128xf32, #tpu.memory_space<hbm>>
        tpu.enqueue_indirect_dma source(%dma_start3A_58 : memref<10000x128xf32, #tpu.memory_space<hbm>>) target(%arg11 : memref<64x128xf32, #tpu.memory_space<vmem>>) offsets(%dma_start3A_55 : memref<64xi32, #tpu.memory_space<vmem>>) semaphore(%arg16 : memref<!tpu.dma_semaphore, #tpu.memory_space<semaphore_mem>>)
        %dma_start3A_59 = arith.constant 1 : i32
        %dma_start3A_60 = arith.constant 0 : i32
        %dma_start3A_61 = tpu.memref_slice %arg9[%dma_start3A_59, %dma_start3A_60] : memref<16x64xi32, #tpu.memory_space<vmem>> -> memref<1x64xi32, #tpu.memory_space<vmem>>
        %dma_start3A_62 = tpu.memref_squeeze %dma_start3A_61 : memref<1x64xi32, #tpu.memory_space<vmem>> -> memref<64xi32, #tpu.memory_space<vmem>>
        %dma_start3A_63 = arith.constant 0 : i32
        %dma_start3A_64 = arith.constant 0 : i32
        %dma_start3A_65 = tpu.memref_slice %arg2[%dma_start3A_63, %dma_start3A_64] : memref<10000x128xf32, #tpu.memory_space<hbm>> -> memref<10000x128xf32, #tpu.memory_space<hbm>>
        tpu.enqueue_indirect_dma source(%dma_start3A_65 : memref<10000x128xf32, #tpu.memory_space<hbm>>) target(%arg12 : memref<64x128xf32, #tpu.memory_space<vmem>>) offsets(%dma_start3A_62 : memref<64xi32, #tpu.memory_space<vmem>>) semaphore(%arg17 : memref<!tpu.dma_semaphore, #tpu.memory_space<semaphore_mem>>)
        %dma_start3A_66 = arith.constant 2 : i32
        %dma_start3A_67 = arith.constant 0 : i32
        %dma_start3A_68 = tpu.memref_slice %arg9[%dma_start3A_66, %dma_start3A_67] : memref<16x64xi32, #tpu.memory_space<vmem>> -> memref<1x64xi32, #tpu.memory_space<vmem>>
        %dma_start3A_69 = tpu.memref_squeeze %dma_start3A_68 : memref<1x64xi32, #tpu.memory_space<vmem>> -> memref<64xi32, #tpu.memory_space<vmem>>
        %dma_start3A_70 = arith.constant 0 : i32
        %dma_start3A_71 = arith.constant 0 : i32
        %dma_start3A_72 = tpu.memref_slice %arg2[%dma_start3A_70, %dma_start3A_71] : memref<10000x128xf32, #tpu.memory_space<hbm>> -> memref<10000x128xf32, #tpu.memory_space<hbm>>
        tpu.enqueue_indirect_dma source(%dma_start3A_72 : memref<10000x128xf32, #tpu.memory_space<hbm>>) target(%arg13 : memref<64x128xf32, #tpu.memory_space<vmem>>) offsets(%dma_start3A_69 : memref<64xi32, #tpu.memory_space<vmem>>) semaphore(%arg18 : memref<!tpu.dma_semaphore, #tpu.memory_space<semaphore_mem>>)
        %dma_start3A_73 = arith.constant 3 : i32
        %dma_start3A_74 = arith.constant 0 : i32
        %dma_start3A_75 = tpu.memref_slice %arg9[%dma_start3A_73, %dma_start3A_74] : memref<16x64xi32, #tpu.memory_space<vmem>> -> memref<1x64xi32, #tpu.memory_space<vmem>>
        %dma_start3A_76 = tpu.memref_squeeze %dma_start3A_75 : memref<1x64xi32, #tpu.memory_space<vmem>> -> memref<64xi32, #tpu.memory_space<vmem>>
        %dma_start3A_77 = arith.constant 0 : i32
        %dma_start3A_78 = arith.constant 0 : i32
        %dma_start3A_79 = tpu.memref_slice %arg2[%dma_start3A_77, %dma_start3A_78] : memref<10000x128xf32, #tpu.memory_space<hbm>> -> memref<10000x128xf32, #tpu.memory_space<hbm>>
        tpu.enqueue_indirect_dma source(%dma_start3A_79 : memref<10000x128xf32, #tpu.memory_space<hbm>>) target(%arg14 : memref<64x128xf32, #tpu.memory_space<vmem>>) offsets(%dma_start3A_76 : memref<64xi32, #tpu.memory_space<vmem>>) semaphore(%arg19 : memref<!tpu.dma_semaphore, #tpu.memory_space<semaphore_mem>>)
        %scan3A_80 = arith.constant 0 : i32
        %scan3A_81 = arith.constant 4 : i32
        %scan3A_82 = arith.addi %scan3A_80, %scan3A_81 : i32
        %scan3A_83 = arith.constant 1 : i32
        scf.for %scan3A_85 = %scan3A_80 to %scan3A_82 step %scan3A_83  : i32 {
          %mul3A_86 = arith.constant 4 : i32
          %mul3A_87 = arith.muli %scan3A_85, %mul3A_86 : i32
          %add3A_88 = arith.constant 0 : i32
          %add3A_89 = arith.addi %add3A_88, %mul3A_87 : i32
          %add3A_90 = arith.constant 0 : i32
          %add3A_91 = arith.addi %add3A_89, %add3A_90 : i32
          %dma_wait3A = arith.constant 0 : i32
          %dma_wait3A_92 = tpu.memref_slice %arg9[%add3A_91, %dma_wait3A] : memref<16x64xi32, #tpu.memory_space<vmem>> -> memref<1x64xi32, #tpu.memory_space<vmem>>
          %dma_wait3A_93 = tpu.memref_squeeze %dma_wait3A_92 : memref<1x64xi32, #tpu.memory_space<vmem>> -> memref<64xi32, #tpu.memory_space<vmem>>
          %dma_wait3A_94 = arith.constant 0 : i32
          %dma_wait3A_95 = arith.constant 0 : i32
          %dma_wait3A_96 = tpu.memref_slice %arg2[%dma_wait3A_94, %dma_wait3A_95] : memref<10000x128xf32, #tpu.memory_space<hbm>> -> memref<10000x128xf32, #tpu.memory_space<hbm>>
          tpu.wait_indirect_dma semaphore(%arg16 : memref<!tpu.dma_semaphore, #tpu.memory_space<semaphore_mem>>) src(%dma_wait3A_96 : memref<10000x128xf32, #tpu.memory_space<hbm>>) dst(%arg11 : memref<64x128xf32, #tpu.memory_space<vmem>>)
          %add3A_97 = arith.constant 0 : i32
          %add3A_98 = arith.addi %add3A_89, %add3A_97 : i32
          %dma_start3A_99 = arith.constant 0 : i32
          %dma_start3A_100 = tpu.memref_slice %arg10[%add3A_98, %dma_start3A_99] : memref<16x64xi32, #tpu.memory_space<vmem>> -> memref<1x64xi32, #tpu.memory_space<vmem>>
          %dma_start3A_101 = tpu.memref_squeeze %dma_start3A_100 : memref<1x64xi32, #tpu.memory_space<vmem>> -> memref<64xi32, #tpu.memory_space<vmem>>
          %dma_start3A_102 = arith.constant 0 : i32
          %dma_start3A_103 = arith.constant 0 : i32
          %dma_start3A_104 = tpu.memref_slice %arg15[%dma_start3A_102, %dma_start3A_103] : memref<10112x128xf32, #tpu.memory_space<vmem_shared>> -> memref<10112x128xf32, #tpu.memory_space<vmem_shared>>
          tpu.enqueue_indirect_dma source(%arg11 : memref<64x128xf32, #tpu.memory_space<vmem>>) target(%dma_start3A_104 : memref<10112x128xf32, #tpu.memory_space<vmem_shared>>) offsets(%dma_start3A_101 : memref<64xi32, #tpu.memory_space<vmem>>) semaphore(%arg20 : memref<!tpu.dma_semaphore, #tpu.memory_space<semaphore_mem>>) {add = true}
          %add3A_105 = arith.constant 1 : i32
          %add3A_106 = arith.addi %add3A_89, %add3A_105 : i32
          %dma_wait3A_107 = arith.constant 0 : i32
          %dma_wait3A_108 = tpu.memref_slice %arg9[%add3A_106, %dma_wait3A_107] : memref<16x64xi32, #tpu.memory_space<vmem>> -> memref<1x64xi32, #tpu.memory_space<vmem>>
          %dma_wait3A_109 = tpu.memref_squeeze %dma_wait3A_108 : memref<1x64xi32, #tpu.memory_space<vmem>> -> memref<64xi32, #tpu.memory_space<vmem>>
          %dma_wait3A_110 = arith.constant 0 : i32
          %dma_wait3A_111 = arith.constant 0 : i32
          %dma_wait3A_112 = tpu.memref_slice %arg2[%dma_wait3A_110, %dma_wait3A_111] : memref<10000x128xf32, #tpu.memory_space<hbm>> -> memref<10000x128xf32, #tpu.memory_space<hbm>>
          tpu.wait_indirect_dma semaphore(%arg17 : memref<!tpu.dma_semaphore, #tpu.memory_space<semaphore_mem>>) src(%dma_wait3A_112 : memref<10000x128xf32, #tpu.memory_space<hbm>>) dst(%arg12 : memref<64x128xf32, #tpu.memory_space<vmem>>)
          %add3A_113 = arith.constant 1 : i32
          %add3A_114 = arith.addi %add3A_89, %add3A_113 : i32
          %dma_start3A_115 = arith.constant 0 : i32
          %dma_start3A_116 = tpu.memref_slice %arg10[%add3A_114, %dma_start3A_115] : memref<16x64xi32, #tpu.memory_space<vmem>> -> memref<1x64xi32, #tpu.memory_space<vmem>>
          %dma_start3A_117 = tpu.memref_squeeze %dma_start3A_116 : memref<1x64xi32, #tpu.memory_space<vmem>> -> memref<64xi32, #tpu.memory_space<vmem>>
          %dma_start3A_118 = arith.constant 0 : i32
          %dma_start3A_119 = arith.constant 0 : i32
          %dma_start3A_120 = tpu.memref_slice %arg15[%dma_start3A_118, %dma_start3A_119] : memref<10112x128xf32, #tpu.memory_space<vmem_shared>> -> memref<10112x128xf32, #tpu.memory_space<vmem_shared>>
          tpu.enqueue_indirect_dma source(%arg12 : memref<64x128xf32, #tpu.memory_space<vmem>>) target(%dma_start3A_120 : memref<10112x128xf32, #tpu.memory_space<vmem_shared>>) offsets(%dma_start3A_117 : memref<64xi32, #tpu.memory_space<vmem>>) semaphore(%arg21 : memref<!tpu.dma_semaphore, #tpu.memory_space<semaphore_mem>>) {add = true}
          %add3A_121 = arith.constant 2 : i32
          %add3A_122 = arith.addi %add3A_89, %add3A_121 : i32
          %dma_wait3A_123 = arith.constant 0 : i32
          %dma_wait3A_124 = tpu.memref_slice %arg9[%add3A_122, %dma_wait3A_123] : memref<16x64xi32, #tpu.memory_space<vmem>> -> memref<1x64xi32, #tpu.memory_space<vmem>>
          %dma_wait3A_125 = tpu.memref_squeeze %dma_wait3A_124 : memref<1x64xi32, #tpu.memory_space<vmem>> -> memref<64xi32, #tpu.memory_space<vmem>>
          %dma_wait3A_126 = arith.constant 0 : i32
          %dma_wait3A_127 = arith.constant 0 : i32
          %dma_wait3A_128 = tpu.memref_slice %arg2[%dma_wait3A_126, %dma_wait3A_127] : memref<10000x128xf32, #tpu.memory_space<hbm>> -> memref<10000x128xf32, #tpu.memory_space<hbm>>
          tpu.wait_indirect_dma semaphore(%arg18 : memref<!tpu.dma_semaphore, #tpu.memory_space<semaphore_mem>>) src(%dma_wait3A_128 : memref<10000x128xf32, #tpu.memory_space<hbm>>) dst(%arg13 : memref<64x128xf32, #tpu.memory_space<vmem>>)
          %add3A_129 = arith.constant 2 : i32
          %add3A_130 = arith.addi %add3A_89, %add3A_129 : i32
          %dma_start3A_131 = arith.constant 0 : i32
          %dma_start3A_132 = tpu.memref_slice %arg10[%add3A_130, %dma_start3A_131] : memref<16x64xi32, #tpu.memory_space<vmem>> -> memref<1x64xi32, #tpu.memory_space<vmem>>
          %dma_start3A_133 = tpu.memref_squeeze %dma_start3A_132 : memref<1x64xi32, #tpu.memory_space<vmem>> -> memref<64xi32, #tpu.memory_space<vmem>>
          %dma_start3A_134 = arith.constant 0 : i32
          %dma_start3A_135 = arith.constant 0 : i32
          %dma_start3A_136 = tpu.memref_slice %arg15[%dma_start3A_134, %dma_start3A_135] : memref<10112x128xf32, #tpu.memory_space<vmem_shared>> -> memref<10112x128xf32, #tpu.memory_space<vmem_shared>>
          tpu.enqueue_indirect_dma source(%arg13 : memref<64x128xf32, #tpu.memory_space<vmem>>) target(%dma_start3A_136 : memref<10112x128xf32, #tpu.memory_space<vmem_shared>>) offsets(%dma_start3A_133 : memref<64xi32, #tpu.memory_space<vmem>>) semaphore(%arg22 : memref<!tpu.dma_semaphore, #tpu.memory_space<semaphore_mem>>) {add = true}
          %add3A_137 = arith.constant 3 : i32
          %add3A_138 = arith.addi %add3A_89, %add3A_137 : i32
          %dma_wait3A_139 = arith.constant 0 : i32
          %dma_wait3A_140 = tpu.memref_slice %arg9[%add3A_138, %dma_wait3A_139] : memref<16x64xi32, #tpu.memory_space<vmem>> -> memref<1x64xi32, #tpu.memory_space<vmem>>
          %dma_wait3A_141 = tpu.memref_squeeze %dma_wait3A_140 : memref<1x64xi32, #tpu.memory_space<vmem>> -> memref<64xi32, #tpu.memory_space<vmem>>
          %dma_wait3A_142 = arith.constant 0 : i32
          %dma_wait3A_143 = arith.constant 0 : i32
          %dma_wait3A_144 = tpu.memref_slice %arg2[%dma_wait3A_142, %dma_wait3A_143] : memref<10000x128xf32, #tpu.memory_space<hbm>> -> memref<10000x128xf32, #tpu.memory_space<hbm>>
          tpu.wait_indirect_dma semaphore(%arg19 : memref<!tpu.dma_semaphore, #tpu.memory_space<semaphore_mem>>) src(%dma_wait3A_144 : memref<10000x128xf32, #tpu.memory_space<hbm>>) dst(%arg14 : memref<64x128xf32, #tpu.memory_space<vmem>>)
          %add3A_145 = arith.constant 3 : i32
          %add3A_146 = arith.addi %add3A_89, %add3A_145 : i32
          %dma_start3A_147 = arith.constant 0 : i32
          %dma_start3A_148 = tpu.memref_slice %arg10[%add3A_146, %dma_start3A_147] : memref<16x64xi32, #tpu.memory_space<vmem>> -> memref<1x64xi32, #tpu.memory_space<vmem>>
          %dma_start3A_149 = tpu.memref_squeeze %dma_start3A_148 : memref<1x64xi32, #tpu.memory_space<vmem>> -> memref<64xi32, #tpu.memory_space<vmem>>
          %dma_start3A_150 = arith.constant 0 : i32
          %dma_start3A_151 = arith.constant 0 : i32
          %dma_start3A_152 = tpu.memref_slice %arg15[%dma_start3A_150, %dma_start3A_151] : memref<10112x128xf32, #tpu.memory_space<vmem_shared>> -> memref<10112x128xf32, #tpu.memory_space<vmem_shared>>
          tpu.enqueue_indirect_dma source(%arg14 : memref<64x128xf32, #tpu.memory_space<vmem>>) target(%dma_start3A_152 : memref<10112x128xf32, #tpu.memory_space<vmem_shared>>) offsets(%dma_start3A_149 : memref<64xi32, #tpu.memory_space<vmem>>) semaphore(%arg23 : memref<!tpu.dma_semaphore, #tpu.memory_space<semaphore_mem>>) {add = true}
          %add3A_153 = arith.constant 0 : i32
          %add3A_154 = arith.addi %add3A_89, %add3A_153 : i32
          %dma_wait3A_155 = arith.constant 0 : i32
          %dma_wait3A_156 = tpu.memref_slice %arg10[%add3A_154, %dma_wait3A_155] : memref<16x64xi32, #tpu.memory_space<vmem>> -> memref<1x64xi32, #tpu.memory_space<vmem>>
          %dma_wait3A_157 = tpu.memref_squeeze %dma_wait3A_156 : memref<1x64xi32, #tpu.memory_space<vmem>> -> memref<64xi32, #tpu.memory_space<vmem>>
          %dma_wait3A_158 = arith.constant 0 : i32
          %dma_wait3A_159 = arith.constant 0 : i32
          %dma_wait3A_160 = tpu.memref_slice %arg15[%dma_wait3A_158, %dma_wait3A_159] : memref<10112x128xf32, #tpu.memory_space<vmem_shared>> -> memref<10112x128xf32, #tpu.memory_space<vmem_shared>>
          tpu.wait_indirect_dma semaphore(%arg20 : memref<!tpu.dma_semaphore, #tpu.memory_space<semaphore_mem>>) src(%arg11 : memref<64x128xf32, #tpu.memory_space<vmem>>) dst(%dma_wait3A_160 : memref<10112x128xf32, #tpu.memory_space<vmem_shared>>)
          %add3A_161 = arith.constant 0 : i32
          %add3A_162 = arith.addi %add3A_89, %add3A_161 : i32
          %add3A_163 = arith.constant 4 : i32
          %add3A_164 = arith.addi %add3A_162, %add3A_163 : i32
          %lt3A_165 = arith.constant 16 : i32
          %lt3A_166 = arith.cmpi slt, %add3A_164, %lt3A_165 : i32
          %convert_element_type3A_167 = arith.extui %lt3A_166 : i1 to i32
          %cond3A_168 = arith.constant 0 : i32
          %cond3A_169 = arith.cmpi ne, %convert_element_type3A_167, %cond3A_168 : i32
          scf.if %cond3A_169 {
            %add3A_221 = arith.constant 0 : i32
            %add3A_222 = arith.addi %add3A_89, %add3A_221 : i32
            %add3A_223 = arith.constant 4 : i32
            %add3A_224 = arith.addi %add3A_222, %add3A_223 : i32
            %dma_start3A_225 = arith.constant 0 : i32
            %dma_start3A_226 = tpu.memref_slice %arg9[%add3A_224, %dma_start3A_225] : memref<16x64xi32, #tpu.memory_space<vmem>> -> memref<1x64xi32, #tpu.memory_space<vmem>>
            %dma_start3A_227 = tpu.memref_squeeze %dma_start3A_226 : memref<1x64xi32, #tpu.memory_space<vmem>> -> memref<64xi32, #tpu.memory_space<vmem>>
            %dma_start3A_228 = arith.constant 0 : i32
            %dma_start3A_229 = arith.constant 0 : i32
            %dma_start3A_230 = tpu.memref_slice %arg2[%dma_start3A_228, %dma_start3A_229] : memref<10000x128xf32, #tpu.memory_space<hbm>> -> memref<10000x128xf32, #tpu.memory_space<hbm>>
            tpu.enqueue_indirect_dma source(%dma_start3A_230 : memref<10000x128xf32, #tpu.memory_space<hbm>>) target(%arg11 : memref<64x128xf32, #tpu.memory_space<vmem>>) offsets(%dma_start3A_227 : memref<64xi32, #tpu.memory_space<vmem>>) semaphore(%arg16 : memref<!tpu.dma_semaphore, #tpu.memory_space<semaphore_mem>>)
          } else {
          }
          %add3A_170 = arith.constant 1 : i32
          %add3A_171 = arith.addi %add3A_89, %add3A_170 : i32
          %dma_wait3A_172 = arith.constant 0 : i32
          %dma_wait3A_173 = tpu.memref_slice %arg10[%add3A_171, %dma_wait3A_172] : memref<16x64xi32, #tpu.memory_space<vmem>> -> memref<1x64xi32, #tpu.memory_space<vmem>>
          %dma_wait3A_174 = tpu.memref_squeeze %dma_wait3A_173 : memref<1x64xi32, #tpu.memory_space<vmem>> -> memref<64xi32, #tpu.memory_space<vmem>>
          %dma_wait3A_175 = arith.constant 0 : i32
          %dma_wait3A_176 = arith.constant 0 : i32
          %dma_wait3A_177 = tpu.memref_slice %arg15[%dma_wait3A_175, %dma_wait3A_176] : memref<10112x128xf32, #tpu.memory_space<vmem_shared>> -> memref<10112x128xf32, #tpu.memory_space<vmem_shared>>
          tpu.wait_indirect_dma semaphore(%arg21 : memref<!tpu.dma_semaphore, #tpu.memory_space<semaphore_mem>>) src(%arg12 : memref<64x128xf32, #tpu.memory_space<vmem>>) dst(%dma_wait3A_177 : memref<10112x128xf32, #tpu.memory_space<vmem_shared>>)
          %add3A_178 = arith.constant 1 : i32
          %add3A_179 = arith.addi %add3A_89, %add3A_178 : i32
          %add3A_180 = arith.constant 4 : i32
          %add3A_181 = arith.addi %add3A_179, %add3A_180 : i32
          %lt3A_182 = arith.constant 16 : i32
          %lt3A_183 = arith.cmpi slt, %add3A_181, %lt3A_182 : i32
          %convert_element_type3A_184 = arith.extui %lt3A_183 : i1 to i32
          %cond3A_185 = arith.constant 0 : i32
          %cond3A_186 = arith.cmpi ne, %convert_element_type3A_184, %cond3A_185 : i32
          scf.if %cond3A_186 {
            %add3A_221 = arith.constant 1 : i32
            %add3A_222 = arith.addi %add3A_89, %add3A_221 : i32
            %add3A_223 = arith.constant 4 : i32
            %add3A_224 = arith.addi %add3A_222, %add3A_223 : i32
            %dma_start3A_225 = arith.constant 0 : i32
            %dma_start3A_226 = tpu.memref_slice %arg9[%add3A_224, %dma_start3A_225] : memref<16x64xi32, #tpu.memory_space<vmem>> -> memref<1x64xi32, #tpu.memory_space<vmem>>
            %dma_start3A_227 = tpu.memref_squeeze %dma_start3A_226 : memref<1x64xi32, #tpu.memory_space<vmem>> -> memref<64xi32, #tpu.memory_space<vmem>>
            %dma_start3A_228 = arith.constant 0 : i32
            %dma_start3A_229 = arith.constant 0 : i32
            %dma_start3A_230 = tpu.memref_slice %arg2[%dma_start3A_228, %dma_start3A_229] : memref<10000x128xf32, #tpu.memory_space<hbm>> -> memref<10000x128xf32, #tpu.memory_space<hbm>>
            tpu.enqueue_indirect_dma source(%dma_start3A_230 : memref<10000x128xf32, #tpu.memory_space<hbm>>) target(%arg12 : memref<64x128xf32, #tpu.memory_space<vmem>>) offsets(%dma_start3A_227 : memref<64xi32, #tpu.memory_space<vmem>>) semaphore(%arg17 : memref<!tpu.dma_semaphore, #tpu.memory_space<semaphore_mem>>)
          } else {
          }
          %add3A_187 = arith.constant 2 : i32
          %add3A_188 = arith.addi %add3A_89, %add3A_187 : i32
          %dma_wait3A_189 = arith.constant 0 : i32
          %dma_wait3A_190 = tpu.memref_slice %arg10[%add3A_188, %dma_wait3A_189] : memref<16x64xi32, #tpu.memory_space<vmem>> -> memref<1x64xi32, #tpu.memory_space<vmem>>
          %dma_wait3A_191 = tpu.memref_squeeze %dma_wait3A_190 : memref<1x64xi32, #tpu.memory_space<vmem>> -> memref<64xi32, #tpu.memory_space<vmem>>
          %dma_wait3A_192 = arith.constant 0 : i32
          %dma_wait3A_193 = arith.constant 0 : i32
          %dma_wait3A_194 = tpu.memref_slice %arg15[%dma_wait3A_192, %dma_wait3A_193] : memref<10112x128xf32, #tpu.memory_space<vmem_shared>> -> memref<10112x128xf32, #tpu.memory_space<vmem_shared>>
          tpu.wait_indirect_dma semaphore(%arg22 : memref<!tpu.dma_semaphore, #tpu.memory_space<semaphore_mem>>) src(%arg13 : memref<64x128xf32, #tpu.memory_space<vmem>>) dst(%dma_wait3A_194 : memref<10112x128xf32, #tpu.memory_space<vmem_shared>>)
          %add3A_195 = arith.constant 2 : i32
          %add3A_196 = arith.addi %add3A_89, %add3A_195 : i32
          %add3A_197 = arith.constant 4 : i32
          %add3A_198 = arith.addi %add3A_196, %add3A_197 : i32
          %lt3A_199 = arith.constant 16 : i32
          %lt3A_200 = arith.cmpi slt, %add3A_198, %lt3A_199 : i32
          %convert_element_type3A_201 = arith.extui %lt3A_200 : i1 to i32
          %cond3A_202 = arith.constant 0 : i32
          %cond3A_203 = arith.cmpi ne, %convert_element_type3A_201, %cond3A_202 : i32
          scf.if %cond3A_203 {
            %add3A_221 = arith.constant 2 : i32
            %add3A_222 = arith.addi %add3A_89, %add3A_221 : i32
            %add3A_223 = arith.constant 4 : i32
            %add3A_224 = arith.addi %add3A_222, %add3A_223 : i32
            %dma_start3A_225 = arith.constant 0 : i32
            %dma_start3A_226 = tpu.memref_slice %arg9[%add3A_224, %dma_start3A_225] : memref<16x64xi32, #tpu.memory_space<vmem>> -> memref<1x64xi32, #tpu.memory_space<vmem>>
            %dma_start3A_227 = tpu.memref_squeeze %dma_start3A_226 : memref<1x64xi32, #tpu.memory_space<vmem>> -> memref<64xi32, #tpu.memory_space<vmem>>
            %dma_start3A_228 = arith.constant 0 : i32
            %dma_start3A_229 = arith.constant 0 : i32
            %dma_start3A_230 = tpu.memref_slice %arg2[%dma_start3A_228, %dma_start3A_229] : memref<10000x128xf32, #tpu.memory_space<hbm>> -> memref<10000x128xf32, #tpu.memory_space<hbm>>
            tpu.enqueue_indirect_dma source(%dma_start3A_230 : memref<10000x128xf32, #tpu.memory_space<hbm>>) target(%arg13 : memref<64x128xf32, #tpu.memory_space<vmem>>) offsets(%dma_start3A_227 : memref<64xi32, #tpu.memory_space<vmem>>) semaphore(%arg18 : memref<!tpu.dma_semaphore, #tpu.memory_space<semaphore_mem>>)
          } else {
          }
          %add3A_204 = arith.constant 3 : i32
          %add3A_205 = arith.addi %add3A_89, %add3A_204 : i32
          %dma_wait3A_206 = arith.constant 0 : i32
          %dma_wait3A_207 = tpu.memref_slice %arg10[%add3A_205, %dma_wait3A_206] : memref<16x64xi32, #tpu.memory_space<vmem>> -> memref<1x64xi32, #tpu.memory_space<vmem>>
          %dma_wait3A_208 = tpu.memref_squeeze %dma_wait3A_207 : memref<1x64xi32, #tpu.memory_space<vmem>> -> memref<64xi32, #tpu.memory_space<vmem>>
          %dma_wait3A_209 = arith.constant 0 : i32
          %dma_wait3A_210 = arith.constant 0 : i32
          %dma_wait3A_211 = tpu.memref_slice %arg15[%dma_wait3A_209, %dma_wait3A_210] : memref<10112x128xf32, #tpu.memory_space<vmem_shared>> -> memref<10112x128xf32, #tpu.memory_space<vmem_shared>>
          tpu.wait_indirect_dma semaphore(%arg23 : memref<!tpu.dma_semaphore, #tpu.memory_space<semaphore_mem>>) src(%arg14 : memref<64x128xf32, #tpu.memory_space<vmem>>) dst(%dma_wait3A_211 : memref<10112x128xf32, #tpu.memory_space<vmem_shared>>)
          %add3A_212 = arith.constant 3 : i32
          %add3A_213 = arith.addi %add3A_89, %add3A_212 : i32
          %add3A_214 = arith.constant 4 : i32
          %add3A_215 = arith.addi %add3A_213, %add3A_214 : i32
          %lt3A_216 = arith.constant 16 : i32
          %lt3A_217 = arith.cmpi slt, %add3A_215, %lt3A_216 : i32
          %convert_element_type3A_218 = arith.extui %lt3A_217 : i1 to i32
          %cond3A_219 = arith.constant 0 : i32
          %cond3A_220 = arith.cmpi ne, %convert_element_type3A_218, %cond3A_219 : i32
          scf.if %cond3A_220 {
            %add3A_221 = arith.constant 3 : i32
            %add3A_222 = arith.addi %add3A_89, %add3A_221 : i32
            %add3A_223 = arith.constant 4 : i32
            %add3A_224 = arith.addi %add3A_222, %add3A_223 : i32
            %dma_start3A_225 = arith.constant 0 : i32
            %dma_start3A_226 = tpu.memref_slice %arg9[%add3A_224, %dma_start3A_225] : memref<16x64xi32, #tpu.memory_space<vmem>> -> memref<1x64xi32, #tpu.memory_space<vmem>>
            %dma_start3A_227 = tpu.memref_squeeze %dma_start3A_226 : memref<1x64xi32, #tpu.memory_space<vmem>> -> memref<64xi32, #tpu.memory_space<vmem>>
            %dma_start3A_228 = arith.constant 0 : i32
            %dma_start3A_229 = arith.constant 0 : i32
            %dma_start3A_230 = tpu.memref_slice %arg2[%dma_start3A_228, %dma_start3A_229] : memref<10000x128xf32, #tpu.memory_space<hbm>> -> memref<10000x128xf32, #tpu.memory_space<hbm>>
            tpu.enqueue_indirect_dma source(%dma_start3A_230 : memref<10000x128xf32, #tpu.memory_space<hbm>>) target(%arg14 : memref<64x128xf32, #tpu.memory_space<vmem>>) offsets(%dma_start3A_227 : memref<64xi32, #tpu.memory_space<vmem>>) semaphore(%arg19 : memref<!tpu.dma_semaphore, #tpu.memory_space<semaphore_mem>>)
          } else {
          }
        }
        %scan3A_84 = arith.constant 4 : i32
      }
      %scan3A_45 = arith.constant 18 : i32
    } else {
    }
    %eq3A_26 = arith.constant 1 : i32
    %eq3A_27 = arith.cmpi eq, %arg0, %eq3A_26 : i32
    %convert_element_type3A_28 = arith.extui %eq3A_27 : i1 to i32
    %cond3A_29 = arith.constant 0 : i32
    %cond3A_30 = arith.cmpi ne, %convert_element_type3A_28, %cond3A_29 : i32
    scf.if %cond3A_30 {
      %scan3A_41 = arith.constant 0 : i32
      %scan3A_42 = arith.constant 2 : i32
      %scan3A_43 = arith.addi %scan3A_41, %scan3A_42 : i32
      %scan3A_44 = arith.constant 1 : i32
      scf.for %scan3A_46 = %scan3A_41 to %scan3A_43 step %scan3A_44  : i32 {
        %mul3A_47 = arith.constant 1 : i32
        %mul3A_48 = arith.muli %scan3A_46, %mul3A_47 : i32
        %add3A_49 = arith.constant 0 : i32
        %add3A_50 = arith.addi %add3A_49, %mul3A_48 : i32
        %mul3A_51 = arith.constant 16 : i32
        %mul3A_52 = arith.muli %add3A_50, %mul3A_51 : i32
        %multiple_of3A = tpu.assume_multiple %mul3A_52, 8 : i32
        "tpu.region"() ({
          %run_scoped3A = tpu.sem_alloc : memref<!tpu.dma_semaphore, #tpu.memory_space<semaphore_mem>>
          %dma_start3A_85 = arith.constant 0 : i32
          %dma_start3A_86 = tpu.memref_slice %arg6[%arg1, %multiple_of3A, %dma_start3A_85] : memref<16x32x64xi32, #tpu.memory_space<hbm>> -> memref<1x16x64xi32, #tpu.memory_space<hbm>>
          %dma_start3A_87 = tpu.memref_squeeze %dma_start3A_86 : memref<1x16x64xi32, #tpu.memory_space<hbm>> -> memref<16x64xi32, #tpu.memory_space<hbm>>
          %dma_start3A_88 = arith.constant 0 : i32
          %dma_start3A_89 = tpu.memref_slice %arg6[%arg1, %multiple_of3A, %dma_start3A_88] : memref<16x32x64xi32, #tpu.memory_space<hbm>> -> memref<1x16x64xi32, #tpu.memory_space<hbm>>
          %dma_start3A_90 = tpu.memref_squeeze %dma_start3A_89 : memref<1x16x64xi32, #tpu.memory_space<hbm>> -> memref<16x64xi32, #tpu.memory_space<hbm>>
          tpu.enqueue_dma source(%dma_start3A_90 : memref<16x64xi32, #tpu.memory_space<hbm>>) target(%arg9 : memref<16x64xi32, #tpu.memory_space<vmem>>) target_semaphore(%run_scoped3A : memref<!tpu.dma_semaphore, #tpu.memory_space<semaphore_mem>>)
          %dma_wait3A = arith.constant 0 : i32
          %dma_wait3A_91 = tpu.memref_slice %arg6[%arg1, %multiple_of3A, %dma_wait3A] : memref<16x32x64xi32, #tpu.memory_space<hbm>> -> memref<1x16x64xi32, #tpu.memory_space<hbm>>
          %dma_wait3A_92 = tpu.memref_squeeze %dma_wait3A_91 : memref<1x16x64xi32, #tpu.memory_space<hbm>> -> memref<16x64xi32, #tpu.memory_space<hbm>>
          %dma_wait3A_93 = arith.constant 0 : i32
          %dma_wait3A_94 = tpu.memref_slice %arg6[%arg1, %multiple_of3A, %dma_wait3A_93] : memref<16x32x64xi32, #tpu.memory_space<hbm>> -> memref<1x16x64xi32, #tpu.memory_space<hbm>>
          %dma_wait3A_95 = tpu.memref_squeeze %dma_wait3A_94 : memref<1x16x64xi32, #tpu.memory_space<hbm>> -> memref<16x64xi32, #tpu.memory_space<hbm>>
          tpu.wait_dma2 semaphore(%run_scoped3A : memref<!tpu.dma_semaphore, #tpu.memory_space<semaphore_mem>>) src(%dma_wait3A_95 : memref<16x64xi32, #tpu.memory_space<hbm>>) dst(%arg9 : memref<16x64xi32, #tpu.memory_space<vmem>>)
          tpu.yield
        }) : () -> ()
        "tpu.region"() ({
          %run_scoped3A = tpu.sem_alloc : memref<!tpu.dma_semaphore, #tpu.memory_space<semaphore_mem>>
          %dma_start3A_85 = arith.constant 0 : i32
          %dma_start3A_86 = tpu.memref_slice %arg7[%arg1, %multiple_of3A, %dma_start3A_85] : memref<16x32x64xi32, #tpu.memory_space<hbm>> -> memref<1x16x64xi32, #tpu.memory_space<hbm>>
          %dma_start3A_87 = tpu.memref_squeeze %dma_start3A_86 : memref<1x16x64xi32, #tpu.memory_space<hbm>> -> memref<16x64xi32, #tpu.memory_space<hbm>>
          %dma_start3A_88 = arith.constant 0 : i32
          %dma_start3A_89 = tpu.memref_slice %arg7[%arg1, %multiple_of3A, %dma_start3A_88] : memref<16x32x64xi32, #tpu.memory_space<hbm>> -> memref<1x16x64xi32, #tpu.memory_space<hbm>>
          %dma_start3A_90 = tpu.memref_squeeze %dma_start3A_89 : memref<1x16x64xi32, #tpu.memory_space<hbm>> -> memref<16x64xi32, #tpu.memory_space<hbm>>
          tpu.enqueue_dma source(%dma_start3A_90 : memref<16x64xi32, #tpu.memory_space<hbm>>) target(%arg10 : memref<16x64xi32, #tpu.memory_space<vmem>>) target_semaphore(%run_scoped3A : memref<!tpu.dma_semaphore, #tpu.memory_space<semaphore_mem>>)
          %dma_wait3A = arith.constant 0 : i32
          %dma_wait3A_91 = tpu.memref_slice %arg7[%arg1, %multiple_of3A, %dma_wait3A] : memref<16x32x64xi32, #tpu.memory_space<hbm>> -> memref<1x16x64xi32, #tpu.memory_space<hbm>>
          %dma_wait3A_92 = tpu.memref_squeeze %dma_wait3A_91 : memref<1x16x64xi32, #tpu.memory_space<hbm>> -> memref<16x64xi32, #tpu.memory_space<hbm>>
          %dma_wait3A_93 = arith.constant 0 : i32
          %dma_wait3A_94 = tpu.memref_slice %arg7[%arg1, %multiple_of3A, %dma_wait3A_93] : memref<16x32x64xi32, #tpu.memory_space<hbm>> -> memref<1x16x64xi32, #tpu.memory_space<hbm>>
          %dma_wait3A_95 = tpu.memref_squeeze %dma_wait3A_94 : memref<1x16x64xi32, #tpu.memory_space<hbm>> -> memref<16x64xi32, #tpu.memory_space<hbm>>
          tpu.wait_dma2 semaphore(%run_scoped3A : memref<!tpu.dma_semaphore, #tpu.memory_space<semaphore_mem>>) src(%dma_wait3A_95 : memref<16x64xi32, #tpu.memory_space<hbm>>) dst(%arg10 : memref<16x64xi32, #tpu.memory_space<vmem>>)
          tpu.yield
        }) : () -> ()
        %dma_start3A = arith.constant 0 : i32
        %dma_start3A_53 = arith.constant 0 : i32
        %dma_start3A_54 = tpu.memref_slice %arg9[%dma_start3A, %dma_start3A_53] : memref<16x64xi32, #tpu.memory_space<vmem>> -> memref<1x64xi32, #tpu.memory_space<vmem>>
        %dma_start3A_55 = tpu.memref_squeeze %dma_start3A_54 : memref<1x64xi32, #tpu.memory_space<vmem>> -> memref<64xi32, #tpu.memory_space<vmem>>
        %dma_start3A_56 = arith.constant 0 : i32
        %dma_start3A_57 = arith.constant 0 : i32
        %dma_start3A_58 = tpu.memref_slice %arg3[%dma_start3A_56, %dma_start3A_57] : memref<10000x128xf32, #tpu.memory_space<hbm>> -> memref<10000x128xf32, #tpu.memory_space<hbm>>
        tpu.enqueue_indirect_dma source(%dma_start3A_58 : memref<10000x128xf32, #tpu.memory_space<hbm>>) target(%arg11 : memref<64x128xf32, #tpu.memory_space<vmem>>) offsets(%dma_start3A_55 : memref<64xi32, #tpu.memory_space<vmem>>) semaphore(%arg16 : memref<!tpu.dma_semaphore, #tpu.memory_space<semaphore_mem>>)
        %dma_start3A_59 = arith.constant 1 : i32
        %dma_start3A_60 = arith.constant 0 : i32
        %dma_start3A_61 = tpu.memref_slice %arg9[%dma_start3A_59, %dma_start3A_60] : memref<16x64xi32, #tpu.memory_space<vmem>> -> memref<1x64xi32, #tpu.memory_space<vmem>>
        %dma_start3A_62 = tpu.memref_squeeze %dma_start3A_61 : memref<1x64xi32, #tpu.memory_space<vmem>> -> memref<64xi32, #tpu.memory_space<vmem>>
        %dma_start3A_63 = arith.constant 0 : i32
        %dma_start3A_64 = arith.constant 0 : i32
        %dma_start3A_65 = tpu.memref_slice %arg3[%dma_start3A_63, %dma_start3A_64] : memref<10000x128xf32, #tpu.memory_space<hbm>> -> memref<10000x128xf32, #tpu.memory_space<hbm>>
        tpu.enqueue_indirect_dma source(%dma_start3A_65 : memref<10000x128xf32, #tpu.memory_space<hbm>>) target(%arg12 : memref<64x128xf32, #tpu.memory_space<vmem>>) offsets(%dma_start3A_62 : memref<64xi32, #tpu.memory_space<vmem>>) semaphore(%arg17 : memref<!tpu.dma_semaphore, #tpu.memory_space<semaphore_mem>>)
        %dma_start3A_66 = arith.constant 2 : i32
        %dma_start3A_67 = arith.constant 0 : i32
        %dma_start3A_68 = tpu.memref_slice %arg9[%dma_start3A_66, %dma_start3A_67] : memref<16x64xi32, #tpu.memory_space<vmem>> -> memref<1x64xi32, #tpu.memory_space<vmem>>
        %dma_start3A_69 = tpu.memref_squeeze %dma_start3A_68 : memref<1x64xi32, #tpu.memory_space<vmem>> -> memref<64xi32, #tpu.memory_space<vmem>>
        %dma_start3A_70 = arith.constant 0 : i32
        %dma_start3A_71 = arith.constant 0 : i32
        %dma_start3A_72 = tpu.memref_slice %arg3[%dma_start3A_70, %dma_start3A_71] : memref<10000x128xf32, #tpu.memory_space<hbm>> -> memref<10000x128xf32, #tpu.memory_space<hbm>>
        tpu.enqueue_indirect_dma source(%dma_start3A_72 : memref<10000x128xf32, #tpu.memory_space<hbm>>) target(%arg13 : memref<64x128xf32, #tpu.memory_space<vmem>>) offsets(%dma_start3A_69 : memref<64xi32, #tpu.memory_space<vmem>>) semaphore(%arg18 : memref<!tpu.dma_semaphore, #tpu.memory_space<semaphore_mem>>)
        %dma_start3A_73 = arith.constant 3 : i32
        %dma_start3A_74 = arith.constant 0 : i32
        %dma_start3A_75 = tpu.memref_slice %arg9[%dma_start3A_73, %dma_start3A_74] : memref<16x64xi32, #tpu.memory_space<vmem>> -> memref<1x64xi32, #tpu.memory_space<vmem>>
        %dma_start3A_76 = tpu.memref_squeeze %dma_start3A_75 : memref<1x64xi32, #tpu.memory_space<vmem>> -> memref<64xi32, #tpu.memory_space<vmem>>
        %dma_start3A_77 = arith.constant 0 : i32
        %dma_start3A_78 = arith.constant 0 : i32
        %dma_start3A_79 = tpu.memref_slice %arg3[%dma_start3A_77, %dma_start3A_78] : memref<10000x128xf32, #tpu.memory_space<hbm>> -> memref<10000x128xf32, #tpu.memory_space<hbm>>
        tpu.enqueue_indirect_dma source(%dma_start3A_79 : memref<10000x128xf32, #tpu.memory_space<hbm>>) target(%arg14 : memref<64x128xf32, #tpu.memory_space<vmem>>) offsets(%dma_start3A_76 : memref<64xi32, #tpu.memory_space<vmem>>) semaphore(%arg19 : memref<!tpu.dma_semaphore, #tpu.memory_space<semaphore_mem>>)
        %scan3A_80 = arith.constant 0 : i32
        %scan3A_81 = arith.constant 4 : i32
        %scan3A_82 = arith.addi %scan3A_80, %scan3A_81 : i32
        %scan3A_83 = arith.constant 1 : i32
        scf.for %scan3A_85 = %scan3A_80 to %scan3A_82 step %scan3A_83  : i32 {
          %mul3A_86 = arith.constant 4 : i32
          %mul3A_87 = arith.muli %scan3A_85, %mul3A_86 : i32
          %add3A_88 = arith.constant 0 : i32
          %add3A_89 = arith.addi %add3A_88, %mul3A_87 : i32
          %add3A_90 = arith.constant 0 : i32
          %add3A_91 = arith.addi %add3A_89, %add3A_90 : i32
          %dma_wait3A = arith.constant 0 : i32
          %dma_wait3A_92 = tpu.memref_slice %arg9[%add3A_91, %dma_wait3A] : memref<16x64xi32, #tpu.memory_space<vmem>> -> memref<1x64xi32, #tpu.memory_space<vmem>>
          %dma_wait3A_93 = tpu.memref_squeeze %dma_wait3A_92 : memref<1x64xi32, #tpu.memory_space<vmem>> -> memref<64xi32, #tpu.memory_space<vmem>>
          %dma_wait3A_94 = arith.constant 0 : i32
          %dma_wait3A_95 = arith.constant 0 : i32
          %dma_wait3A_96 = tpu.memref_slice %arg3[%dma_wait3A_94, %dma_wait3A_95] : memref<10000x128xf32, #tpu.memory_space<hbm>> -> memref<10000x128xf32, #tpu.memory_space<hbm>>
          tpu.wait_indirect_dma semaphore(%arg16 : memref<!tpu.dma_semaphore, #tpu.memory_space<semaphore_mem>>) src(%dma_wait3A_96 : memref<10000x128xf32, #tpu.memory_space<hbm>>) dst(%arg11 : memref<64x128xf32, #tpu.memory_space<vmem>>)
          %add3A_97 = arith.constant 0 : i32
          %add3A_98 = arith.addi %add3A_89, %add3A_97 : i32
          %dma_start3A_99 = arith.constant 0 : i32
          %dma_start3A_100 = tpu.memref_slice %arg10[%add3A_98, %dma_start3A_99] : memref<16x64xi32, #tpu.memory_space<vmem>> -> memref<1x64xi32, #tpu.memory_space<vmem>>
          %dma_start3A_101 = tpu.memref_squeeze %dma_start3A_100 : memref<1x64xi32, #tpu.memory_space<vmem>> -> memref<64xi32, #tpu.memory_space<vmem>>
          %dma_start3A_102 = arith.constant 0 : i32
          %dma_start3A_103 = arith.constant 0 : i32
          %dma_start3A_104 = tpu.memref_slice %arg15[%dma_start3A_102, %dma_start3A_103] : memref<10112x128xf32, #tpu.memory_space<vmem_shared>> -> memref<10112x128xf32, #tpu.memory_space<vmem_shared>>
          tpu.enqueue_indirect_dma source(%arg11 : memref<64x128xf32, #tpu.memory_space<vmem>>) target(%dma_start3A_104 : memref<10112x128xf32, #tpu.memory_space<vmem_shared>>) offsets(%dma_start3A_101 : memref<64xi32, #tpu.memory_space<vmem>>) semaphore(%arg20 : memref<!tpu.dma_semaphore, #tpu.memory_space<semaphore_mem>>) {add = true}
          %add3A_105 = arith.constant 1 : i32
          %add3A_106 = arith.addi %add3A_89, %add3A_105 : i32
          %dma_wait3A_107 = arith.constant 0 : i32
          %dma_wait3A_108 = tpu.memref_slice %arg9[%add3A_106, %dma_wait3A_107] : memref<16x64xi32, #tpu.memory_space<vmem>> -> memref<1x64xi32, #tpu.memory_space<vmem>>
          %dma_wait3A_109 = tpu.memref_squeeze %dma_wait3A_108 : memref<1x64xi32, #tpu.memory_space<vmem>> -> memref<64xi32, #tpu.memory_space<vmem>>
          %dma_wait3A_110 = arith.constant 0 : i32
          %dma_wait3A_111 = arith.constant 0 : i32
          %dma_wait3A_112 = tpu.memref_slice %arg3[%dma_wait3A_110, %dma_wait3A_111] : memref<10000x128xf32, #tpu.memory_space<hbm>> -> memref<10000x128xf32, #tpu.memory_space<hbm>>
          tpu.wait_indirect_dma semaphore(%arg17 : memref<!tpu.dma_semaphore, #tpu.memory_space<semaphore_mem>>) src(%dma_wait3A_112 : memref<10000x128xf32, #tpu.memory_space<hbm>>) dst(%arg12 : memref<64x128xf32, #tpu.memory_space<vmem>>)
          %add3A_113 = arith.constant 1 : i32
          %add3A_114 = arith.addi %add3A_89, %add3A_113 : i32
          %dma_start3A_115 = arith.constant 0 : i32
          %dma_start3A_116 = tpu.memref_slice %arg10[%add3A_114, %dma_start3A_115] : memref<16x64xi32, #tpu.memory_space<vmem>> -> memref<1x64xi32, #tpu.memory_space<vmem>>
          %dma_start3A_117 = tpu.memref_squeeze %dma_start3A_116 : memref<1x64xi32, #tpu.memory_space<vmem>> -> memref<64xi32, #tpu.memory_space<vmem>>
          %dma_start3A_118 = arith.constant 0 : i32
          %dma_start3A_119 = arith.constant 0 : i32
          %dma_start3A_120 = tpu.memref_slice %arg15[%dma_start3A_118, %dma_start3A_119] : memref<10112x128xf32, #tpu.memory_space<vmem_shared>> -> memref<10112x128xf32, #tpu.memory_space<vmem_shared>>
          tpu.enqueue_indirect_dma source(%arg12 : memref<64x128xf32, #tpu.memory_space<vmem>>) target(%dma_start3A_120 : memref<10112x128xf32, #tpu.memory_space<vmem_shared>>) offsets(%dma_start3A_117 : memref<64xi32, #tpu.memory_space<vmem>>) semaphore(%arg21 : memref<!tpu.dma_semaphore, #tpu.memory_space<semaphore_mem>>) {add = true}
          %add3A_121 = arith.constant 2 : i32
          %add3A_122 = arith.addi %add3A_89, %add3A_121 : i32
          %dma_wait3A_123 = arith.constant 0 : i32
          %dma_wait3A_124 = tpu.memref_slice %arg9[%add3A_122, %dma_wait3A_123] : memref<16x64xi32, #tpu.memory_space<vmem>> -> memref<1x64xi32, #tpu.memory_space<vmem>>
          %dma_wait3A_125 = tpu.memref_squeeze %dma_wait3A_124 : memref<1x64xi32, #tpu.memory_space<vmem>> -> memref<64xi32, #tpu.memory_space<vmem>>
          %dma_wait3A_126 = arith.constant 0 : i32
          %dma_wait3A_127 = arith.constant 0 : i32
          %dma_wait3A_128 = tpu.memref_slice %arg3[%dma_wait3A_126, %dma_wait3A_127] : memref<10000x128xf32, #tpu.memory_space<hbm>> -> memref<10000x128xf32, #tpu.memory_space<hbm>>
          tpu.wait_indirect_dma semaphore(%arg18 : memref<!tpu.dma_semaphore, #tpu.memory_space<semaphore_mem>>) src(%dma_wait3A_128 : memref<10000x128xf32, #tpu.memory_space<hbm>>) dst(%arg13 : memref<64x128xf32, #tpu.memory_space<vmem>>)
          %add3A_129 = arith.constant 2 : i32
          %add3A_130 = arith.addi %add3A_89, %add3A_129 : i32
          %dma_start3A_131 = arith.constant 0 : i32
          %dma_start3A_132 = tpu.memref_slice %arg10[%add3A_130, %dma_start3A_131] : memref<16x64xi32, #tpu.memory_space<vmem>> -> memref<1x64xi32, #tpu.memory_space<vmem>>
          %dma_start3A_133 = tpu.memref_squeeze %dma_start3A_132 : memref<1x64xi32, #tpu.memory_space<vmem>> -> memref<64xi32, #tpu.memory_space<vmem>>
          %dma_start3A_134 = arith.constant 0 : i32
          %dma_start3A_135 = arith.constant 0 : i32
          %dma_start3A_136 = tpu.memref_slice %arg15[%dma_start3A_134, %dma_start3A_135] : memref<10112x128xf32, #tpu.memory_space<vmem_shared>> -> memref<10112x128xf32, #tpu.memory_space<vmem_shared>>
          tpu.enqueue_indirect_dma source(%arg13 : memref<64x128xf32, #tpu.memory_space<vmem>>) target(%dma_start3A_136 : memref<10112x128xf32, #tpu.memory_space<vmem_shared>>) offsets(%dma_start3A_133 : memref<64xi32, #tpu.memory_space<vmem>>) semaphore(%arg22 : memref<!tpu.dma_semaphore, #tpu.memory_space<semaphore_mem>>) {add = true}
          %add3A_137 = arith.constant 3 : i32
          %add3A_138 = arith.addi %add3A_89, %add3A_137 : i32
          %dma_wait3A_139 = arith.constant 0 : i32
          %dma_wait3A_140 = tpu.memref_slice %arg9[%add3A_138, %dma_wait3A_139] : memref<16x64xi32, #tpu.memory_space<vmem>> -> memref<1x64xi32, #tpu.memory_space<vmem>>
          %dma_wait3A_141 = tpu.memref_squeeze %dma_wait3A_140 : memref<1x64xi32, #tpu.memory_space<vmem>> -> memref<64xi32, #tpu.memory_space<vmem>>
          %dma_wait3A_142 = arith.constant 0 : i32
          %dma_wait3A_143 = arith.constant 0 : i32
          %dma_wait3A_144 = tpu.memref_slice %arg3[%dma_wait3A_142, %dma_wait3A_143] : memref<10000x128xf32, #tpu.memory_space<hbm>> -> memref<10000x128xf32, #tpu.memory_space<hbm>>
          tpu.wait_indirect_dma semaphore(%arg19 : memref<!tpu.dma_semaphore, #tpu.memory_space<semaphore_mem>>) src(%dma_wait3A_144 : memref<10000x128xf32, #tpu.memory_space<hbm>>) dst(%arg14 : memref<64x128xf32, #tpu.memory_space<vmem>>)
          %add3A_145 = arith.constant 3 : i32
          %add3A_146 = arith.addi %add3A_89, %add3A_145 : i32
          %dma_start3A_147 = arith.constant 0 : i32
          %dma_start3A_148 = tpu.memref_slice %arg10[%add3A_146, %dma_start3A_147] : memref<16x64xi32, #tpu.memory_space<vmem>> -> memref<1x64xi32, #tpu.memory_space<vmem>>
          %dma_start3A_149 = tpu.memref_squeeze %dma_start3A_148 : memref<1x64xi32, #tpu.memory_space<vmem>> -> memref<64xi32, #tpu.memory_space<vmem>>
          %dma_start3A_150 = arith.constant 0 : i32
          %dma_start3A_151 = arith.constant 0 : i32
          %dma_start3A_152 = tpu.memref_slice %arg15[%dma_start3A_150, %dma_start3A_151] : memref<10112x128xf32, #tpu.memory_space<vmem_shared>> -> memref<10112x128xf32, #tpu.memory_space<vmem_shared>>
          tpu.enqueue_indirect_dma source(%arg14 : memref<64x128xf32, #tpu.memory_space<vmem>>) target(%dma_start3A_152 : memref<10112x128xf32, #tpu.memory_space<vmem_shared>>) offsets(%dma_start3A_149 : memref<64xi32, #tpu.memory_space<vmem>>) semaphore(%arg23 : memref<!tpu.dma_semaphore, #tpu.memory_space<semaphore_mem>>) {add = true}
          %add3A_153 = arith.constant 0 : i32
          %add3A_154 = arith.addi %add3A_89, %add3A_153 : i32
          %dma_wait3A_155 = arith.constant 0 : i32
          %dma_wait3A_156 = tpu.memref_slice %arg10[%add3A_154, %dma_wait3A_155] : memref<16x64xi32, #tpu.memory_space<vmem>> -> memref<1x64xi32, #tpu.memory_space<vmem>>
          %dma_wait3A_157 = tpu.memref_squeeze %dma_wait3A_156 : memref<1x64xi32, #tpu.memory_space<vmem>> -> memref<64xi32, #tpu.memory_space<vmem>>
          %dma_wait3A_158 = arith.constant 0 : i32
          %dma_wait3A_159 = arith.constant 0 : i32
          %dma_wait3A_160 = tpu.memref_slice %arg15[%dma_wait3A_158, %dma_wait3A_159] : memref<10112x128xf32, #tpu.memory_space<vmem_shared>> -> memref<10112x128xf32, #tpu.memory_space<vmem_shared>>
          tpu.wait_indirect_dma semaphore(%arg20 : memref<!tpu.dma_semaphore, #tpu.memory_space<semaphore_mem>>) src(%arg11 : memref<64x128xf32, #tpu.memory_space<vmem>>) dst(%dma_wait3A_160 : memref<10112x128xf32, #tpu.memory_space<vmem_shared>>)
          %add3A_161 = arith.constant 0 : i32
          %add3A_162 = arith.addi %add3A_89, %add3A_161 : i32
          %add3A_163 = arith.constant 4 : i32
          %add3A_164 = arith.addi %add3A_162, %add3A_163 : i32
          %lt3A_165 = arith.constant 16 : i32
          %lt3A_166 = arith.cmpi slt, %add3A_164, %lt3A_165 : i32
          %convert_element_type3A_167 = arith.extui %lt3A_166 : i1 to i32
          %cond3A_168 = arith.constant 0 : i32
          %cond3A_169 = arith.cmpi ne, %convert_element_type3A_167, %cond3A_168 : i32
          scf.if %cond3A_169 {
            %add3A_221 = arith.constant 0 : i32
            %add3A_222 = arith.addi %add3A_89, %add3A_221 : i32
            %add3A_223 = arith.constant 4 : i32
            %add3A_224 = arith.addi %add3A_222, %add3A_223 : i32
            %dma_start3A_225 = arith.constant 0 : i32
            %dma_start3A_226 = tpu.memref_slice %arg9[%add3A_224, %dma_start3A_225] : memref<16x64xi32, #tpu.memory_space<vmem>> -> memref<1x64xi32, #tpu.memory_space<vmem>>
            %dma_start3A_227 = tpu.memref_squeeze %dma_start3A_226 : memref<1x64xi32, #tpu.memory_space<vmem>> -> memref<64xi32, #tpu.memory_space<vmem>>
            %dma_start3A_228 = arith.constant 0 : i32
            %dma_start3A_229 = arith.constant 0 : i32
            %dma_start3A_230 = tpu.memref_slice %arg3[%dma_start3A_228, %dma_start3A_229] : memref<10000x128xf32, #tpu.memory_space<hbm>> -> memref<10000x128xf32, #tpu.memory_space<hbm>>
            tpu.enqueue_indirect_dma source(%dma_start3A_230 : memref<10000x128xf32, #tpu.memory_space<hbm>>) target(%arg11 : memref<64x128xf32, #tpu.memory_space<vmem>>) offsets(%dma_start3A_227 : memref<64xi32, #tpu.memory_space<vmem>>) semaphore(%arg16 : memref<!tpu.dma_semaphore, #tpu.memory_space<semaphore_mem>>)
          } else {
          }
          %add3A_170 = arith.constant 1 : i32
          %add3A_171 = arith.addi %add3A_89, %add3A_170 : i32
          %dma_wait3A_172 = arith.constant 0 : i32
          %dma_wait3A_173 = tpu.memref_slice %arg10[%add3A_171, %dma_wait3A_172] : memref<16x64xi32, #tpu.memory_space<vmem>> -> memref<1x64xi32, #tpu.memory_space<vmem>>
          %dma_wait3A_174 = tpu.memref_squeeze %dma_wait3A_173 : memref<1x64xi32, #tpu.memory_space<vmem>> -> memref<64xi32, #tpu.memory_space<vmem>>
          %dma_wait3A_175 = arith.constant 0 : i32
          %dma_wait3A_176 = arith.constant 0 : i32
          %dma_wait3A_177 = tpu.memref_slice %arg15[%dma_wait3A_175, %dma_wait3A_176] : memref<10112x128xf32, #tpu.memory_space<vmem_shared>> -> memref<10112x128xf32, #tpu.memory_space<vmem_shared>>
          tpu.wait_indirect_dma semaphore(%arg21 : memref<!tpu.dma_semaphore, #tpu.memory_space<semaphore_mem>>) src(%arg12 : memref<64x128xf32, #tpu.memory_space<vmem>>) dst(%dma_wait3A_177 : memref<10112x128xf32, #tpu.memory_space<vmem_shared>>)
          %add3A_178 = arith.constant 1 : i32
          %add3A_179 = arith.addi %add3A_89, %add3A_178 : i32
          %add3A_180 = arith.constant 4 : i32
          %add3A_181 = arith.addi %add3A_179, %add3A_180 : i32
          %lt3A_182 = arith.constant 16 : i32
          %lt3A_183 = arith.cmpi slt, %add3A_181, %lt3A_182 : i32
          %convert_element_type3A_184 = arith.extui %lt3A_183 : i1 to i32
          %cond3A_185 = arith.constant 0 : i32
          %cond3A_186 = arith.cmpi ne, %convert_element_type3A_184, %cond3A_185 : i32
          scf.if %cond3A_186 {
            %add3A_221 = arith.constant 1 : i32
            %add3A_222 = arith.addi %add3A_89, %add3A_221 : i32
            %add3A_223 = arith.constant 4 : i32
            %add3A_224 = arith.addi %add3A_222, %add3A_223 : i32
            %dma_start3A_225 = arith.constant 0 : i32
            %dma_start3A_226 = tpu.memref_slice %arg9[%add3A_224, %dma_start3A_225] : memref<16x64xi32, #tpu.memory_space<vmem>> -> memref<1x64xi32, #tpu.memory_space<vmem>>
            %dma_start3A_227 = tpu.memref_squeeze %dma_start3A_226 : memref<1x64xi32, #tpu.memory_space<vmem>> -> memref<64xi32, #tpu.memory_space<vmem>>
            %dma_start3A_228 = arith.constant 0 : i32
            %dma_start3A_229 = arith.constant 0 : i32
            %dma_start3A_230 = tpu.memref_slice %arg3[%dma_start3A_228, %dma_start3A_229] : memref<10000x128xf32, #tpu.memory_space<hbm>> -> memref<10000x128xf32, #tpu.memory_space<hbm>>
            tpu.enqueue_indirect_dma source(%dma_start3A_230 : memref<10000x128xf32, #tpu.memory_space<hbm>>) target(%arg12 : memref<64x128xf32, #tpu.memory_space<vmem>>) offsets(%dma_start3A_227 : memref<64xi32, #tpu.memory_space<vmem>>) semaphore(%arg17 : memref<!tpu.dma_semaphore, #tpu.memory_space<semaphore_mem>>)
          } else {
          }
          %add3A_187 = arith.constant 2 : i32
          %add3A_188 = arith.addi %add3A_89, %add3A_187 : i32
          %dma_wait3A_189 = arith.constant 0 : i32
          %dma_wait3A_190 = tpu.memref_slice %arg10[%add3A_188, %dma_wait3A_189] : memref<16x64xi32, #tpu.memory_space<vmem>> -> memref<1x64xi32, #tpu.memory_space<vmem>>
          %dma_wait3A_191 = tpu.memref_squeeze %dma_wait3A_190 : memref<1x64xi32, #tpu.memory_space<vmem>> -> memref<64xi32, #tpu.memory_space<vmem>>
          %dma_wait3A_192 = arith.constant 0 : i32
          %dma_wait3A_193 = arith.constant 0 : i32
          %dma_wait3A_194 = tpu.memref_slice %arg15[%dma_wait3A_192, %dma_wait3A_193] : memref<10112x128xf32, #tpu.memory_space<vmem_shared>> -> memref<10112x128xf32, #tpu.memory_space<vmem_shared>>
          tpu.wait_indirect_dma semaphore(%arg22 : memref<!tpu.dma_semaphore, #tpu.memory_space<semaphore_mem>>) src(%arg13 : memref<64x128xf32, #tpu.memory_space<vmem>>) dst(%dma_wait3A_194 : memref<10112x128xf32, #tpu.memory_space<vmem_shared>>)
          %add3A_195 = arith.constant 2 : i32
          %add3A_196 = arith.addi %add3A_89, %add3A_195 : i32
          %add3A_197 = arith.constant 4 : i32
          %add3A_198 = arith.addi %add3A_196, %add3A_197 : i32
          %lt3A_199 = arith.constant 16 : i32
          %lt3A_200 = arith.cmpi slt, %add3A_198, %lt3A_199 : i32
          %convert_element_type3A_201 = arith.extui %lt3A_200 : i1 to i32
          %cond3A_202 = arith.constant 0 : i32
          %cond3A_203 = arith.cmpi ne, %convert_element_type3A_201, %cond3A_202 : i32
          scf.if %cond3A_203 {
            %add3A_221 = arith.constant 2 : i32
            %add3A_222 = arith.addi %add3A_89, %add3A_221 : i32
            %add3A_223 = arith.constant 4 : i32
            %add3A_224 = arith.addi %add3A_222, %add3A_223 : i32
            %dma_start3A_225 = arith.constant 0 : i32
            %dma_start3A_226 = tpu.memref_slice %arg9[%add3A_224, %dma_start3A_225] : memref<16x64xi32, #tpu.memory_space<vmem>> -> memref<1x64xi32, #tpu.memory_space<vmem>>
            %dma_start3A_227 = tpu.memref_squeeze %dma_start3A_226 : memref<1x64xi32, #tpu.memory_space<vmem>> -> memref<64xi32, #tpu.memory_space<vmem>>
            %dma_start3A_228 = arith.constant 0 : i32
            %dma_start3A_229 = arith.constant 0 : i32
            %dma_start3A_230 = tpu.memref_slice %arg3[%dma_start3A_228, %dma_start3A_229] : memref<10000x128xf32, #tpu.memory_space<hbm>> -> memref<10000x128xf32, #tpu.memory_space<hbm>>
            tpu.enqueue_indirect_dma source(%dma_start3A_230 : memref<10000x128xf32, #tpu.memory_space<hbm>>) target(%arg13 : memref<64x128xf32, #tpu.memory_space<vmem>>) offsets(%dma_start3A_227 : memref<64xi32, #tpu.memory_space<vmem>>) semaphore(%arg18 : memref<!tpu.dma_semaphore, #tpu.memory_space<semaphore_mem>>)
          } else {
          }
          %add3A_204 = arith.constant 3 : i32
          %add3A_205 = arith.addi %add3A_89, %add3A_204 : i32
          %dma_wait3A_206 = arith.constant 0 : i32
          %dma_wait3A_207 = tpu.memref_slice %arg10[%add3A_205, %dma_wait3A_206] : memref<16x64xi32, #tpu.memory_space<vmem>> -> memref<1x64xi32, #tpu.memory_space<vmem>>
          %dma_wait3A_208 = tpu.memref_squeeze %dma_wait3A_207 : memref<1x64xi32, #tpu.memory_space<vmem>> -> memref<64xi32, #tpu.memory_space<vmem>>
          %dma_wait3A_209 = arith.constant 0 : i32
          %dma_wait3A_210 = arith.constant 0 : i32
          %dma_wait3A_211 = tpu.memref_slice %arg15[%dma_wait3A_209, %dma_wait3A_210] : memref<10112x128xf32, #tpu.memory_space<vmem_shared>> -> memref<10112x128xf32, #tpu.memory_space<vmem_shared>>
          tpu.wait_indirect_dma semaphore(%arg23 : memref<!tpu.dma_semaphore, #tpu.memory_space<semaphore_mem>>) src(%arg14 : memref<64x128xf32, #tpu.memory_space<vmem>>) dst(%dma_wait3A_211 : memref<10112x128xf32, #tpu.memory_space<vmem_shared>>)
          %add3A_212 = arith.constant 3 : i32
          %add3A_213 = arith.addi %add3A_89, %add3A_212 : i32
          %add3A_214 = arith.constant 4 : i32
          %add3A_215 = arith.addi %add3A_213, %add3A_214 : i32
          %lt3A_216 = arith.constant 16 : i32
          %lt3A_217 = arith.cmpi slt, %add3A_215, %lt3A_216 : i32
          %convert_element_type3A_218 = arith.extui %lt3A_217 : i1 to i32
          %cond3A_219 = arith.constant 0 : i32
          %cond3A_220 = arith.cmpi ne, %convert_element_type3A_218, %cond3A_219 : i32
          scf.if %cond3A_220 {
            %add3A_221 = arith.constant 3 : i32
            %add3A_222 = arith.addi %add3A_89, %add3A_221 : i32
            %add3A_223 = arith.constant 4 : i32
            %add3A_224 = arith.addi %add3A_222, %add3A_223 : i32
            %dma_start3A_225 = arith.constant 0 : i32
            %dma_start3A_226 = tpu.memref_slice %arg9[%add3A_224, %dma_start3A_225] : memref<16x64xi32, #tpu.memory_space<vmem>> -> memref<1x64xi32, #tpu.memory_space<vmem>>
            %dma_start3A_227 = tpu.memref_squeeze %dma_start3A_226 : memref<1x64xi32, #tpu.memory_space<vmem>> -> memref<64xi32, #tpu.memory_space<vmem>>
            %dma_start3A_228 = arith.constant 0 : i32
            %dma_start3A_229 = arith.constant 0 : i32
            %dma_start3A_230 = tpu.memref_slice %arg3[%dma_start3A_228, %dma_start3A_229] : memref<10000x128xf32, #tpu.memory_space<hbm>> -> memref<10000x128xf32, #tpu.memory_space<hbm>>
            tpu.enqueue_indirect_dma source(%dma_start3A_230 : memref<10000x128xf32, #tpu.memory_space<hbm>>) target(%arg14 : memref<64x128xf32, #tpu.memory_space<vmem>>) offsets(%dma_start3A_227 : memref<64xi32, #tpu.memory_space<vmem>>) semaphore(%arg19 : memref<!tpu.dma_semaphore, #tpu.memory_space<semaphore_mem>>)
          } else {
          }
        }
        %scan3A_84 = arith.constant 4 : i32
      }
      %scan3A_45 = arith.constant 2 : i32
    } else {
    }
    %barrier3A_31 = arith.constant 0 : index
    tpu.barrier barrier_id(%barrier3A_31)
    %lt3A = arith.constant 15 : i32
    %lt3A_32 = arith.cmpi slt, %arg1, %lt3A : i32
    %convert_element_type3A_33 = arith.extui %lt3A_32 : i1 to i32
    %cond3A_34 = arith.constant 0 : i32
    %cond3A_35 = arith.cmpi ne, %convert_element_type3A_33, %cond3A_34 : i32
    scf.if %cond3A_35 {
      %mul3A_41 = arith.constant 632 : i32
      %mul3A_42 = arith.muli %arg1, %mul3A_41 : i32
      %mul3A_43 = arith.constant 632 : i32
      %mul3A_44 = arith.muli %arg1, %mul3A_43 : i32
      "tpu.region"() ({
        %run_scoped3A = tpu.sem_alloc : memref<!tpu.dma_semaphore, #tpu.memory_space<semaphore_mem>>
        %dma_start3A = arith.constant 0 : i32
        %dma_start3A_45 = tpu.memref_slice %arg8[%arg0, %mul3A_44, %dma_start3A] : memref<2x10000x128xf32, #tpu.memory_space<hbm>> -> memref<1x632x128xf32, #tpu.memory_space<hbm>>
        %dma_start3A_46 = tpu.memref_squeeze %dma_start3A_45 : memref<1x632x128xf32, #tpu.memory_space<hbm>> -> memref<632x128xf32, #tpu.memory_space<hbm>>
        %dma_start3A_47 = arith.constant 0 : i32
        %dma_start3A_48 = tpu.memref_slice %arg15[%mul3A_42, %dma_start3A_47] : memref<10112x128xf32, #tpu.memory_space<vmem_shared>> -> memref<632x128xf32, #tpu.memory_space<vmem_shared>>
        tpu.enqueue_dma source(%dma_start3A_48 : memref<632x128xf32, #tpu.memory_space<vmem_shared>>) target(%dma_start3A_46 : memref<632x128xf32, #tpu.memory_space<hbm>>) target_semaphore(%run_scoped3A : memref<!tpu.dma_semaphore, #tpu.memory_space<semaphore_mem>>)
        %dma_wait3A = arith.constant 0 : i32
        %dma_wait3A_49 = tpu.memref_slice %arg8[%arg0, %mul3A_44, %dma_wait3A] : memref<2x10000x128xf32, #tpu.memory_space<hbm>> -> memref<1x632x128xf32, #tpu.memory_space<hbm>>
        %dma_wait3A_50 = tpu.memref_squeeze %dma_wait3A_49 : memref<1x632x128xf32, #tpu.memory_space<hbm>> -> memref<632x128xf32, #tpu.memory_space<hbm>>
        %dma_wait3A_51 = arith.constant 0 : i32
        %dma_wait3A_52 = tpu.memref_slice %arg15[%mul3A_42, %dma_wait3A_51] : memref<10112x128xf32, #tpu.memory_space<vmem_shared>> -> memref<632x128xf32, #tpu.memory_space<vmem_shared>>
        tpu.wait_dma2 semaphore(%run_scoped3A : memref<!tpu.dma_semaphore, #tpu.memory_space<semaphore_mem>>) src(%dma_wait3A_52 : memref<632x128xf32, #tpu.memory_space<vmem_shared>>) dst(%dma_wait3A_50 : memref<632x128xf32, #tpu.memory_space<hbm>>)
        tpu.yield
      }) : () -> ()
    } else {
    }
    %eq3A_36 = arith.constant 15 : i32
    %eq3A_37 = arith.cmpi eq, %arg1, %eq3A_36 : i32
    %convert_element_type3A_38 = arith.extui %eq3A_37 : i1 to i32
    %cond3A_39 = arith.constant 0 : i32
    %cond3A_40 = arith.cmpi ne, %convert_element_type3A_38, %cond3A_39 : i32
    scf.if %cond3A_40 {
      "tpu.region"() ({
        %run_scoped3A = tpu.sem_alloc : memref<!tpu.dma_semaphore, #tpu.memory_space<semaphore_mem>>
        %dma_start3A = arith.constant 9480 : i32
        %dma_start3A_41 = arith.constant 0 : i32
        %dma_start3A_42 = tpu.memref_slice %arg8[%arg0, %dma_start3A, %dma_start3A_41] : memref<2x10000x128xf32, #tpu.memory_space<hbm>> -> memref<1x520x128xf32, #tpu.memory_space<hbm>>
        %dma_start3A_43 = tpu.memref_squeeze %dma_start3A_42 : memref<1x520x128xf32, #tpu.memory_space<hbm>> -> memref<520x128xf32, #tpu.memory_space<hbm>>
        %dma_start3A_44 = arith.constant 9480 : i32
        %dma_start3A_45 = arith.constant 0 : i32
        %dma_start3A_46 = tpu.memref_slice %arg15[%dma_start3A_44, %dma_start3A_45] : memref<10112x128xf32, #tpu.memory_space<vmem_shared>> -> memref<520x128xf32, #tpu.memory_space<vmem_shared>>
        tpu.enqueue_dma source(%dma_start3A_46 : memref<520x128xf32, #tpu.memory_space<vmem_shared>>) target(%dma_start3A_43 : memref<520x128xf32, #tpu.memory_space<hbm>>) target_semaphore(%run_scoped3A : memref<!tpu.dma_semaphore, #tpu.memory_space<semaphore_mem>>)
        %dma_wait3A = arith.constant 9480 : i32
        %dma_wait3A_47 = arith.constant 0 : i32
        %dma_wait3A_48 = tpu.memref_slice %arg8[%arg0, %dma_wait3A, %dma_wait3A_47] : memref<2x10000x128xf32, #tpu.memory_space<hbm>> -> memref<1x520x128xf32, #tpu.memory_space<hbm>>
        %dma_wait3A_49 = tpu.memref_squeeze %dma_wait3A_48 : memref<1x520x128xf32, #tpu.memory_space<hbm>> -> memref<520x128xf32, #tpu.memory_space<hbm>>
        %dma_wait3A_50 = arith.constant 9480 : i32
        %dma_wait3A_51 = arith.constant 0 : i32
        %dma_wait3A_52 = tpu.memref_slice %arg15[%dma_wait3A_50, %dma_wait3A_51] : memref<10112x128xf32, #tpu.memory_space<vmem_shared>> -> memref<520x128xf32, #tpu.memory_space<vmem_shared>>
        tpu.wait_dma2 semaphore(%run_scoped3A : memref<!tpu.dma_semaphore, #tpu.memory_space<semaphore_mem>>) src(%dma_wait3A_52 : memref<520x128xf32, #tpu.memory_space<vmem_shared>>) dst(%dma_wait3A_49 : memref<520x128xf32, #tpu.memory_space<hbm>>)
        tpu.yield
      }) : () -> ()
    } else {
    }
    return
  }
}

module attributes {stable_mosaic.version = 14 : i64} {
  func.func @_tc1_body(%arg0: i32, %arg1: memref<2000x128xf32, #tpu.memory_space<vmem>>, %arg2: memref<128x128xf32, #tpu.memory_space<vmem>>, %arg3: memref<2x2000x1xf32, #tpu.memory_space<vmem>>, %arg4: memref<2000x128xf32, #tpu.memory_space<vmem>>, %arg5: memref<2000x128xf32, #tpu.memory_space<vmem>>, %arg6: memref<2000x1xf32, #tpu.memory_space<vmem>>) attributes {dimension_semantics = [#tpu.dimension_semantics<arbitrary>], iteration_bounds = array<i64: 5>, scalar_prefetch = 0 : i64, scratch_operands = 0 : i64, tpu.core_type = #tpu.core_type<tc>, window_params = [{transform_indices = @transform_0, window_bounds = array<i64: 2000, 128>}, {pipeline_mode = #tpu.pipeline_mode<synchronous>, transform_indices = @transform_1, window_bounds = array<i64: 128, 128>}, {transform_indices = @transform_2, window_bounds = array<i64: 2, 2000, 1>}, {transform_indices = @transform_3, window_bounds = array<i64: 2000, 128>}, {transform_indices = @transform_4, window_bounds = array<i64: 2000, 128>}, {transform_indices = @transform_5, window_bounds = array<i64: 2000, 1>}]} {
    %get3A = arith.constant 0 : index
    %get3A_0 = arith.constant 0 : index
    %get3A_1 = arith.constant 0 : index
    %get3A_2 = vector.load %arg3[%get3A, %get3A_0, %get3A_1] : memref<2x2000x1xf32, #tpu.memory_space<vmem>>, vector<2x2000x1xf32>
    %slice3A = vector.extract_strided_slice %get3A_2 {offsets = [0, 0, 0], sizes = [1, 2000, 1], strides = [1, 1, 1]} : vector<2x2000x1xf32> to vector<1x2000x1xf32>
    %squeeze3A = vector.shape_cast %slice3A : vector<1x2000x1xf32> to vector<2000x1xf32>
    %slice3A_3 = vector.extract_strided_slice %get3A_2 {offsets = [1, 0, 0], sizes = [1, 2000, 1], strides = [1, 1, 1]} : vector<2x2000x1xf32> to vector<1x2000x1xf32>
    %squeeze3A_4 = vector.shape_cast %slice3A_3 : vector<1x2000x1xf32> to vector<2000x1xf32>
    %add3A = arith.addf %squeeze3A, %squeeze3A_4 : vector<2000x1xf32>
    %add3A_5 = arith.constant 1.000000e+00 : f32
    %add3A_6 = vector.broadcast %add3A_5 : f32 to vector<2000x1xf32>
    %add3A_7 = arith.addf %add3A, %add3A_6 : vector<2000x1xf32>
    %rsqrt3A = math.rsqrt %add3A_7 : vector<2000x1xf32>
    %get3A_8 = arith.constant 0 : index
    %get3A_9 = arith.constant 0 : index
    %get3A_10 = vector.load %arg1[%get3A_8, %get3A_9] : memref<2000x128xf32, #tpu.memory_space<vmem>>, vector<2000x128xf32>
    %get3A_11 = arith.constant 0 : index
    %get3A_12 = arith.constant 0 : index
    %get3A_13 = vector.load %arg2[%get3A_11, %get3A_12] : memref<128x128xf32, #tpu.memory_space<vmem>>, vector<128x128xf32>
    %dot_general3A = arith.constant dense<0.000000e+00> : vector<2000x128xf32>
    %dot_general3A_14 = tpu.matmul %get3A_10, %get3A_13, %dot_general3A {dimension_numbers = #tpu.dot_dimension_numbers<[1], [0], [0], [1], [0, 0, 1, 1], [], []>, transpose_lhs_hint = false} : vector<2000x128xf32>, vector<128x128xf32>, vector<2000x128xf32> -> vector<2000x128xf32>
    %mul3A = vector.broadcast %rsqrt3A : vector<2000x1xf32> to vector<2000x128xf32>
    %mul3A_15 = arith.mulf %dot_general3A_14, %mul3A : vector<2000x128xf32>
    %swap3A = arith.constant 0 : index
    %swap3A_16 = arith.constant 0 : index
    %swap3A_17 = vector.load %arg4[%swap3A, %swap3A_16] : memref<2000x128xf32, #tpu.memory_space<vmem>>, vector<2000x128xf32>
    tpu.vector_store %arg4[%swap3A, %swap3A_16], %mul3A_15 {strides = array<i32>} : memref<2000x128xf32, #tpu.memory_space<vmem>>, vector<2000x128xf32>,
    %swap3A_18 = arith.constant 0 : index
    %swap3A_19 = arith.constant 0 : index
    %swap3A_20 = vector.load %arg5[%swap3A_18, %swap3A_19] : memref<2000x128xf32, #tpu.memory_space<vmem>>, vector<2000x128xf32>
    tpu.vector_store %arg5[%swap3A_18, %swap3A_19], %mul3A_15 {strides = array<i32>} : memref<2000x128xf32, #tpu.memory_space<vmem>>, vector<2000x128xf32>,
    %swap3A_21 = arith.constant 0 : index
    %swap3A_22 = arith.constant 0 : index
    %swap3A_23 = vector.load %arg6[%swap3A_21, %swap3A_22] : memref<2000x1xf32, #tpu.memory_space<vmem>>, vector<2000x1xf32>
    tpu.vector_store %arg6[%swap3A_21, %swap3A_22], %rsqrt3A {strides = array<i32>} : memref<2000x1xf32, #tpu.memory_space<vmem>>, vector<2000x1xf32>,
    return
  }
  func.func @transform_0(%arg0: i32) -> (i32, i32) {
    %c0_i32 = arith.constant 0 : i32
    %c0_i32_0 = arith.constant 0 : i32
    return %arg0, %c0_i32 : i32, i32
  }
  func.func @transform_1(%arg0: i32) -> (i32, i32) {
    %c0_i32 = arith.constant 0 : i32
    %c0_i32_0 = arith.constant 0 : i32
    %c0_i32_1 = arith.constant 0 : i32
    return %c0_i32, %c0_i32_0 : i32, i32
  }
  func.func @transform_2(%arg0: i32) -> (i32, i32, i32) {
    %c0_i32 = arith.constant 0 : i32
    %c0_i32_0 = arith.constant 0 : i32
    %c0_i32_1 = arith.constant 0 : i32
    return %c0_i32, %arg0, %c0_i32_0 : i32, i32, i32
  }
  func.func @transform_3(%arg0: i32) -> (i32, i32) {
    %c0_i32 = arith.constant 0 : i32
    %c0_i32_0 = arith.constant 0 : i32
    return %arg0, %c0_i32 : i32, i32
  }
  func.func @transform_4(%arg0: i32) -> (i32, i32) {
    %c0_i32 = arith.constant 0 : i32
    %c0_i32_0 = arith.constant 0 : i32
    return %arg0, %c0_i32 : i32, i32
  }
  func.func @transform_5(%arg0: i32) -> (i32, i32) {
    %c0_i32 = arith.constant 0 : i32
    %c0_i32_0 = arith.constant 0 : i32
    return %arg0, %c0_i32 : i32, i32
  }
}

module attributes {stable_mosaic.version = 14 : i64} {
  func.func @_tc2_body(%arg0: i32, %arg1: memref<2x2000x128xf32, #tpu.memory_space<vmem>>, %arg2: memref<2000x128xf32, #tpu.memory_space<vmem>>, %arg3: memref<2000x1xf32, #tpu.memory_space<vmem>>, %arg4: memref<1x128xf32, #tpu.memory_space<vmem>>, %arg5: memref<128x128xf32, #tpu.memory_space<vmem>>, %arg6: memref<2000x128xf32, #tpu.memory_space<vmem>>, %arg7: memref<2000x128xf32, #tpu.memory_space<vmem>>) attributes {dimension_semantics = [#tpu.dimension_semantics<arbitrary>], iteration_bounds = array<i64: 5>, scalar_prefetch = 0 : i64, scratch_operands = 0 : i64, tpu.core_type = #tpu.core_type<tc>, window_params = [{transform_indices = @transform_0, window_bounds = array<i64: 2, 2000, 128>}, {transform_indices = @transform_1, window_bounds = array<i64: 2000, 128>}, {transform_indices = @transform_2, window_bounds = array<i64: 2000, 1>}, {pipeline_mode = #tpu.pipeline_mode<synchronous>, transform_indices = @transform_3, window_bounds = array<i64: 1, 128>}, {pipeline_mode = #tpu.pipeline_mode<synchronous>, transform_indices = @transform_4, window_bounds = array<i64: 128, 128>}, {transform_indices = @transform_5, window_bounds = array<i64: 2000, 128>}, {transform_indices = @transform_6, window_bounds = array<i64: 2000, 128>}]} {
    %get3A = arith.constant 0 : index
    %get3A_0 = arith.constant 0 : index
    %get3A_1 = arith.constant 0 : index
    %get3A_2 = vector.load %arg1[%get3A, %get3A_0, %get3A_1] : memref<2x2000x128xf32, #tpu.memory_space<vmem>>, vector<2x2000x128xf32>
    %get3A_3 = arith.constant 0 : index
    %get3A_4 = arith.constant 0 : index
    %get3A_5 = vector.load %arg3[%get3A_3, %get3A_4] : memref<2000x1xf32, #tpu.memory_space<vmem>>, vector<2000x1xf32>
    %slice3A = vector.extract_strided_slice %get3A_2 {offsets = [0, 0, 0], sizes = [1, 2000, 128], strides = [1, 1, 1]} : vector<2x2000x128xf32> to vector<1x2000x128xf32>
    %squeeze3A = vector.shape_cast %slice3A : vector<1x2000x128xf32> to vector<2000x128xf32>
    %slice3A_6 = vector.extract_strided_slice %get3A_2 {offsets = [1, 0, 0], sizes = [1, 2000, 128], strides = [1, 1, 1]} : vector<2x2000x128xf32> to vector<1x2000x128xf32>
    %squeeze3A_7 = vector.shape_cast %slice3A_6 : vector<1x2000x128xf32> to vector<2000x128xf32>
    %add3A = arith.addf %squeeze3A, %squeeze3A_7 : vector<2000x128xf32>
    %get3A_8 = arith.constant 0 : index
    %get3A_9 = arith.constant 0 : index
    %get3A_10 = vector.load %arg2[%get3A_8, %get3A_9] : memref<2000x128xf32, #tpu.memory_space<vmem>>, vector<2000x128xf32>
    %add3A_11 = arith.addf %add3A, %get3A_10 : vector<2000x128xf32>
    %mul3A = vector.broadcast %get3A_5 : vector<2000x1xf32> to vector<2000x128xf32>
    %mul3A_12 = arith.mulf %add3A_11, %mul3A : vector<2000x128xf32>
    %get3A_13 = arith.constant 0 : index
    %get3A_14 = arith.constant 0 : index
    %get3A_15 = vector.load %arg4[%get3A_13, %get3A_14] : memref<1x128xf32, #tpu.memory_space<vmem>>, vector<1x128xf32>
    %add3A_16 = vector.broadcast %get3A_15 : vector<1x128xf32> to vector<2000x128xf32>
    %add3A_17 = arith.addf %mul3A_12, %add3A_16 : vector<2000x128xf32>
    %max3A = arith.constant 0.000000e+00 : f32
    %max3A_18 = vector.broadcast %max3A : f32 to vector<2000x128xf32>
    %max3A_19 = arith.maximumf %add3A_17, %max3A_18 : vector<2000x128xf32>
    %get3A_20 = arith.constant 0 : index
    %get3A_21 = arith.constant 0 : index
    %get3A_22 = vector.load %arg5[%get3A_20, %get3A_21] : memref<128x128xf32, #tpu.memory_space<vmem>>, vector<128x128xf32>
    %dot_general3A = arith.constant dense<0.000000e+00> : vector<2000x128xf32>
    %dot_general3A_23 = tpu.matmul %max3A_19, %get3A_22, %dot_general3A {dimension_numbers = #tpu.dot_dimension_numbers<[1], [0], [0], [1], [0, 0, 1, 1], [], []>, transpose_lhs_hint = false} : vector<2000x128xf32>, vector<128x128xf32>, vector<2000x128xf32> -> vector<2000x128xf32>
    %mul3A_24 = vector.broadcast %get3A_5 : vector<2000x1xf32> to vector<2000x128xf32>
    %mul3A_25 = arith.mulf %dot_general3A_23, %mul3A_24 : vector<2000x128xf32>
    %swap3A = arith.constant 0 : index
    %swap3A_26 = arith.constant 0 : index
    %swap3A_27 = vector.load %arg6[%swap3A, %swap3A_26] : memref<2000x128xf32, #tpu.memory_space<vmem>>, vector<2000x128xf32>
    tpu.vector_store %arg6[%swap3A, %swap3A_26], %mul3A_25 {strides = array<i32>} : memref<2000x128xf32, #tpu.memory_space<vmem>>, vector<2000x128xf32>,
    %swap3A_28 = arith.constant 0 : index
    %swap3A_29 = arith.constant 0 : index
    %swap3A_30 = vector.load %arg7[%swap3A_28, %swap3A_29] : memref<2000x128xf32, #tpu.memory_space<vmem>>, vector<2000x128xf32>
    tpu.vector_store %arg7[%swap3A_28, %swap3A_29], %mul3A_25 {strides = array<i32>} : memref<2000x128xf32, #tpu.memory_space<vmem>>, vector<2000x128xf32>,
    return
  }
  func.func @transform_0(%arg0: i32) -> (i32, i32, i32) {
    %c0_i32 = arith.constant 0 : i32
    %c0_i32_0 = arith.constant 0 : i32
    %c0_i32_1 = arith.constant 0 : i32
    return %c0_i32, %arg0, %c0_i32_0 : i32, i32, i32
  }
  func.func @transform_1(%arg0: i32) -> (i32, i32) {
    %c0_i32 = arith.constant 0 : i32
    %c0_i32_0 = arith.constant 0 : i32
    return %arg0, %c0_i32 : i32, i32
  }
  func.func @transform_2(%arg0: i32) -> (i32, i32) {
    %c0_i32 = arith.constant 0 : i32
    %c0_i32_0 = arith.constant 0 : i32
    return %arg0, %c0_i32 : i32, i32
  }
  func.func @transform_3(%arg0: i32) -> (i32, i32) {
    %c0_i32 = arith.constant 0 : i32
    %c0_i32_0 = arith.constant 0 : i32
    %c0_i32_1 = arith.constant 0 : i32
    return %c0_i32, %c0_i32_0 : i32, i32
  }
  func.func @transform_4(%arg0: i32) -> (i32, i32) {
    %c0_i32 = arith.constant 0 : i32
    %c0_i32_0 = arith.constant 0 : i32
    %c0_i32_1 = arith.constant 0 : i32
    return %c0_i32, %c0_i32_0 : i32, i32
  }
  func.func @transform_5(%arg0: i32) -> (i32, i32) {
    %c0_i32 = arith.constant 0 : i32
    %c0_i32_0 = arith.constant 0 : i32
    return %arg0, %c0_i32 : i32, i32
  }
  func.func @transform_6(%arg0: i32) -> (i32, i32) {
    %c0_i32 = arith.constant 0 : i32
    %c0_i32_0 = arith.constant 0 : i32
    return %arg0, %c0_i32 : i32, i32
  }
}

module attributes {stable_mosaic.version = 14 : i64} {
  func.func @_tc3_body(%arg0: i32, %arg1: memref<2x2000x128xf32, #tpu.memory_space<vmem>>, %arg2: memref<2000x128xf32, #tpu.memory_space<vmem>>, %arg3: memref<2000x1xf32, #tpu.memory_space<vmem>>, %arg4: memref<1x128xf32, #tpu.memory_space<vmem>>, %arg5: memref<2000x128xf32, #tpu.memory_space<vmem>>) attributes {dimension_semantics = [#tpu.dimension_semantics<arbitrary>], iteration_bounds = array<i64: 5>, scalar_prefetch = 0 : i64, scratch_operands = 0 : i64, tpu.core_type = #tpu.core_type<tc>, window_params = [{transform_indices = @transform_0, window_bounds = array<i64: 2, 2000, 128>}, {transform_indices = @transform_1, window_bounds = array<i64: 2000, 128>}, {transform_indices = @transform_2, window_bounds = array<i64: 2000, 1>}, {pipeline_mode = #tpu.pipeline_mode<synchronous>, transform_indices = @transform_3, window_bounds = array<i64: 1, 128>}, {transform_indices = @transform_4, window_bounds = array<i64: 2000, 128>}]} {
    %get3A = arith.constant 0 : index
    %get3A_0 = arith.constant 0 : index
    %get3A_1 = arith.constant 0 : index
    %get3A_2 = vector.load %arg1[%get3A, %get3A_0, %get3A_1] : memref<2x2000x128xf32, #tpu.memory_space<vmem>>, vector<2x2000x128xf32>
    %slice3A = vector.extract_strided_slice %get3A_2 {offsets = [0, 0, 0], sizes = [1, 2000, 128], strides = [1, 1, 1]} : vector<2x2000x128xf32> to vector<1x2000x128xf32>
    %squeeze3A = vector.shape_cast %slice3A : vector<1x2000x128xf32> to vector<2000x128xf32>
    %slice3A_3 = vector.extract_strided_slice %get3A_2 {offsets = [1, 0, 0], sizes = [1, 2000, 128], strides = [1, 1, 1]} : vector<2x2000x128xf32> to vector<1x2000x128xf32>
    %squeeze3A_4 = vector.shape_cast %slice3A_3 : vector<1x2000x128xf32> to vector<2000x128xf32>
    %add3A = arith.addf %squeeze3A, %squeeze3A_4 : vector<2000x128xf32>
    %get3A_5 = arith.constant 0 : index
    %get3A_6 = arith.constant 0 : index
    %get3A_7 = vector.load %arg2[%get3A_5, %get3A_6] : memref<2000x128xf32, #tpu.memory_space<vmem>>, vector<2000x128xf32>
    %add3A_8 = arith.addf %add3A, %get3A_7 : vector<2000x128xf32>
    %get3A_9 = arith.constant 0 : index
    %get3A_10 = arith.constant 0 : index
    %get3A_11 = vector.load %arg3[%get3A_9, %get3A_10] : memref<2000x1xf32, #tpu.memory_space<vmem>>, vector<2000x1xf32>
    %mul3A = vector.broadcast %get3A_11 : vector<2000x1xf32> to vector<2000x128xf32>
    %mul3A_12 = arith.mulf %add3A_8, %mul3A : vector<2000x128xf32>
    %get3A_13 = arith.constant 0 : index
    %get3A_14 = arith.constant 0 : index
    %get3A_15 = vector.load %arg4[%get3A_13, %get3A_14] : memref<1x128xf32, #tpu.memory_space<vmem>>, vector<1x128xf32>
    %add3A_16 = vector.broadcast %get3A_15 : vector<1x128xf32> to vector<2000x128xf32>
    %add3A_17 = arith.addf %mul3A_12, %add3A_16 : vector<2000x128xf32>
    %swap3A = arith.constant 0 : index
    %swap3A_18 = arith.constant 0 : index
    %swap3A_19 = vector.load %arg5[%swap3A, %swap3A_18] : memref<2000x128xf32, #tpu.memory_space<vmem>>, vector<2000x128xf32>
    tpu.vector_store %arg5[%swap3A, %swap3A_18], %add3A_17 {strides = array<i32>} : memref<2000x128xf32, #tpu.memory_space<vmem>>, vector<2000x128xf32>,
    return
  }
  func.func @transform_0(%arg0: i32) -> (i32, i32, i32) {
    %c0_i32 = arith.constant 0 : i32
    %c0_i32_0 = arith.constant 0 : i32
    %c0_i32_1 = arith.constant 0 : i32
    return %c0_i32, %arg0, %c0_i32_0 : i32, i32, i32
  }
  func.func @transform_1(%arg0: i32) -> (i32, i32) {
    %c0_i32 = arith.constant 0 : i32
    %c0_i32_0 = arith.constant 0 : i32
    return %arg0, %c0_i32 : i32, i32
  }
  func.func @transform_2(%arg0: i32) -> (i32, i32) {
    %c0_i32 = arith.constant 0 : i32
    %c0_i32_0 = arith.constant 0 : i32
    return %arg0, %c0_i32 : i32, i32
  }
  func.func @transform_3(%arg0: i32) -> (i32, i32) {
    %c0_i32 = arith.constant 0 : i32
    %c0_i32_0 = arith.constant 0 : i32
    %c0_i32_1 = arith.constant 0 : i32
    return %c0_i32, %c0_i32_0 : i32, i32
  }
  func.func @transform_4(%arg0: i32) -> (i32, i32) {
    %c0_i32 = arith.constant 0 : i32
    %c0_i32_0 = arith.constant 0 : i32
    return %arg0, %c0_i32 : i32, i32
  }
}

</mosaic_0001>

<sc_bundles>
// kernel: kernel.11.cloned.1.call-start
scs
__scs_entry_jumppad:
0x0: {  	(pc) =	sbr.rel $0x88, $3  }
0x1: {  	(tag) =	ssettag $0x0;
	lr =	simm.s32 $0x1  }
0x2: {  	[smem:$0x3F9B] =	sst lr;
	_ =	strace $0xD0000000  }
0x3: {  	_ = 	snop  }
0x4: {  	_ = 	snop  }
0x5: {  	_ = 	snop  }
0x6: {  	_ = 	snop  }
0x7: {  	_ = 	snop  }
__scs_overlays_trampoline_lowered:
0x8: {  	[smem:$0x3FAA] =	sst s0  }
0x9: {  	[smem:$0x3FAB] =	sst s1  }
0xa: {  	[smem:$0x3FAC] =	sst s2  }
0xb: {  	[smem:$0x3FAD] =	sst s3  }
0xc: {  	[smem:$0x3FAE] =	sst s4  }
0xd: {  	[smem:$0x3FAF] =	sst s5  }
0xe: {  	[smem:$0x3FB0] =	sst s6  }
0xf: {  	[smem:$0x3FB1] =	sst s7  }
0x10: {  	[smem:$0x3FB2] =	sst s8  }
0x11: {  	[smem:$0x3FB3] =	sst s9;
	s0 =	simm.s32 @!p0 $0x0  }
0x12: {  	s1 =	sld [smem:$0x3F99];
	s0 =	simm.s32 @p0 $0x1  }
0x13: {  	[smem:$0x3FB4] =	sst s0;
	s0 =	simm.s32 @!p1 $0x0  }
0x14: {  	s2 =	sld [smem:$0x3F98];
	s0 =	simm.s32 @p1 $0x1  }
0x15: {  	[smem:$0x3FB5] =	sst s0;
	s0 =	simm.s32 @!p2 $0x0  }
0x16: {  	s3 =	sld [smem:$0x3FDB];
	s0 =	simm.s32 @p2 $0x1  }
0x17: {  	s4 =	simm.s32 $0x1BF5;
	[smem:$0x3FB7] =	sst s0  }
0x18: {  	s0 =	sld [smem:$0x3F9A];
	_ =	swait.ge [sflag:s4], $0x0  }
0x19: {  	s7 =	sld [smem:$0x3F9B]  }
0x1a: {  	s8 =	sadd.s32 $0xFFFFE003, lr  }
0x1b: {  	s9 =	sadd.s32 $0xFFFFFEF7, lr;
	s5 =	simm.s32 $0xFFFFFFFF;
	p2 =	slt.u32 s8, $0xFFFFF086  }
0x1c: {  	p1 =	slt.u32 s9, $0xF7A;
	s5 =	simm.s32 @!p2 $0x0  }
0x1d: {  	s5 =	simm.s32 @p1 $0x1;
	p0 =	seq.s32 s7, s2  }
0x1e: {  	s7 =	smul.u32 @!p0 $0xF7A, s2;
	p2 =	seq.s32 @!p0 s5, $0x0  }
0x1f: {  	s9 =	smul.u32 $0xF7A, s1;
	s8 =	simm.s32 @!p0 $0x1BF5;
	p2 =	por !p2, p0  }
0x20: {  	[sflag:s8] =	ssyncset.s32 @!p0 $0xFFFFF086;
	s6 =	sadd.s32 @!p0 s3, s7;
	s7 =	simm.s32 @!p0 $0x108  }
0x21: {  	s3 =	sadd.s32 s3, s9;
	s6 =	sadd.s32 @!p0 $0x88, s6;
	s7 =	simm.s32 @p2 $0x1082  }
0x22: {  	[simem:s7], [sflag:s8] =	dma.local @!p0 [hbm:s6], $0xF7A  }
0x23: {  	s9 =	sor.u32 $0xD0000000, s2;
	s6 =	simm.s32 $0x108;
	_ =	swait.ge @!p0 [sflag:s8], $0x0  }
0x24: {  	s3 =	sadd.s32 $0x88, s3;
	s6 =	simm.s32 @!p1 $0x1082;
	[sflag:s4] =	ssyncset.s32 $0xFFFFF086  }
0x25: {  	[simem:s6], [sflag:s4] =	dma.local [hbm:s3], $0xF7A  }
0x26: {  	[smem:$0x3F9B] =	sst s1;
	(tag) =	ssettag s2;
	_ =	strace s9  }
0x27: {  	s1 =	sld [smem:$0x3FAB]  }
0x28: {  	s2 =	sld [smem:$0x3FAC]  }
0x29: {  	s4 =	sld [smem:$0x3FAE]  }
0x2a: {  	p0 =	seq.s32 s5, $0x0;
	s5 =	sld [smem:$0x3FAF]  }
0x2b: {  	s6 =	sld [smem:$0x3FB0]  }
0x2c: {  	s7 =	sld [smem:$0x3FB1]  }
0x2d: {  	s3 =	simm.s32 $0x108;
	s8 =	sld [smem:$0x3FB2]  }
0x2e: {  	s3 =	simm.s32 @!p0 $0x1082;
	s9 =	sld [smem:$0x3FB3]  }
0x2f: {  	lr =	sadd.s32 s0, s3;
	s0 =	sld [smem:$0x3FAA]  }
0x30: {  	s3 =	sld [smem:$0x3FAD]  }
0x31: {  	[smem:$0x3FB6] =	sst s10  }
0x32: {  	s10 =	sld [smem:$0x3FB4];
	_ =	sdelay $0x3  }
0x33: {  	p0 =	seq.s32 s10, $0x1;
	s10 =	sld [smem:$0x3FB6];
	_ =	sdelay $0x3  }
0x34: {  	[smem:$0x3FB6] =	sst s10  }
0x35: {  	s10 =	sld [smem:$0x3FB5];
	_ =	sdelay $0x3  }
0x36: {  	p1 =	seq.s32 s10, $0x1;
	s10 =	sld [smem:$0x3FB6];
	_ =	sdelay $0x3  }
0x37: {  	[smem:$0x3FB6] =	sst s10  }
0x38: {  	s10 =	sld [smem:$0x3FB7]  }
0x39: {  	_ = 	snop;
	(pc) =	sbr.ind lr, $3  }
0x3a: {  	_ = 	snop  }
0x3b: {  	_ = 	snop  }
0x3c: {  	p2 =	seq.s32 s10, $0x1;
	s10 =	sld [smem:$0x3FB6]  }
0x3d: {  	_ =	shalt  }
0x3e: {  	_ =	shalt  }
0x3f: {  	_ =	shalt  }
0x40: {  	_ =	shalt  }
0x41: {  	_ =	shalt  }
0x42: {  	_ =	shalt  }
0x43: {  	_ =	shalt  }
0x44: {  	_ =	shalt  }
0x45: {  	_ =	shalt  }
0x46: {  	_ =	shalt  }
0x47: {  	_ =	shalt  }
0x48: {  	_ =	shalt  }
0x49: {  	_ =	shalt  }
0x4a: {  	_ =	shalt  }
0x4b: {  	_ =	shalt  }
0x4c: {  	_ =	shalt  }
0x4d: {  	_ =	shalt  }
0x4e: {  	_ =	shalt  }
0x4f: {  	_ =	shalt  }
0x50: {  	_ =	shalt  }
0x51: {  	_ =	shalt  }
0x52: {  	_ =	shalt  }
0x53: {  	_ =	shalt  }
0x54: {  	_ =	shalt  }
0x55: {  	_ =	shalt  }
0x56: {  	_ =	shalt  }
0x57: {  	_ =	shalt  }
0x58: {  	_ =	shalt  }
0x59: {  	_ =	shalt  }
0x5a: {  	_ =	shalt  }
0x5b: {  	_ =	shalt  }
0x5c: {  	_ =	shalt  }
0x5d: {  	_ =	shalt  }
0x5e: {  	_ =	shalt  }
0x5f: {  	_ =	shalt  }
0x60: {  	_ =	shalt  }
0x61: {  	_ =	shalt  }
0x62: {  	_ =	shalt  }
0x63: {  	_ =	shalt  }
0x64: {  	_ =	shalt  }
0x65: {  	_ =	shalt  }
0x66: {  	_ =	shalt  }
0x67: {  	_ =	shalt  }
0x68: {  	_ =	shalt  }
0x69: {  	_ =	shalt  }
0x6a: {  	_ =	shalt  }
0x6b: {  	_ =	shalt  }
0x6c: {  	_ =	shalt  }
0x6d: {  	_ =	shalt  }
0x6e: {  	_ =	shalt  }
0x6f: {  	_ =	shalt  }
0x70: {  	_ =	shalt  }
0x71: {  	_ =	shalt  }
0x72: {  	_ =	shalt  }
0x73: {  	_ =	shalt  }
0x74: {  	_ =	shalt  }
0x75: {  	_ =	shalt  }
0x76: {  	_ =	shalt  }
0x77: {  	_ =	shalt  }
0x78: {  	_ =	shalt  }
0x79: {  	_ =	shalt  }
0x7a: {  	_ =	shalt  }
0x7b: {  	_ =	shalt  }
0x7c: {  	_ =	shalt  }
0x7d: {  	_ =	shalt  }
0x7e: {  	_ =	shalt  }
0x7f: {  	_ =	shalt  }
0x80: {  	_ =	shalt  }
0x81: {  	_ =	shalt  }
0x82: {  	_ =	shalt  }
0x83: {  	_ =	shalt  }
0x84: {  	_ =	shalt  }
0x85: {  	_ =	shalt  }
0x86: {  	_ =	shalt  }
0x87: {  	_ =	shalt  }
.Lfunc_end0:
.L_simem_size_0:
called_computation.1_lowered:
.L_overlay_start_0:
0x88: {  	s2 =	sld [smem:$0x3FD9]  }
0x89: {  	s3 =	sld [smem:$0x3FFE];
	_ =	sdelay $0x1  }
0x8a: {  	s1 =	srdreg.scid  }
0x8b: {  	s0 =	sand.u32 $0x1, s1  }
0x8c: {  	s17 =	sshll.u32 s0, $0xA;
	s2 =	sadd.s32 s3, s2  }
0x8d: {  	s2 =	sadd.s32 s2, s17  }
0x8e: {  	[smem:$0x3FC2] =	sst s2  }
0x8f: {  	_ = 	snop  }
0x90: {  	s2 =	sld [smem:$0x3FD0];
	(tm) =	ssettm $0x1  }
0x91: {  	s18 =	sld [smem:$0x3FFB];
	_ =	sdelay $0x3  }
0x92: {  	_ =	strace s18  }
0x93: {  	s3 =	sld [smem:$0x3FFC];
	_ =	sdelay $0x3  }
0x94: {  	_ =	strace s3  }
0x95: {  	s3 =	sld [smem:$0x3FFD];
	_ =	sdelay $0x3  }
0x96: {  	_ =	strace s3  }
0x97: {  	_ =	strace $0x8FFFFFFF  }
0x98: {  	s19 =	sld [smem:$0x3FDB];
	_ =	sdelay $0x1  }
0x99: {  	s4 =	simm.s32 $_scs_section_size  }
0x9a: {  	s5 =	simm.s32 $_size__tile_overlayer_lowered;
	s6 =	simm.s32 $_tile_overlayer_lowered  }
0x9b: {  	s22 =	simm.s32 $0x1BFF;
	s21 =	sshll.u32 s6, $0x1;
	s3 =	sadd.s32 s4, s19  }
0x9c: {  	s7 =	simm.s32 $0x0;
	s20 =	sshll.u32 s5, $0x1;
	s5 =	sadd.s32 s21, s3  }
0x9d: {  	[timem:s7], [sflag:s22] =	dma.local [hbm:s5], s20  }
0x9e: {  	_ =	swait.ge [sflag:s22], s20  }
0x9f: {  	s4 =	ssub.s32 $0x0, s20;
	[sflag:s22] =	ssyncset.done $0x0  }
0xa0: {  	[sflag:s22] =	ssyncadd.s32 s4;
	_ =	sdelay $0x1  }
0xa1: {  	s23 =	simm.s32 $0x1B8B  }
0xa2: {  	_ =	swait.ge [sflag:s23], $0x1  }
0xa3: {  	[sflag:s23] =	ssyncset.done $0x0  }
0xa4: {  	s25 =	simm.s32 $0x1B8E;
	s24 =	sld [smem:$0x3FFE];
	[sflag:s23] =	ssyncadd.s32 $0xFFFFFFFF  }
0xa5: {  	s26 =	simm.s32 $execute0_lowered;
	[smem:$0x3FD2] =	sst s25  }
0xa6: {  	s5 =	sshll.u32 s26, $0x1;
	_ =	strace $0x80000049;
	[dreg:$0x1] =	wrdreg $0xFFFFFFFF  }
0xa7: {  	s28 =	simm.s32 $_size_execute0_lowered;
	s3 =	sadd.s32 s3, s5;
	[dreg:$0x0] =	wrdreg $0x0  }
0xa8: {  	s5 =	sshll.u32 s28, $0x1;
	[dreg:$0x2] =	wrdreg s3  }
0xa9: {  	[dreg:$0x3] =	wrdreg s5  }
0xaa: {  	[dreg:$0x4] =	wrdreg $0xC0  }
0xab: {  	_ =	task [dreg:s7], $0x5FFFF  }
0xac: {  	[dreg:$0x1] =	wrdreg $0xFFFFFFFF  }
0xad: {  	[dreg:$0x0] =	wrdreg $0x60  }
0xae: {  	[dreg:$0x2] =	wrdreg s2  }
0xaf: {  	[dreg:$0x3] =	wrdreg s24  }
0xb0: {  	[dreg:$0x4] =	wrdreg $0x90000  }
0xb1: {  	[dreg:$0x5] =	wrdreg $0x9  }
0xb2: {  	_ =	task.clear_ibuf [dreg:s7], $0x6FFFF;
	_ =	strace $0x90000049  }
0xb3: {  	s29 =	simm.s32 $0x9;
	_ =	strace $0x8000004B  }
0xb4: {  	_ =	swait.ge [sflag:s29], $0x1  }
0xb5: {  	[sflag:s29] =	ssyncadd.s32 $0xFFFFFFFF  }
0xb6: {  	_ =	strace $0x9000004B  }
0xb7: {  	_ =	sfence  }
0xb8: {  	s30 =	sld [smem:$0x0];
	_ =	sdelay $0x2  }
0xb9: {  	s31 =	sshll.u32 s1, $0xD;
	s1 =	sshrl.u32 s1, $0x2  }
0xba: {  	s3 =	sand.u32 $0x4000, s31;
	s1 =	sadd.s32 s1, s30  }
0xbb: {  	s0 =	sor.u32 s3, s0;
	s1 =	sshll.u32 s1, $0x11  }
0xbc: {  	s0 =	sor.u32 s1, s0  }
0xbd: {  	s0 =	sadd.s32 $0x8F2B, s0  }
0xbe: {  	[sflag:s0] =	ssyncadd.remote.s32 $0x1  }
0xbf: {  	_ =	sfence.sel $0xFFFF  }
0xc0: {  	[dreg:$0x0] =	wrdreg $0xFFFFFFFF;
	(pc) =	sbr.abs _section_cstart, $3  }
0xc1: {  	[dreg:$0x1] =	wrdreg $0xFFFFFFFF  }
0xc2: {  	_ =	task.clear_ibuf [dreg:s7], $0x2FFFF;
	_ =	strace $0x9FFFFFFF  }
0xc3: {  	(tm) =	ssettm $0x7FFFFFFF  }
tec
execute0_lowered:
.L_overlay_start_1:
0x0: {  	(tag) =	ssettag $0x1  }
0x1: {  	s1 =	rddreg [dreg:$0x0]  }
0x2: {  	s0 =	rddreg [dreg:$0x1]  }
0x3: {  	s3 =	rddreg [dreg:$0x2]  }
0x4: {  	s4 =	simm.s32 $0x0;
	s10 =	stileid.u32;
	s23 =	srdreg.scid  }
0x5: {  	s29 =	simm.s32 $0x3000;
	s30 =	simm.s32 $0x5000;
	s28 =	simm.s32 $0xF00  }
0x6: {  	s31 =	simm.s32 $0xF80;
	[smem:$0x7FF] =	sst s4;
	s2 =	smul.u32 $0x1200, s10  }
0x7: {  	s5 =	sadd.s32 $0x2B600, s0;
	s6 =	smul.u32 $0x4F000, s10;
	s7 =	sadd.s32 $0x27600, s0  }
0x8: {  	s24 =	sadd.s32 $0x29600, s0;
	_ =	strace $0x8000004A;
	[dreg:$0x7] =	wrdreg s5  }
0x9: {  	s16 =	smul.u32 $0x13C00, s10;
	s21 =	sshll.u32 s10, $0x9;
	[dreg:$0x8] =	wrdreg s7  }
0xa: {  	p1 =	seq.s32 s10, $0xF;
	s10 =	simm.s32 $0xD00;
	[dreg:$0x9] =	wrdreg s24  }
0xb: {  	s5 =	sand.u32 $0x1, s23;
	[dreg:$0x14] =	wrdreg s21;
	s21 =	simm.s32 $0x600  }
0xc: {  	s2 =	sadd.s32 s2, s0;
	s25 =	ssub.s32 $0x2, s5;
	s6 =	sshrl.u32 s6, $0x2  }
0xd: {  	s0 =	sadd.s32 $0x52800, s0;
	s13 =	smul.u32 $0x138800, s5;
	s23 =	sadd.s32 $0x3600, s2  }
0xe: {  	p0 =	seq.s32 s5, $0x1;
	s24 =	sadd.s32 $0x15600, s2;
	[dreg:$0x4] =	wrdreg s23  }
0xf: {  	s8 =	sshrl.u32 s25, $0x1;
	s18 =	sadd.s32 s6, s3;
	[dreg:$0x5] =	wrdreg s24  }
0x10: {  	s26 =	ssub.s32 s25, s8;
	s8 =	sadd.s32 $0x2000, s18;
	[dreg:$0xa] =	wrdreg s18  }
0x11: {  	s2 =	simm.s32 $0x1;
	s9 =	sadd.s32 $0x4000, s18;
	[dreg:$0xb] =	wrdreg s8  }
0x12: {  	s6 =	simm.s32 $0x700;
	s11 =	sadd.s32 $0x6000, s18;
	[dreg:$0xc] =	wrdreg s9  }
0x13: {  	s12 =	sadd.s32 $0x8000, s18;
	s14 =	sadd.s32 $0xA000, s18;
	[dreg:$0xd] =	wrdreg s11  }
0x14: {  	s15 =	sadd.s32 $0xC000, s18;
	s17 =	sadd.s32 $0x10000, s18;
	[dreg:$0xe] =	wrdreg s12  }
0x15: {  	s19 =	sadd.s32 $0x12000, s18;
	s20 =	sadd.s32 s16, s13;
	[dreg:$0xf] =	wrdreg s14  }
0x16: {  	s7 =	sshrl.u32 s13, $0x3;
	s23 =	simm.s32 $0x9;
	[dreg:$0x10] =	wrdreg s15  }
0x17: {  	s24 =	simm.s32 $0x800;
	s13 =	simm.s32 $0x4;
	[dreg:$0x12] =	wrdreg s17  }
0x18: {  	s9 =	sadd.s32 $0xE000, s18;
	[dreg:$0x13] =	wrdreg s19;
	s5 =	sshrl.u32 s20, $0x3  }
0x19: {  	s7 =	sadd.s32 s0, s7;
	s25 =	smax.u32 s26, $0x1;
	s26 =	simm.s32 $0x100  }
0x1a: {  	s11 =	simm.s32 $0x3;
	s15 =	simm.s32 $0x5;
	s17 =	simm.s32 $0x6  }
0x1b: {  	s20 =	simm.s32 $0x7;
	s19 =	simm.s32 $0xD80;
	s8 =	simm.s32 $0x680  }
0x1c: {  	[dreg:$0x11] =	wrdreg s9;
	s0 =	sadd.s32 s0, s5;
	s22 =	sadd.s32 $0x25080, s7  }
.Ltmp0:
0x1d: {  	s5 =	sadd.s32 $0x128400, s3;
	[dreg:$0x17] =	wrdreg s25;
	(pc) =	sbr.rel .LBB2_1-.Ltmp0, $4  }
0x1e: {  	[dreg:$0x6] =	wrdreg s26;
	s26 =	simm.s32 $0x40;
	s9 =	simm.s32 $0x2  }
0x1f: {  	s25 =	simm.s32 $0x8;
	s7 =	simm.s32 $0x780;
	[dreg:$0x15] =	wrdreg s0  }
0x20: {  	[dreg:$0x16] =	wrdreg s22;
	s22 =	simm.s32 $0x1000;
	s0 =	sshrl.u32 @p1 s5, $0x3  }
0x21: {  	v0 =	vimm.f32 $0.0e+00;
	s5 =	simm.s32 $0x0;
	[dreg:$0x18] =	wrdreg s0;
	s0 =	simm.s32 $0x7000  }
.LBB2_6:
0x22: {  	[sflag:s25] =	ssyncset.done $0x0  }
0x23: {  	[sflag:s25] =	ssyncadd.s32 $0xFFFFE000  }
.LBB2_8:
0x24: {  	[bflag:$0x0] =	sbarrier.arrive $0xFFFF  }
0x25: {  	s14 =	rddreg [dreg:$0x16]  }
0x26: {  	s12 =	simm.s32 @p1 $0x1FC9;
	s16 =	rddreg [dreg:$0x18]  }
0x27: {  	[hbm:s14], [sflag:s12] =	dma.local @p1 [spmem:s16], $0x2080  }
0x28: {  	s12 =	simm.s32 @p1 $0x9  }
0x29: {  	_ =	swait.ge @p1 [sflag:s12], $0x2080  }
0x2a: {  	s5 =	stileid.u32;
	s18 =	rddreg [dreg:$0xa]  }
0x2b: {  	s14 =	sshll.u32 @!p1 s5, $0x6;
	[sflag:s12] =	ssyncset.done @p1 $0x0;
	s16 =	rddreg [dreg:$0x15]  }
0x2c: {  	[sflag:s12] =	ssyncadd.s32 @p1 $0xFFFFDF80;
	s12 =	sor.u32 @!p1 $0x1C09, s14;
	s14 =	sshrl.u32 @!p1 s18, $0x3  }
0x2d: {  	[hbm:s16], [sflag:s12] =	dma.local @!p1 [spmem:s14], $0x2780  }
0x2e: {  	s12 =	simm.s32 @!p1 $0x9  }
0x2f: {  	_ =	swait.ge @!p1 [sflag:s12], $0x2780  }
0x30: {  	s14 =	rddreg [dreg:$0x19]  }
0x31: {  	s16 =	rddreg [dreg:$0x17];
	s5 =	sadd.s32 $0x1, s14  }
0x32: {  	p2 =	sne.s32 s5, s16  }
.Ltmp1:
0x33: {  	_ = 	snop;
	(pc) =	sbr.rel @!p2 .LBB2_9-.Ltmp1, $3  }
0x34: {  	_ =	sdelay $0x1  }
0x35: {  	[sflag:s12] =	ssyncset.done @!p1 $0x0  }
0x36: {  	[sflag:s12] =	ssyncadd.s32 @!p1 $0xFFFFD880  }
.LBB2_1:
0x37: {  	[dreg:$0x19] =	wrdreg s5;
	s12 =	simm.s32 $0x0;
	s14 =	simm.s32 $0x200  }
.LBB2_2:
0x38: {  	p2 =	sne.s32 s14, $0x7E00;
	[tilespmem:s12+$0x1070] =	vst v0  }
0x39: {  	[tilespmem:s12+$0x1000] =	vst v0  }
0x3a: {  	[tilespmem:s12+$0x1010] =	vst v0  }
.Ltmp2:
0x3b: {  	[tilespmem:s12+$0x1020] =	vst v0;
	(pc) =	sbr.rel @p2 .LBB2_2-.Ltmp2, $4  }
0x3c: {  	[tilespmem:s12+$0x1030] =	vst v0  }
0x3d: {  	[tilespmem:s12+$0x1040] =	vst v0  }
0x3e: {  	[tilespmem:s12+$0x1050] =	vst v0  }
0x3f: {  	[tilespmem:s12+$0x1060] =	vst v0;
	s12 =	sshra.s32 s14, $0x2;
	s14 =	sadd.s32 $0x200, s14  }
0x40: {  	[tilespmem:s12+$0x1070] =	vst v0  }
0x41: {  	[tilespmem:s12+$0x1000] =	vst v0  }
0x42: {  	[tilespmem:s12+$0x1010] =	vst v0  }
0x43: {  	[tilespmem:s12+$0x1020] =	vst v0  }
0x44: {  	[tilespmem:s12+$0x1030] =	vst v0  }
0x45: {  	[tilespmem:s12+$0x1040] =	vst v0  }
0x46: {  	[tilespmem:s12+$0x1050] =	vst v0  }
0x47: {  	[tilespmem:s12+$0x1060] =	vst v0  }
0x48: {  	[spmem:s18] =	stream.linear.scatter [tilespmem:s22], [sflag:$0x9], $0x2000, $0x38;
	[tilespmem:$0x1CC00] =	vst v63  }
0x49: {  	_ =	swait.ge [sflag:s23], $0x2000  }
0x4a: {  	[sflag:s23] =	ssyncset.done $0x0  }
0x4b: {  	s18 =	rddreg [dreg:$0xb];
	[sflag:s23] =	ssyncadd.s32 $0xFFFFE000  }
0x4c: {  	[spmem:s18] =	stream.linear.scatter [tilespmem:s22], [sflag:$0x9], $0x2000, $0x38;
	[tilespmem:$0x1CC00] =	vst v63  }
0x4d: {  	_ =	swait.ge [sflag:s23], $0x2000  }
0x4e: {  	[sflag:s23] =	ssyncset.done $0x0  }
0x4f: {  	s5 =	rddreg [dreg:$0xc];
	[sflag:s23] =	ssyncadd.s32 $0xFFFFE000  }
0x50: {  	[spmem:s5] =	stream.linear.scatter [tilespmem:s22], [sflag:$0x9], $0x2000, $0x38;
	[tilespmem:$0x1CC00] =	vst v63  }
0x51: {  	_ =	swait.ge [sflag:s23], $0x2000  }
0x52: {  	[sflag:s23] =	ssyncset.done $0x0  }
0x53: {  	s14 =	rddreg [dreg:$0xd];
	[sflag:s23] =	ssyncadd.s32 $0xFFFFE000  }
0x54: {  	[spmem:s14] =	stream.linear.scatter [tilespmem:s22], [sflag:$0x9], $0x2000, $0x38;
	[tilespmem:$0x1CC00] =	vst v63  }
0x55: {  	_ =	swait.ge [sflag:s23], $0x2000  }
0x56: {  	[sflag:s23] =	ssyncset.done $0x0  }
0x57: {  	s16 =	rddreg [dreg:$0xe];
	[sflag:s23] =	ssyncadd.s32 $0xFFFFE000  }
0x58: {  	[spmem:s16] =	stream.linear.scatter [tilespmem:s22], [sflag:$0x9], $0x2000, $0x38;
	[tilespmem:$0x1CC00] =	vst v63  }
0x59: {  	_ =	swait.ge [sflag:s23], $0x2000  }
0x5a: {  	[sflag:s23] =	ssyncset.done $0x0  }
0x5b: {  	s18 =	rddreg [dreg:$0xf];
	[sflag:s23] =	ssyncadd.s32 $0xFFFFE000  }
0x5c: {  	[spmem:s18] =	stream.linear.scatter [tilespmem:s22], [sflag:$0x9], $0x2000, $0x38;
	[tilespmem:$0x1CC00] =	vst v63  }
0x5d: {  	_ =	swait.ge [sflag:s23], $0x2000  }
0x5e: {  	[sflag:s23] =	ssyncset.done $0x0  }
0x5f: {  	s5 =	rddreg [dreg:$0x10];
	[sflag:s23] =	ssyncadd.s32 $0xFFFFE000  }
0x60: {  	[spmem:s5] =	stream.linear.scatter [tilespmem:s22], [sflag:$0x9], $0x2000, $0x38;
	[tilespmem:$0x1CC00] =	vst v63  }
0x61: {  	_ =	swait.ge [sflag:s23], $0x2000  }
0x62: {  	[sflag:s23] =	ssyncset.done $0x0  }
0x63: {  	s14 =	rddreg [dreg:$0x11];
	[sflag:s23] =	ssyncadd.s32 $0xFFFFE000  }
0x64: {  	[spmem:s14] =	stream.linear.scatter [tilespmem:s22], [sflag:$0x9], $0x2000, $0x38;
	[tilespmem:$0x1CC00] =	vst v63  }
0x65: {  	_ =	swait.ge [sflag:s23], $0x2000  }
0x66: {  	[sflag:s23] =	ssyncset.done $0x0  }
0x67: {  	s16 =	rddreg [dreg:$0x12];
	[sflag:s23] =	ssyncadd.s32 $0xFFFFE000  }
0x68: {  	[spmem:s16] =	stream.linear.scatter [tilespmem:s22], [sflag:$0x9], $0x2000, $0x38;
	[tilespmem:$0x1CC00] =	vst v63  }
0x69: {  	_ =	swait.ge [sflag:s23], $0x2000  }
0x6a: {  	[sflag:s23] =	ssyncset.done $0x0  }
0x6b: {  	s18 =	rddreg [dreg:$0x13];
	[sflag:s23] =	ssyncadd.s32 $0xFFFFE000  }
0x6c: {  	[spmem:s18] =	stream.linear.scatter [tilespmem:s22], [sflag:$0x9], $0x1C00, $0x38;
	[tilespmem:$0x1CC00] =	vst v63  }
.Ltmp3:
0x6d: {  	_ =	swait.ge [sflag:s23], $0x1C00;
	(pc) =	sbr.rel @!p0 .LBB2_4-.Ltmp3, $4  }
0x6e: {  	[sflag:s23] =	ssyncset.done $0x0  }
0x6f: {  	[sflag:s23] =	ssyncadd.s32 $0xFFFFE400  }
0x70: {  	s12 =	simm.s32 $0x0;
	p2 =	por $0x1, $0x1;
	[bflag:$0x0] =	sbarrier.arrive $0xFFFF  }
0x71: {  	s5 =	simm.s32 $0xE80;
	s18 =	simm.s32 $0xE00;
	s16 =	rddreg [dreg:$0x7]  }
.LBB2_7:
0x72: {  	s14 =	rddreg [dreg:$0x14]  }
0x73: {  	s12 =	sor.u32 s14, s12;
	s14 =	rddreg [dreg:$0x8]  }
0x74: {  	s14 =	sadd.s32 s14, s12  }
0x75: {  	[tilespmem:s4], [sflag:$0x9] =	stream.linear.gather [hbm4b:s14+s4], $0x800, $0x38;
	[tilespmem:$0x1CC00] =	vst v63  }
0x76: {  	_ =	swait.ge [sflag:s23], $0x800  }
0x77: {  	[sflag:s23] =	ssyncset.done $0x0;
	s14 =	rddreg [dreg:$0x9]  }
0x78: {  	[sflag:s23] =	ssyncadd.s32 $0xFFFFF800;
	s12 =	sadd.s32 s14, s12  }
0x79: {  	[tilespmem:s24], [sflag:$0x9] =	stream.linear.gather [hbm4b:s12+s4], $0x800, $0x38;
	[tilespmem:$0x1CC00] =	vst v63  }
0x7a: {  	_ =	swait.ge [sflag:s23], $0x800  }
0x7b: {  	[sflag:s23] =	ssyncset.done $0x0  }
0x7c: {  	[sflag:s23] =	ssyncadd.s32 $0xFFFFF800  }
0x7d: {  	[tilespmem:s22], [sflag:$0x1] =	stream.indirect.gather [hbm4b:s16+s26], $0x80, s4, s26, $0xb8;
	[tilespmem:$0x1CC00] =	vst v63  }
0x7e: {  	s14 =	simm.s32 $0x80  }
0x7f: {  	[tilespmem:s29], [sflag:$0x2] =	stream.indirect.gather [hbm4b:s16+s26], $0x80, s14, s26, $0xb8;
	[tilespmem:$0x1CC00] =	vst v63  }
0x80: {  	s12 =	simm.s32 $0x100  }
0x81: {  	[tilespmem:s30], [sflag:$0x3] =	stream.indirect.gather [hbm4b:s16+s26], $0x80, s12, s26, $0xb8;
	[tilespmem:$0x1CC00] =	vst v63  }
0x82: {  	s14 =	simm.s32 $0x180  }
0x83: {  	[tilespmem:s0], [sflag:$0x4] =	stream.indirect.gather [hbm4b:s16+s26], $0x80, s14, s26, $0xb8;
	[tilespmem:$0x1CC00] =	vst v63  }
0x84: {  	_ =	swait.ge [sflag:s2], $0x2000  }
0x85: {  	[sflag:s2] =	ssyncset.done $0x0  }
0x86: {  	[sflag:s2] =	ssyncadd.s32 $0xFFFFE000  }
0x87: {  	[spmem:s3] =	stream.indirect.scatter.add.f32 [tilespmem:s22], [sflag:$0x5], $0x80, s24, s26, $0xb8;
	[tilespmem:$0x1CC00] =	vst v63  }
0x88: {  	_ =	swait.ge [sflag:s9], $0x2000  }
0x89: {  	[sflag:s9] =	ssyncset.done $0x0  }
0x8a: {  	s14 =	simm.s32 $0x880;
	[sflag:s9] =	ssyncadd.s32 $0xFFFFE000  }
0x8b: {  	[spmem:s3] =	stream.indirect.scatter.add.f32 [tilespmem:s29], [sflag:$0x6], $0x80, s14, s26, $0xb8;
	[tilespmem:$0x1CC00] =	vst v63  }
0x8c: {  	_ =	swait.ge [sflag:s11], $0x2000  }
0x8d: {  	[sflag:s11] =	ssyncset.done $0x0  }
0x8e: {  	s14 =	simm.s32 $0x900;
	[sflag:s11] =	ssyncadd.s32 $0xFFFFE000  }
0x8f: {  	[spmem:s3] =	stream.indirect.scatter.add.f32 [tilespmem:s30], [sflag:$0x7], $0x80, s14, s26, $0xb8;
	[tilespmem:$0x1CC00] =	vst v63  }
0x90: {  	_ =	swait.ge [sflag:s13], $0x2000  }
0x91: {  	[sflag:s13] =	ssyncset.done $0x0  }
0x92: {  	s14 =	simm.s32 $0x980;
	[sflag:s13] =	ssyncadd.s32 $0xFFFFE000  }
0x93: {  	[spmem:s3] =	stream.indirect.scatter.add.f32 [tilespmem:s0], [sflag:$0x8], $0x80, s14, s26, $0xb8;
	[tilespmem:$0x1CC00] =	vst v63  }
0x94: {  	_ =	swait.ge [sflag:s15], $0x2000  }
0x95: {  	[sflag:s15] =	ssyncset.done $0x0  }
0x96: {  	s14 =	simm.s32 $0x200;
	[sflag:s15] =	ssyncadd.s32 $0xFFFFE000  }
0x97: {  	[tilespmem:s22], [sflag:$0x1] =	stream.indirect.gather [hbm4b:s16+s26], $0x80, s14, s26, $0xb8;
	[tilespmem:$0x1CC00] =	vst v63  }
0x98: {  	_ =	swait.ge [sflag:s17], $0x2000  }
0x99: {  	[sflag:s17] =	ssyncset.done $0x0  }
0x9a: {  	s14 =	simm.s32 $0x280;
	[sflag:s17] =	ssyncadd.s32 $0xFFFFE000  }
0x9b: {  	[tilespmem:s29], [sflag:$0x2] =	stream.indirect.gather [hbm4b:s16+s26], $0x80, s14, s26, $0xb8;
	[tilespmem:$0x1CC00] =	vst v63  }
0x9c: {  	_ =	swait.ge [sflag:s20], $0x2000  }
0x9d: {  	[sflag:s20] =	ssyncset.done $0x0  }
0x9e: {  	s14 =	simm.s32 $0x300;
	[sflag:s20] =	ssyncadd.s32 $0xFFFFE000  }
0x9f: {  	[tilespmem:s30], [sflag:$0x3] =	stream.indirect.gather [hbm4b:s16+s26], $0x80, s14, s26, $0xb8;
	[tilespmem:$0x1CC00] =	vst v63  }
0xa0: {  	_ =	swait.ge [sflag:s25], $0x2000  }
0xa1: {  	[sflag:s25] =	ssyncset.done $0x0  }
0xa2: {  	s14 =	simm.s32 $0x380;
	[sflag:s25] =	ssyncadd.s32 $0xFFFFE000  }
0xa3: {  	[tilespmem:s0], [sflag:$0x4] =	stream.indirect.gather [hbm4b:s16+s26], $0x80, s14, s26, $0xb8;
	[tilespmem:$0x1CC00] =	vst v63  }
0xa4: {  	_ =	swait.ge [sflag:s2], $0x2000  }
0xa5: {  	[sflag:s2] =	ssyncset.done $0x0  }
0xa6: {  	s14 =	simm.s32 $0xA00;
	[sflag:s2] =	ssyncadd.s32 $0xFFFFE000  }
0xa7: {  	[spmem:s3] =	stream.indirect.scatter.add.f32 [tilespmem:s22], [sflag:$0x5], $0x80, s14, s26, $0xb8;
	[tilespmem:$0x1CC00] =	vst v63  }
0xa8: {  	_ =	swait.ge [sflag:s9], $0x2000  }
0xa9: {  	[sflag:s9] =	ssyncset.done $0x0  }
0xaa: {  	s14 =	simm.s32 $0xA80;
	[sflag:s9] =	ssyncadd.s32 $0xFFFFE000  }
0xab: {  	[spmem:s3] =	stream.indirect.scatter.add.f32 [tilespmem:s29], [sflag:$0x6], $0x80, s14, s26, $0xb8;
	[tilespmem:$0x1CC00] =	vst v63  }
0xac: {  	_ =	swait.ge [sflag:s11], $0x2000  }
0xad: {  	[sflag:s11] =	ssyncset.done $0x0  }
0xae: {  	s14 =	simm.s32 $0xB00;
	[sflag:s11] =	ssyncadd.s32 $0xFFFFE000  }
0xaf: {  	[spmem:s3] =	stream.indirect.scatter.add.f32 [tilespmem:s30], [sflag:$0x7], $0x80, s14, s26, $0xb8;
	[tilespmem:$0x1CC00] =	vst v63  }
0xb0: {  	_ =	swait.ge [sflag:s13], $0x2000  }
0xb1: {  	[sflag:s13] =	ssyncset.done $0x0  }
0xb2: {  	s14 =	simm.s32 $0xB80;
	[sflag:s13] =	ssyncadd.s32 $0xFFFFE000  }
0xb3: {  	[spmem:s3] =	stream.indirect.scatter.add.f32 [tilespmem:s0], [sflag:$0x8], $0x80, s14, s26, $0xb8;
	[tilespmem:$0x1CC00] =	vst v63  }
0xb4: {  	_ =	swait.ge [sflag:s15], $0x2000  }
0xb5: {  	[sflag:s15] =	ssyncset.done $0x0  }
0xb6: {  	s14 =	simm.s32 $0x400;
	[sflag:s15] =	ssyncadd.s32 $0xFFFFE000  }
0xb7: {  	[tilespmem:s22], [sflag:$0x1] =	stream.indirect.gather [hbm4b:s16+s26], $0x80, s14, s26, $0xb8;
	[tilespmem:$0x1CC00] =	vst v63  }
0xb8: {  	_ =	swait.ge [sflag:s17], $0x2000  }
0xb9: {  	[sflag:s17] =	ssyncset.done $0x0  }
0xba: {  	s14 =	simm.s32 $0x480;
	[sflag:s17] =	ssyncadd.s32 $0xFFFFE000  }
0xbb: {  	[tilespmem:s29], [sflag:$0x2] =	stream.indirect.gather [hbm4b:s16+s26], $0x80, s14, s26, $0xb8;
	[tilespmem:$0x1CC00] =	vst v63  }
0xbc: {  	_ =	swait.ge [sflag:s20], $0x2000  }
0xbd: {  	[sflag:s20] =	ssyncset.done $0x0  }
0xbe: {  	s14 =	simm.s32 $0x500;
	[sflag:s20] =	ssyncadd.s32 $0xFFFFE000  }
0xbf: {  	[tilespmem:s30], [sflag:$0x3] =	stream.indirect.gather [hbm4b:s16+s26], $0x80, s14, s26, $0xb8;
	[tilespmem:$0x1CC00] =	vst v63  }
0xc0: {  	_ =	swait.ge [sflag:s25], $0x2000  }
0xc1: {  	[sflag:s25] =	ssyncset.done $0x0  }
0xc2: {  	s14 =	simm.s32 $0x580;
	[sflag:s25] =	ssyncadd.s32 $0xFFFFE000  }
0xc3: {  	[tilespmem:s0], [sflag:$0x4] =	stream.indirect.gather [hbm4b:s16+s26], $0x80, s14, s26, $0xb8;
	[tilespmem:$0x1CC00] =	vst v63  }
0xc4: {  	_ =	swait.ge [sflag:s2], $0x2000  }
0xc5: {  	[sflag:s2] =	ssyncset.done $0x0  }
0xc6: {  	s14 =	simm.s32 $0xC00;
	[sflag:s2] =	ssyncadd.s32 $0xFFFFE000  }
0xc7: {  	[spmem:s3] =	stream.indirect.scatter.add.f32 [tilespmem:s22], [sflag:$0x5], $0x80, s14, s26, $0xb8;
	[tilespmem:$0x1CC00] =	vst v63  }
0xc8: {  	_ =	swait.ge [sflag:s9], $0x2000  }
0xc9: {  	[sflag:s9] =	ssyncset.done $0x0  }
0xca: {  	s14 =	simm.s32 $0xC80;
	[sflag:s9] =	ssyncadd.s32 $0xFFFFE000  }
0xcb: {  	[spmem:s3] =	stream.indirect.scatter.add.f32 [tilespmem:s29], [sflag:$0x6], $0x80, s14, s26, $0xb8;
	[tilespmem:$0x1CC00] =	vst v63  }
0xcc: {  	_ =	swait.ge [sflag:s11], $0x2000  }
0xcd: {  	[sflag:s11] =	ssyncset.done $0x0  }
0xce: {  	[sflag:s11] =	ssyncadd.s32 $0xFFFFE000  }
0xcf: {  	[spmem:s3] =	stream.indirect.scatter.add.f32 [tilespmem:s30], [sflag:$0x7], $0x80, s10, s26, $0xb8;
	[tilespmem:$0x1CC00] =	vst v63  }
0xd0: {  	_ =	swait.ge [sflag:s13], $0x2000  }
0xd1: {  	[sflag:s13] =	ssyncset.done $0x0  }
0xd2: {  	[sflag:s13] =	ssyncadd.s32 $0xFFFFE000  }
0xd3: {  	[spmem:s3] =	stream.indirect.scatter.add.f32 [tilespmem:s0], [sflag:$0x8], $0x80, s19, s26, $0xb8;
	[tilespmem:$0x1CC00] =	vst v63  }
0xd4: {  	_ =	swait.ge [sflag:s15], $0x2000  }
0xd5: {  	[sflag:s15] =	ssyncset.done $0x0  }
0xd6: {  	[sflag:s15] =	ssyncadd.s32 $0xFFFFE000  }
0xd7: {  	[tilespmem:s22], [sflag:$0x1] =	stream.indirect.gather [hbm4b:s16+s26], $0x80, s21, s26, $0xb8;
	[tilespmem:$0x1CC00] =	vst v63  }
0xd8: {  	_ =	swait.ge [sflag:s17], $0x2000  }
0xd9: {  	[sflag:s17] =	ssyncset.done $0x0  }
0xda: {  	[sflag:s17] =	ssyncadd.s32 $0xFFFFE000  }
0xdb: {  	[tilespmem:s29], [sflag:$0x2] =	stream.indirect.gather [hbm4b:s16+s26], $0x80, s8, s26, $0xb8;
	[tilespmem:$0x1CC00] =	vst v63  }
0xdc: {  	_ =	swait.ge [sflag:s20], $0x2000  }
0xdd: {  	[sflag:s20] =	ssyncset.done $0x0  }
0xde: {  	[sflag:s20] =	ssyncadd.s32 $0xFFFFE000  }
0xdf: {  	[tilespmem:s30], [sflag:$0x3] =	stream.indirect.gather [hbm4b:s16+s26], $0x80, s6, s26, $0xb8;
	[tilespmem:$0x1CC00] =	vst v63  }
0xe0: {  	_ =	swait.ge [sflag:s25], $0x2000  }
0xe1: {  	[sflag:s25] =	ssyncset.done $0x0  }
0xe2: {  	[sflag:s25] =	ssyncadd.s32 $0xFFFFE000  }
0xe3: {  	[tilespmem:s0], [sflag:$0x4] =	stream.indirect.gather [hbm4b:s16+s26], $0x80, s7, s26, $0xb8;
	[tilespmem:$0x1CC00] =	vst v63  }
0xe4: {  	_ =	swait.ge [sflag:s2], $0x2000  }
0xe5: {  	[sflag:s2] =	ssyncset.done $0x0  }
0xe6: {  	[sflag:s2] =	ssyncadd.s32 $0xFFFFE000  }
0xe7: {  	[spmem:s3] =	stream.indirect.scatter.add.f32 [tilespmem:s22], [sflag:$0x5], $0x80, s18, s26, $0xb8;
	[tilespmem:$0x1CC00] =	vst v63  }
0xe8: {  	_ =	swait.ge [sflag:s9], $0x2000  }
0xe9: {  	[sflag:s9] =	ssyncset.done $0x0  }
0xea: {  	[sflag:s9] =	ssyncadd.s32 $0xFFFFE000  }
0xeb: {  	[spmem:s3] =	stream.indirect.scatter.add.f32 [tilespmem:s29], [sflag:$0x6], $0x80, s5, s26, $0xb8;
	[tilespmem:$0x1CC00] =	vst v63  }
0xec: {  	_ =	swait.ge [sflag:s11], $0x2000  }
0xed: {  	[sflag:s11] =	ssyncset.done $0x0  }
0xee: {  	[sflag:s11] =	ssyncadd.s32 $0xFFFFE000  }
0xef: {  	[spmem:s3] =	stream.indirect.scatter.add.f32 [tilespmem:s30], [sflag:$0x7], $0x80, s28, s26, $0xb8;
	[tilespmem:$0x1CC00] =	vst v63  }
0xf0: {  	_ =	swait.ge [sflag:s13], $0x2000  }
0xf1: {  	[sflag:s13] =	ssyncset.done $0x0  }
0xf2: {  	[sflag:s13] =	ssyncadd.s32 $0xFFFFE000  }
0xf3: {  	[spmem:s3] =	stream.indirect.scatter.add.f32 [tilespmem:s0], [sflag:$0x8], $0x80, s31, s26, $0xb8;
	[tilespmem:$0x1CC00] =	vst v63  }
0xf4: {  	_ =	swait.ge [sflag:s15], $0x2000  }
0xf5: {  	[sflag:s15] =	ssyncset.done $0x0  }
0xf6: {  	[sflag:s15] =	ssyncadd.s32 $0xFFFFE000  }
0xf7: {  	_ =	swait.ge [sflag:s17], $0x2000  }
0xf8: {  	[sflag:s17] =	ssyncset.done $0x0  }
0xf9: {  	[sflag:s17] =	ssyncadd.s32 $0xFFFFE000  }
0xfa: {  	p3 =	por p2, p2;
	_ =	swait.ge [sflag:s20], $0x2000  }
.Ltmp4:
0xfb: {  	[sflag:s20] =	ssyncset.done $0x0;
	(pc) =	sbr.rel @p3 .LBB2_7-.Ltmp4, $4  }
0xfc: {  	[sflag:s20] =	ssyncadd.s32 $0xFFFFE000  }
0xfd: {  	_ =	swait.ge [sflag:s25], $0x2000  }
0xfe: {  	[sflag:s25] =	ssyncset.done $0x0  }
0xff: {  	p2 =	por $0x0, $0x0;
	[sflag:s25] =	ssyncadd.s32 $0xFFFFE000  }
.Ltmp5:
0x100: {  	_ = 	snop;
	(pc) =	sbr.rel .LBB2_8-.Ltmp5, $1  }
0x101: {  	_ =	sdelay $0x3  }
.LBB2_4:
0x102: {  	s12 =	rddreg [dreg:$0x5]  }
0x103: {  	s12 =	sadd.s32 $0x0, s12  }
0x104: {  	[tilespmem:s4], [sflag:$0x9] =	stream.linear.gather [hbm4b:s12+s4], $0x800, $0x38;
	[tilespmem:$0x1CC00] =	vst v63  }
0x105: {  	_ =	swait.ge [sflag:s23], $0x800  }
0x106: {  	s14 =	rddreg [dreg:$0x4];
	[sflag:s23] =	ssyncset.done $0x0  }
0x107: {  	[sflag:s23] =	ssyncadd.s32 $0xFFFFF800;
	s12 =	sadd.s32 $0x0, s14  }
0x108: {  	[tilespmem:s24], [sflag:$0x9] =	stream.linear.gather [hbm4b:s12+s4], $0x800, $0x38;
	[tilespmem:$0x1CC00] =	vst v63  }
0x109: {  	_ =	swait.ge [sflag:s23], $0x800  }
0x10a: {  	[sflag:s23] =	ssyncset.done $0x0  }
0x10b: {  	[sflag:s23] =	ssyncadd.s32 $0xFFFFF800  }
0x10c: {  	[tilespmem:s22], [sflag:$0x1] =	stream.indirect.gather [hbm4b:s1+s26], $0x80, s4, s26, $0xb8;
	[tilespmem:$0x1CC00] =	vst v63  }
0x10d: {  	s14 =	simm.s32 $0x80  }
0x10e: {  	[tilespmem:s29], [sflag:$0x2] =	stream.indirect.gather [hbm4b:s1+s26], $0x80, s14, s26, $0xb8;
	[tilespmem:$0x1CC00] =	vst v63  }
0x10f: {  	s16 =	rddreg [dreg:$0x6]  }
0x110: {  	[tilespmem:s30], [sflag:$0x3] =	stream.indirect.gather [hbm4b:s1+s26], $0x80, s16, s26, $0xb8;
	[tilespmem:$0x1CC00] =	vst v63  }
0x111: {  	s14 =	simm.s32 $0x180  }
0x112: {  	[tilespmem:s0], [sflag:$0x4] =	stream.indirect.gather [hbm4b:s1+s26], $0x80, s14, s26, $0xb8;
	[tilespmem:$0x1CC00] =	vst v63  }
0x113: {  	_ =	swait.ge [sflag:s2], $0x2000  }
0x114: {  	[sflag:s2] =	ssyncset.done $0x0  }
0x115: {  	[sflag:s2] =	ssyncadd.s32 $0xFFFFE000  }
0x116: {  	[spmem:s3] =	stream.indirect.scatter.add.f32 [tilespmem:s22], [sflag:$0x5], $0x80, s24, s26, $0xb8;
	[tilespmem:$0x1CC00] =	vst v63  }
0x117: {  	_ =	swait.ge [sflag:s9], $0x2000  }
0x118: {  	[sflag:s9] =	ssyncset.done $0x0  }
0x119: {  	s16 =	simm.s32 $0x880;
	[sflag:s9] =	ssyncadd.s32 $0xFFFFE000  }
0x11a: {  	[spmem:s3] =	stream.indirect.scatter.add.f32 [tilespmem:s29], [sflag:$0x6], $0x80, s16, s26, $0xb8;
	[tilespmem:$0x1CC00] =	vst v63  }
0x11b: {  	_ =	swait.ge [sflag:s11], $0x2000  }
0x11c: {  	[sflag:s11] =	ssyncset.done $0x0  }
0x11d: {  	s14 =	simm.s32 $0x900;
	[sflag:s11] =	ssyncadd.s32 $0xFFFFE000  }
0x11e: {  	[spmem:s3] =	stream.indirect.scatter.add.f32 [tilespmem:s30], [sflag:$0x7], $0x80, s14, s26, $0xb8;
	[tilespmem:$0x1CC00] =	vst v63  }
0x11f: {  	_ =	swait.ge [sflag:s13], $0x2000  }
0x120: {  	[sflag:s13] =	ssyncset.done $0x0  }
0x121: {  	s16 =	simm.s32 $0x980;
	[sflag:s13] =	ssyncadd.s32 $0xFFFFE000  }
0x122: {  	[spmem:s3] =	stream.indirect.scatter.add.f32 [tilespmem:s0], [sflag:$0x8], $0x80, s16, s26, $0xb8;
	[tilespmem:$0x1CC00] =	vst v63  }
0x123: {  	_ =	swait.ge [sflag:s15], $0x2000  }
0x124: {  	[sflag:s15] =	ssyncset.done $0x0  }
0x125: {  	s14 =	simm.s32 $0x200;
	[sflag:s15] =	ssyncadd.s32 $0xFFFFE000  }
0x126: {  	[tilespmem:s22], [sflag:$0x1] =	stream.indirect.gather [hbm4b:s1+s26], $0x80, s14, s26, $0xb8;
	[tilespmem:$0x1CC00] =	vst v63  }
0x127: {  	_ =	swait.ge [sflag:s17], $0x2000  }
0x128: {  	[sflag:s17] =	ssyncset.done $0x0  }
0x129: {  	s16 =	simm.s32 $0x280;
	[sflag:s17] =	ssyncadd.s32 $0xFFFFE000  }
0x12a: {  	[tilespmem:s29], [sflag:$0x2] =	stream.indirect.gather [hbm4b:s1+s26], $0x80, s16, s26, $0xb8;
	[tilespmem:$0x1CC00] =	vst v63  }
0x12b: {  	_ =	swait.ge [sflag:s20], $0x2000  }
0x12c: {  	[sflag:s20] =	ssyncset.done $0x0  }
0x12d: {  	s14 =	simm.s32 $0x300;
	[sflag:s20] =	ssyncadd.s32 $0xFFFFE000  }
0x12e: {  	[tilespmem:s30], [sflag:$0x3] =	stream.indirect.gather [hbm4b:s1+s26], $0x80, s14, s26, $0xb8;
	[tilespmem:$0x1CC00] =	vst v63  }
0x12f: {  	_ =	swait.ge [sflag:s25], $0x2000  }
0x130: {  	[sflag:s25] =	ssyncset.done $0x0  }
0x131: {  	s16 =	simm.s32 $0x380;
	[sflag:s25] =	ssyncadd.s32 $0xFFFFE000  }
0x132: {  	[tilespmem:s0], [sflag:$0x4] =	stream.indirect.gather [hbm4b:s1+s26], $0x80, s16, s26, $0xb8;
	[tilespmem:$0x1CC00] =	vst v63  }
0x133: {  	_ =	swait.ge [sflag:s2], $0x2000  }
0x134: {  	[sflag:s2] =	ssyncset.done $0x0  }
0x135: {  	s14 =	simm.s32 $0xA00;
	[sflag:s2] =	ssyncadd.s32 $0xFFFFE000  }
0x136: {  	[spmem:s3] =	stream.indirect.scatter.add.f32 [tilespmem:s22], [sflag:$0x5], $0x80, s14, s26, $0xb8;
	[tilespmem:$0x1CC00] =	vst v63  }
0x137: {  	_ =	swait.ge [sflag:s9], $0x2000  }
0x138: {  	[sflag:s9] =	ssyncset.done $0x0  }
0x139: {  	s16 =	simm.s32 $0xA80;
	[sflag:s9] =	ssyncadd.s32 $0xFFFFE000  }
0x13a: {  	[spmem:s3] =	stream.indirect.scatter.add.f32 [tilespmem:s29], [sflag:$0x6], $0x80, s16, s26, $0xb8;
	[tilespmem:$0x1CC00] =	vst v63  }
0x13b: {  	_ =	swait.ge [sflag:s11], $0x2000  }
0x13c: {  	[sflag:s11] =	ssyncset.done $0x0  }
0x13d: {  	s14 =	simm.s32 $0xB00;
	[sflag:s11] =	ssyncadd.s32 $0xFFFFE000  }
0x13e: {  	[spmem:s3] =	stream.indirect.scatter.add.f32 [tilespmem:s30], [sflag:$0x7], $0x80, s14, s26, $0xb8;
	[tilespmem:$0x1CC00] =	vst v63  }
0x13f: {  	_ =	swait.ge [sflag:s13], $0x2000  }
0x140: {  	[sflag:s13] =	ssyncset.done $0x0  }
0x141: {  	s16 =	simm.s32 $0xB80;
	[sflag:s13] =	ssyncadd.s32 $0xFFFFE000  }
0x142: {  	[spmem:s3] =	stream.indirect.scatter.add.f32 [tilespmem:s0], [sflag:$0x8], $0x80, s16, s26, $0xb8;
	[tilespmem:$0x1CC00] =	vst v63  }
0x143: {  	_ =	swait.ge [sflag:s15], $0x2000  }
0x144: {  	[sflag:s15] =	ssyncset.done $0x0  }
0x145: {  	s14 =	simm.s32 $0x400;
	[sflag:s15] =	ssyncadd.s32 $0xFFFFE000  }
0x146: {  	[tilespmem:s22], [sflag:$0x1] =	stream.indirect.gather [hbm4b:s1+s26], $0x80, s14, s26, $0xb8;
	[tilespmem:$0x1CC00] =	vst v63  }
0x147: {  	_ =	swait.ge [sflag:s17], $0x2000  }
0x148: {  	[sflag:s17] =	ssyncset.done $0x0  }
0x149: {  	s16 =	simm.s32 $0x480;
	[sflag:s17] =	ssyncadd.s32 $0xFFFFE000  }
0x14a: {  	[tilespmem:s29], [sflag:$0x2] =	stream.indirect.gather [hbm4b:s1+s26], $0x80, s16, s26, $0xb8;
	[tilespmem:$0x1CC00] =	vst v63  }
0x14b: {  	_ =	swait.ge [sflag:s20], $0x2000  }
0x14c: {  	[sflag:s20] =	ssyncset.done $0x0  }
0x14d: {  	s14 =	simm.s32 $0x500;
	[sflag:s20] =	ssyncadd.s32 $0xFFFFE000  }
0x14e: {  	[tilespmem:s30], [sflag:$0x3] =	stream.indirect.gather [hbm4b:s1+s26], $0x80, s14, s26, $0xb8;
	[tilespmem:$0x1CC00] =	vst v63  }
0x14f: {  	_ =	swait.ge [sflag:s25], $0x2000  }
0x150: {  	[sflag:s25] =	ssyncset.done $0x0  }
0x151: {  	s16 =	simm.s32 $0x580;
	[sflag:s25] =	ssyncadd.s32 $0xFFFFE000  }
0x152: {  	[tilespmem:s0], [sflag:$0x4] =	stream.indirect.gather [hbm4b:s1+s26], $0x80, s16, s26, $0xb8;
	[tilespmem:$0x1CC00] =	vst v63  }
0x153: {  	_ =	swait.ge [sflag:s2], $0x2000  }
0x154: {  	[sflag:s2] =	ssyncset.done $0x0  }
0x155: {  	s14 =	simm.s32 $0xC00;
	[sflag:s2] =	ssyncadd.s32 $0xFFFFE000  }
0x156: {  	[spmem:s3] =	stream.indirect.scatter.add.f32 [tilespmem:s22], [sflag:$0x5], $0x80, s14, s26, $0xb8;
	[tilespmem:$0x1CC00] =	vst v63  }
0x157: {  	_ =	swait.ge [sflag:s9], $0x2000  }
0x158: {  	[sflag:s9] =	ssyncset.done $0x0  }
0x159: {  	s16 =	simm.s32 $0xC80;
	[sflag:s9] =	ssyncadd.s32 $0xFFFFE000  }
0x15a: {  	[spmem:s3] =	stream.indirect.scatter.add.f32 [tilespmem:s29], [sflag:$0x6], $0x80, s16, s26, $0xb8;
	[tilespmem:$0x1CC00] =	vst v63  }
0x15b: {  	_ =	swait.ge [sflag:s11], $0x2000  }
0x15c: {  	[sflag:s11] =	ssyncset.done $0x0  }
0x15d: {  	[sflag:s11] =	ssyncadd.s32 $0xFFFFE000  }
0x15e: {  	[spmem:s3] =	stream.indirect.scatter.add.f32 [tilespmem:s30], [sflag:$0x7], $0x80, s10, s26, $0xb8;
	[tilespmem:$0x1CC00] =	vst v63  }
0x15f: {  	_ =	swait.ge [sflag:s13], $0x2000  }
0x160: {  	[sflag:s13] =	ssyncset.done $0x0  }
0x161: {  	[sflag:s13] =	ssyncadd.s32 $0xFFFFE000  }
0x162: {  	[spmem:s3] =	stream.indirect.scatter.add.f32 [tilespmem:s0], [sflag:$0x8], $0x80, s19, s26, $0xb8;
	[tilespmem:$0x1CC00] =	vst v63  }
0x163: {  	_ =	swait.ge [sflag:s15], $0x2000  }
0x164: {  	[sflag:s15] =	ssyncset.done $0x0  }
0x165: {  	[sflag:s15] =	ssyncadd.s32 $0xFFFFE000  }
0x166: {  	[tilespmem:s22], [sflag:$0x1] =	stream.indirect.gather [hbm4b:s1+s26], $0x80, s21, s26, $0xb8;
	[tilespmem:$0x1CC00] =	vst v63  }
0x167: {  	_ =	swait.ge [sflag:s17], $0x2000  }
0x168: {  	[sflag:s17] =	ssyncset.done $0x0  }
0x169: {  	[sflag:s17] =	ssyncadd.s32 $0xFFFFE000  }
0x16a: {  	[tilespmem:s29], [sflag:$0x2] =	stream.indirect.gather [hbm4b:s1+s26], $0x80, s8, s26, $0xb8;
	[tilespmem:$0x1CC00] =	vst v63  }
0x16b: {  	_ =	swait.ge [sflag:s20], $0x2000  }
0x16c: {  	[sflag:s20] =	ssyncset.done $0x0  }
0x16d: {  	[sflag:s20] =	ssyncadd.s32 $0xFFFFE000  }
0x16e: {  	[tilespmem:s30], [sflag:$0x3] =	stream.indirect.gather [hbm4b:s1+s26], $0x80, s6, s26, $0xb8;
	[tilespmem:$0x1CC00] =	vst v63  }
0x16f: {  	_ =	swait.ge [sflag:s25], $0x2000  }
0x170: {  	[sflag:s25] =	ssyncset.done $0x0  }
0x171: {  	[sflag:s25] =	ssyncadd.s32 $0xFFFFE000  }
0x172: {  	[tilespmem:s0], [sflag:$0x4] =	stream.indirect.gather [hbm4b:s1+s26], $0x80, s7, s26, $0xb8;
	[tilespmem:$0x1CC00] =	vst v63  }
0x173: {  	_ =	swait.ge [sflag:s2], $0x2000  }
0x174: {  	[sflag:s2] =	ssyncset.done $0x0  }
0x175: {  	[sflag:s2] =	ssyncadd.s32 $0xFFFFE000  }
0x176: {  	[spmem:s3] =	stream.indirect.scatter.add.f32 [tilespmem:s22], [sflag:$0x5], $0x80, s18, s26, $0xb8;
	[tilespmem:$0x1CC00] =	vst v63  }
0x177: {  	_ =	swait.ge [sflag:s9], $0x2000  }
0x178: {  	[sflag:s9] =	ssyncset.done $0x0  }
0x179: {  	[sflag:s9] =	ssyncadd.s32 $0xFFFFE000  }
0x17a: {  	[spmem:s3] =	stream.indirect.scatter.add.f32 [tilespmem:s29], [sflag:$0x6], $0x80, s5, s26, $0xb8;
	[tilespmem:$0x1CC00] =	vst v63  }
0x17b: {  	_ =	swait.ge [sflag:s11], $0x2000  }
0x17c: {  	[sflag:s11] =	ssyncset.done $0x0  }
0x17d: {  	[sflag:s11] =	ssyncadd.s32 $0xFFFFE000  }
0x17e: {  	[spmem:s3] =	stream.indirect.scatter.add.f32 [tilespmem:s30], [sflag:$0x7], $0x80, s28, s26, $0xb8;
	[tilespmem:$0x1CC00] =	vst v63  }
0x17f: {  	_ =	swait.ge [sflag:s13], $0x2000  }
0x180: {  	[sflag:s13] =	ssyncset.done $0x0  }
0x181: {  	[sflag:s13] =	ssyncadd.s32 $0xFFFFE000  }
0x182: {  	[spmem:s3] =	stream.indirect.scatter.add.f32 [tilespmem:s0], [sflag:$0x8], $0x80, s31, s26, $0xb8;
	[tilespmem:$0x1CC00] =	vst v63  }
0x183: {  	_ =	swait.ge [sflag:s15], $0x2000  }
0x184: {  	[sflag:s15] =	ssyncset.done $0x0  }
0x185: {  	[sflag:s15] =	ssyncadd.s32 $0xFFFFE000  }
0x186: {  	_ =	swait.ge [sflag:s17], $0x2000  }
0x187: {  	[sflag:s17] =	ssyncset.done $0x0  }
0x188: {  	[sflag:s17] =	ssyncadd.s32 $0xFFFFE000  }
0x189: {  	_ =	swait.ge [sflag:s20], $0x2000  }
0x18a: {  	[sflag:s20] =	ssyncset.done $0x0  }
0x18b: {  	[sflag:s20] =	ssyncadd.s32 $0xFFFFE000  }
0x18c: {  	s12 =	simm.s32 $0x100;
	_ =	swait.ge [sflag:s25], $0x2000  }
.LBB2_5:
0x18d: {  	s14 =	rddreg [dreg:$0x5];
	s16 =	smov.u32 s12;
	[sflag:s25] =	ssyncset.done $0x0  }
0x18e: {  	s14 =	sadd.s32 s16, s14;
	[sflag:s25] =	ssyncadd.s32 $0xFFFFE000  }
0x18f: {  	[tilespmem:s4], [sflag:$0x9] =	stream.linear.gather [hbm4b:s14+s4], $0x800, $0x38;
	[tilespmem:$0x1CC00] =	vst v63  }
0x190: {  	_ =	swait.ge [sflag:s23], $0x800  }
0x191: {  	s14 =	rddreg [dreg:$0x4];
	[sflag:s23] =	ssyncset.done $0x0  }
0x192: {  	[sflag:s23] =	ssyncadd.s32 $0xFFFFF800;
	s14 =	sadd.s32 s16, s14  }
0x193: {  	[tilespmem:s24], [sflag:$0x9] =	stream.linear.gather [hbm4b:s14+s4], $0x800, $0x38;
	[tilespmem:$0x1CC00] =	vst v63  }
0x194: {  	_ =	swait.ge [sflag:s23], $0x800  }
0x195: {  	[sflag:s23] =	ssyncset.done $0x0  }
0x196: {  	[sflag:s23] =	ssyncadd.s32 $0xFFFFF800  }
0x197: {  	[tilespmem:s22], [sflag:$0x1] =	stream.indirect.gather [hbm4b:s1+s26], $0x80, s4, s26, $0xb8;
	[tilespmem:$0x1CC00] =	vst v63  }
0x198: {  	s16 =	simm.s32 $0x80  }
0x199: {  	[tilespmem:s29], [sflag:$0x2] =	stream.indirect.gather [hbm4b:s1+s26], $0x80, s16, s26, $0xb8;
	[tilespmem:$0x1CC00] =	vst v63  }
0x19a: {  	s14 =	rddreg [dreg:$0x6]  }
0x19b: {  	[tilespmem:s30], [sflag:$0x3] =	stream.indirect.gather [hbm4b:s1+s26], $0x80, s14, s26, $0xb8;
	[tilespmem:$0x1CC00] =	vst v63  }
0x19c: {  	s16 =	simm.s32 $0x180  }
0x19d: {  	[tilespmem:s0], [sflag:$0x4] =	stream.indirect.gather [hbm4b:s1+s26], $0x80, s16, s26, $0xb8;
	[tilespmem:$0x1CC00] =	vst v63  }
0x19e: {  	_ =	swait.ge [sflag:s2], $0x2000  }
0x19f: {  	[sflag:s2] =	ssyncset.done $0x0  }
0x1a0: {  	[sflag:s2] =	ssyncadd.s32 $0xFFFFE000  }
0x1a1: {  	[spmem:s3] =	stream.indirect.scatter.add.f32 [tilespmem:s22], [sflag:$0x5], $0x80, s24, s26, $0xb8;
	[tilespmem:$0x1CC00] =	vst v63  }
0x1a2: {  	_ =	swait.ge [sflag:s9], $0x2000  }
0x1a3: {  	[sflag:s9] =	ssyncset.done $0x0  }
0x1a4: {  	s16 =	simm.s32 $0x880;
	[sflag:s9] =	ssyncadd.s32 $0xFFFFE000  }
0x1a5: {  	[spmem:s3] =	stream.indirect.scatter.add.f32 [tilespmem:s29], [sflag:$0x6], $0x80, s16, s26, $0xb8;
	[tilespmem:$0x1CC00] =	vst v63  }
0x1a6: {  	_ =	swait.ge [sflag:s11], $0x2000  }
0x1a7: {  	[sflag:s11] =	ssyncset.done $0x0  }
0x1a8: {  	s16 =	simm.s32 $0x900;
	[sflag:s11] =	ssyncadd.s32 $0xFFFFE000  }
0x1a9: {  	[spmem:s3] =	stream.indirect.scatter.add.f32 [tilespmem:s30], [sflag:$0x7], $0x80, s16, s26, $0xb8;
	[tilespmem:$0x1CC00] =	vst v63  }
0x1aa: {  	_ =	swait.ge [sflag:s13], $0x2000  }
0x1ab: {  	[sflag:s13] =	ssyncset.done $0x0  }
0x1ac: {  	s16 =	simm.s32 $0x980;
	[sflag:s13] =	ssyncadd.s32 $0xFFFFE000  }
0x1ad: {  	[spmem:s3] =	stream.indirect.scatter.add.f32 [tilespmem:s0], [sflag:$0x8], $0x80, s16, s26, $0xb8;
	[tilespmem:$0x1CC00] =	vst v63  }
0x1ae: {  	_ =	swait.ge [sflag:s15], $0x2000  }
0x1af: {  	[sflag:s15] =	ssyncset.done $0x0  }
0x1b0: {  	s16 =	simm.s32 $0x200;
	[sflag:s15] =	ssyncadd.s32 $0xFFFFE000  }
0x1b1: {  	[tilespmem:s22], [sflag:$0x1] =	stream.indirect.gather [hbm4b:s1+s26], $0x80, s16, s26, $0xb8;
	[tilespmem:$0x1CC00] =	vst v63  }
0x1b2: {  	_ =	swait.ge [sflag:s17], $0x2000  }
0x1b3: {  	[sflag:s17] =	ssyncset.done $0x0  }
0x1b4: {  	s16 =	simm.s32 $0x280;
	[sflag:s17] =	ssyncadd.s32 $0xFFFFE000  }
0x1b5: {  	[tilespmem:s29], [sflag:$0x2] =	stream.indirect.gather [hbm4b:s1+s26], $0x80, s16, s26, $0xb8;
	[tilespmem:$0x1CC00] =	vst v63  }
0x1b6: {  	_ =	swait.ge [sflag:s20], $0x2000  }
0x1b7: {  	[sflag:s20] =	ssyncset.done $0x0  }
0x1b8: {  	s16 =	simm.s32 $0x300;
	[sflag:s20] =	ssyncadd.s32 $0xFFFFE000  }
0x1b9: {  	[tilespmem:s30], [sflag:$0x3] =	stream.indirect.gather [hbm4b:s1+s26], $0x80, s16, s26, $0xb8;
	[tilespmem:$0x1CC00] =	vst v63  }
0x1ba: {  	_ =	swait.ge [sflag:s25], $0x2000  }
0x1bb: {  	[sflag:s25] =	ssyncset.done $0x0  }
0x1bc: {  	s16 =	simm.s32 $0x380;
	[sflag:s25] =	ssyncadd.s32 $0xFFFFE000  }
0x1bd: {  	[tilespmem:s0], [sflag:$0x4] =	stream.indirect.gather [hbm4b:s1+s26], $0x80, s16, s26, $0xb8;
	[tilespmem:$0x1CC00] =	vst v63  }
0x1be: {  	_ =	swait.ge [sflag:s2], $0x2000  }
0x1bf: {  	[sflag:s2] =	ssyncset.done $0x0  }
0x1c0: {  	s16 =	simm.s32 $0xA00;
	[sflag:s2] =	ssyncadd.s32 $0xFFFFE000  }
0x1c1: {  	[spmem:s3] =	stream.indirect.scatter.add.f32 [tilespmem:s22], [sflag:$0x5], $0x80, s16, s26, $0xb8;
	[tilespmem:$0x1CC00] =	vst v63  }
0x1c2: {  	_ =	swait.ge [sflag:s9], $0x2000  }
0x1c3: {  	[sflag:s9] =	ssyncset.done $0x0  }
0x1c4: {  	s16 =	simm.s32 $0xA80;
	[sflag:s9] =	ssyncadd.s32 $0xFFFFE000  }
0x1c5: {  	[spmem:s3] =	stream.indirect.scatter.add.f32 [tilespmem:s29], [sflag:$0x6], $0x80, s16, s26, $0xb8;
	[tilespmem:$0x1CC00] =	vst v63  }
0x1c6: {  	_ =	swait.ge [sflag:s11], $0x2000  }
0x1c7: {  	[sflag:s11] =	ssyncset.done $0x0  }
0x1c8: {  	s16 =	simm.s32 $0xB00;
	[sflag:s11] =	ssyncadd.s32 $0xFFFFE000  }
0x1c9: {  	[spmem:s3] =	stream.indirect.scatter.add.f32 [tilespmem:s30], [sflag:$0x7], $0x80, s16, s26, $0xb8;
	[tilespmem:$0x1CC00] =	vst v63  }
0x1ca: {  	_ =	swait.ge [sflag:s13], $0x2000  }
0x1cb: {  	[sflag:s13] =	ssyncset.done $0x0  }
0x1cc: {  	s16 =	simm.s32 $0xB80;
	[sflag:s13] =	ssyncadd.s32 $0xFFFFE000  }
0x1cd: {  	[spmem:s3] =	stream.indirect.scatter.add.f32 [tilespmem:s0], [sflag:$0x8], $0x80, s16, s26, $0xb8;
	[tilespmem:$0x1CC00] =	vst v63  }
0x1ce: {  	_ =	swait.ge [sflag:s15], $0x2000  }
0x1cf: {  	[sflag:s15] =	ssyncset.done $0x0  }
0x1d0: {  	s16 =	simm.s32 $0x400;
	[sflag:s15] =	ssyncadd.s32 $0xFFFFE000  }
0x1d1: {  	[tilespmem:s22], [sflag:$0x1] =	stream.indirect.gather [hbm4b:s1+s26], $0x80, s16, s26, $0xb8;
	[tilespmem:$0x1CC00] =	vst v63  }
0x1d2: {  	_ =	swait.ge [sflag:s17], $0x2000  }
0x1d3: {  	[sflag:s17] =	ssyncset.done $0x0  }
0x1d4: {  	s16 =	simm.s32 $0x480;
	[sflag:s17] =	ssyncadd.s32 $0xFFFFE000  }
0x1d5: {  	[tilespmem:s29], [sflag:$0x2] =	stream.indirect.gather [hbm4b:s1+s26], $0x80, s16, s26, $0xb8;
	[tilespmem:$0x1CC00] =	vst v63  }
0x1d6: {  	_ =	swait.ge [sflag:s20], $0x2000  }
0x1d7: {  	[sflag:s20] =	ssyncset.done $0x0  }
0x1d8: {  	s16 =	simm.s32 $0x500;
	[sflag:s20] =	ssyncadd.s32 $0xFFFFE000  }
0x1d9: {  	[tilespmem:s30], [sflag:$0x3] =	stream.indirect.gather [hbm4b:s1+s26], $0x80, s16, s26, $0xb8;
	[tilespmem:$0x1CC00] =	vst v63  }
0x1da: {  	_ =	swait.ge [sflag:s25], $0x2000  }
0x1db: {  	[sflag:s25] =	ssyncset.done $0x0  }
0x1dc: {  	s16 =	simm.s32 $0x580;
	[sflag:s25] =	ssyncadd.s32 $0xFFFFE000  }
0x1dd: {  	[tilespmem:s0], [sflag:$0x4] =	stream.indirect.gather [hbm4b:s1+s26], $0x80, s16, s26, $0xb8;
	[tilespmem:$0x1CC00] =	vst v63  }
0x1de: {  	_ =	swait.ge [sflag:s2], $0x2000  }
0x1df: {  	[sflag:s2] =	ssyncset.done $0x0  }
0x1e0: {  	s16 =	simm.s32 $0xC00;
	[sflag:s2] =	ssyncadd.s32 $0xFFFFE000  }
0x1e1: {  	[spmem:s3] =	stream.indirect.scatter.add.f32 [tilespmem:s22], [sflag:$0x5], $0x80, s16, s26, $0xb8;
	[tilespmem:$0x1CC00] =	vst v63  }
0x1e2: {  	_ =	swait.ge [sflag:s9], $0x2000  }
0x1e3: {  	[sflag:s9] =	ssyncset.done $0x0  }
0x1e4: {  	s16 =	simm.s32 $0xC80;
	[sflag:s9] =	ssyncadd.s32 $0xFFFFE000  }
0x1e5: {  	[spmem:s3] =	stream.indirect.scatter.add.f32 [tilespmem:s29], [sflag:$0x6], $0x80, s16, s26, $0xb8;
	[tilespmem:$0x1CC00] =	vst v63  }
0x1e6: {  	_ =	swait.ge [sflag:s11], $0x2000  }
0x1e7: {  	[sflag:s11] =	ssyncset.done $0x0  }
0x1e8: {  	[sflag:s11] =	ssyncadd.s32 $0xFFFFE000  }
0x1e9: {  	[spmem:s3] =	stream.indirect.scatter.add.f32 [tilespmem:s30], [sflag:$0x7], $0x80, s10, s26, $0xb8;
	[tilespmem:$0x1CC00] =	vst v63  }
0x1ea: {  	_ =	swait.ge [sflag:s13], $0x2000  }
0x1eb: {  	[sflag:s13] =	ssyncset.done $0x0  }
0x1ec: {  	[sflag:s13] =	ssyncadd.s32 $0xFFFFE000  }
0x1ed: {  	[spmem:s3] =	stream.indirect.scatter.add.f32 [tilespmem:s0], [sflag:$0x8], $0x80, s19, s26, $0xb8;
	[tilespmem:$0x1CC00] =	vst v63  }
0x1ee: {  	_ =	swait.ge [sflag:s15], $0x2000  }
0x1ef: {  	[sflag:s15] =	ssyncset.done $0x0  }
0x1f0: {  	[sflag:s15] =	ssyncadd.s32 $0xFFFFE000  }
0x1f1: {  	[tilespmem:s22], [sflag:$0x1] =	stream.indirect.gather [hbm4b:s1+s26], $0x80, s21, s26, $0xb8;
	[tilespmem:$0x1CC00] =	vst v63  }
0x1f2: {  	_ =	swait.ge [sflag:s17], $0x2000  }
0x1f3: {  	[sflag:s17] =	ssyncset.done $0x0  }
0x1f4: {  	[sflag:s17] =	ssyncadd.s32 $0xFFFFE000  }
0x1f5: {  	[tilespmem:s29], [sflag:$0x2] =	stream.indirect.gather [hbm4b:s1+s26], $0x80, s8, s26, $0xb8;
	[tilespmem:$0x1CC00] =	vst v63  }
0x1f6: {  	_ =	swait.ge [sflag:s20], $0x2000  }
0x1f7: {  	[sflag:s20] =	ssyncset.done $0x0  }
0x1f8: {  	[sflag:s20] =	ssyncadd.s32 $0xFFFFE000  }
0x1f9: {  	[tilespmem:s30], [sflag:$0x3] =	stream.indirect.gather [hbm4b:s1+s26], $0x80, s6, s26, $0xb8;
	[tilespmem:$0x1CC00] =	vst v63  }
0x1fa: {  	_ =	swait.ge [sflag:s25], $0x2000  }
0x1fb: {  	[sflag:s25] =	ssyncset.done $0x0  }
0x1fc: {  	[sflag:s25] =	ssyncadd.s32 $0xFFFFE000  }
0x1fd: {  	[tilespmem:s0], [sflag:$0x4] =	stream.indirect.gather [hbm4b:s1+s26], $0x80, s7, s26, $0xb8;
	[tilespmem:$0x1CC00] =	vst v63  }
0x1fe: {  	_ =	swait.ge [sflag:s2], $0x2000  }
0x1ff: {  	[sflag:s2] =	ssyncset.done $0x0  }
0x200: {  	[sflag:s2] =	ssyncadd.s32 $0xFFFFE000  }
0x201: {  	[spmem:s3] =	stream.indirect.scatter.add.f32 [tilespmem:s22], [sflag:$0x5], $0x80, s18, s26, $0xb8;
	[tilespmem:$0x1CC00] =	vst v63  }
0x202: {  	_ =	swait.ge [sflag:s9], $0x2000  }
0x203: {  	[sflag:s9] =	ssyncset.done $0x0  }
0x204: {  	[sflag:s9] =	ssyncadd.s32 $0xFFFFE000  }
0x205: {  	[spmem:s3] =	stream.indirect.scatter.add.f32 [tilespmem:s29], [sflag:$0x6], $0x80, s5, s26, $0xb8;
	[tilespmem:$0x1CC00] =	vst v63  }
0x206: {  	_ =	swait.ge [sflag:s11], $0x2000  }
0x207: {  	[sflag:s11] =	ssyncset.done $0x0  }
0x208: {  	[sflag:s11] =	ssyncadd.s32 $0xFFFFE000  }
0x209: {  	[spmem:s3] =	stream.indirect.scatter.add.f32 [tilespmem:s30], [sflag:$0x7], $0x80, s28, s26, $0xb8;
	[tilespmem:$0x1CC00] =	vst v63  }
0x20a: {  	_ =	swait.ge [sflag:s13], $0x2000  }
0x20b: {  	[sflag:s13] =	ssyncset.done $0x0  }
0x20c: {  	[sflag:s13] =	ssyncadd.s32 $0xFFFFE000  }
0x20d: {  	[spmem:s3] =	stream.indirect.scatter.add.f32 [tilespmem:s0], [sflag:$0x8], $0x80, s31, s26, $0xb8;
	[tilespmem:$0x1CC00] =	vst v63  }
0x20e: {  	_ =	swait.ge [sflag:s15], $0x2000  }
0x20f: {  	[sflag:s15] =	ssyncset.done $0x0  }
0x210: {  	[sflag:s15] =	ssyncadd.s32 $0xFFFFE000  }
0x211: {  	_ =	swait.ge [sflag:s17], $0x2000  }
0x212: {  	p2 =	seq.s32 s12, $0x1100;
	[sflag:s17] =	ssyncset.done $0x0  }
.Ltmp6:
0x213: {  	[sflag:s17] =	ssyncadd.s32 $0xFFFFE000;
	(pc) =	sbr.rel @!p2 .LBB2_5-.Ltmp6, $4  }
0x214: {  	_ =	swait.ge [sflag:s20], $0x2000  }
0x215: {  	[sflag:s20] =	ssyncset.done $0x0  }
0x216: {  	[sflag:s20] =	ssyncadd.s32 $0xFFFFE000  }
0x217: {  	s12 =	sadd.s32 $0x100, s12;
	_ =	swait.ge [sflag:s25], $0x2000  }
.Ltmp7:
0x218: {  	_ = 	snop;
	(pc) =	sbr.rel .LBB2_6-.Ltmp7, $1  }
0x219: {  	_ =	sdelay $0x3  }
.LBB2_9:
0x21a: {  	_ =	sfence.sel $0x180000  }
0x21b: {  	[bflag:$0x0] =	sbarrier.arrive $0xFFFF  }
0x21c: {  	_ =	strace $0x9000004A  }
0x21d: {  	s0 =	stileid.u32;
	[bflag:$0x2] =	sbarrier.arrive $0xFFFF  }
0x21e: {  	p0 =	sne.s32 s0, $0x0;
	s0 =	rddreg [dreg:$0x3]  }
0x21f: {  	s0 =	sadd.s32 @!p0 $0x100000, s0  }
0x220: {  	[sflag:s0] =	ssyncadd.tile.s32 @!p0 $0x1;
	_ =	shalt  }
.Lfunc_end2:
_tile_overlayer_lowered:
.L_overlay_start_2:
0x221: {  	(tag) =	ssettag $0x2  }
0x222: {  	s0 =	rddreg [dreg:$0x0];
	s2 =	stileid.u32  }
0x223: {  	s1 =	rddreg [dreg:$0x1];
	p0 =	sne.s32 s2, $0x0  }
0x224: {  	s3 =	rddreg [dreg:$0x2];
	[bflag:$0x3] =	sbarrier.arrive $0xFFFF;
	s2 =	simm.s32 @!p0 $0x1C09  }
0x225: {  	[timem:s3], [sflag:s2] =	dma.local @!p0 [hbm:s0], s1  }
0x226: {  	s0 =	simm.s32 @!p0 $0x9  }
0x227: {  	_ =	swait.ge @!p0 [sflag:s0], s1  }
0x228: {  	s1 =	ssub.s32 @!p0 $0x0, s1;
	[sflag:s0] =	ssyncset.done @!p0 $0x0  }
0x229: {  	[sflag:s0] =	ssyncadd.s32 @!p0 s1  }
0x22a: {  	[bflag:$0x3] =	sbarrier.arrive $0xFFFF  }
0x22b: {  	_ =	shalt  }

// kernel: kernel.14.cloned.1.call-start
scs
__scs_entry_jumppad:
0x0: {  	(pc) =	sbr.rel $0x88, $3  }
0x1: {  	(tag) =	ssettag $0x0;
	lr =	simm.s32 $0x1  }
0x2: {  	[smem:$0x3F9B] =	sst lr;
	_ =	strace $0xD0000000  }
0x3: {  	_ = 	snop  }
0x4: {  	_ = 	snop  }
0x5: {  	_ = 	snop  }
0x6: {  	_ = 	snop  }
0x7: {  	_ = 	snop  }
__scs_overlays_trampoline_lowered:
0x8: {  	[smem:$0x3FAA] =	sst s0  }
0x9: {  	[smem:$0x3FAB] =	sst s1  }
0xa: {  	[smem:$0x3FAC] =	sst s2  }
0xb: {  	[smem:$0x3FAD] =	sst s3  }
0xc: {  	[smem:$0x3FAE] =	sst s4  }
0xd: {  	[smem:$0x3FAF] =	sst s5  }
0xe: {  	[smem:$0x3FB0] =	sst s6  }
0xf: {  	[smem:$0x3FB1] =	sst s7  }
0x10: {  	[smem:$0x3FB2] =	sst s8  }
0x11: {  	[smem:$0x3FB3] =	sst s9;
	s0 =	simm.s32 @!p0 $0x0  }
0x12: {  	s1 =	sld [smem:$0x3F99];
	s0 =	simm.s32 @p0 $0x1  }
0x13: {  	[smem:$0x3FB4] =	sst s0;
	s0 =	simm.s32 @!p1 $0x0  }
0x14: {  	s2 =	sld [smem:$0x3F98];
	s0 =	simm.s32 @p1 $0x1  }
0x15: {  	[smem:$0x3FB5] =	sst s0;
	s0 =	simm.s32 @!p2 $0x0  }
0x16: {  	s3 =	sld [smem:$0x3FDB];
	s0 =	simm.s32 @p2 $0x1  }
0x17: {  	s4 =	simm.s32 $0x1BF5;
	[smem:$0x3FB7] =	sst s0  }
0x18: {  	s0 =	sld [smem:$0x3F9A];
	_ =	swait.ge [sflag:s4], $0x0  }
0x19: {  	s7 =	sld [smem:$0x3F9B]  }
0x1a: {  	s8 =	sadd.s32 $0xFFFFE003, lr  }
0x1b: {  	s9 =	sadd.s32 $0xFFFFFEF7, lr;
	s5 =	simm.s32 $0xFFFFFFFF;
	p2 =	slt.u32 s8, $0xFFFFF086  }
0x1c: {  	p1 =	slt.u32 s9, $0xF7A;
	s5 =	simm.s32 @!p2 $0x0  }
0x1d: {  	s5 =	simm.s32 @p1 $0x1;
	p0 =	seq.s32 s7, s2  }
0x1e: {  	s7 =	smul.u32 @!p0 $0xF7A, s2;
	p2 =	seq.s32 @!p0 s5, $0x0  }
0x1f: {  	s9 =	smul.u32 $0xF7A, s1;
	s8 =	simm.s32 @!p0 $0x1BF5;
	p2 =	por !p2, p0  }
0x20: {  	[sflag:s8] =	ssyncset.s32 @!p0 $0xFFFFF086;
	s6 =	sadd.s32 @!p0 s3, s7;
	s7 =	simm.s32 @!p0 $0x108  }
0x21: {  	s3 =	sadd.s32 s3, s9;
	s6 =	sadd.s32 @!p0 $0x88, s6;
	s7 =	simm.s32 @p2 $0x1082  }
0x22: {  	[simem:s7], [sflag:s8] =	dma.local @!p0 [hbm:s6], $0xF7A  }
0x23: {  	s9 =	sor.u32 $0xD0000000, s2;
	s6 =	simm.s32 $0x108;
	_ =	swait.ge @!p0 [sflag:s8], $0x0  }
0x24: {  	s3 =	sadd.s32 $0x88, s3;
	s6 =	simm.s32 @!p1 $0x1082;
	[sflag:s4] =	ssyncset.s32 $0xFFFFF086  }
0x25: {  	[simem:s6], [sflag:s4] =	dma.local [hbm:s3], $0xF7A  }
0x26: {  	[smem:$0x3F9B] =	sst s1;
	(tag) =	ssettag s2;
	_ =	strace s9  }
0x27: {  	s1 =	sld [smem:$0x3FAB]  }
0x28: {  	s2 =	sld [smem:$0x3FAC]  }
0x29: {  	s4 =	sld [smem:$0x3FAE]  }
0x2a: {  	p0 =	seq.s32 s5, $0x0;
	s5 =	sld [smem:$0x3FAF]  }
0x2b: {  	s6 =	sld [smem:$0x3FB0]  }
0x2c: {  	s7 =	sld [smem:$0x3FB1]  }
0x2d: {  	s3 =	simm.s32 $0x108;
	s8 =	sld [smem:$0x3FB2]  }
0x2e: {  	s3 =	simm.s32 @!p0 $0x1082;
	s9 =	sld [smem:$0x3FB3]  }
0x2f: {  	lr =	sadd.s32 s0, s3;
	s0 =	sld [smem:$0x3FAA]  }
0x30: {  	s3 =	sld [smem:$0x3FAD]  }
0x31: {  	[smem:$0x3FB6] =	sst s10  }
0x32: {  	s10 =	sld [smem:$0x3FB4];
	_ =	sdelay $0x3  }
0x33: {  	p0 =	seq.s32 s10, $0x1;
	s10 =	sld [smem:$0x3FB6];
	_ =	sdelay $0x3  }
0x34: {  	[smem:$0x3FB6] =	sst s10  }
0x35: {  	s10 =	sld [smem:$0x3FB5];
	_ =	sdelay $0x3  }
0x36: {  	p1 =	seq.s32 s10, $0x1;
	s10 =	sld [smem:$0x3FB6];
	_ =	sdelay $0x3  }
0x37: {  	[smem:$0x3FB6] =	sst s10  }
0x38: {  	s10 =	sld [smem:$0x3FB7]  }
0x39: {  	_ = 	snop;
	(pc) =	sbr.ind lr, $3  }
0x3a: {  	_ = 	snop  }
0x3b: {  	_ = 	snop  }
0x3c: {  	p2 =	seq.s32 s10, $0x1;
	s10 =	sld [smem:$0x3FB6]  }
0x3d: {  	_ =	shalt  }
0x3e: {  	_ =	shalt  }
0x3f: {  	_ =	shalt  }
0x40: {  	_ =	shalt  }
0x41: {  	_ =	shalt  }
0x42: {  	_ =	shalt  }
0x43: {  	_ =	shalt  }
0x44: {  	_ =	shalt  }
0x45: {  	_ =	shalt  }
0x46: {  	_ =	shalt  }
0x47: {  	_ =	shalt  }
0x48: {  	_ =	shalt  }
0x49: {  	_ =	shalt  }
0x4a: {  	_ =	shalt  }
0x4b: {  	_ =	shalt  }
0x4c: {  	_ =	shalt  }
0x4d: {  	_ =	shalt  }
0x4e: {  	_ =	shalt  }
0x4f: {  	_ =	shalt  }
0x50: {  	_ =	shalt  }
0x51: {  	_ =	shalt  }
0x52: {  	_ =	shalt  }
0x53: {  	_ =	shalt  }
0x54: {  	_ =	shalt  }
0x55: {  	_ =	shalt  }
0x56: {  	_ =	shalt  }
0x57: {  	_ =	shalt  }
0x58: {  	_ =	shalt  }
0x59: {  	_ =	shalt  }
0x5a: {  	_ =	shalt  }
0x5b: {  	_ =	shalt  }
0x5c: {  	_ =	shalt  }
0x5d: {  	_ =	shalt  }
0x5e: {  	_ =	shalt  }
0x5f: {  	_ =	shalt  }
0x60: {  	_ =	shalt  }
0x61: {  	_ =	shalt  }
0x62: {  	_ =	shalt  }
0x63: {  	_ =	shalt  }
0x64: {  	_ =	shalt  }
0x65: {  	_ =	shalt  }
0x66: {  	_ =	shalt  }
0x67: {  	_ =	shalt  }
0x68: {  	_ =	shalt  }
0x69: {  	_ =	shalt  }
0x6a: {  	_ =	shalt  }
0x6b: {  	_ =	shalt  }
0x6c: {  	_ =	shalt  }
0x6d: {  	_ =	shalt  }
0x6e: {  	_ =	shalt  }
0x6f: {  	_ =	shalt  }
0x70: {  	_ =	shalt  }
0x71: {  	_ =	shalt  }
0x72: {  	_ =	shalt  }
0x73: {  	_ =	shalt  }
0x74: {  	_ =	shalt  }
0x75: {  	_ =	shalt  }
0x76: {  	_ =	shalt  }
0x77: {  	_ =	shalt  }
0x78: {  	_ =	shalt  }
0x79: {  	_ =	shalt  }
0x7a: {  	_ =	shalt  }
0x7b: {  	_ =	shalt  }
0x7c: {  	_ =	shalt  }
0x7d: {  	_ =	shalt  }
0x7e: {  	_ =	shalt  }
0x7f: {  	_ =	shalt  }
0x80: {  	_ =	shalt  }
0x81: {  	_ =	shalt  }
0x82: {  	_ =	shalt  }
0x83: {  	_ =	shalt  }
0x84: {  	_ =	shalt  }
0x85: {  	_ =	shalt  }
0x86: {  	_ =	shalt  }
0x87: {  	_ =	shalt  }
.Lfunc_end0:
.L_simem_size_0:
called_computation.2_lowered:
.L_overlay_start_0:
0x88: {  	s2 =	sld [smem:$0x3FD9]  }
0x89: {  	s3 =	sld [smem:$0x3FFE];
	_ =	sdelay $0x1  }
0x8a: {  	s1 =	srdreg.scid  }
0x8b: {  	s0 =	sand.u32 $0x1, s1  }
0x8c: {  	s17 =	sshll.u32 s0, $0xA;
	s2 =	sadd.s32 s3, s2  }
0x8d: {  	s2 =	sadd.s32 s2, s17  }
0x8e: {  	[smem:$0x3FC2] =	sst s2  }
0x8f: {  	_ = 	snop  }
0x90: {  	s2 =	sld [smem:$0x3FD0];
	(tm) =	ssettm $0x1  }
0x91: {  	s18 =	sld [smem:$0x3FFB];
	_ =	sdelay $0x3  }
0x92: {  	_ =	strace s18  }
0x93: {  	s3 =	sld [smem:$0x3FFC];
	_ =	sdelay $0x3  }
0x94: {  	_ =	strace s3  }
0x95: {  	s3 =	sld [smem:$0x3FFD];
	_ =	sdelay $0x3  }
0x96: {  	_ =	strace s3  }
0x97: {  	_ =	strace $0x8FFFFFFF  }
0x98: {  	s19 =	sld [smem:$0x3FDB];
	_ =	sdelay $0x1  }
0x99: {  	s4 =	simm.s32 $_scs_section_size  }
0x9a: {  	s5 =	simm.s32 $_size__tile_overlayer_lowered;
	s6 =	simm.s32 $_tile_overlayer_lowered  }
0x9b: {  	s22 =	simm.s32 $0x1BFF;
	s21 =	sshll.u32 s6, $0x1;
	s3 =	sadd.s32 s4, s19  }
0x9c: {  	s7 =	simm.s32 $0x0;
	s20 =	sshll.u32 s5, $0x1;
	s5 =	sadd.s32 s21, s3  }
0x9d: {  	[timem:s7], [sflag:s22] =	dma.local [hbm:s5], s20  }
0x9e: {  	_ =	swait.ge [sflag:s22], s20  }
0x9f: {  	s4 =	ssub.s32 $0x0, s20;
	[sflag:s22] =	ssyncset.done $0x0  }
0xa0: {  	[sflag:s22] =	ssyncadd.s32 s4;
	_ =	sdelay $0x1  }
0xa1: {  	s23 =	simm.s32 $0x1B8B  }
0xa2: {  	_ =	swait.ge [sflag:s23], $0x1  }
0xa3: {  	[sflag:s23] =	ssyncset.done $0x0  }
0xa4: {  	s25 =	simm.s32 $0x1B8E;
	s24 =	sld [smem:$0x3FFE];
	[sflag:s23] =	ssyncadd.s32 $0xFFFFFFFF  }
0xa5: {  	s26 =	simm.s32 $execute0_lowered;
	[smem:$0x3FD2] =	sst s25  }
0xa6: {  	s5 =	sshll.u32 s26, $0x1;
	_ =	strace $0x8000004C;
	[dreg:$0x1] =	wrdreg $0xFFFFFFFF  }
0xa7: {  	s28 =	simm.s32 $_size_execute0_lowered;
	s3 =	sadd.s32 s3, s5;
	[dreg:$0x0] =	wrdreg $0x0  }
0xa8: {  	s5 =	sshll.u32 s28, $0x1;
	[dreg:$0x2] =	wrdreg s3  }
0xa9: {  	[dreg:$0x3] =	wrdreg s5  }
0xaa: {  	[dreg:$0x4] =	wrdreg $0xC0  }
0xab: {  	_ =	task [dreg:s7], $0x5FFFF  }
0xac: {  	[dreg:$0x1] =	wrdreg $0xFFFFFFFF  }
0xad: {  	[dreg:$0x0] =	wrdreg $0x60  }
0xae: {  	[dreg:$0x2] =	wrdreg s2  }
0xaf: {  	[dreg:$0x3] =	wrdreg s24  }
0xb0: {  	[dreg:$0x4] =	wrdreg $0x90000  }
0xb1: {  	[dreg:$0x5] =	wrdreg $0x9  }
0xb2: {  	_ =	task.clear_ibuf [dreg:s7], $0x6FFFF;
	_ =	strace $0x9000004C  }
0xb3: {  	s29 =	simm.s32 $0x9;
	_ =	strace $0x8000004E  }
0xb4: {  	_ =	swait.ge [sflag:s29], $0x1  }
0xb5: {  	[sflag:s29] =	ssyncadd.s32 $0xFFFFFFFF  }
0xb6: {  	_ =	strace $0x9000004E  }
0xb7: {  	_ =	sfence  }
0xb8: {  	s30 =	sld [smem:$0x0];
	_ =	sdelay $0x2  }
0xb9: {  	s31 =	sshll.u32 s1, $0xD;
	s1 =	sshrl.u32 s1, $0x2  }
0xba: {  	s3 =	sand.u32 $0x4000, s31;
	s1 =	sadd.s32 s1, s30  }
0xbb: {  	s0 =	sor.u32 s3, s0;
	s1 =	sshll.u32 s1, $0x11  }
0xbc: {  	s0 =	sor.u32 s1, s0  }
0xbd: {  	s0 =	sadd.s32 $0x8F2B, s0  }
0xbe: {  	[sflag:s0] =	ssyncadd.remote.s32 $0x1  }
0xbf: {  	_ =	sfence.sel $0xFFFF  }
0xc0: {  	[dreg:$0x0] =	wrdreg $0xFFFFFFFF;
	(pc) =	sbr.abs _section_cstart, $3  }
0xc1: {  	[dreg:$0x1] =	wrdreg $0xFFFFFFFF  }
0xc2: {  	_ =	task.clear_ibuf [dreg:s7], $0x2FFFF;
	_ =	strace $0x9FFFFFFF  }
0xc3: {  	(tm) =	ssettm $0x7FFFFFFF  }
tec
execute0_lowered:
.L_overlay_start_1:
0x0: {  	(tag) =	ssettag $0x1  }
0x1: {  	s1 =	rddreg [dreg:$0x0]  }
0x2: {  	s0 =	rddreg [dreg:$0x1]  }
0x3: {  	s3 =	rddreg [dreg:$0x2]  }
0x4: {  	s4 =	simm.s32 $0x0;
	s10 =	stileid.u32;
	s23 =	srdreg.scid  }
0x5: {  	s29 =	simm.s32 $0x3000;
	s30 =	simm.s32 $0x5000;
	s28 =	simm.s32 $0xF00  }
0x6: {  	s31 =	simm.s32 $0xF80;
	[smem:$0x7FF] =	sst s4;
	s2 =	smul.u32 $0x1200, s10  }
0x7: {  	s5 =	sadd.s32 $0x2B600, s0;
	s6 =	smul.u32 $0x4F000, s10;
	s7 =	sadd.s32 $0x27600, s0  }
0x8: {  	s24 =	sadd.s32 $0x29600, s0;
	_ =	strace $0x8000004D;
	[dreg:$0x7] =	wrdreg s5  }
0x9: {  	s16 =	smul.u32 $0x13C00, s10;
	s21 =	sshll.u32 s10, $0x9;
	[dreg:$0x8] =	wrdreg s7  }
0xa: {  	p1 =	seq.s32 s10, $0xF;
	s10 =	simm.s32 $0xD00;
	[dreg:$0x9] =	wrdreg s24  }
0xb: {  	s5 =	sand.u32 $0x1, s23;
	[dreg:$0x14] =	wrdreg s21;
	s21 =	simm.s32 $0x600  }
0xc: {  	s2 =	sadd.s32 s2, s0;
	s25 =	ssub.s32 $0x2, s5;
	s6 =	sshrl.u32 s6, $0x2  }
0xd: {  	s0 =	sadd.s32 $0x52800, s0;
	s13 =	smul.u32 $0x138800, s5;
	s23 =	sadd.s32 $0x3600, s2  }
0xe: {  	p0 =	seq.s32 s5, $0x1;
	s24 =	sadd.s32 $0x15600, s2;
	[dreg:$0x4] =	wrdreg s23  }
0xf: {  	s8 =	sshrl.u32 s25, $0x1;
	s18 =	sadd.s32 s6, s3;
	[dreg:$0x5] =	wrdreg s24  }
0x10: {  	s26 =	ssub.s32 s25, s8;
	s8 =	sadd.s32 $0x2000, s18;
	[dreg:$0xa] =	wrdreg s18  }
0x11: {  	s2 =	simm.s32 $0x1;
	s9 =	sadd.s32 $0x4000, s18;
	[dreg:$0xb] =	wrdreg s8  }
0x12: {  	s6 =	simm.s32 $0x700;
	s11 =	sadd.s32 $0x6000, s18;
	[dreg:$0xc] =	wrdreg s9  }
0x13: {  	s12 =	sadd.s32 $0x8000, s18;
	s14 =	sadd.s32 $0xA000, s18;
	[dreg:$0xd] =	wrdreg s11  }
0x14: {  	s15 =	sadd.s32 $0xC000, s18;
	s17 =	sadd.s32 $0x10000, s18;
	[dreg:$0xe] =	wrdreg s12  }
0x15: {  	s19 =	sadd.s32 $0x12000, s18;
	s20 =	sadd.s32 s16, s13;
	[dreg:$0xf] =	wrdreg s14  }
0x16: {  	s7 =	sshrl.u32 s13, $0x3;
	s23 =	simm.s32 $0x9;
	[dreg:$0x10] =	wrdreg s15  }
0x17: {  	s24 =	simm.s32 $0x800;
	s13 =	simm.s32 $0x4;
	[dreg:$0x12] =	wrdreg s17  }
0x18: {  	s9 =	sadd.s32 $0xE000, s18;
	[dreg:$0x13] =	wrdreg s19;
	s5 =	sshrl.u32 s20, $0x3  }
0x19: {  	s7 =	sadd.s32 s0, s7;
	s25 =	smax.u32 s26, $0x1;
	s26 =	simm.s32 $0x100  }
0x1a: {  	s11 =	simm.s32 $0x3;
	s15 =	simm.s32 $0x5;
	s17 =	simm.s32 $0x6  }
0x1b: {  	s20 =	simm.s32 $0x7;
	s19 =	simm.s32 $0xD80;
	s8 =	simm.s32 $0x680  }
0x1c: {  	[dreg:$0x11] =	wrdreg s9;
	s0 =	sadd.s32 s0, s5;
	s22 =	sadd.s32 $0x25080, s7  }
.Ltmp0:
0x1d: {  	s5 =	sadd.s32 $0x128400, s3;
	[dreg:$0x17] =	wrdreg s25;
	(pc) =	sbr.rel .LBB2_1-.Ltmp0, $4  }
0x1e: {  	[dreg:$0x6] =	wrdreg s26;
	s26 =	simm.s32 $0x40;
	s9 =	simm.s32 $0x2  }
0x1f: {  	s25 =	simm.s32 $0x8;
	s7 =	simm.s32 $0x780;
	[dreg:$0x15] =	wrdreg s0  }
0x20: {  	[dreg:$0x16] =	wrdreg s22;
	s22 =	simm.s32 $0x1000;
	s0 =	sshrl.u32 @p1 s5, $0x3  }
0x21: {  	v0 =	vimm.f32 $0.0e+00;
	s5 =	simm.s32 $0x0;
	[dreg:$0x18] =	wrdreg s0;
	s0 =	simm.s32 $0x7000  }
.LBB2_6:
0x22: {  	[sflag:s25] =	ssyncset.done $0x0  }
0x23: {  	[sflag:s25] =	ssyncadd.s32 $0xFFFFE000  }
.LBB2_8:
0x24: {  	[bflag:$0x0] =	sbarrier.arrive $0xFFFF  }
0x25: {  	s14 =	rddreg [dreg:$0x16]  }
0x26: {  	s12 =	simm.s32 @p1 $0x1FC9;
	s16 =	rddreg [dreg:$0x18]  }
0x27: {  	[hbm:s14], [sflag:s12] =	dma.local @p1 [spmem:s16], $0x2080  }
0x28: {  	s12 =	simm.s32 @p1 $0x9  }
0x29: {  	_ =	swait.ge @p1 [sflag:s12], $0x2080  }
0x2a: {  	s5 =	stileid.u32;
	s18 =	rddreg [dreg:$0xa]  }
0x2b: {  	s14 =	sshll.u32 @!p1 s5, $0x6;
	[sflag:s12] =	ssyncset.done @p1 $0x0;
	s16 =	rddreg [dreg:$0x15]  }
0x2c: {  	[sflag:s12] =	ssyncadd.s32 @p1 $0xFFFFDF80;
	s12 =	sor.u32 @!p1 $0x1C09, s14;
	s14 =	sshrl.u32 @!p1 s18, $0x3  }
0x2d: {  	[hbm:s16], [sflag:s12] =	dma.local @!p1 [spmem:s14], $0x2780  }
0x2e: {  	s12 =	simm.s32 @!p1 $0x9  }
0x2f: {  	_ =	swait.ge @!p1 [sflag:s12], $0x2780  }
0x30: {  	s14 =	rddreg [dreg:$0x19]  }
0x31: {  	s16 =	rddreg [dreg:$0x17];
	s5 =	sadd.s32 $0x1, s14  }
0x32: {  	p2 =	sne.s32 s5, s16  }
.Ltmp1:
0x33: {  	_ = 	snop;
	(pc) =	sbr.rel @!p2 .LBB2_9-.Ltmp1, $3  }
0x34: {  	_ =	sdelay $0x1  }
0x35: {  	[sflag:s12] =	ssyncset.done @!p1 $0x0  }
0x36: {  	[sflag:s12] =	ssyncadd.s32 @!p1 $0xFFFFD880  }
.LBB2_1:
0x37: {  	[dreg:$0x19] =	wrdreg s5;
	s12 =	simm.s32 $0x0;
	s14 =	simm.s32 $0x200  }
.LBB2_2:
0x38: {  	p2 =	sne.s32 s14, $0x7E00;
	[tilespmem:s12+$0x1070] =	vst v0  }
0x39: {  	[tilespmem:s12+$0x1000] =	vst v0  }
0x3a: {  	[tilespmem:s12+$0x1010] =	vst v0  }
.Ltmp2:
0x3b: {  	[tilespmem:s12+$0x1020] =	vst v0;
	(pc) =	sbr.rel @p2 .LBB2_2-.Ltmp2, $4  }
0x3c: {  	[tilespmem:s12+$0x1030] =	vst v0  }
0x3d: {  	[tilespmem:s12+$0x1040] =	vst v0  }
0x3e: {  	[tilespmem:s12+$0x1050] =	vst v0  }
0x3f: {  	[tilespmem:s12+$0x1060] =	vst v0;
	s12 =	sshra.s32 s14, $0x2;
	s14 =	sadd.s32 $0x200, s14  }
0x40: {  	[tilespmem:s12+$0x1070] =	vst v0  }
0x41: {  	[tilespmem:s12+$0x1000] =	vst v0  }
0x42: {  	[tilespmem:s12+$0x1010] =	vst v0  }
0x43: {  	[tilespmem:s12+$0x1020] =	vst v0  }
0x44: {  	[tilespmem:s12+$0x1030] =	vst v0  }
0x45: {  	[tilespmem:s12+$0x1040] =	vst v0  }
0x46: {  	[tilespmem:s12+$0x1050] =	vst v0  }
0x47: {  	[tilespmem:s12+$0x1060] =	vst v0  }
0x48: {  	[spmem:s18] =	stream.linear.scatter [tilespmem:s22], [sflag:$0x9], $0x2000, $0x38;
	[tilespmem:$0x1CC00] =	vst v63  }
0x49: {  	_ =	swait.ge [sflag:s23], $0x2000  }
0x4a: {  	[sflag:s23] =	ssyncset.done $0x0  }
0x4b: {  	s18 =	rddreg [dreg:$0xb];
	[sflag:s23] =	ssyncadd.s32 $0xFFFFE000  }
0x4c: {  	[spmem:s18] =	stream.linear.scatter [tilespmem:s22], [sflag:$0x9], $0x2000, $0x38;
	[tilespmem:$0x1CC00] =	vst v63  }
0x4d: {  	_ =	swait.ge [sflag:s23], $0x2000  }
0x4e: {  	[sflag:s23] =	ssyncset.done $0x0  }
0x4f: {  	s5 =	rddreg [dreg:$0xc];
	[sflag:s23] =	ssyncadd.s32 $0xFFFFE000  }
0x50: {  	[spmem:s5] =	stream.linear.scatter [tilespmem:s22], [sflag:$0x9], $0x2000, $0x38;
	[tilespmem:$0x1CC00] =	vst v63  }
0x51: {  	_ =	swait.ge [sflag:s23], $0x2000  }
0x52: {  	[sflag:s23] =	ssyncset.done $0x0  }
0x53: {  	s14 =	rddreg [dreg:$0xd];
	[sflag:s23] =	ssyncadd.s32 $0xFFFFE000  }
0x54: {  	[spmem:s14] =	stream.linear.scatter [tilespmem:s22], [sflag:$0x9], $0x2000, $0x38;
	[tilespmem:$0x1CC00] =	vst v63  }
0x55: {  	_ =	swait.ge [sflag:s23], $0x2000  }
0x56: {  	[sflag:s23] =	ssyncset.done $0x0  }
0x57: {  	s16 =	rddreg [dreg:$0xe];
	[sflag:s23] =	ssyncadd.s32 $0xFFFFE000  }
0x58: {  	[spmem:s16] =	stream.linear.scatter [tilespmem:s22], [sflag:$0x9], $0x2000, $0x38;
	[tilespmem:$0x1CC00] =	vst v63  }
0x59: {  	_ =	swait.ge [sflag:s23], $0x2000  }
0x5a: {  	[sflag:s23] =	ssyncset.done $0x0  }
0x5b: {  	s18 =	rddreg [dreg:$0xf];
	[sflag:s23] =	ssyncadd.s32 $0xFFFFE000  }
0x5c: {  	[spmem:s18] =	stream.linear.scatter [tilespmem:s22], [sflag:$0x9], $0x2000, $0x38;
	[tilespmem:$0x1CC00] =	vst v63  }
0x5d: {  	_ =	swait.ge [sflag:s23], $0x2000  }
0x5e: {  	[sflag:s23] =	ssyncset.done $0x0  }
0x5f: {  	s5 =	rddreg [dreg:$0x10];
	[sflag:s23] =	ssyncadd.s32 $0xFFFFE000  }
0x60: {  	[spmem:s5] =	stream.linear.scatter [tilespmem:s22], [sflag:$0x9], $0x2000, $0x38;
	[tilespmem:$0x1CC00] =	vst v63  }
0x61: {  	_ =	swait.ge [sflag:s23], $0x2000  }
0x62: {  	[sflag:s23] =	ssyncset.done $0x0  }
0x63: {  	s14 =	rddreg [dreg:$0x11];
	[sflag:s23] =	ssyncadd.s32 $0xFFFFE000  }
0x64: {  	[spmem:s14] =	stream.linear.scatter [tilespmem:s22], [sflag:$0x9], $0x2000, $0x38;
	[tilespmem:$0x1CC00] =	vst v63  }
0x65: {  	_ =	swait.ge [sflag:s23], $0x2000  }
0x66: {  	[sflag:s23] =	ssyncset.done $0x0  }
0x67: {  	s16 =	rddreg [dreg:$0x12];
	[sflag:s23] =	ssyncadd.s32 $0xFFFFE000  }
0x68: {  	[spmem:s16] =	stream.linear.scatter [tilespmem:s22], [sflag:$0x9], $0x2000, $0x38;
	[tilespmem:$0x1CC00] =	vst v63  }
0x69: {  	_ =	swait.ge [sflag:s23], $0x2000  }
0x6a: {  	[sflag:s23] =	ssyncset.done $0x0  }
0x6b: {  	s18 =	rddreg [dreg:$0x13];
	[sflag:s23] =	ssyncadd.s32 $0xFFFFE000  }
0x6c: {  	[spmem:s18] =	stream.linear.scatter [tilespmem:s22], [sflag:$0x9], $0x1C00, $0x38;
	[tilespmem:$0x1CC00] =	vst v63  }
.Ltmp3:
0x6d: {  	_ =	swait.ge [sflag:s23], $0x1C00;
	(pc) =	sbr.rel @!p0 .LBB2_4-.Ltmp3, $4  }
0x6e: {  	[sflag:s23] =	ssyncset.done $0x0  }
0x6f: {  	[sflag:s23] =	ssyncadd.s32 $0xFFFFE400  }
0x70: {  	s12 =	simm.s32 $0x0;
	p2 =	por $0x1, $0x1;
	[bflag:$0x0] =	sbarrier.arrive $0xFFFF  }
0x71: {  	s5 =	simm.s32 $0xE80;
	s18 =	simm.s32 $0xE00;
	s16 =	rddreg [dreg:$0x7]  }
.LBB2_7:
0x72: {  	s14 =	rddreg [dreg:$0x14]  }
0x73: {  	s12 =	sor.u32 s14, s12;
	s14 =	rddreg [dreg:$0x8]  }
0x74: {  	s14 =	sadd.s32 s14, s12  }
0x75: {  	[tilespmem:s4], [sflag:$0x9] =	stream.linear.gather [hbm4b:s14+s4], $0x800, $0x38;
	[tilespmem:$0x1CC00] =	vst v63  }
0x76: {  	_ =	swait.ge [sflag:s23], $0x800  }
0x77: {  	[sflag:s23] =	ssyncset.done $0x0;
	s14 =	rddreg [dreg:$0x9]  }
0x78: {  	[sflag:s23] =	ssyncadd.s32 $0xFFFFF800;
	s12 =	sadd.s32 s14, s12  }
0x79: {  	[tilespmem:s24], [sflag:$0x9] =	stream.linear.gather [hbm4b:s12+s4], $0x800, $0x38;
	[tilespmem:$0x1CC00] =	vst v63  }
0x7a: {  	_ =	swait.ge [sflag:s23], $0x800  }
0x7b: {  	[sflag:s23] =	ssyncset.done $0x0  }
0x7c: {  	[sflag:s23] =	ssyncadd.s32 $0xFFFFF800  }
0x7d: {  	[tilespmem:s22], [sflag:$0x1] =	stream.indirect.gather [hbm4b:s16+s26], $0x80, s4, s26, $0xb8;
	[tilespmem:$0x1CC00] =	vst v63  }
0x7e: {  	s14 =	simm.s32 $0x80  }
0x7f: {  	[tilespmem:s29], [sflag:$0x2] =	stream.indirect.gather [hbm4b:s16+s26], $0x80, s14, s26, $0xb8;
	[tilespmem:$0x1CC00] =	vst v63  }
0x80: {  	s12 =	simm.s32 $0x100  }
0x81: {  	[tilespmem:s30], [sflag:$0x3] =	stream.indirect.gather [hbm4b:s16+s26], $0x80, s12, s26, $0xb8;
	[tilespmem:$0x1CC00] =	vst v63  }
0x82: {  	s14 =	simm.s32 $0x180  }
0x83: {  	[tilespmem:s0], [sflag:$0x4] =	stream.indirect.gather [hbm4b:s16+s26], $0x80, s14, s26, $0xb8;
	[tilespmem:$0x1CC00] =	vst v63  }
0x84: {  	_ =	swait.ge [sflag:s2], $0x2000  }
0x85: {  	[sflag:s2] =	ssyncset.done $0x0  }
0x86: {  	[sflag:s2] =	ssyncadd.s32 $0xFFFFE000  }
0x87: {  	[spmem:s3] =	stream.indirect.scatter.add.f32 [tilespmem:s22], [sflag:$0x5], $0x80, s24, s26, $0xb8;
	[tilespmem:$0x1CC00] =	vst v63  }
0x88: {  	_ =	swait.ge [sflag:s9], $0x2000  }
0x89: {  	[sflag:s9] =	ssyncset.done $0x0  }
0x8a: {  	s14 =	simm.s32 $0x880;
	[sflag:s9] =	ssyncadd.s32 $0xFFFFE000  }
0x8b: {  	[spmem:s3] =	stream.indirect.scatter.add.f32 [tilespmem:s29], [sflag:$0x6], $0x80, s14, s26, $0xb8;
	[tilespmem:$0x1CC00] =	vst v63  }
0x8c: {  	_ =	swait.ge [sflag:s11], $0x2000  }
0x8d: {  	[sflag:s11] =	ssyncset.done $0x0  }
0x8e: {  	s14 =	simm.s32 $0x900;
	[sflag:s11] =	ssyncadd.s32 $0xFFFFE000  }
0x8f: {  	[spmem:s3] =	stream.indirect.scatter.add.f32 [tilespmem:s30], [sflag:$0x7], $0x80, s14, s26, $0xb8;
	[tilespmem:$0x1CC00] =	vst v63  }
0x90: {  	_ =	swait.ge [sflag:s13], $0x2000  }
0x91: {  	[sflag:s13] =	ssyncset.done $0x0  }
0x92: {  	s14 =	simm.s32 $0x980;
	[sflag:s13] =	ssyncadd.s32 $0xFFFFE000  }
0x93: {  	[spmem:s3] =	stream.indirect.scatter.add.f32 [tilespmem:s0], [sflag:$0x8], $0x80, s14, s26, $0xb8;
	[tilespmem:$0x1CC00] =	vst v63  }
0x94: {  	_ =	swait.ge [sflag:s15], $0x2000  }
0x95: {  	[sflag:s15] =	ssyncset.done $0x0  }
0x96: {  	s14 =	simm.s32 $0x200;
	[sflag:s15] =	ssyncadd.s32 $0xFFFFE000  }
0x97: {  	[tilespmem:s22], [sflag:$0x1] =	stream.indirect.gather [hbm4b:s16+s26], $0x80, s14, s26, $0xb8;
	[tilespmem:$0x1CC00] =	vst v63  }
0x98: {  	_ =	swait.ge [sflag:s17], $0x2000  }
0x99: {  	[sflag:s17] =	ssyncset.done $0x0  }
0x9a: {  	s14 =	simm.s32 $0x280;
	[sflag:s17] =	ssyncadd.s32 $0xFFFFE000  }
0x9b: {  	[tilespmem:s29], [sflag:$0x2] =	stream.indirect.gather [hbm4b:s16+s26], $0x80, s14, s26, $0xb8;
	[tilespmem:$0x1CC00] =	vst v63  }
0x9c: {  	_ =	swait.ge [sflag:s20], $0x2000  }
0x9d: {  	[sflag:s20] =	ssyncset.done $0x0  }
0x9e: {  	s14 =	simm.s32 $0x300;
	[sflag:s20] =	ssyncadd.s32 $0xFFFFE000  }
0x9f: {  	[tilespmem:s30], [sflag:$0x3] =	stream.indirect.gather [hbm4b:s16+s26], $0x80, s14, s26, $0xb8;
	[tilespmem:$0x1CC00] =	vst v63  }
0xa0: {  	_ =	swait.ge [sflag:s25], $0x2000  }
0xa1: {  	[sflag:s25] =	ssyncset.done $0x0  }
0xa2: {  	s14 =	simm.s32 $0x380;
	[sflag:s25] =	ssyncadd.s32 $0xFFFFE000  }
0xa3: {  	[tilespmem:s0], [sflag:$0x4] =	stream.indirect.gather [hbm4b:s16+s26], $0x80, s14, s26, $0xb8;
	[tilespmem:$0x1CC00] =	vst v63  }
0xa4: {  	_ =	swait.ge [sflag:s2], $0x2000  }
0xa5: {  	[sflag:s2] =	ssyncset.done $0x0  }
0xa6: {  	s14 =	simm.s32 $0xA00;
	[sflag:s2] =	ssyncadd.s32 $0xFFFFE000  }
0xa7: {  	[spmem:s3] =	stream.indirect.scatter.add.f32 [tilespmem:s22], [sflag:$0x5], $0x80, s14, s26, $0xb8;
	[tilespmem:$0x1CC00] =	vst v63  }
0xa8: {  	_ =	swait.ge [sflag:s9], $0x2000  }
0xa9: {  	[sflag:s9] =	ssyncset.done $0x0  }
0xaa: {  	s14 =	simm.s32 $0xA80;
	[sflag:s9] =	ssyncadd.s32 $0xFFFFE000  }
0xab: {  	[spmem:s3] =	stream.indirect.scatter.add.f32 [tilespmem:s29], [sflag:$0x6], $0x80, s14, s26, $0xb8;
	[tilespmem:$0x1CC00] =	vst v63  }
0xac: {  	_ =	swait.ge [sflag:s11], $0x2000  }
0xad: {  	[sflag:s11] =	ssyncset.done $0x0  }
0xae: {  	s14 =	simm.s32 $0xB00;
	[sflag:s11] =	ssyncadd.s32 $0xFFFFE000  }
0xaf: {  	[spmem:s3] =	stream.indirect.scatter.add.f32 [tilespmem:s30], [sflag:$0x7], $0x80, s14, s26, $0xb8;
	[tilespmem:$0x1CC00] =	vst v63  }
0xb0: {  	_ =	swait.ge [sflag:s13], $0x2000  }
0xb1: {  	[sflag:s13] =	ssyncset.done $0x0  }
0xb2: {  	s14 =	simm.s32 $0xB80;
	[sflag:s13] =	ssyncadd.s32 $0xFFFFE000  }
0xb3: {  	[spmem:s3] =	stream.indirect.scatter.add.f32 [tilespmem:s0], [sflag:$0x8], $0x80, s14, s26, $0xb8;
	[tilespmem:$0x1CC00] =	vst v63  }
0xb4: {  	_ =	swait.ge [sflag:s15], $0x2000  }
0xb5: {  	[sflag:s15] =	ssyncset.done $0x0  }
0xb6: {  	s14 =	simm.s32 $0x400;
	[sflag:s15] =	ssyncadd.s32 $0xFFFFE000  }
0xb7: {  	[tilespmem:s22], [sflag:$0x1] =	stream.indirect.gather [hbm4b:s16+s26], $0x80, s14, s26, $0xb8;
	[tilespmem:$0x1CC00] =	vst v63  }
0xb8: {  	_ =	swait.ge [sflag:s17], $0x2000  }
0xb9: {  	[sflag:s17] =	ssyncset.done $0x0  }
0xba: {  	s14 =	simm.s32 $0x480;
	[sflag:s17] =	ssyncadd.s32 $0xFFFFE000  }
0xbb: {  	[tilespmem:s29], [sflag:$0x2] =	stream.indirect.gather [hbm4b:s16+s26], $0x80, s14, s26, $0xb8;
	[tilespmem:$0x1CC00] =	vst v63  }
0xbc: {  	_ =	swait.ge [sflag:s20], $0x2000  }
0xbd: {  	[sflag:s20] =	ssyncset.done $0x0  }
0xbe: {  	s14 =	simm.s32 $0x500;
	[sflag:s20] =	ssyncadd.s32 $0xFFFFE000  }
0xbf: {  	[tilespmem:s30], [sflag:$0x3] =	stream.indirect.gather [hbm4b:s16+s26], $0x80, s14, s26, $0xb8;
	[tilespmem:$0x1CC00] =	vst v63  }
0xc0: {  	_ =	swait.ge [sflag:s25], $0x2000  }
0xc1: {  	[sflag:s25] =	ssyncset.done $0x0  }
0xc2: {  	s14 =	simm.s32 $0x580;
	[sflag:s25] =	ssyncadd.s32 $0xFFFFE000  }
0xc3: {  	[tilespmem:s0], [sflag:$0x4] =	stream.indirect.gather [hbm4b:s16+s26], $0x80, s14, s26, $0xb8;
	[tilespmem:$0x1CC00] =	vst v63  }
0xc4: {  	_ =	swait.ge [sflag:s2], $0x2000  }
0xc5: {  	[sflag:s2] =	ssyncset.done $0x0  }
0xc6: {  	s14 =	simm.s32 $0xC00;
	[sflag:s2] =	ssyncadd.s32 $0xFFFFE000  }
0xc7: {  	[spmem:s3] =	stream.indirect.scatter.add.f32 [tilespmem:s22], [sflag:$0x5], $0x80, s14, s26, $0xb8;
	[tilespmem:$0x1CC00] =	vst v63  }
0xc8: {  	_ =	swait.ge [sflag:s9], $0x2000  }
0xc9: {  	[sflag:s9] =	ssyncset.done $0x0  }
0xca: {  	s14 =	simm.s32 $0xC80;
	[sflag:s9] =	ssyncadd.s32 $0xFFFFE000  }
0xcb: {  	[spmem:s3] =	stream.indirect.scatter.add.f32 [tilespmem:s29], [sflag:$0x6], $0x80, s14, s26, $0xb8;
	[tilespmem:$0x1CC00] =	vst v63  }
0xcc: {  	_ =	swait.ge [sflag:s11], $0x2000  }
0xcd: {  	[sflag:s11] =	ssyncset.done $0x0  }
0xce: {  	[sflag:s11] =	ssyncadd.s32 $0xFFFFE000  }
0xcf: {  	[spmem:s3] =	stream.indirect.scatter.add.f32 [tilespmem:s30], [sflag:$0x7], $0x80, s10, s26, $0xb8;
	[tilespmem:$0x1CC00] =	vst v63  }
0xd0: {  	_ =	swait.ge [sflag:s13], $0x2000  }
0xd1: {  	[sflag:s13] =	ssyncset.done $0x0  }
0xd2: {  	[sflag:s13] =	ssyncadd.s32 $0xFFFFE000  }
0xd3: {  	[spmem:s3] =	stream.indirect.scatter.add.f32 [tilespmem:s0], [sflag:$0x8], $0x80, s19, s26, $0xb8;
	[tilespmem:$0x1CC00] =	vst v63  }
0xd4: {  	_ =	swait.ge [sflag:s15], $0x2000  }
0xd5: {  	[sflag:s15] =	ssyncset.done $0x0  }
0xd6: {  	[sflag:s15] =	ssyncadd.s32 $0xFFFFE000  }
0xd7: {  	[tilespmem:s22], [sflag:$0x1] =	stream.indirect.gather [hbm4b:s16+s26], $0x80, s21, s26, $0xb8;
	[tilespmem:$0x1CC00] =	vst v63  }
0xd8: {  	_ =	swait.ge [sflag:s17], $0x2000  }
0xd9: {  	[sflag:s17] =	ssyncset.done $0x0  }
0xda: {  	[sflag:s17] =	ssyncadd.s32 $0xFFFFE000  }
0xdb: {  	[tilespmem:s29], [sflag:$0x2] =	stream.indirect.gather [hbm4b:s16+s26], $0x80, s8, s26, $0xb8;
	[tilespmem:$0x1CC00] =	vst v63  }
0xdc: {  	_ =	swait.ge [sflag:s20], $0x2000  }
0xdd: {  	[sflag:s20] =	ssyncset.done $0x0  }
0xde: {  	[sflag:s20] =	ssyncadd.s32 $0xFFFFE000  }
0xdf: {  	[tilespmem:s30], [sflag:$0x3] =	stream.indirect.gather [hbm4b:s16+s26], $0x80, s6, s26, $0xb8;
	[tilespmem:$0x1CC00] =	vst v63  }
0xe0: {  	_ =	swait.ge [sflag:s25], $0x2000  }
0xe1: {  	[sflag:s25] =	ssyncset.done $0x0  }
0xe2: {  	[sflag:s25] =	ssyncadd.s32 $0xFFFFE000  }
0xe3: {  	[tilespmem:s0], [sflag:$0x4] =	stream.indirect.gather [hbm4b:s16+s26], $0x80, s7, s26, $0xb8;
	[tilespmem:$0x1CC00] =	vst v63  }
0xe4: {  	_ =	swait.ge [sflag:s2], $0x2000  }
0xe5: {  	[sflag:s2] =	ssyncset.done $0x0  }
0xe6: {  	[sflag:s2] =	ssyncadd.s32 $0xFFFFE000  }
0xe7: {  	[spmem:s3] =	stream.indirect.scatter.add.f32 [tilespmem:s22], [sflag:$0x5], $0x80, s18, s26, $0xb8;
	[tilespmem:$0x1CC00] =	vst v63  }
0xe8: {  	_ =	swait.ge [sflag:s9], $0x2000  }
0xe9: {  	[sflag:s9] =	ssyncset.done $0x0  }
0xea: {  	[sflag:s9] =	ssyncadd.s32 $0xFFFFE000  }
0xeb: {  	[spmem:s3] =	stream.indirect.scatter.add.f32 [tilespmem:s29], [sflag:$0x6], $0x80, s5, s26, $0xb8;
	[tilespmem:$0x1CC00] =	vst v63  }
0xec: {  	_ =	swait.ge [sflag:s11], $0x2000  }
0xed: {  	[sflag:s11] =	ssyncset.done $0x0  }
0xee: {  	[sflag:s11] =	ssyncadd.s32 $0xFFFFE000  }
0xef: {  	[spmem:s3] =	stream.indirect.scatter.add.f32 [tilespmem:s30], [sflag:$0x7], $0x80, s28, s26, $0xb8;
	[tilespmem:$0x1CC00] =	vst v63  }
0xf0: {  	_ =	swait.ge [sflag:s13], $0x2000  }
0xf1: {  	[sflag:s13] =	ssyncset.done $0x0  }
0xf2: {  	[sflag:s13] =	ssyncadd.s32 $0xFFFFE000  }
0xf3: {  	[spmem:s3] =	stream.indirect.scatter.add.f32 [tilespmem:s0], [sflag:$0x8], $0x80, s31, s26, $0xb8;
	[tilespmem:$0x1CC00] =	vst v63  }
0xf4: {  	_ =	swait.ge [sflag:s15], $0x2000  }
0xf5: {  	[sflag:s15] =	ssyncset.done $0x0  }
0xf6: {  	[sflag:s15] =	ssyncadd.s32 $0xFFFFE000  }
0xf7: {  	_ =	swait.ge [sflag:s17], $0x2000  }
0xf8: {  	[sflag:s17] =	ssyncset.done $0x0  }
0xf9: {  	[sflag:s17] =	ssyncadd.s32 $0xFFFFE000  }
0xfa: {  	p3 =	por p2, p2;
	_ =	swait.ge [sflag:s20], $0x2000  }
.Ltmp4:
0xfb: {  	[sflag:s20] =	ssyncset.done $0x0;
	(pc) =	sbr.rel @p3 .LBB2_7-.Ltmp4, $4  }
0xfc: {  	[sflag:s20] =	ssyncadd.s32 $0xFFFFE000  }
0xfd: {  	_ =	swait.ge [sflag:s25], $0x2000  }
0xfe: {  	[sflag:s25] =	ssyncset.done $0x0  }
0xff: {  	p2 =	por $0x0, $0x0;
	[sflag:s25] =	ssyncadd.s32 $0xFFFFE000  }
.Ltmp5:
0x100: {  	_ = 	snop;
	(pc) =	sbr.rel .LBB2_8-.Ltmp5, $1  }
0x101: {  	_ =	sdelay $0x3  }
.LBB2_4:
0x102: {  	s12 =	rddreg [dreg:$0x5]  }
0x103: {  	s12 =	sadd.s32 $0x0, s12  }
0x104: {  	[tilespmem:s4], [sflag:$0x9] =	stream.linear.gather [hbm4b:s12+s4], $0x800, $0x38;
	[tilespmem:$0x1CC00] =	vst v63  }
0x105: {  	_ =	swait.ge [sflag:s23], $0x800  }
0x106: {  	s14 =	rddreg [dreg:$0x4];
	[sflag:s23] =	ssyncset.done $0x0  }
0x107: {  	[sflag:s23] =	ssyncadd.s32 $0xFFFFF800;
	s12 =	sadd.s32 $0x0, s14  }
0x108: {  	[tilespmem:s24], [sflag:$0x9] =	stream.linear.gather [hbm4b:s12+s4], $0x800, $0x38;
	[tilespmem:$0x1CC00] =	vst v63  }
0x109: {  	_ =	swait.ge [sflag:s23], $0x800  }
0x10a: {  	[sflag:s23] =	ssyncset.done $0x0  }
0x10b: {  	[sflag:s23] =	ssyncadd.s32 $0xFFFFF800  }
0x10c: {  	[tilespmem:s22], [sflag:$0x1] =	stream.indirect.gather [hbm4b:s1+s26], $0x80, s4, s26, $0xb8;
	[tilespmem:$0x1CC00] =	vst v63  }
0x10d: {  	s14 =	simm.s32 $0x80  }
0x10e: {  	[tilespmem:s29], [sflag:$0x2] =	stream.indirect.gather [hbm4b:s1+s26], $0x80, s14, s26, $0xb8;
	[tilespmem:$0x1CC00] =	vst v63  }
0x10f: {  	s16 =	rddreg [dreg:$0x6]  }
0x110: {  	[tilespmem:s30], [sflag:$0x3] =	stream.indirect.gather [hbm4b:s1+s26], $0x80, s16, s26, $0xb8;
	[tilespmem:$0x1CC00] =	vst v63  }
0x111: {  	s14 =	simm.s32 $0x180  }
0x112: {  	[tilespmem:s0], [sflag:$0x4] =	stream.indirect.gather [hbm4b:s1+s26], $0x80, s14, s26, $0xb8;
	[tilespmem:$0x1CC00] =	vst v63  }
0x113: {  	_ =	swait.ge [sflag:s2], $0x2000  }
0x114: {  	[sflag:s2] =	ssyncset.done $0x0  }
0x115: {  	[sflag:s2] =	ssyncadd.s32 $0xFFFFE000  }
0x116: {  	[spmem:s3] =	stream.indirect.scatter.add.f32 [tilespmem:s22], [sflag:$0x5], $0x80, s24, s26, $0xb8;
	[tilespmem:$0x1CC00] =	vst v63  }
0x117: {  	_ =	swait.ge [sflag:s9], $0x2000  }
0x118: {  	[sflag:s9] =	ssyncset.done $0x0  }
0x119: {  	s16 =	simm.s32 $0x880;
	[sflag:s9] =	ssyncadd.s32 $0xFFFFE000  }
0x11a: {  	[spmem:s3] =	stream.indirect.scatter.add.f32 [tilespmem:s29], [sflag:$0x6], $0x80, s16, s26, $0xb8;
	[tilespmem:$0x1CC00] =	vst v63  }
0x11b: {  	_ =	swait.ge [sflag:s11], $0x2000  }
0x11c: {  	[sflag:s11] =	ssyncset.done $0x0  }
0x11d: {  	s14 =	simm.s32 $0x900;
	[sflag:s11] =	ssyncadd.s32 $0xFFFFE000  }
0x11e: {  	[spmem:s3] =	stream.indirect.scatter.add.f32 [tilespmem:s30], [sflag:$0x7], $0x80, s14, s26, $0xb8;
	[tilespmem:$0x1CC00] =	vst v63  }
0x11f: {  	_ =	swait.ge [sflag:s13], $0x2000  }
0x120: {  	[sflag:s13] =	ssyncset.done $0x0  }
0x121: {  	s16 =	simm.s32 $0x980;
	[sflag:s13] =	ssyncadd.s32 $0xFFFFE000  }
0x122: {  	[spmem:s3] =	stream.indirect.scatter.add.f32 [tilespmem:s0], [sflag:$0x8], $0x80, s16, s26, $0xb8;
	[tilespmem:$0x1CC00] =	vst v63  }
0x123: {  	_ =	swait.ge [sflag:s15], $0x2000  }
0x124: {  	[sflag:s15] =	ssyncset.done $0x0  }
0x125: {  	s14 =	simm.s32 $0x200;
	[sflag:s15] =	ssyncadd.s32 $0xFFFFE000  }
0x126: {  	[tilespmem:s22], [sflag:$0x1] =	stream.indirect.gather [hbm4b:s1+s26], $0x80, s14, s26, $0xb8;
	[tilespmem:$0x1CC00] =	vst v63  }
0x127: {  	_ =	swait.ge [sflag:s17], $0x2000  }
0x128: {  	[sflag:s17] =	ssyncset.done $0x0  }
0x129: {  	s16 =	simm.s32 $0x280;
	[sflag:s17] =	ssyncadd.s32 $0xFFFFE000  }
0x12a: {  	[tilespmem:s29], [sflag:$0x2] =	stream.indirect.gather [hbm4b:s1+s26], $0x80, s16, s26, $0xb8;
	[tilespmem:$0x1CC00] =	vst v63  }
0x12b: {  	_ =	swait.ge [sflag:s20], $0x2000  }
0x12c: {  	[sflag:s20] =	ssyncset.done $0x0  }
0x12d: {  	s14 =	simm.s32 $0x300;
	[sflag:s20] =	ssyncadd.s32 $0xFFFFE000  }
0x12e: {  	[tilespmem:s30], [sflag:$0x3] =	stream.indirect.gather [hbm4b:s1+s26], $0x80, s14, s26, $0xb8;
	[tilespmem:$0x1CC00] =	vst v63  }
0x12f: {  	_ =	swait.ge [sflag:s25], $0x2000  }
0x130: {  	[sflag:s25] =	ssyncset.done $0x0  }
0x131: {  	s16 =	simm.s32 $0x380;
	[sflag:s25] =	ssyncadd.s32 $0xFFFFE000  }
0x132: {  	[tilespmem:s0], [sflag:$0x4] =	stream.indirect.gather [hbm4b:s1+s26], $0x80, s16, s26, $0xb8;
	[tilespmem:$0x1CC00] =	vst v63  }
0x133: {  	_ =	swait.ge [sflag:s2], $0x2000  }
0x134: {  	[sflag:s2] =	ssyncset.done $0x0  }
0x135: {  	s14 =	simm.s32 $0xA00;
	[sflag:s2] =	ssyncadd.s32 $0xFFFFE000  }
0x136: {  	[spmem:s3] =	stream.indirect.scatter.add.f32 [tilespmem:s22], [sflag:$0x5], $0x80, s14, s26, $0xb8;
	[tilespmem:$0x1CC00] =	vst v63  }
0x137: {  	_ =	swait.ge [sflag:s9], $0x2000  }
0x138: {  	[sflag:s9] =	ssyncset.done $0x0  }
0x139: {  	s16 =	simm.s32 $0xA80;
	[sflag:s9] =	ssyncadd.s32 $0xFFFFE000  }
0x13a: {  	[spmem:s3] =	stream.indirect.scatter.add.f32 [tilespmem:s29], [sflag:$0x6], $0x80, s16, s26, $0xb8;
	[tilespmem:$0x1CC00] =	vst v63  }
0x13b: {  	_ =	swait.ge [sflag:s11], $0x2000  }
0x13c: {  	[sflag:s11] =	ssyncset.done $0x0  }
0x13d: {  	s14 =	simm.s32 $0xB00;
	[sflag:s11] =	ssyncadd.s32 $0xFFFFE000  }
0x13e: {  	[spmem:s3] =	stream.indirect.scatter.add.f32 [tilespmem:s30], [sflag:$0x7], $0x80, s14, s26, $0xb8;
	[tilespmem:$0x1CC00] =	vst v63  }
0x13f: {  	_ =	swait.ge [sflag:s13], $0x2000  }
0x140: {  	[sflag:s13] =	ssyncset.done $0x0  }
0x141: {  	s16 =	simm.s32 $0xB80;
	[sflag:s13] =	ssyncadd.s32 $0xFFFFE000  }
0x142: {  	[spmem:s3] =	stream.indirect.scatter.add.f32 [tilespmem:s0], [sflag:$0x8], $0x80, s16, s26, $0xb8;
	[tilespmem:$0x1CC00] =	vst v63  }
0x143: {  	_ =	swait.ge [sflag:s15], $0x2000  }
0x144: {  	[sflag:s15] =	ssyncset.done $0x0  }
0x145: {  	s14 =	simm.s32 $0x400;
	[sflag:s15] =	ssyncadd.s32 $0xFFFFE000  }
0x146: {  	[tilespmem:s22], [sflag:$0x1] =	stream.indirect.gather [hbm4b:s1+s26], $0x80, s14, s26, $0xb8;
	[tilespmem:$0x1CC00] =	vst v63  }
0x147: {  	_ =	swait.ge [sflag:s17], $0x2000  }
0x148: {  	[sflag:s17] =	ssyncset.done $0x0  }
0x149: {  	s16 =	simm.s32 $0x480;
	[sflag:s17] =	ssyncadd.s32 $0xFFFFE000  }
0x14a: {  	[tilespmem:s29], [sflag:$0x2] =	stream.indirect.gather [hbm4b:s1+s26], $0x80, s16, s26, $0xb8;
	[tilespmem:$0x1CC00] =	vst v63  }
0x14b: {  	_ =	swait.ge [sflag:s20], $0x2000  }
0x14c: {  	[sflag:s20] =	ssyncset.done $0x0  }
0x14d: {  	s14 =	simm.s32 $0x500;
	[sflag:s20] =	ssyncadd.s32 $0xFFFFE000  }
0x14e: {  	[tilespmem:s30], [sflag:$0x3] =	stream.indirect.gather [hbm4b:s1+s26], $0x80, s14, s26, $0xb8;
	[tilespmem:$0x1CC00] =	vst v63  }
0x14f: {  	_ =	swait.ge [sflag:s25], $0x2000  }
0x150: {  	[sflag:s25] =	ssyncset.done $0x0  }
0x151: {  	s16 =	simm.s32 $0x580;
	[sflag:s25] =	ssyncadd.s32 $0xFFFFE000  }
0x152: {  	[tilespmem:s0], [sflag:$0x4] =	stream.indirect.gather [hbm4b:s1+s26], $0x80, s16, s26, $0xb8;
	[tilespmem:$0x1CC00] =	vst v63  }
0x153: {  	_ =	swait.ge [sflag:s2], $0x2000  }
0x154: {  	[sflag:s2] =	ssyncset.done $0x0  }
0x155: {  	s14 =	simm.s32 $0xC00;
	[sflag:s2] =	ssyncadd.s32 $0xFFFFE000  }
0x156: {  	[spmem:s3] =	stream.indirect.scatter.add.f32 [tilespmem:s22], [sflag:$0x5], $0x80, s14, s26, $0xb8;
	[tilespmem:$0x1CC00] =	vst v63  }
0x157: {  	_ =	swait.ge [sflag:s9], $0x2000  }
0x158: {  	[sflag:s9] =	ssyncset.done $0x0  }
0x159: {  	s16 =	simm.s32 $0xC80;
	[sflag:s9] =	ssyncadd.s32 $0xFFFFE000  }
0x15a: {  	[spmem:s3] =	stream.indirect.scatter.add.f32 [tilespmem:s29], [sflag:$0x6], $0x80, s16, s26, $0xb8;
	[tilespmem:$0x1CC00] =	vst v63  }
0x15b: {  	_ =	swait.ge [sflag:s11], $0x2000  }
0x15c: {  	[sflag:s11] =	ssyncset.done $0x0  }
0x15d: {  	[sflag:s11] =	ssyncadd.s32 $0xFFFFE000  }
0x15e: {  	[spmem:s3] =	stream.indirect.scatter.add.f32 [tilespmem:s30], [sflag:$0x7], $0x80, s10, s26, $0xb8;
	[tilespmem:$0x1CC00] =	vst v63  }
0x15f: {  	_ =	swait.ge [sflag:s13], $0x2000  }
0x160: {  	[sflag:s13] =	ssyncset.done $0x0  }
0x161: {  	[sflag:s13] =	ssyncadd.s32 $0xFFFFE000  }
0x162: {  	[spmem:s3] =	stream.indirect.scatter.add.f32 [tilespmem:s0], [sflag:$0x8], $0x80, s19, s26, $0xb8;
	[tilespmem:$0x1CC00] =	vst v63  }
0x163: {  	_ =	swait.ge [sflag:s15], $0x2000  }
0x164: {  	[sflag:s15] =	ssyncset.done $0x0  }
0x165: {  	[sflag:s15] =	ssyncadd.s32 $0xFFFFE000  }
0x166: {  	[tilespmem:s22], [sflag:$0x1] =	stream.indirect.gather [hbm4b:s1+s26], $0x80, s21, s26, $0xb8;
	[tilespmem:$0x1CC00] =	vst v63  }
0x167: {  	_ =	swait.ge [sflag:s17], $0x2000  }
0x168: {  	[sflag:s17] =	ssyncset.done $0x0  }
0x169: {  	[sflag:s17] =	ssyncadd.s32 $0xFFFFE000  }
0x16a: {  	[tilespmem:s29], [sflag:$0x2] =	stream.indirect.gather [hbm4b:s1+s26], $0x80, s8, s26, $0xb8;
	[tilespmem:$0x1CC00] =	vst v63  }
0x16b: {  	_ =	swait.ge [sflag:s20], $0x2000  }
0x16c: {  	[sflag:s20] =	ssyncset.done $0x0  }
0x16d: {  	[sflag:s20] =	ssyncadd.s32 $0xFFFFE000  }
0x16e: {  	[tilespmem:s30], [sflag:$0x3] =	stream.indirect.gather [hbm4b:s1+s26], $0x80, s6, s26, $0xb8;
	[tilespmem:$0x1CC00] =	vst v63  }
0x16f: {  	_ =	swait.ge [sflag:s25], $0x2000  }
0x170: {  	[sflag:s25] =	ssyncset.done $0x0  }
0x171: {  	[sflag:s25] =	ssyncadd.s32 $0xFFFFE000  }
0x172: {  	[tilespmem:s0], [sflag:$0x4] =	stream.indirect.gather [hbm4b:s1+s26], $0x80, s7, s26, $0xb8;
	[tilespmem:$0x1CC00] =	vst v63  }
0x173: {  	_ =	swait.ge [sflag:s2], $0x2000  }
0x174: {  	[sflag:s2] =	ssyncset.done $0x0  }
0x175: {  	[sflag:s2] =	ssyncadd.s32 $0xFFFFE000  }
0x176: {  	[spmem:s3] =	stream.indirect.scatter.add.f32 [tilespmem:s22], [sflag:$0x5], $0x80, s18, s26, $0xb8;
	[tilespmem:$0x1CC00] =	vst v63  }
0x177: {  	_ =	swait.ge [sflag:s9], $0x2000  }
0x178: {  	[sflag:s9] =	ssyncset.done $0x0  }
0x179: {  	[sflag:s9] =	ssyncadd.s32 $0xFFFFE000  }
0x17a: {  	[spmem:s3] =	stream.indirect.scatter.add.f32 [tilespmem:s29], [sflag:$0x6], $0x80, s5, s26, $0xb8;
	[tilespmem:$0x1CC00] =	vst v63  }
0x17b: {  	_ =	swait.ge [sflag:s11], $0x2000  }
0x17c: {  	[sflag:s11] =	ssyncset.done $0x0  }
0x17d: {  	[sflag:s11] =	ssyncadd.s32 $0xFFFFE000  }
0x17e: {  	[spmem:s3] =	stream.indirect.scatter.add.f32 [tilespmem:s30], [sflag:$0x7], $0x80, s28, s26, $0xb8;
	[tilespmem:$0x1CC00] =	vst v63  }
0x17f: {  	_ =	swait.ge [sflag:s13], $0x2000  }
0x180: {  	[sflag:s13] =	ssyncset.done $0x0  }
0x181: {  	[sflag:s13] =	ssyncadd.s32 $0xFFFFE000  }
0x182: {  	[spmem:s3] =	stream.indirect.scatter.add.f32 [tilespmem:s0], [sflag:$0x8], $0x80, s31, s26, $0xb8;
	[tilespmem:$0x1CC00] =	vst v63  }
0x183: {  	_ =	swait.ge [sflag:s15], $0x2000  }
0x184: {  	[sflag:s15] =	ssyncset.done $0x0  }
0x185: {  	[sflag:s15] =	ssyncadd.s32 $0xFFFFE000  }
0x186: {  	_ =	swait.ge [sflag:s17], $0x2000  }
0x187: {  	[sflag:s17] =	ssyncset.done $0x0  }
0x188: {  	[sflag:s17] =	ssyncadd.s32 $0xFFFFE000  }
0x189: {  	_ =	swait.ge [sflag:s20], $0x2000  }
0x18a: {  	[sflag:s20] =	ssyncset.done $0x0  }
0x18b: {  	[sflag:s20] =	ssyncadd.s32 $0xFFFFE000  }
0x18c: {  	s12 =	simm.s32 $0x100;
	_ =	swait.ge [sflag:s25], $0x2000  }
.LBB2_5:
0x18d: {  	s14 =	rddreg [dreg:$0x5];
	s16 =	smov.u32 s12;
	[sflag:s25] =	ssyncset.done $0x0  }
0x18e: {  	s14 =	sadd.s32 s16, s14;
	[sflag:s25] =	ssyncadd.s32 $0xFFFFE000  }
0x18f: {  	[tilespmem:s4], [sflag:$0x9] =	stream.linear.gather [hbm4b:s14+s4], $0x800, $0x38;
	[tilespmem:$0x1CC00] =	vst v63  }
0x190: {  	_ =	swait.ge [sflag:s23], $0x800  }
0x191: {  	s14 =	rddreg [dreg:$0x4];
	[sflag:s23] =	ssyncset.done $0x0  }
0x192: {  	[sflag:s23] =	ssyncadd.s32 $0xFFFFF800;
	s14 =	sadd.s32 s16, s14  }
0x193: {  	[tilespmem:s24], [sflag:$0x9] =	stream.linear.gather [hbm4b:s14+s4], $0x800, $0x38;
	[tilespmem:$0x1CC00] =	vst v63  }
0x194: {  	_ =	swait.ge [sflag:s23], $0x800  }
0x195: {  	[sflag:s23] =	ssyncset.done $0x0  }
0x196: {  	[sflag:s23] =	ssyncadd.s32 $0xFFFFF800  }
0x197: {  	[tilespmem:s22], [sflag:$0x1] =	stream.indirect.gather [hbm4b:s1+s26], $0x80, s4, s26, $0xb8;
	[tilespmem:$0x1CC00] =	vst v63  }
0x198: {  	s16 =	simm.s32 $0x80  }
0x199: {  	[tilespmem:s29], [sflag:$0x2] =	stream.indirect.gather [hbm4b:s1+s26], $0x80, s16, s26, $0xb8;
	[tilespmem:$0x1CC00] =	vst v63  }
0x19a: {  	s14 =	rddreg [dreg:$0x6]  }
0x19b: {  	[tilespmem:s30], [sflag:$0x3] =	stream.indirect.gather [hbm4b:s1+s26], $0x80, s14, s26, $0xb8;
	[tilespmem:$0x1CC00] =	vst v63  }
0x19c: {  	s16 =	simm.s32 $0x180  }
0x19d: {  	[tilespmem:s0], [sflag:$0x4] =	stream.indirect.gather [hbm4b:s1+s26], $0x80, s16, s26, $0xb8;
	[tilespmem:$0x1CC00] =	vst v63  }
0x19e: {  	_ =	swait.ge [sflag:s2], $0x2000  }
0x19f: {  	[sflag:s2] =	ssyncset.done $0x0  }
0x1a0: {  	[sflag:s2] =	ssyncadd.s32 $0xFFFFE000  }
0x1a1: {  	[spmem:s3] =	stream.indirect.scatter.add.f32 [tilespmem:s22], [sflag:$0x5], $0x80, s24, s26, $0xb8;
	[tilespmem:$0x1CC00] =	vst v63  }
0x1a2: {  	_ =	swait.ge [sflag:s9], $0x2000  }
0x1a3: {  	[sflag:s9] =	ssyncset.done $0x0  }
0x1a4: {  	s16 =	simm.s32 $0x880;
	[sflag:s9] =	ssyncadd.s32 $0xFFFFE000  }
0x1a5: {  	[spmem:s3] =	stream.indirect.scatter.add.f32 [tilespmem:s29], [sflag:$0x6], $0x80, s16, s26, $0xb8;
	[tilespmem:$0x1CC00] =	vst v63  }
0x1a6: {  	_ =	swait.ge [sflag:s11], $0x2000  }
0x1a7: {  	[sflag:s11] =	ssyncset.done $0x0  }
0x1a8: {  	s16 =	simm.s32 $0x900;
	[sflag:s11] =	ssyncadd.s32 $0xFFFFE000  }
0x1a9: {  	[spmem:s3] =	stream.indirect.scatter.add.f32 [tilespmem:s30], [sflag:$0x7], $0x80, s16, s26, $0xb8;
	[tilespmem:$0x1CC00] =	vst v63  }
0x1aa: {  	_ =	swait.ge [sflag:s13], $0x2000  }
0x1ab: {  	[sflag:s13] =	ssyncset.done $0x0  }
0x1ac: {  	s16 =	simm.s32 $0x980;
	[sflag:s13] =	ssyncadd.s32 $0xFFFFE000  }
0x1ad: {  	[spmem:s3] =	stream.indirect.scatter.add.f32 [tilespmem:s0], [sflag:$0x8], $0x80, s16, s26, $0xb8;
	[tilespmem:$0x1CC00] =	vst v63  }
0x1ae: {  	_ =	swait.ge [sflag:s15], $0x2000  }
0x1af: {  	[sflag:s15] =	ssyncset.done $0x0  }
0x1b0: {  	s16 =	simm.s32 $0x200;
	[sflag:s15] =	ssyncadd.s32 $0xFFFFE000  }
0x1b1: {  	[tilespmem:s22], [sflag:$0x1] =	stream.indirect.gather [hbm4b:s1+s26], $0x80, s16, s26, $0xb8;
	[tilespmem:$0x1CC00] =	vst v63  }
0x1b2: {  	_ =	swait.ge [sflag:s17], $0x2000  }
0x1b3: {  	[sflag:s17] =	ssyncset.done $0x0  }
0x1b4: {  	s16 =	simm.s32 $0x280;
	[sflag:s17] =	ssyncadd.s32 $0xFFFFE000  }
0x1b5: {  	[tilespmem:s29], [sflag:$0x2] =	stream.indirect.gather [hbm4b:s1+s26], $0x80, s16, s26, $0xb8;
	[tilespmem:$0x1CC00] =	vst v63  }
0x1b6: {  	_ =	swait.ge [sflag:s20], $0x2000  }
0x1b7: {  	[sflag:s20] =	ssyncset.done $0x0  }
0x1b8: {  	s16 =	simm.s32 $0x300;
	[sflag:s20] =	ssyncadd.s32 $0xFFFFE000  }
0x1b9: {  	[tilespmem:s30], [sflag:$0x3] =	stream.indirect.gather [hbm4b:s1+s26], $0x80, s16, s26, $0xb8;
	[tilespmem:$0x1CC00] =	vst v63  }
0x1ba: {  	_ =	swait.ge [sflag:s25], $0x2000  }
0x1bb: {  	[sflag:s25] =	ssyncset.done $0x0  }
0x1bc: {  	s16 =	simm.s32 $0x380;
	[sflag:s25] =	ssyncadd.s32 $0xFFFFE000  }
0x1bd: {  	[tilespmem:s0], [sflag:$0x4] =	stream.indirect.gather [hbm4b:s1+s26], $0x80, s16, s26, $0xb8;
	[tilespmem:$0x1CC00] =	vst v63  }
0x1be: {  	_ =	swait.ge [sflag:s2], $0x2000  }
0x1bf: {  	[sflag:s2] =	ssyncset.done $0x0  }
0x1c0: {  	s16 =	simm.s32 $0xA00;
	[sflag:s2] =	ssyncadd.s32 $0xFFFFE000  }
0x1c1: {  	[spmem:s3] =	stream.indirect.scatter.add.f32 [tilespmem:s22], [sflag:$0x5], $0x80, s16, s26, $0xb8;
	[tilespmem:$0x1CC00] =	vst v63  }
0x1c2: {  	_ =	swait.ge [sflag:s9], $0x2000  }
0x1c3: {  	[sflag:s9] =	ssyncset.done $0x0  }
0x1c4: {  	s16 =	simm.s32 $0xA80;
	[sflag:s9] =	ssyncadd.s32 $0xFFFFE000  }
0x1c5: {  	[spmem:s3] =	stream.indirect.scatter.add.f32 [tilespmem:s29], [sflag:$0x6], $0x80, s16, s26, $0xb8;
	[tilespmem:$0x1CC00] =	vst v63  }
0x1c6: {  	_ =	swait.ge [sflag:s11], $0x2000  }
0x1c7: {  	[sflag:s11] =	ssyncset.done $0x0  }
0x1c8: {  	s16 =	simm.s32 $0xB00;
	[sflag:s11] =	ssyncadd.s32 $0xFFFFE000  }
0x1c9: {  	[spmem:s3] =	stream.indirect.scatter.add.f32 [tilespmem:s30], [sflag:$0x7], $0x80, s16, s26, $0xb8;
	[tilespmem:$0x1CC00] =	vst v63  }
0x1ca: {  	_ =	swait.ge [sflag:s13], $0x2000  }
0x1cb: {  	[sflag:s13] =	ssyncset.done $0x0  }
0x1cc: {  	s16 =	simm.s32 $0xB80;
	[sflag:s13] =	ssyncadd.s32 $0xFFFFE000  }
0x1cd: {  	[spmem:s3] =	stream.indirect.scatter.add.f32 [tilespmem:s0], [sflag:$0x8], $0x80, s16, s26, $0xb8;
	[tilespmem:$0x1CC00] =	vst v63  }
0x1ce: {  	_ =	swait.ge [sflag:s15], $0x2000  }
0x1cf: {  	[sflag:s15] =	ssyncset.done $0x0  }
0x1d0: {  	s16 =	simm.s32 $0x400;
	[sflag:s15] =	ssyncadd.s32 $0xFFFFE000  }
0x1d1: {  	[tilespmem:s22], [sflag:$0x1] =	stream.indirect.gather [hbm4b:s1+s26], $0x80, s16, s26, $0xb8;
	[tilespmem:$0x1CC00] =	vst v63  }
0x1d2: {  	_ =	swait.ge [sflag:s17], $0x2000  }
0x1d3: {  	[sflag:s17] =	ssyncset.done $0x0  }
0x1d4: {  	s16 =	simm.s32 $0x480;
	[sflag:s17] =	ssyncadd.s32 $0xFFFFE000  }
0x1d5: {  	[tilespmem:s29], [sflag:$0x2] =	stream.indirect.gather [hbm4b:s1+s26], $0x80, s16, s26, $0xb8;
	[tilespmem:$0x1CC00] =	vst v63  }
0x1d6: {  	_ =	swait.ge [sflag:s20], $0x2000  }
0x1d7: {  	[sflag:s20] =	ssyncset.done $0x0  }
0x1d8: {  	s16 =	simm.s32 $0x500;
	[sflag:s20] =	ssyncadd.s32 $0xFFFFE000  }
0x1d9: {  	[tilespmem:s30], [sflag:$0x3] =	stream.indirect.gather [hbm4b:s1+s26], $0x80, s16, s26, $0xb8;
	[tilespmem:$0x1CC00] =	vst v63  }
0x1da: {  	_ =	swait.ge [sflag:s25], $0x2000  }
0x1db: {  	[sflag:s25] =	ssyncset.done $0x0  }
0x1dc: {  	s16 =	simm.s32 $0x580;
	[sflag:s25] =	ssyncadd.s32 $0xFFFFE000  }
0x1dd: {  	[tilespmem:s0], [sflag:$0x4] =	stream.indirect.gather [hbm4b:s1+s26], $0x80, s16, s26, $0xb8;
	[tilespmem:$0x1CC00] =	vst v63  }
0x1de: {  	_ =	swait.ge [sflag:s2], $0x2000  }
0x1df: {  	[sflag:s2] =	ssyncset.done $0x0  }
0x1e0: {  	s16 =	simm.s32 $0xC00;
	[sflag:s2] =	ssyncadd.s32 $0xFFFFE000  }
0x1e1: {  	[spmem:s3] =	stream.indirect.scatter.add.f32 [tilespmem:s22], [sflag:$0x5], $0x80, s16, s26, $0xb8;
	[tilespmem:$0x1CC00] =	vst v63  }
0x1e2: {  	_ =	swait.ge [sflag:s9], $0x2000  }
0x1e3: {  	[sflag:s9] =	ssyncset.done $0x0  }
0x1e4: {  	s16 =	simm.s32 $0xC80;
	[sflag:s9] =	ssyncadd.s32 $0xFFFFE000  }
0x1e5: {  	[spmem:s3] =	stream.indirect.scatter.add.f32 [tilespmem:s29], [sflag:$0x6], $0x80, s16, s26, $0xb8;
	[tilespmem:$0x1CC00] =	vst v63  }
0x1e6: {  	_ =	swait.ge [sflag:s11], $0x2000  }
0x1e7: {  	[sflag:s11] =	ssyncset.done $0x0  }
0x1e8: {  	[sflag:s11] =	ssyncadd.s32 $0xFFFFE000  }
0x1e9: {  	[spmem:s3] =	stream.indirect.scatter.add.f32 [tilespmem:s30], [sflag:$0x7], $0x80, s10, s26, $0xb8;
	[tilespmem:$0x1CC00] =	vst v63  }
0x1ea: {  	_ =	swait.ge [sflag:s13], $0x2000  }
0x1eb: {  	[sflag:s13] =	ssyncset.done $0x0  }
0x1ec: {  	[sflag:s13] =	ssyncadd.s32 $0xFFFFE000  }
0x1ed: {  	[spmem:s3] =	stream.indirect.scatter.add.f32 [tilespmem:s0], [sflag:$0x8], $0x80, s19, s26, $0xb8;
	[tilespmem:$0x1CC00] =	vst v63  }
0x1ee: {  	_ =	swait.ge [sflag:s15], $0x2000  }
0x1ef: {  	[sflag:s15] =	ssyncset.done $0x0  }
0x1f0: {  	[sflag:s15] =	ssyncadd.s32 $0xFFFFE000  }
0x1f1: {  	[tilespmem:s22], [sflag:$0x1] =	stream.indirect.gather [hbm4b:s1+s26], $0x80, s21, s26, $0xb8;
	[tilespmem:$0x1CC00] =	vst v63  }
0x1f2: {  	_ =	swait.ge [sflag:s17], $0x2000  }
0x1f3: {  	[sflag:s17] =	ssyncset.done $0x0  }
0x1f4: {  	[sflag:s17] =	ssyncadd.s32 $0xFFFFE000  }
0x1f5: {  	[tilespmem:s29], [sflag:$0x2] =	stream.indirect.gather [hbm4b:s1+s26], $0x80, s8, s26, $0xb8;
	[tilespmem:$0x1CC00] =	vst v63  }
0x1f6: {  	_ =	swait.ge [sflag:s20], $0x2000  }
0x1f7: {  	[sflag:s20] =	ssyncset.done $0x0  }
0x1f8: {  	[sflag:s20] =	ssyncadd.s32 $0xFFFFE000  }
0x1f9: {  	[tilespmem:s30], [sflag:$0x3] =	stream.indirect.gather [hbm4b:s1+s26], $0x80, s6, s26, $0xb8;
	[tilespmem:$0x1CC00] =	vst v63  }
0x1fa: {  	_ =	swait.ge [sflag:s25], $0x2000  }
0x1fb: {  	[sflag:s25] =	ssyncset.done $0x0  }
0x1fc: {  	[sflag:s25] =	ssyncadd.s32 $0xFFFFE000  }
0x1fd: {  	[tilespmem:s0], [sflag:$0x4] =	stream.indirect.gather [hbm4b:s1+s26], $0x80, s7, s26, $0xb8;
	[tilespmem:$0x1CC00] =	vst v63  }
0x1fe: {  	_ =	swait.ge [sflag:s2], $0x2000  }
0x1ff: {  	[sflag:s2] =	ssyncset.done $0x0  }
0x200: {  	[sflag:s2] =	ssyncadd.s32 $0xFFFFE000  }
0x201: {  	[spmem:s3] =	stream.indirect.scatter.add.f32 [tilespmem:s22], [sflag:$0x5], $0x80, s18, s26, $0xb8;
	[tilespmem:$0x1CC00] =	vst v63  }
0x202: {  	_ =	swait.ge [sflag:s9], $0x2000  }
0x203: {  	[sflag:s9] =	ssyncset.done $0x0  }
0x204: {  	[sflag:s9] =	ssyncadd.s32 $0xFFFFE000  }
0x205: {  	[spmem:s3] =	stream.indirect.scatter.add.f32 [tilespmem:s29], [sflag:$0x6], $0x80, s5, s26, $0xb8;
	[tilespmem:$0x1CC00] =	vst v63  }
0x206: {  	_ =	swait.ge [sflag:s11], $0x2000  }
0x207: {  	[sflag:s11] =	ssyncset.done $0x0  }
0x208: {  	[sflag:s11] =	ssyncadd.s32 $0xFFFFE000  }
0x209: {  	[spmem:s3] =	stream.indirect.scatter.add.f32 [tilespmem:s30], [sflag:$0x7], $0x80, s28, s26, $0xb8;
	[tilespmem:$0x1CC00] =	vst v63  }
0x20a: {  	_ =	swait.ge [sflag:s13], $0x2000  }
0x20b: {  	[sflag:s13] =	ssyncset.done $0x0  }
0x20c: {  	[sflag:s13] =	ssyncadd.s32 $0xFFFFE000  }
0x20d: {  	[spmem:s3] =	stream.indirect.scatter.add.f32 [tilespmem:s0], [sflag:$0x8], $0x80, s31, s26, $0xb8;
	[tilespmem:$0x1CC00] =	vst v63  }
0x20e: {  	_ =	swait.ge [sflag:s15], $0x2000  }
0x20f: {  	[sflag:s15] =	ssyncset.done $0x0  }
0x210: {  	[sflag:s15] =	ssyncadd.s32 $0xFFFFE000  }
0x211: {  	_ =	swait.ge [sflag:s17], $0x2000  }
0x212: {  	p2 =	seq.s32 s12, $0x1100;
	[sflag:s17] =	ssyncset.done $0x0  }
.Ltmp6:
0x213: {  	[sflag:s17] =	ssyncadd.s32 $0xFFFFE000;
	(pc) =	sbr.rel @!p2 .LBB2_5-.Ltmp6, $4  }
0x214: {  	_ =	swait.ge [sflag:s20], $0x2000  }
0x215: {  	[sflag:s20] =	ssyncset.done $0x0  }
0x216: {  	[sflag:s20] =	ssyncadd.s32 $0xFFFFE000  }
0x217: {  	s12 =	sadd.s32 $0x100, s12;
	_ =	swait.ge [sflag:s25], $0x2000  }
.Ltmp7:
0x218: {  	_ = 	snop;
	(pc) =	sbr.rel .LBB2_6-.Ltmp7, $1  }
0x219: {  	_ =	sdelay $0x3  }
.LBB2_9:
0x21a: {  	_ =	sfence.sel $0x180000  }
0x21b: {  	[bflag:$0x0] =	sbarrier.arrive $0xFFFF  }
0x21c: {  	_ =	strace $0x9000004D  }
0x21d: {  	s0 =	stileid.u32;
	[bflag:$0x2] =	sbarrier.arrive $0xFFFF  }
0x21e: {  	p0 =	sne.s32 s0, $0x0;
	s0 =	rddreg [dreg:$0x3]  }
0x21f: {  	s0 =	sadd.s32 @!p0 $0x100000, s0  }
0x220: {  	[sflag:s0] =	ssyncadd.tile.s32 @!p0 $0x1;
	_ =	shalt  }
.Lfunc_end2:
_tile_overlayer_lowered:
.L_overlay_start_2:
0x221: {  	(tag) =	ssettag $0x2  }
0x222: {  	s0 =	rddreg [dreg:$0x0];
	s2 =	stileid.u32  }
0x223: {  	s1 =	rddreg [dreg:$0x1];
	p0 =	sne.s32 s2, $0x0  }
0x224: {  	s3 =	rddreg [dreg:$0x2];
	[bflag:$0x3] =	sbarrier.arrive $0xFFFF;
	s2 =	simm.s32 @!p0 $0x1C09  }
0x225: {  	[timem:s3], [sflag:s2] =	dma.local @!p0 [hbm:s0], s1  }
0x226: {  	s0 =	simm.s32 @!p0 $0x9  }
0x227: {  	_ =	swait.ge @!p0 [sflag:s0], s1  }
0x228: {  	s1 =	ssub.s32 @!p0 $0x0, s1;
	[sflag:s0] =	ssyncset.done @!p0 $0x0  }
0x229: {  	[sflag:s0] =	ssyncadd.s32 @!p0 s1  }
0x22a: {  	[bflag:$0x3] =	sbarrier.arrive $0xFFFF  }
0x22b: {  	_ =	shalt  }

// kernel: kernel.8.cloned.1.call-start
scs
__scs_entry_jumppad:
0x0: {  	(pc) =	sbr.rel $0x88, $3  }
0x1: {  	(tag) =	ssettag $0x0;
	lr =	simm.s32 $0x1  }
0x2: {  	[smem:$0x3F9B] =	sst lr;
	_ =	strace $0xD0000000  }
0x3: {  	_ = 	snop  }
0x4: {  	_ = 	snop  }
0x5: {  	_ = 	snop  }
0x6: {  	_ = 	snop  }
0x7: {  	_ = 	snop  }
__scs_overlays_trampoline_lowered:
0x8: {  	[smem:$0x3FAA] =	sst s0  }
0x9: {  	[smem:$0x3FAB] =	sst s1  }
0xa: {  	[smem:$0x3FAC] =	sst s2  }
0xb: {  	[smem:$0x3FAD] =	sst s3  }
0xc: {  	[smem:$0x3FAE] =	sst s4  }
0xd: {  	[smem:$0x3FAF] =	sst s5  }
0xe: {  	[smem:$0x3FB0] =	sst s6  }
0xf: {  	[smem:$0x3FB1] =	sst s7  }
0x10: {  	[smem:$0x3FB2] =	sst s8  }
0x11: {  	[smem:$0x3FB3] =	sst s9;
	s0 =	simm.s32 @!p0 $0x0  }
0x12: {  	s1 =	sld [smem:$0x3F99];
	s0 =	simm.s32 @p0 $0x1  }
0x13: {  	[smem:$0x3FB4] =	sst s0;
	s0 =	simm.s32 @!p1 $0x0  }
0x14: {  	s2 =	sld [smem:$0x3F98];
	s0 =	simm.s32 @p1 $0x1  }
0x15: {  	[smem:$0x3FB5] =	sst s0;
	s0 =	simm.s32 @!p2 $0x0  }
0x16: {  	s3 =	sld [smem:$0x3FDB];
	s0 =	simm.s32 @p2 $0x1  }
0x17: {  	s4 =	simm.s32 $0x1BF5;
	[smem:$0x3FB7] =	sst s0  }
0x18: {  	s0 =	sld [smem:$0x3F9A];
	_ =	swait.ge [sflag:s4], $0x0  }
0x19: {  	s7 =	sld [smem:$0x3F9B]  }
0x1a: {  	s8 =	sadd.s32 $0xFFFFE003, lr  }
0x1b: {  	s9 =	sadd.s32 $0xFFFFFEF7, lr;
	s5 =	simm.s32 $0xFFFFFFFF;
	p2 =	slt.u32 s8, $0xFFFFF086  }
0x1c: {  	p1 =	slt.u32 s9, $0xF7A;
	s5 =	simm.s32 @!p2 $0x0  }
0x1d: {  	s5 =	simm.s32 @p1 $0x1;
	p0 =	seq.s32 s7, s2  }
0x1e: {  	s7 =	smul.u32 @!p0 $0xF7A, s2;
	p2 =	seq.s32 @!p0 s5, $0x0  }
0x1f: {  	s9 =	smul.u32 $0xF7A, s1;
	s8 =	simm.s32 @!p0 $0x1BF5;
	p2 =	por !p2, p0  }
0x20: {  	[sflag:s8] =	ssyncset.s32 @!p0 $0xFFFFF086;
	s6 =	sadd.s32 @!p0 s3, s7;
	s7 =	simm.s32 @!p0 $0x108  }
0x21: {  	s3 =	sadd.s32 s3, s9;
	s6 =	sadd.s32 @!p0 $0x88, s6;
	s7 =	simm.s32 @p2 $0x1082  }
0x22: {  	[simem:s7], [sflag:s8] =	dma.local @!p0 [hbm:s6], $0xF7A  }
0x23: {  	s9 =	sor.u32 $0xD0000000, s2;
	s6 =	simm.s32 $0x108;
	_ =	swait.ge @!p0 [sflag:s8], $0x0  }
0x24: {  	s3 =	sadd.s32 $0x88, s3;
	s6 =	simm.s32 @!p1 $0x1082;
	[sflag:s4] =	ssyncset.s32 $0xFFFFF086  }
0x25: {  	[simem:s6], [sflag:s4] =	dma.local [hbm:s3], $0xF7A  }
0x26: {  	[smem:$0x3F9B] =	sst s1;
	(tag) =	ssettag s2;
	_ =	strace s9  }
0x27: {  	s1 =	sld [smem:$0x3FAB]  }
0x28: {  	s2 =	sld [smem:$0x3FAC]  }
0x29: {  	s4 =	sld [smem:$0x3FAE]  }
0x2a: {  	p0 =	seq.s32 s5, $0x0;
	s5 =	sld [smem:$0x3FAF]  }
0x2b: {  	s6 =	sld [smem:$0x3FB0]  }
0x2c: {  	s7 =	sld [smem:$0x3FB1]  }
0x2d: {  	s3 =	simm.s32 $0x108;
	s8 =	sld [smem:$0x3FB2]  }
0x2e: {  	s3 =	simm.s32 @!p0 $0x1082;
	s9 =	sld [smem:$0x3FB3]  }
0x2f: {  	lr =	sadd.s32 s0, s3;
	s0 =	sld [smem:$0x3FAA]  }
0x30: {  	s3 =	sld [smem:$0x3FAD]  }
0x31: {  	[smem:$0x3FB6] =	sst s10  }
0x32: {  	s10 =	sld [smem:$0x3FB4];
	_ =	sdelay $0x3  }
0x33: {  	p0 =	seq.s32 s10, $0x1;
	s10 =	sld [smem:$0x3FB6];
	_ =	sdelay $0x3  }
0x34: {  	[smem:$0x3FB6] =	sst s10  }
0x35: {  	s10 =	sld [smem:$0x3FB5];
	_ =	sdelay $0x3  }
0x36: {  	p1 =	seq.s32 s10, $0x1;
	s10 =	sld [smem:$0x3FB6];
	_ =	sdelay $0x3  }
0x37: {  	[smem:$0x3FB6] =	sst s10  }
0x38: {  	s10 =	sld [smem:$0x3FB7]  }
0x39: {  	_ = 	snop;
	(pc) =	sbr.ind lr, $3  }
0x3a: {  	_ = 	snop  }
0x3b: {  	_ = 	snop  }
0x3c: {  	p2 =	seq.s32 s10, $0x1;
	s10 =	sld [smem:$0x3FB6]  }
0x3d: {  	_ =	shalt  }
0x3e: {  	_ =	shalt  }
0x3f: {  	_ =	shalt  }
0x40: {  	_ =	shalt  }
0x41: {  	_ =	shalt  }
0x42: {  	_ =	shalt  }
0x43: {  	_ =	shalt  }
0x44: {  	_ =	shalt  }
0x45: {  	_ =	shalt  }
0x46: {  	_ =	shalt  }
0x47: {  	_ =	shalt  }
0x48: {  	_ =	shalt  }
0x49: {  	_ =	shalt  }
0x4a: {  	_ =	shalt  }
0x4b: {  	_ =	shalt  }
0x4c: {  	_ =	shalt  }
0x4d: {  	_ =	shalt  }
0x4e: {  	_ =	shalt  }
0x4f: {  	_ =	shalt  }
0x50: {  	_ =	shalt  }
0x51: {  	_ =	shalt  }
0x52: {  	_ =	shalt  }
0x53: {  	_ =	shalt  }
0x54: {  	_ =	shalt  }
0x55: {  	_ =	shalt  }
0x56: {  	_ =	shalt  }
0x57: {  	_ =	shalt  }
0x58: {  	_ =	shalt  }
0x59: {  	_ =	shalt  }
0x5a: {  	_ =	shalt  }
0x5b: {  	_ =	shalt  }
0x5c: {  	_ =	shalt  }
0x5d: {  	_ =	shalt  }
0x5e: {  	_ =	shalt  }
0x5f: {  	_ =	shalt  }
0x60: {  	_ =	shalt  }
0x61: {  	_ =	shalt  }
0x62: {  	_ =	shalt  }
0x63: {  	_ =	shalt  }
0x64: {  	_ =	shalt  }
0x65: {  	_ =	shalt  }
0x66: {  	_ =	shalt  }
0x67: {  	_ =	shalt  }
0x68: {  	_ =	shalt  }
0x69: {  	_ =	shalt  }
0x6a: {  	_ =	shalt  }
0x6b: {  	_ =	shalt  }
0x6c: {  	_ =	shalt  }
0x6d: {  	_ =	shalt  }
0x6e: {  	_ =	shalt  }
0x6f: {  	_ =	shalt  }
0x70: {  	_ =	shalt  }
0x71: {  	_ =	shalt  }
0x72: {  	_ =	shalt  }
0x73: {  	_ =	shalt  }
0x74: {  	_ =	shalt  }
0x75: {  	_ =	shalt  }
0x76: {  	_ =	shalt  }
0x77: {  	_ =	shalt  }
0x78: {  	_ =	shalt  }
0x79: {  	_ =	shalt  }
0x7a: {  	_ =	shalt  }
0x7b: {  	_ =	shalt  }
0x7c: {  	_ =	shalt  }
0x7d: {  	_ =	shalt  }
0x7e: {  	_ =	shalt  }
0x7f: {  	_ =	shalt  }
0x80: {  	_ =	shalt  }
0x81: {  	_ =	shalt  }
0x82: {  	_ =	shalt  }
0x83: {  	_ =	shalt  }
0x84: {  	_ =	shalt  }
0x85: {  	_ =	shalt  }
0x86: {  	_ =	shalt  }
0x87: {  	_ =	shalt  }
.Lfunc_end0:
.L_simem_size_0:
called_computation_lowered:
.L_overlay_start_0:
0x88: {  	s2 =	sld [smem:$0x3FD9]  }
0x89: {  	s3 =	sld [smem:$0x3FFE];
	_ =	sdelay $0x1  }
0x8a: {  	s1 =	srdreg.scid  }
0x8b: {  	s0 =	sand.u32 $0x1, s1  }
0x8c: {  	s17 =	sshll.u32 s0, $0xA;
	s2 =	sadd.s32 s3, s2  }
0x8d: {  	s2 =	sadd.s32 s2, s17  }
0x8e: {  	[smem:$0x3FC2] =	sst s2  }
0x8f: {  	_ = 	snop  }
0x90: {  	s2 =	sld [smem:$0x3FD0];
	(tm) =	ssettm $0x1  }
0x91: {  	s18 =	sld [smem:$0x3FFB];
	_ =	sdelay $0x3  }
0x92: {  	_ =	strace s18  }
0x93: {  	s3 =	sld [smem:$0x3FFC];
	_ =	sdelay $0x3  }
0x94: {  	_ =	strace s3  }
0x95: {  	s3 =	sld [smem:$0x3FFD];
	_ =	sdelay $0x3  }
0x96: {  	_ =	strace s3  }
0x97: {  	_ =	strace $0x8FFFFFFF  }
0x98: {  	s19 =	sld [smem:$0x3FDB];
	_ =	sdelay $0x1  }
0x99: {  	s4 =	simm.s32 $_scs_section_size  }
0x9a: {  	s5 =	simm.s32 $_size__tile_overlayer_lowered;
	s6 =	simm.s32 $_tile_overlayer_lowered  }
0x9b: {  	s22 =	simm.s32 $0x1BFF;
	s21 =	sshll.u32 s6, $0x1;
	s3 =	sadd.s32 s4, s19  }
0x9c: {  	s7 =	simm.s32 $0x0;
	s20 =	sshll.u32 s5, $0x1;
	s5 =	sadd.s32 s21, s3  }
0x9d: {  	[timem:s7], [sflag:s22] =	dma.local [hbm:s5], s20  }
0x9e: {  	_ =	swait.ge [sflag:s22], s20  }
0x9f: {  	s4 =	ssub.s32 $0x0, s20;
	[sflag:s22] =	ssyncset.done $0x0  }
0xa0: {  	[sflag:s22] =	ssyncadd.s32 s4;
	_ =	sdelay $0x1  }
0xa1: {  	s23 =	simm.s32 $0x1B8B  }
0xa2: {  	_ =	swait.ge [sflag:s23], $0x1  }
0xa3: {  	[sflag:s23] =	ssyncset.done $0x0  }
0xa4: {  	s25 =	simm.s32 $0x1B8E;
	s24 =	sld [smem:$0x3FFE];
	[sflag:s23] =	ssyncadd.s32 $0xFFFFFFFF  }
0xa5: {  	s26 =	simm.s32 $execute0_lowered;
	[smem:$0x3FD2] =	sst s25  }
0xa6: {  	s5 =	sshll.u32 s26, $0x1;
	_ =	strace $0x80000046;
	[dreg:$0x1] =	wrdreg $0xFFFFFFFF  }
0xa7: {  	s28 =	simm.s32 $_size_execute0_lowered;
	s3 =	sadd.s32 s3, s5;
	[dreg:$0x0] =	wrdreg $0x0  }
0xa8: {  	s5 =	sshll.u32 s28, $0x1;
	[dreg:$0x2] =	wrdreg s3  }
0xa9: {  	[dreg:$0x3] =	wrdreg s5  }
0xaa: {  	[dreg:$0x4] =	wrdreg $0xC0  }
0xab: {  	_ =	task [dreg:s7], $0x5FFFF  }
0xac: {  	[dreg:$0x1] =	wrdreg $0xFFFFFFFF  }
0xad: {  	[dreg:$0x0] =	wrdreg $0x60  }
0xae: {  	[dreg:$0x2] =	wrdreg s2  }
0xaf: {  	[dreg:$0x3] =	wrdreg s24  }
0xb0: {  	[dreg:$0x4] =	wrdreg $0x79800  }
0xb1: {  	[dreg:$0x5] =	wrdreg $0x9  }
0xb2: {  	_ =	task.clear_ibuf [dreg:s7], $0x6FFFF;
	_ =	strace $0x90000046  }
0xb3: {  	s29 =	simm.s32 $0x9;
	_ =	strace $0x80000048  }
0xb4: {  	_ =	swait.ge [sflag:s29], $0x1  }
0xb5: {  	[sflag:s29] =	ssyncadd.s32 $0xFFFFFFFF  }
0xb6: {  	_ =	strace $0x90000048  }
0xb7: {  	_ =	sfence  }
0xb8: {  	s30 =	sld [smem:$0x0];
	_ =	sdelay $0x2  }
0xb9: {  	s31 =	sshll.u32 s1, $0xD;
	s1 =	sshrl.u32 s1, $0x2  }
0xba: {  	s3 =	sand.u32 $0x4000, s31;
	s1 =	sadd.s32 s1, s30  }
0xbb: {  	s0 =	sor.u32 s3, s0;
	s1 =	sshll.u32 s1, $0x11  }
0xbc: {  	s0 =	sor.u32 s1, s0  }
0xbd: {  	s0 =	sadd.s32 $0x8F2B, s0  }
0xbe: {  	[sflag:s0] =	ssyncadd.remote.s32 $0x1  }
0xbf: {  	_ =	sfence.sel $0xFFFF  }
0xc0: {  	[dreg:$0x0] =	wrdreg $0xFFFFFFFF;
	(pc) =	sbr.abs _section_cstart, $3  }
0xc1: {  	[dreg:$0x1] =	wrdreg $0xFFFFFFFF  }
0xc2: {  	_ =	task.clear_ibuf [dreg:s7], $0x2FFFF;
	_ =	strace $0x9FFFFFFF  }
0xc3: {  	(tm) =	ssettm $0x7FFFFFFF  }
tec
execute0_lowered:
.L_overlay_start_1:
0x0: {  	(tag) =	ssettag $0x1  }
0x1: {  	s1 =	rddreg [dreg:$0x0]  }
0x2: {  	s0 =	srdreg.scid;
	s3 =	rddreg [dreg:$0x1]  }
0x3: {  	s26 =	stileid.u32;
	s5 =	rddreg [dreg:$0x2];
	s24 =	simm.s32 $0x1  }
0x4: {  	s25 =	simm.s32 $0x2800;
	s28 =	simm.s32 $0x7488;
	s7 =	smul.u32 $0x9E00, s26  }
0x5: {  	s0 =	sand.u32 $0x1, s0;
	s19 =	smul.u32 $0x278, s26;
	s22 =	sadd.s32 $0x2C00, s3  }
0x6: {  	p0 =	seq.s32 s26, $0xF;
	s2 =	sshll.u32 s0, $0x4;
	s6 =	ssub.s32 $0x2, s0  }
0x7: {  	s0 =	smul.u32 $0x2710, s0;
	s4 =	sor.u32 s26, s2;
	s2 =	simm.s32 $0x0  }
0x8: {  	s8 =	sshrl.u32 s6, $0x1;
	s30 =	sshrl.u32 s7, $0x2;
	s26 =	simm.s32 $0x7210  }
0x9: {  	s4 =	smul.u32 $0x500, s4;
	[smem:$0x7FF] =	sst s2;
	s23 =	ssub.s32 s6, s8  }
0xa: {  	s31 =	sadd.s32 s19, s0;
	s0 =	sadd.s32 $0x2508, s0;
	_ =	strace $0x80000047  }
0xb: {  	s0 =	sshrl.u32 s0, $0x3;
	s23 =	smax.u32 s23, $0x1;
	s3 =	sadd.s32 s1, s4  }
0xc: {  	s4 =	sadd.s32 s30, s5;
	s5 =	sadd.s32 s19, s5;
	s1 =	sshrl.u32 s31, $0x3  }
0xd: {  	s6 =	sadd.s32 $0x2780, s5;
	s7 =	sadd.s32 $0x4F00, s5;
	s8 =	sadd.s32 $0x7680, s5  }
0xe: {  	s9 =	sadd.s32 $0x9E00, s5;
	s10 =	sadd.s32 $0xC580, s5;
	s11 =	sadd.s32 $0xED00, s5  }
0xf: {  	s12 =	sadd.s32 $0x11480, s5;
	s13 =	sadd.s32 $0x13C00, s5;
	s14 =	sadd.s32 $0x16380, s5  }
0x10: {  	s15 =	sadd.s32 $0x18B00, s5;
	s16 =	sadd.s32 $0x1B280, s5;
	s17 =	sadd.s32 $0x1DA00, s5  }
0x11: {  	s18 =	sadd.s32 $0x20180, s5;
	s19 =	sadd.s32 $0x22900, s5;
	s20 =	sadd.s32 $0x25080, s5  }
0x12: {  	v0 =	vimm.f32 $0.0e+00;
	v1 =	vimm.f32 $1.000000000e+00;
	s21 =	sadd.s32 s22, s1;
	s22 =	sadd.s32 s22, s0;
	s0 =	simm.s32 $0x6F98  }
.LBB2_1:
0x13: {  	s1 =	simm.s32 $0x40;
	s29 =	simm.s32 $0x0  }
.LBB2_2:
0x14: {  	p1 =	sne.s32 s1, $0x9DC0;
	[tilespmem:s29+$0x2800] =	vst v0;
	s29 =	smov.u32 s1;
	s1 =	sadd.s32 $0x40, s1  }
.Ltmp0:
0x15: {  	(pc) =	sbr.rel @p1 .LBB2_2-.Ltmp0, $2  }
0x16: {  	_ =	sdelay $0x2  }
0x17: {  	s29 =	sshra.s32 s29, $0x2  }
0x18: {  	[tilespmem:s29+$0x2800] =	vst v0;
	s1 =	simm.s32 $0x0  }
0x19: {  	[tilespmem:s1], [sflag:$0x1] =	stream.linear.gather [hbm4b:s3+s1], $0x2800, $0x38;
	[tilespmem:$0xA100] =	vst v63  }
0x1a: {  	_ =	swait.ge [sflag:s24], $0x2800  }
0x1b: {  	[sflag:s24] =	ssyncset.done $0x0  }
0x1c: {  	s29 =	simm.s32 $0x0;
	s1 =	simm.s32 $0x40;
	[sflag:s24] =	ssyncadd.s32 $0xFFFFD800  }
.LBB2_4:
0x1d: {  	p1 =	sne.s32 s1, $0x9FC0;
	v2 =	vld [tilespmem:s29+$0x0];
	_ =	sdelay $0x3  }
.Ltmp1:
0x1e: {  	(pc) =	sbr.rel @p1 .LBB2_4-.Ltmp1, $2  }
0x1f: {  	_ =	sdelay $0x2  }
0x20: {  	s29 =	sshra.s32 s1, $0x2;
	s1 =	sadd.s32 $0x40, s1;
	[tilespmem:v2+s25+$0x0] =	vst.idx.add.f32.msk $0xffff, v1  }
0x21: {  	v2 =	vld [tilespmem:s29+$0x0];
	_ =	sdelay $0x7  }
0x22: {  	[tilespmem:v2+s25+$0x0] =	vst.idx.add.f32.msk $0xffff, v1  }
0x23: {  	[spmem:s4] =	stream.linear.scatter [tilespmem:s25], [sflag:$0x1], $0x2780, $0x38;
	[tilespmem:$0xA100] =	vst v63  }
0x24: {  	_ =	swait.ge [sflag:s24], $0x2780  }
0x25: {  	[sflag:s24] =	ssyncset.done $0x0  }
0x26: {  	[sflag:s24] =	ssyncadd.s32 $0xFFFFD880  }
0x27: {  	s1 =	simm.s32 $0x4F80;
	[bflag:$0x0] =	sbarrier.arrive $0xFFFF  }
0x28: {  	[tilespmem:s1], [sflag:$0x1] =	stream.linear.gather [spmem:s5], $0x278, $0x38;
	[tilespmem:$0xA100] =	vst v63  }
0x29: {  	_ =	swait.ge [sflag:s24], $0x278  }
0x2a: {  	[sflag:s24] =	ssyncset.done $0x0  }
0x2b: {  	s1 =	simm.s32 $0x51F8;
	[sflag:s24] =	ssyncadd.s32 $0xFFFFFD88  }
0x2c: {  	[tilespmem:s1], [sflag:$0x1] =	stream.linear.gather [spmem:s6], $0x278, $0x38;
	[tilespmem:$0xA100] =	vst v63  }
0x2d: {  	_ =	swait.ge [sflag:s24], $0x278  }
0x2e: {  	[sflag:s24] =	ssyncset.done $0x0  }
0x2f: {  	s1 =	simm.s32 $0x5470;
	[sflag:s24] =	ssyncadd.s32 $0xFFFFFD88  }
0x30: {  	[tilespmem:s1], [sflag:$0x1] =	stream.linear.gather [spmem:s7], $0x278, $0x38;
	[tilespmem:$0xA100] =	vst v63  }
0x31: {  	_ =	swait.ge [sflag:s24], $0x278  }
0x32: {  	[sflag:s24] =	ssyncset.done $0x0  }
0x33: {  	s1 =	simm.s32 $0x56E8;
	[sflag:s24] =	ssyncadd.s32 $0xFFFFFD88  }
0x34: {  	[tilespmem:s1], [sflag:$0x1] =	stream.linear.gather [spmem:s8], $0x278, $0x38;
	[tilespmem:$0xA100] =	vst v63  }
0x35: {  	_ =	swait.ge [sflag:s24], $0x278  }
0x36: {  	[sflag:s24] =	ssyncset.done $0x0  }
0x37: {  	s1 =	simm.s32 $0x5960;
	[sflag:s24] =	ssyncadd.s32 $0xFFFFFD88  }
0x38: {  	[tilespmem:s1], [sflag:$0x1] =	stream.linear.gather [spmem:s9], $0x278, $0x38;
	[tilespmem:$0xA100] =	vst v63  }
0x39: {  	_ =	swait.ge [sflag:s24], $0x278  }
0x3a: {  	[sflag:s24] =	ssyncset.done $0x0  }
0x3b: {  	s1 =	simm.s32 $0x5BD8;
	[sflag:s24] =	ssyncadd.s32 $0xFFFFFD88  }
0x3c: {  	[tilespmem:s1], [sflag:$0x1] =	stream.linear.gather [spmem:s10], $0x278, $0x38;
	[tilespmem:$0xA100] =	vst v63  }
0x3d: {  	_ =	swait.ge [sflag:s24], $0x278  }
0x3e: {  	[sflag:s24] =	ssyncset.done $0x0  }
0x3f: {  	s1 =	simm.s32 $0x5E50;
	[sflag:s24] =	ssyncadd.s32 $0xFFFFFD88  }
0x40: {  	[tilespmem:s1], [sflag:$0x1] =	stream.linear.gather [spmem:s11], $0x278, $0x38;
	[tilespmem:$0xA100] =	vst v63  }
0x41: {  	_ =	swait.ge [sflag:s24], $0x278  }
0x42: {  	[sflag:s24] =	ssyncset.done $0x0  }
0x43: {  	s1 =	simm.s32 $0x60C8;
	[sflag:s24] =	ssyncadd.s32 $0xFFFFFD88  }
0x44: {  	[tilespmem:s1], [sflag:$0x1] =	stream.linear.gather [spmem:s12], $0x278, $0x38;
	[tilespmem:$0xA100] =	vst v63  }
0x45: {  	_ =	swait.ge [sflag:s24], $0x278  }
0x46: {  	[sflag:s24] =	ssyncset.done $0x0  }
0x47: {  	s1 =	simm.s32 $0x6340;
	[sflag:s24] =	ssyncadd.s32 $0xFFFFFD88  }
0x48: {  	[tilespmem:s1], [sflag:$0x1] =	stream.linear.gather [spmem:s13], $0x278, $0x38;
	[tilespmem:$0xA100] =	vst v63  }
0x49: {  	_ =	swait.ge [sflag:s24], $0x278  }
0x4a: {  	[sflag:s24] =	ssyncset.done $0x0  }
0x4b: {  	s1 =	simm.s32 $0x65B8;
	[sflag:s24] =	ssyncadd.s32 $0xFFFFFD88  }
0x4c: {  	[tilespmem:s1], [sflag:$0x1] =	stream.linear.gather [spmem:s14], $0x278, $0x38;
	[tilespmem:$0xA100] =	vst v63  }
0x4d: {  	_ =	swait.ge [sflag:s24], $0x278  }
0x4e: {  	[sflag:s24] =	ssyncset.done $0x0  }
0x4f: {  	s1 =	simm.s32 $0x6830;
	[sflag:s24] =	ssyncadd.s32 $0xFFFFFD88  }
0x50: {  	[tilespmem:s1], [sflag:$0x1] =	stream.linear.gather [spmem:s15], $0x278, $0x38;
	[tilespmem:$0xA100] =	vst v63  }
0x51: {  	_ =	swait.ge [sflag:s24], $0x278  }
0x52: {  	[sflag:s24] =	ssyncset.done $0x0  }
0x53: {  	s1 =	simm.s32 $0x6AA8;
	[sflag:s24] =	ssyncadd.s32 $0xFFFFFD88  }
0x54: {  	[tilespmem:s1], [sflag:$0x1] =	stream.linear.gather [spmem:s16], $0x278, $0x38;
	[tilespmem:$0xA100] =	vst v63  }
0x55: {  	_ =	swait.ge [sflag:s24], $0x278  }
0x56: {  	[sflag:s24] =	ssyncset.done $0x0  }
0x57: {  	s1 =	simm.s32 $0x6D20;
	[sflag:s24] =	ssyncadd.s32 $0xFFFFFD88  }
0x58: {  	[tilespmem:s1], [sflag:$0x1] =	stream.linear.gather [spmem:s17], $0x278, $0x38;
	[tilespmem:$0xA100] =	vst v63  }
0x59: {  	_ =	swait.ge [sflag:s24], $0x278  }
0x5a: {  	[sflag:s24] =	ssyncset.done $0x0  }
0x5b: {  	[sflag:s24] =	ssyncadd.s32 $0xFFFFFD88  }
0x5c: {  	[tilespmem:s0], [sflag:$0x1] =	stream.linear.gather [spmem:s18], $0x278, $0x38;
	[tilespmem:$0xA100] =	vst v63  }
0x5d: {  	_ =	swait.ge [sflag:s24], $0x278  }
0x5e: {  	[sflag:s24] =	ssyncset.done $0x0  }
0x5f: {  	[sflag:s24] =	ssyncadd.s32 $0xFFFFFD88  }
0x60: {  	[tilespmem:s26], [sflag:$0x1] =	stream.linear.gather [spmem:s19], $0x278, $0x38;
	[tilespmem:$0xA100] =	vst v63  }
0x61: {  	_ =	swait.ge [sflag:s24], $0x278  }
0x62: {  	[sflag:s24] =	ssyncset.done $0x0  }
0x63: {  	[sflag:s24] =	ssyncadd.s32 $0xFFFFFD88  }
0x64: {  	[tilespmem:s28], [sflag:$0x1] =	stream.linear.gather [spmem:s20], $0x278, $0x38;
	[tilespmem:$0xA100] =	vst v63  }
0x65: {  	_ =	swait.ge [sflag:s24], $0x278  }
0x66: {  	[sflag:s24] =	ssyncset.done $0x0  }
0x67: {  	s30 =	simm.s32 $0x0;
	[sflag:s24] =	ssyncadd.s32 $0xFFFFFD88  }
0x68: {  	v2 =	vld [tilespmem:s30+$0x4F80];
	_ =	sdelay $0x1  }
0x69: {  	v3 =	vld [tilespmem:s30+$0x51F8];
	_ =	sdelay $0x1  }
0x6a: {  	v4 =	vld [tilespmem:s30+$0x5470]  }
0x6b: {  	v2 =	vadd.f32 $0.0e+00, v2  }
0x6c: {  	v5 =	vld [tilespmem:s30+$0x56E8]  }
0x6d: {  	v2 =	vadd.f32 v3, v2  }
0x6e: {  	v3 =	vld [tilespmem:s30+$0x5960]  }
0x6f: {  	v2 =	vadd.f32 v4, v2  }
0x70: {  	v4 =	vld [tilespmem:s30+$0x5BD8]  }
0x71: {  	v2 =	vadd.f32 v5, v2  }
0x72: {  	v5 =	vld [tilespmem:s30+$0x5E50]  }
0x73: {  	v2 =	vadd.f32 v3, v2  }
0x74: {  	s29 =	simm.s32 $0x10;
	v3 =	vld [tilespmem:s30+$0x60C8]  }
0x75: {  	v6 =	vld [tilespmem:s29+$0x4F80];
	v2 =	vadd.f32 v4, v2  }
0x76: {  	v4 =	vld [tilespmem:s30+$0x6340]  }
0x77: {  	v7 =	vld [tilespmem:s29+$0x51F8];
	v2 =	vadd.f32 v5, v2  }
0x78: {  	v5 =	vld [tilespmem:s30+$0x65B8]  }
0x79: {  	v8 =	vld [tilespmem:s29+$0x5470];
	v2 =	vadd.f32 v3, v2  }
0x7a: {  	v3 =	vld [tilespmem:s30+$0x6830]  }
0x7b: {  	v9 =	vld [tilespmem:s29+$0x56E8];
	v6 =	vadd.f32 $0.0e+00, v6;
	v2 =	vadd.f32 v4, v2  }
0x7c: {  	v4 =	vld [tilespmem:s30+$0x6AA8]  }
0x7d: {  	v10 =	vld [tilespmem:s29+$0x5960];
	v6 =	vadd.f32 v7, v6;
	v2 =	vadd.f32 v5, v2  }
0x7e: {  	v7 =	vld [tilespmem:s30+$0x6D20]  }
0x7f: {  	v11 =	vld [tilespmem:s29+$0x5BD8];
	v5 =	vadd.f32 v8, v6;
	v2 =	vadd.f32 v3, v2  }
0x80: {  	v8 =	vld [tilespmem:s30+$0x6F98]  }
0x81: {  	v3 =	vadd.f32 v9, v5;
	v5 =	vld [tilespmem:s29+$0x5E50];
	v4 =	vadd.f32 v4, v2  }
0x82: {  	v2 =	vld [tilespmem:s30+$0x7210]  }
0x83: {  	v6 =	vld [tilespmem:s29+$0x60C8];
	v9 =	vadd.f32 v10, v3;
	v10 =	vadd.f32 v7, v4  }
0x84: {  	v3 =	vld [tilespmem:s30+$0x7488]  }
0x85: {  	s31 =	simm.s32 $0x20;
	s1 =	simm.s32 $0xC0;
	v7 =	vadd.f32 v11, v9;
	v4 =	vld [tilespmem:s29+$0x6340];
	v8 =	vadd.f32 v8, v10  }
.LBB2_6:
0x86: {  	p1 =	sne.s32 s1, $0x9C0;
	v9 =	vld [tilespmem:s31+$0x4F80]  }
0x87: {  	v5 =	vadd.f32 v5, v7;
	v7 =	vld [tilespmem:s29+$0x65B8];
	v2 =	vadd.f32 v2, v8  }
0x88: {  	v8 =	vld [tilespmem:s31+$0x51F8]  }
0x89: {  	v5 =	vadd.f32 v6, v5;
	v6 =	vld [tilespmem:s29+$0x6830];
	v2 =	vadd.f32 v3, v2  }
0x8a: {  	v3 =	vld [tilespmem:s31+$0x5470]  }
0x8b: {  	v9 =	vadd.f32 $0.0e+00, v9;
	v4 =	vadd.f32 v4, v5;
	v5 =	vld [tilespmem:s29+$0x6AA8];
	[tilespmem:s30+$0x7700] =	vst v2;
	s30 =	smov.u32 s29;
	s29 =	smov.u32 s31  }
0x8c: {  	v2 =	vld [tilespmem:s29+$0x56E8]  }
0x8d: {  	v8 =	vadd.f32 v8, v9;
	v4 =	vadd.f32 v7, v4;
	v7 =	vld [tilespmem:s30+$0x6D20]  }
0x8e: {  	v9 =	vld [tilespmem:s29+$0x5960]  }
0x8f: {  	v3 =	vadd.f32 v3, v8;
	v4 =	vadd.f32 v6, v4;
	v8 =	vld [tilespmem:s30+$0x6F98]  }
0x90: {  	v10 =	vld [tilespmem:s29+$0x5BD8]  }
.Ltmp2:
0x91: {  	v3 =	vadd.f32 v2, v3;
	v4 =	vadd.f32 v5, v4;
	v2 =	vld [tilespmem:s30+$0x7210];
	(pc) =	sbr.rel @p1 .LBB2_6-.Ltmp2, $4  }
0x92: {  	v5 =	vld [tilespmem:s29+$0x5E50]  }
0x93: {  	v9 =	vadd.f32 v9, v3;
	v11 =	vadd.f32 v7, v4;
	v3 =	vld [tilespmem:s30+$0x7488]  }
0x94: {  	v6 =	vld [tilespmem:s29+$0x60C8]  }
0x95: {  	s31 =	sshra.s32 s1, $0x2;
	s1 =	sadd.s32 $0x40, s1;
	v7 =	vadd.f32 v10, v9;
	v4 =	vld [tilespmem:s29+$0x6340];
	v8 =	vadd.f32 v8, v11  }
0x96: {  	v9 =	vld [tilespmem:s31+$0x4F80]  }
0x97: {  	v10 =	vld [tilespmem:s29+$0x65B8];
	v2 =	vadd.f32 v2, v8  }
0x98: {  	v49 =	vld [tilespmem:s31+$0x51F8]  }
0x99: {  	v11 =	vld [tilespmem:s29+$0x6830];
	v5 =	vadd.f32 v5, v7;
	v2 =	vadd.f32 v3, v2  }
0x9a: {  	v3 =	vld [tilespmem:s31+$0x5470]  }
0x9b: {  	v50 =	vld [tilespmem:s29+$0x6AA8];
	v5 =	vadd.f32 v6, v5;
	v51 =	vadd.f32 $0.0e+00, v9;
	[tilespmem:s30+$0x7700] =	vst v2  }
0x9c: {  	v2 =	vld [tilespmem:s31+$0x56E8]  }
0x9d: {  	v4 =	vadd.f32 v4, v5;
	v52 =	vadd.f32 v49, v51  }
0x9e: {  	v53 =	vld [tilespmem:s31+$0x5960]  }
0x9f: {  	v54 =	vld [tilespmem:s29+$0x6D20];
	v4 =	vadd.f32 v10, v4;
	v3 =	vadd.f32 v3, v52  }
0xa0: {  	v55 =	vld [tilespmem:s31+$0x5BD8]  }
0xa1: {  	v56 =	vld [tilespmem:s29+$0x6F98];
	v4 =	vadd.f32 v11, v4;
	v2 =	vadd.f32 v2, v3  }
0xa2: {  	v3 =	vld [tilespmem:s31+$0x5E50]  }
0xa3: {  	v57 =	vld [tilespmem:s29+$0x7210];
	v4 =	vadd.f32 v50, v4;
	v2 =	vadd.f32 v53, v2  }
0xa4: {  	v58 =	vld [tilespmem:s31+$0x60C8]  }
0xa5: {  	v59 =	vld [tilespmem:s29+$0x7488];
	v4 =	vadd.f32 v54, v4;
	v2 =	vadd.f32 v55, v2  }
0xa6: {  	v60 =	vld [tilespmem:s31+$0x6340]  }
0xa7: {  	v4 =	vadd.f32 v56, v4;
	v2 =	vadd.f32 v3, v2  }
0xa8: {  	v3 =	vld [tilespmem:s31+$0x65B8]  }
0xa9: {  	v4 =	vadd.f32 v57, v4;
	v2 =	vadd.f32 v58, v2  }
0xaa: {  	v61 =	vld [tilespmem:s31+$0x6830]  }
0xab: {  	v4 =	vadd.f32 v59, v4;
	v2 =	vadd.f32 v60, v2  }
0xac: {  	v62 =	vld [tilespmem:s31+$0x6AA8]  }
0xad: {  	[tilespmem:s29+$0x7700] =	vst v4;
	v2 =	vadd.f32 v3, v2  }
0xae: {  	v3 =	vld [tilespmem:s31+$0x6D20]  }
0xaf: {  	v2 =	vadd.f32 v61, v2  }
0xb0: {  	v4 =	vld [tilespmem:s31+$0x6F98]  }
0xb1: {  	v2 =	vadd.f32 v62, v2  }
0xb2: {  	v63 =	vld [tilespmem:s31+$0x7210]  }
0xb3: {  	v2 =	vadd.f32 v3, v2  }
0xb4: {  	v3 =	vld [tilespmem:s31+$0x7488]  }
0xb5: {  	v2 =	vadd.f32 v4, v2;
	_ =	sdelay $0x1  }
0xb6: {  	v2 =	vadd.f32 v63, v2;
	_ =	sdelay $0x1  }
0xb7: {  	v2 =	vadd.f32 v3, v2;
	_ =	sdelay $0x1  }
0xb8: {  	s1 =	simm.s32 @p0 $0x0;
	s29 =	simm.s32 @p0 $0x7700;
	[tilespmem:s31+$0x7700] =	vst v2  }
0xb9: {  	[hbm4b:s22+s1] =	stream.linear.scatter @p0 [tilespmem:s29], [sflag:$0x1], $0x208, $0x38;
	[tilespmem:$0xA100] =	vst v63  }
0xba: {  	s1 =	simm.s32 @p0 $0x1  }
0xbb: {  	s2 =	sadd.s32 $0x1, s2;
	_ =	swait.ge @p0 [sflag:s1], $0x208  }
0xbc: {  	p1 =	sne.s32 s2, s23;
	[sflag:s1] =	ssyncset.done @p0 $0x0  }
0xbd: {  	s29 =	simm.s32 @!p0 $0x7700;
	[sflag:s1] =	ssyncadd.s32 @p0 $0xFFFFFDF8;
	s1 =	simm.s32 @!p0 $0x0  }
0xbe: {  	[hbm4b:s21+s1] =	stream.linear.scatter @!p0 [tilespmem:s29], [sflag:$0x1], $0x278, $0x38;
	[tilespmem:$0xA100] =	vst v63  }
.Ltmp3:
0xbf: {  	_ = 	snop;
	(pc) =	sbr.rel @p1 .LBB2_1-.Ltmp3, $4  }
0xc0: {  	s1 =	simm.s32 @!p0 $0x1  }
0xc1: {  	_ =	swait.ge @!p0 [sflag:s1], $0x278  }
0xc2: {  	[sflag:s1] =	ssyncset.done @!p0 $0x0  }
0xc3: {  	[sflag:s1] =	ssyncadd.s32 @!p0 $0xFFFFFD88  }
0xc4: {  	_ =	sfence.sel $0x180000  }
0xc5: {  	[bflag:$0x0] =	sbarrier.arrive $0xFFFF  }
0xc6: {  	_ =	strace $0x90000047  }
0xc7: {  	s0 =	stileid.u32;
	[bflag:$0x2] =	sbarrier.arrive $0xFFFF  }
0xc8: {  	p0 =	sne.s32 s0, $0x0;
	s0 =	rddreg [dreg:$0x3]  }
0xc9: {  	s0 =	sadd.s32 @!p0 $0x100000, s0  }
0xca: {  	[sflag:s0] =	ssyncadd.tile.s32 @!p0 $0x1;
	_ =	shalt  }
.Lfunc_end2:
_tile_overlayer_lowered:
.L_overlay_start_2:
0xcb: {  	(tag) =	ssettag $0x2  }
0xcc: {  	s0 =	rddreg [dreg:$0x0];
	s2 =	stileid.u32  }
0xcd: {  	s1 =	rddreg [dreg:$0x1];
	p0 =	sne.s32 s2, $0x0  }
0xce: {  	s3 =	rddreg [dreg:$0x2];
	[bflag:$0x3] =	sbarrier.arrive $0xFFFF;
	s2 =	simm.s32 @!p0 $0x1C01  }
0xcf: {  	[timem:s3], [sflag:s2] =	dma.local @!p0 [hbm:s0], s1  }
0xd0: {  	s0 =	simm.s32 @!p0 $0x1  }
0xd1: {  	_ =	swait.ge @!p0 [sflag:s0], s1  }
0xd2: {  	s1 =	ssub.s32 @!p0 $0x0, s1;
	[sflag:s0] =	ssyncset.done @!p0 $0x0  }
0xd3: {  	[sflag:s0] =	ssyncadd.s32 @!p0 s1  }
0xd4: {  	[bflag:$0x3] =	sbarrier.arrive $0xFFFF  }
0xd5: {  	_ =	shalt  }

</sc_bundles>
